<compile_context>
chip_gen: v7x
topology: tpu7x:2x2x1
jax: 0.10.2.dev20260603
libtpu: 0.0.44.dev20260713+nightly
codegen_flags: <defaults>
</compile_context>

<pallas_src>
import functools

import jax
import jax.numpy as jnp
from jax import lax
from jax.experimental import pallas as pl
from jax.experimental.pallas import tpu as pltpu
from jax.experimental.pallas import tpu_sc as plsc

N = 10000
N_PAD = 10240
E = 320000
D = 128

NC = 2
NS = 16
NW = NC * NS
PER_W = E // NW
K = 80
NB = PER_W // K
RPS = N_PAD // NS
ZB = 32

_mesh = plsc.VectorSubcoreMesh(core_axis_name="c", subcore_axis_name="s")


def _sc_deg(dst3):

    @functools.partial(
        pl.kernel,
        mesh=_mesh,
        out_type=jax.ShapeDtypeStruct((NC, N_PAD, D), jnp.float32),
        scratch_types=[
            pltpu.VMEM((NB, K), jnp.int32),
            pltpu.VMEM((ZB, D), jnp.float32),
            pltpu.VMEM((K, D), jnp.float32),
            pltpu.SemaphoreType.DMA,
            pltpu.VMEM_SHARED((N_PAD, D), jnp.float32),
        ],
    )
    def k(dst_hbm, out_hbm, idx_v, zb_v, ones_v, ssem, acc_sh):
        cid = lax.axis_index("c")
        sid = lax.axis_index("s")
        wid = sid * NC + cid

        @pl.loop(0, ZB)
        def _(r):
            @pl.loop(0, D, step=16)
            def _(c):
                zb_v[r, pl.ds(c, 16)] = jnp.zeros((16,), jnp.float32)

        @pl.loop(0, K)
        def _(r):
            @pl.loop(0, D, step=16)
            def _(c):
                ones_v[r, pl.ds(c, 16)] = jnp.ones((16,), jnp.float32)

        @pl.loop(0, RPS // ZB)
        def _(t):
            pltpu.sync_copy(zb_v, acc_sh.at[pl.ds(sid * RPS + t * ZB, ZB)])

        pltpu.sync_copy(dst_hbm.at[wid], idx_v)
        plsc.subcore_barrier()

        @pl.loop(0, NB)
        def _(j):
            pltpu.async_copy(ones_v, acc_sh.at[idx_v.at[j]], ssem, add=True)

        @pl.loop(0, NB)
        def _(j):
            pltpu.make_async_copy(ones_v, acc_sh.at[idx_v.at[j]], ssem).wait()

        plsc.subcore_barrier()
        pltpu.sync_copy(
            acc_sh.at[pl.ds(sid * RPS, RPS)],
            out_hbm.at[cid, pl.ds(sid * RPS, RPS)],
        )

    return k(dst3)


def _sc_agg(hp, src2, dst3):

    @functools.partial(
        pl.kernel,
        mesh=_mesh,
        out_type=jax.ShapeDtypeStruct((NC, N_PAD, D), jnp.float32),
        scratch_types=[
            pltpu.VMEM((1, K), jnp.int32),
            pltpu.VMEM((1, K), jnp.int32),
            pltpu.VMEM((1, K), jnp.int32),
            pltpu.VMEM((1, K), jnp.int32),
            pltpu.VMEM((1, K), jnp.int32),
            pltpu.VMEM((1, K), jnp.int32),
            pltpu.VMEM((1, K), jnp.int32),
            pltpu.VMEM((1, K), jnp.int32),
            pltpu.VMEM((K, D), jnp.float32),
            pltpu.VMEM((K, D), jnp.float32),
            pltpu.VMEM((K, D), jnp.float32),
            pltpu.VMEM((K, D), jnp.float32),
            pltpu.VMEM((ZB, D), jnp.float32),
            pltpu.SemaphoreType.DMA,
            pltpu.SemaphoreType.DMA,
            pltpu.SemaphoreType.DMA,
            pltpu.SemaphoreType.DMA,
            pltpu.SemaphoreType.DMA,
            pltpu.SemaphoreType.DMA,
            pltpu.SemaphoreType.DMA,
            pltpu.SemaphoreType.DMA,
            pltpu.SemaphoreType.DMA,
            pltpu.SemaphoreType.DMA,
            pltpu.SemaphoreType.DMA,
            pltpu.SemaphoreType.DMA,
            pltpu.VMEM_SHARED((N_PAD, D), jnp.float32),
        ],
    )
    def k(hp_hbm, src_hbm, dst_hbm, out_hbm,
          src0, src1, src2_, src3, dst0, dst1, dst2, dst3_,
          rows0, rows1, rows2, rows3, zb_v,
          ssem0, ssem1, ssem2, ssem3, gsem0, gsem1, gsem2, gsem3,
          dsem0, dsem1, dsem2, dsem3, acc_sh):
        cid = lax.axis_index("c")
        sid = lax.axis_index("s")
        wid = sid * NC + cid

        srcs = (src0, src1, src2_, src3)
        dsts = (dst0, dst1, dst2, dst3_)
        rows = (rows0, rows1, rows2, rows3)
        ssems = (ssem0, ssem1, ssem2, ssem3)
        gsems = (gsem0, gsem1, gsem2, gsem3)
        dsems = (dsem0, dsem1, dsem2, dsem3)

        @pl.loop(0, ZB)
        def _(r):
            @pl.loop(0, D, step=16)
            def _(c):
                zb_v[r, pl.ds(c, 16)] = jnp.zeros((16,), jnp.float32)

        @pl.loop(0, RPS // ZB)
        def _(t):
            pltpu.sync_copy(zb_v, acc_sh.at[pl.ds(sid * RPS + t * ZB, ZB)])

        plsc.subcore_barrier()

        def sblk(j):
            return src_hbm.at[wid, pl.ds(j, 1)]

        def dblk(j):
            return dst_hbm.at[wid, pl.ds(j, 1)]

        def gat(b):
            return pltpu.make_async_copy(
                hp_hbm.at[srcs[b].at[0]], rows[b], gsems[b]
            )

        def block(j, b, nxt):
            b3 = (b + 3) % 4
            if nxt >= 1:
                pltpu.make_async_copy(sblk(j + 3), srcs[b3], ssems[b3]).wait()
                gat(b3).start()
            gat(b).wait()
            if nxt >= 2:
                pltpu.async_copy(sblk(j + 4), srcs[b], ssems[b])
            pltpu.make_async_copy(dblk(j), dsts[b], dsems[b]).wait()
            pltpu.sync_copy(rows[b], acc_sh.at[dsts[b].at[0]], add=True)
            if nxt >= 2:
                pltpu.async_copy(dblk(j + 4), dsts[b], dsems[b])

        for b in range(4):
            pltpu.async_copy(sblk(b), srcs[b], ssems[b])
            pltpu.async_copy(dblk(b), dsts[b], dsems[b])
        for b in range(3):
            pltpu.make_async_copy(sblk(b), srcs[b], ssems[b]).wait()
            gat(b).start()

        @pl.loop(0, NB - 5, step=4)
        def _(j):
            block(j + 0, 0, 2)
            block(j + 1, 1, 2)
            block(j + 2, 2, 2)
            block(j + 3, 3, 2)

        block(NB - 5, 0, 2)
        block(NB - 4, 1, 1)
        block(NB - 3, 2, 0)
        block(NB - 2, 3, 0)
        block(NB - 1, 0, 0)

        plsc.subcore_barrier()
        pltpu.sync_copy(
            acc_sh.at[pl.ds(sid * RPS, RPS)],
            out_hbm.at[cid, pl.ds(sid * RPS, RPS)],
        )

    return k(hp, src2, dst3)


_R = 1000


def _scale_body(degp_ref, x_ref, w_ref, hp_ref, dinv_ref):
    d = degp_ref[0, :, 0:1] + degp_ref[1, :, 0:1] + 1.0
    dinv = lax.rsqrt(d)
    dinv_ref[...] = dinv
    h = jnp.dot(x_ref[...], w_ref[...], preferred_element_type=jnp.float32)
    hp_ref[...] = h * dinv


def _tc_scale(degp, x, w):
    return pl.pallas_call(
        _scale_body,
        grid=(N // _R,),
        in_specs=[
            pl.BlockSpec((NC, _R, D), lambda i: (0, i, 0)),
            pl.BlockSpec((_R, D), lambda i: (i, 0)),
            pl.BlockSpec(w.shape, lambda i: (0, 0)),
        ],
        out_specs=[
            pl.BlockSpec((_R, D), lambda i: (i, 0)),
            pl.BlockSpec((_R, 1), lambda i: (i, 0)),
        ],
        out_shape=[
            jax.ShapeDtypeStruct((N, D), jnp.float32),
            jax.ShapeDtypeStruct((N, 1), jnp.float32),
        ],
    )(degp, x, w)


def _mid_body(acc_ref, hp_ref, dinv_ref, b_ref, w_ref, o_ref):
    dinv = dinv_ref[...]
    z = dinv * (acc_ref[0] + acc_ref[1] + hp_ref[...]) + b_ref[...]
    z = jnp.maximum(z, 0.0)
    o_ref[...] = jnp.dot(z, w_ref[...], preferred_element_type=jnp.float32) * dinv


def _tc_mid(acc, hp, dinv, b, w):
    return pl.pallas_call(
        _mid_body,
        grid=(N // _R,),
        in_specs=[
            pl.BlockSpec((NC, _R, D), lambda i: (0, i, 0)),
            pl.BlockSpec((_R, D), lambda i: (i, 0)),
            pl.BlockSpec((_R, 1), lambda i: (i, 0)),
            pl.BlockSpec((1, D), lambda i: (0, 0)),
            pl.BlockSpec((D, D), lambda i: (0, 0)),
        ],
        out_specs=pl.BlockSpec((_R, D), lambda i: (i, 0)),
        out_shape=jax.ShapeDtypeStruct((N, D), jnp.float32),
    )(acc, hp, dinv, b, w)


def _final_body(acc_ref, hp_ref, dinv_ref, b_ref, wo_ref, bo_ref, emb_ref, out_ref):
    emb = dinv_ref[...] * (acc_ref[0] + acc_ref[1] + hp_ref[...]) + b_ref[...]
    emb_ref[...] = emb
    out_ref[...] = (
        jnp.dot(emb, wo_ref[...], preferred_element_type=jnp.float32) + bo_ref[...]
    )


def _tc_final(acc, hp, dinv, b, wo_t, bo):
    d_out = wo_t.shape[1]
    return pl.pallas_call(
        _final_body,
        grid=(N // _R,),
        in_specs=[
            pl.BlockSpec((NC, _R, D), lambda i: (0, i, 0)),
            pl.BlockSpec((_R, D), lambda i: (i, 0)),
            pl.BlockSpec((_R, 1), lambda i: (i, 0)),
            pl.BlockSpec((1, D), lambda i: (0, 0)),
            pl.BlockSpec((D, d_out), lambda i: (0, 0)),
            pl.BlockSpec((1, d_out), lambda i: (0, 0)),
        ],
        out_specs=[
            pl.BlockSpec((_R, D), lambda i: (i, 0)),
            pl.BlockSpec((_R, d_out), lambda i: (i, 0)),
        ],
        out_shape=[
            jax.ShapeDtypeStruct((N, D), jnp.float32),
            jax.ShapeDtypeStruct((N, d_out), jnp.float32),
        ],
    )(acc, hp, dinv, b, wo_t, bo)


@jax.jit
def kernel(x, edge_index, W1, b1, W2, b2, W_out, b_out):
    src3 = edge_index[0].reshape(NW, NB, K)
    dst3 = edge_index[1].reshape(NW, NB, K)

    degp = _sc_deg(dst3)
    h1p, dinv = _tc_scale(degp, x, W1)

    acc1 = _sc_agg(h1p, src3, dst3)
    h2p = _tc_mid(acc1, h1p, dinv, b1.reshape(1, D), W2)

    acc2 = _sc_agg(h2p, src3, dst3)
    emb, out = _tc_final(
        acc2, h2p, dinv, b2.reshape(1, D), W_out.T, b_out.reshape(1, -1)
    )
    return (out, emb)

# --- scband reference (transcript-rebuilt; emitter-appended) ---
"""Pipeline reference for scband-gcn-87729001988319 (READ-ONLY COPY).

The authoritative reference and input builder live on the scoring server;
editing this copy changes nothing except your own understanding.
"""

import jax, jax.numpy as jnp
import numpy as np

N = 10000
E = 320000
D_IN = 128
D_H = 128
D_EMB = 128
D_OUT = 40


def setup_inputs(seed: int = 0) -> dict:
    key = jax.random.key(seed)
    ks = jax.random.split(key, 8)
    x = jax.random.normal(ks[0], (N, D_IN), dtype=jnp.float32)
    edge_index = jax.random.randint(ks[1], (2, E), 0, N, dtype=jnp.int32)
    # GCNConv weights (glorot-style scale) and biases
    W1 = jax.random.normal(ks[2], (D_IN, D_H), dtype=jnp.float32) * (1.0 / np.sqrt(D_IN))
    b1 = jnp.zeros((D_H,), dtype=jnp.float32)
    W2 = jax.random.normal(ks[3], (D_H, D_EMB), dtype=jnp.float32) * (1.0 / np.sqrt(D_H))
    b2 = jnp.zeros((D_EMB,), dtype=jnp.float32)
    # output nn.Linear: weight [out, in], bias [out]
    W_out = jax.random.normal(ks[4], (D_OUT, D_EMB), dtype=jnp.float32) * (1.0 / np.sqrt(D_EMB))
    b_out = jnp.zeros((D_OUT,), dtype=jnp.float32)
    return {"x": x, "edge_index": edge_index, "W1": W1, "b1": b1, "W2": W2, "b2": b2, "W_out": W_out, "b_out": b_out}


def _gcn_layer(x, W, b, src, dst, n_nodes):
    # symmetric normalization D^-1/2 (A+I) D^-1/2, deg computed on dst with self-loops
    deg = jnp.zeros((n_nodes,), dtype=x.dtype).at[dst].add(1.0)
    dinv = jnp.where(deg > 0, jax.lax.rsqrt(jnp.maximum(deg, 1e-12)), 0.0)
    norm = dinv[src] * dinv[dst]
    h = x @ W
    msg = h[src] * norm[:, None]
    agg = jnp.zeros((n_nodes, h.shape[1]), dtype=h.dtype).at[dst].add(msg)
    return agg + b


def reference(x, edge_index, W1, b1, W2, b2, W_out, b_out):
    n_nodes = x.shape[0]
    src = edge_index[0]
    dst = edge_index[1]
    loop = jnp.arange(n_nodes, dtype=src.dtype)
    src = jnp.concatenate([src, loop])
    dst = jnp.concatenate([dst, loop])
    # layer 1 + relu (dropout identity in eval mode)
    h = _gcn_layer(x, W1, b1, src, dst, n_nodes)
    h = jax.nn.relu(h)
    # layer 2 -> embedding
    h = _gcn_layer(h, W2, b2, src, dst, n_nodes)
    out = h @ W_out.T + b_out
    return (out, h)

if __name__ == "__main__":
    import jax
    _d = setup_inputs()
    print(jax.jit(kernel)(*tuple(_d.values())))

</pallas_src>

<mosaic_0001>
#map = affine_map<(d0, d1) -> (0, 0, 0)>
module attributes {stable_mosaic.version = 14 : i64} {
  func.func @k(%arg0: i32, %arg1: i32, %arg2: memref<32x125x80xi32, #tpu.memory_space<hbm>>, %arg3: memref<2x10240x128xf32, #tpu.memory_space<hbm>>, %arg4: memref<125x80xi32, #tpu.memory_space<vmem>>, %arg5: memref<32x128xf32, #tpu.memory_space<vmem>>, %arg6: memref<80x128xf32, #tpu.memory_space<vmem>>, %arg7: memref<!tpu.dma_semaphore, #tpu.memory_space<semaphore_mem>>, %arg8: memref<10240x128xf32, #tpu.memory_space<vmem_shared>>) attributes {dimension_semantics = [#tpu.dimension_semantics<core_parallel>, #tpu.dimension_semantics<subcore_parallel>], iteration_bounds = array<i64: 2, 16>, scalar_prefetch = 0 : i64, scratch_operands = 5 : i64, tpu.core_type = #tpu.core_type<sc_vector_subcore>, window_params = [{transform_indices = #map}, {transform_indices = #map}]} {
    %mul3A = arith.constant 2 : i32
    %mul3A_0 = arith.muli %arg1, %mul3A : i32
    %add3A = arith.addi %mul3A_0, %arg0 : i32
    %scan3A = arith.constant 0 : i32
    %scan3A_1 = arith.constant 32 : i32
    %scan3A_2 = arith.addi %scan3A, %scan3A_1 : i32
    %scan3A_3 = arith.constant 1 : i32
    scf.for %scan3A_30 = %scan3A to %scan3A_2 step %scan3A_3  : i32 {
      %mul3A_31 = arith.constant 1 : i32
      %mul3A_32 = arith.muli %scan3A_30, %mul3A_31 : i32
      %add3A_33 = arith.constant 0 : i32
      %add3A_34 = arith.addi %add3A_33, %mul3A_32 : i32
      %scan3A_35 = arith.constant 0 : i32
      %scan3A_36 = arith.constant 8 : i32
      %scan3A_37 = arith.addi %scan3A_35, %scan3A_36 : i32
      %scan3A_38 = arith.constant 1 : i32
      scf.for %scan3A_40 = %scan3A_35 to %scan3A_37 step %scan3A_38  : i32 {
        %mul3A_41 = arith.constant 16 : i32
        %mul3A_42 = arith.muli %scan3A_40, %mul3A_41 : i32
        %add3A_43 = arith.constant 0 : i32
        %add3A_44 = arith.addi %add3A_43, %mul3A_42 : i32
        %broadcast_in_dim3A = arith.constant 0.000000e+00 : f32
        %broadcast_in_dim3A_45 = vector.broadcast %broadcast_in_dim3A : f32 to vector<16xf32>
        %swap3A = arith.index_cast %add3A_34 : i32 to index
        %swap3A_46 = arith.index_cast %add3A_44 : i32 to index
        %swap3A_47 = tpu.vector_load %arg5[%swap3A, %swap3A_46] {strides = array<i32>} : memref<32x128xf32, #tpu.memory_space<vmem>>, vector<1x16xf32>,
        %swap3A_48 = vector.shape_cast %swap3A_47 : vector<1x16xf32> to vector<16xf32>
        %swap3A_49 = vector.shape_cast %broadcast_in_dim3A_45 : vector<16xf32> to vector<1x16xf32>
        tpu.vector_store %arg5[%swap3A, %swap3A_46], %swap3A_49 {strides = array<i32>} : memref<32x128xf32, #tpu.memory_space<vmem>>, vector<1x16xf32>,
      }
      %scan3A_39 = arith.constant 8 : i32
    }
    %scan3A_4 = arith.constant 32 : i32
    %scan3A_5 = arith.constant 0 : i32
    %scan3A_6 = arith.constant 80 : i32
    %scan3A_7 = arith.addi %scan3A_5, %scan3A_6 : i32
    %scan3A_8 = arith.constant 1 : i32
    scf.for %scan3A_30 = %scan3A_5 to %scan3A_7 step %scan3A_8  : i32 {
      %mul3A_31 = arith.constant 1 : i32
      %mul3A_32 = arith.muli %scan3A_30, %mul3A_31 : i32
      %add3A_33 = arith.constant 0 : i32
      %add3A_34 = arith.addi %add3A_33, %mul3A_32 : i32
      %scan3A_35 = arith.constant 0 : i32
      %scan3A_36 = arith.constant 8 : i32
      %scan3A_37 = arith.addi %scan3A_35, %scan3A_36 : i32
      %scan3A_38 = arith.constant 1 : i32
      scf.for %scan3A_40 = %scan3A_35 to %scan3A_37 step %scan3A_38  : i32 {
        %mul3A_41 = arith.constant 16 : i32
        %mul3A_42 = arith.muli %scan3A_40, %mul3A_41 : i32
        %add3A_43 = arith.constant 0 : i32
        %add3A_44 = arith.addi %add3A_43, %mul3A_42 : i32
        %broadcast_in_dim3A = arith.constant 1.000000e+00 : f32
        %broadcast_in_dim3A_45 = vector.broadcast %broadcast_in_dim3A : f32 to vector<16xf32>
        %swap3A = arith.index_cast %add3A_34 : i32 to index
        %swap3A_46 = arith.index_cast %add3A_44 : i32 to index
        %swap3A_47 = tpu.vector_load %arg6[%swap3A, %swap3A_46] {strides = array<i32>} : memref<80x128xf32, #tpu.memory_space<vmem>>, vector<1x16xf32>,
        %swap3A_48 = vector.shape_cast %swap3A_47 : vector<1x16xf32> to vector<16xf32>
        %swap3A_49 = vector.shape_cast %broadcast_in_dim3A_45 : vector<16xf32> to vector<1x16xf32>
        tpu.vector_store %arg6[%swap3A, %swap3A_46], %swap3A_49 {strides = array<i32>} : memref<80x128xf32, #tpu.memory_space<vmem>>, vector<1x16xf32>,
      }
      %scan3A_39 = arith.constant 8 : i32
    }
    %scan3A_9 = arith.constant 80 : i32
    %scan3A_10 = arith.constant 0 : i32
    %scan3A_11 = arith.constant 20 : i32
    %scan3A_12 = arith.addi %scan3A_10, %scan3A_11 : i32
    %scan3A_13 = arith.constant 1 : i32
    scf.for %scan3A_30 = %scan3A_10 to %scan3A_12 step %scan3A_13  : i32 {
      %mul3A_31 = arith.constant 1 : i32
      %mul3A_32 = arith.muli %scan3A_30, %mul3A_31 : i32
      %add3A_33 = arith.constant 0 : i32
      %add3A_34 = arith.addi %add3A_33, %mul3A_32 : i32
      %mul3A_35 = arith.constant 640 : i32
      %mul3A_36 = arith.muli %arg1, %mul3A_35 : i32
      %mul3A_37 = arith.constant 32 : i32
      %mul3A_38 = arith.muli %add3A_34, %mul3A_37 : i32
      %add3A_39 = arith.addi %mul3A_36, %mul3A_38 : i32
      "tpu.region"() ({
        %run_scoped3A = tpu.sem_alloc : memref<!tpu.dma_semaphore, #tpu.memory_space<semaphore_mem>>
        %dma_start3A = arith.constant 0 : i32
        %dma_start3A_40 = tpu.memref_slice %arg8[%add3A_39, %dma_start3A] : memref<10240x128xf32, #tpu.memory_space<vmem_shared>> -> memref<32x128xf32, #tpu.memory_space<vmem_shared>>
        %dma_start3A_41 = arith.constant 0 : i32
        %dma_start3A_42 = tpu.memref_slice %arg8[%add3A_39, %dma_start3A_41] : memref<10240x128xf32, #tpu.memory_space<vmem_shared>> -> memref<32x128xf32, #tpu.memory_space<vmem_shared>>
        tpu.enqueue_dma source(%arg5 : memref<32x128xf32, #tpu.memory_space<vmem>>) target(%dma_start3A_42 : memref<32x128xf32, #tpu.memory_space<vmem_shared>>) target_semaphore(%run_scoped3A : memref<!tpu.dma_semaphore, #tpu.memory_space<semaphore_mem>>)
        %dma_wait3A = arith.constant 0 : i32
        %dma_wait3A_43 = tpu.memref_slice %arg8[%add3A_39, %dma_wait3A] : memref<10240x128xf32, #tpu.memory_space<vmem_shared>> -> memref<32x128xf32, #tpu.memory_space<vmem_shared>>
        %dma_wait3A_44 = arith.constant 0 : i32
        %dma_wait3A_45 = tpu.memref_slice %arg8[%add3A_39, %dma_wait3A_44] : memref<10240x128xf32, #tpu.memory_space<vmem_shared>> -> memref<32x128xf32, #tpu.memory_space<vmem_shared>>
        tpu.wait_dma2 semaphore(%run_scoped3A : memref<!tpu.dma_semaphore, #tpu.memory_space<semaphore_mem>>) src(%arg5 : memref<32x128xf32, #tpu.memory_space<vmem>>) dst(%dma_wait3A_45 : memref<32x128xf32, #tpu.memory_space<vmem_shared>>)
        tpu.yield
      }) : () -> ()
    }
    %scan3A_14 = arith.constant 20 : i32
    "tpu.region"() ({
      %run_scoped3A = tpu.sem_alloc : memref<!tpu.dma_semaphore, #tpu.memory_space<semaphore_mem>>
      %dma_start3A = arith.constant 0 : i32
      %dma_start3A_30 = arith.constant 0 : i32
      %dma_start3A_31 = tpu.memref_slice %arg2[%add3A, %dma_start3A, %dma_start3A_30] : memref<32x125x80xi32, #tpu.memory_space<hbm>> -> memref<1x125x80xi32, #tpu.memory_space<hbm>>
      %dma_start3A_32 = tpu.memref_squeeze %dma_start3A_31 : memref<1x125x80xi32, #tpu.memory_space<hbm>> -> memref<125x80xi32, #tpu.memory_space<hbm>>
      %dma_start3A_33 = arith.constant 0 : i32
      %dma_start3A_34 = arith.constant 0 : i32
      %dma_start3A_35 = tpu.memref_slice %arg2[%add3A, %dma_start3A_33, %dma_start3A_34] : memref<32x125x80xi32, #tpu.memory_space<hbm>> -> memref<1x125x80xi32, #tpu.memory_space<hbm>>
      %dma_start3A_36 = tpu.memref_squeeze %dma_start3A_35 : memref<1x125x80xi32, #tpu.memory_space<hbm>> -> memref<125x80xi32, #tpu.memory_space<hbm>>
      tpu.enqueue_dma source(%dma_start3A_36 : memref<125x80xi32, #tpu.memory_space<hbm>>) target(%arg4 : memref<125x80xi32, #tpu.memory_space<vmem>>) target_semaphore(%run_scoped3A : memref<!tpu.dma_semaphore, #tpu.memory_space<semaphore_mem>>)
      %dma_wait3A = arith.constant 0 : i32
      %dma_wait3A_37 = arith.constant 0 : i32
      %dma_wait3A_38 = tpu.memref_slice %arg2[%add3A, %dma_wait3A, %dma_wait3A_37] : memref<32x125x80xi32, #tpu.memory_space<hbm>> -> memref<1x125x80xi32, #tpu.memory_space<hbm>>
      %dma_wait3A_39 = tpu.memref_squeeze %dma_wait3A_38 : memref<1x125x80xi32, #tpu.memory_space<hbm>> -> memref<125x80xi32, #tpu.memory_space<hbm>>
      %dma_wait3A_40 = arith.constant 0 : i32
      %dma_wait3A_41 = arith.constant 0 : i32
      %dma_wait3A_42 = tpu.memref_slice %arg2[%add3A, %dma_wait3A_40, %dma_wait3A_41] : memref<32x125x80xi32, #tpu.memory_space<hbm>> -> memref<1x125x80xi32, #tpu.memory_space<hbm>>
      %dma_wait3A_43 = tpu.memref_squeeze %dma_wait3A_42 : memref<1x125x80xi32, #tpu.memory_space<hbm>> -> memref<125x80xi32, #tpu.memory_space<hbm>>
      tpu.wait_dma2 semaphore(%run_scoped3A : memref<!tpu.dma_semaphore, #tpu.memory_space<semaphore_mem>>) src(%dma_wait3A_43 : memref<125x80xi32, #tpu.memory_space<hbm>>) dst(%arg4 : memref<125x80xi32, #tpu.memory_space<vmem>>)
      tpu.yield
    }) : () -> ()
    %barrier3A = arith.constant 0 : index
    tpu.barrier barrier_id(%barrier3A)
    %scan3A_15 = arith.constant 0 : i32
    %scan3A_16 = arith.constant 125 : i32
    %scan3A_17 = arith.addi %scan3A_15, %scan3A_16 : i32
    %scan3A_18 = arith.constant 1 : i32
    scf.for %scan3A_30 = %scan3A_15 to %scan3A_17 step %scan3A_18  : i32 {
      %mul3A_31 = arith.constant 1 : i32
      %mul3A_32 = arith.muli %scan3A_30, %mul3A_31 : i32
      %add3A_33 = arith.constant 0 : i32
      %add3A_34 = arith.addi %add3A_33, %mul3A_32 : i32
      %dma_start3A = arith.constant 0 : i32
      %dma_start3A_35 = tpu.memref_slice %arg4[%add3A_34, %dma_start3A] : memref<125x80xi32, #tpu.memory_space<vmem>> -> memref<1x80xi32, #tpu.memory_space<vmem>>
      %dma_start3A_36 = tpu.memref_squeeze %dma_start3A_35 : memref<1x80xi32, #tpu.memory_space<vmem>> -> memref<80xi32, #tpu.memory_space<vmem>>
      %dma_start3A_37 = arith.constant 0 : i32
      %dma_start3A_38 = arith.constant 0 : i32
      %dma_start3A_39 = tpu.memref_slice %arg8[%dma_start3A_37, %dma_start3A_38] : memref<10240x128xf32, #tpu.memory_space<vmem_shared>> -> memref<10240x128xf32, #tpu.memory_space<vmem_shared>>
      tpu.enqueue_indirect_dma source(%arg6 : memref<80x128xf32, #tpu.memory_space<vmem>>) target(%dma_start3A_39 : memref<10240x128xf32, #tpu.memory_space<vmem_shared>>) offsets(%dma_start3A_36 : memref<80xi32, #tpu.memory_space<vmem>>) semaphore(%arg7 : memref<!tpu.dma_semaphore, #tpu.memory_space<semaphore_mem>>) {add = true}
    }
    %scan3A_19 = arith.constant 125 : i32
    %scan3A_20 = arith.constant 0 : i32
    %scan3A_21 = arith.constant 125 : i32
    %scan3A_22 = arith.addi %scan3A_20, %scan3A_21 : i32
    %scan3A_23 = arith.constant 1 : i32
    scf.for %scan3A_30 = %scan3A_20 to %scan3A_22 step %scan3A_23  : i32 {
      %mul3A_31 = arith.constant 1 : i32
      %mul3A_32 = arith.muli %scan3A_30, %mul3A_31 : i32
      %add3A_33 = arith.constant 0 : i32
      %add3A_34 = arith.addi %add3A_33, %mul3A_32 : i32
      %dma_wait3A = arith.constant 0 : i32
      %dma_wait3A_35 = tpu.memref_slice %arg4[%add3A_34, %dma_wait3A] : memref<125x80xi32, #tpu.memory_space<vmem>> -> memref<1x80xi32, #tpu.memory_space<vmem>>
      %dma_wait3A_36 = tpu.memref_squeeze %dma_wait3A_35 : memref<1x80xi32, #tpu.memory_space<vmem>> -> memref<80xi32, #tpu.memory_space<vmem>>
      %dma_wait3A_37 = arith.constant 0 : i32
      %dma_wait3A_38 = arith.constant 0 : i32
      %dma_wait3A_39 = tpu.memref_slice %arg8[%dma_wait3A_37, %dma_wait3A_38] : memref<10240x128xf32, #tpu.memory_space<vmem_shared>> -> memref<10240x128xf32, #tpu.memory_space<vmem_shared>>
      tpu.wait_indirect_dma semaphore(%arg7 : memref<!tpu.dma_semaphore, #tpu.memory_space<semaphore_mem>>) src(%arg6 : memref<80x128xf32, #tpu.memory_space<vmem>>) dst(%dma_wait3A_39 : memref<10240x128xf32, #tpu.memory_space<vmem_shared>>)
    }
    %scan3A_24 = arith.constant 125 : i32
    %barrier3A_25 = arith.constant 0 : index
    tpu.barrier barrier_id(%barrier3A_25)
    %mul3A_26 = arith.constant 640 : i32
    %mul3A_27 = arith.muli %arg1, %mul3A_26 : i32
    %mul3A_28 = arith.constant 640 : i32
    %mul3A_29 = arith.muli %arg1, %mul3A_28 : i32
    "tpu.region"() ({
      %run_scoped3A = tpu.sem_alloc : memref<!tpu.dma_semaphore, #tpu.memory_space<semaphore_mem>>
      %dma_start3A = arith.constant 0 : i32
      %dma_start3A_30 = tpu.memref_slice %arg3[%arg0, %mul3A_29, %dma_start3A] : memref<2x10240x128xf32, #tpu.memory_space<hbm>> -> memref<1x640x128xf32, #tpu.memory_space<hbm>>
      %dma_start3A_31 = tpu.memref_squeeze %dma_start3A_30 : memref<1x640x128xf32, #tpu.memory_space<hbm>> -> memref<640x128xf32, #tpu.memory_space<hbm>>
      %dma_start3A_32 = arith.constant 0 : i32
      %dma_start3A_33 = tpu.memref_slice %arg8[%mul3A_27, %dma_start3A_32] : memref<10240x128xf32, #tpu.memory_space<vmem_shared>> -> memref<640x128xf32, #tpu.memory_space<vmem_shared>>
      tpu.enqueue_dma source(%dma_start3A_33 : memref<640x128xf32, #tpu.memory_space<vmem_shared>>) target(%dma_start3A_31 : memref<640x128xf32, #tpu.memory_space<hbm>>) target_semaphore(%run_scoped3A : memref<!tpu.dma_semaphore, #tpu.memory_space<semaphore_mem>>)
      %dma_wait3A = arith.constant 0 : i32
      %dma_wait3A_34 = tpu.memref_slice %arg3[%arg0, %mul3A_29, %dma_wait3A] : memref<2x10240x128xf32, #tpu.memory_space<hbm>> -> memref<1x640x128xf32, #tpu.memory_space<hbm>>
      %dma_wait3A_35 = tpu.memref_squeeze %dma_wait3A_34 : memref<1x640x128xf32, #tpu.memory_space<hbm>> -> memref<640x128xf32, #tpu.memory_space<hbm>>
      %dma_wait3A_36 = arith.constant 0 : i32
      %dma_wait3A_37 = tpu.memref_slice %arg8[%mul3A_27, %dma_wait3A_36] : memref<10240x128xf32, #tpu.memory_space<vmem_shared>> -> memref<640x128xf32, #tpu.memory_space<vmem_shared>>
      tpu.wait_dma2 semaphore(%run_scoped3A : memref<!tpu.dma_semaphore, #tpu.memory_space<semaphore_mem>>) src(%dma_wait3A_37 : memref<640x128xf32, #tpu.memory_space<vmem_shared>>) dst(%dma_wait3A_35 : memref<640x128xf32, #tpu.memory_space<hbm>>)
      tpu.yield
    }) : () -> ()
    return
  }
}

#map = affine_map<(d0, d1) -> (0, 0)>
#map1 = affine_map<(d0, d1) -> (0, 0, 0)>
module attributes {stable_mosaic.version = 14 : i64} {
  func.func @k(%arg0: i32, %arg1: i32, %arg2: memref<10000x128xf32, #tpu.memory_space<hbm>>, %arg3: memref<32x125x80xi32, #tpu.memory_space<hbm>>, %arg4: memref<32x125x80xi32, #tpu.memory_space<hbm>>, %arg5: memref<2x10240x128xf32, #tpu.memory_space<hbm>>, %arg6: memref<1x80xi32, #tpu.memory_space<vmem>>, %arg7: memref<1x80xi32, #tpu.memory_space<vmem>>, %arg8: memref<1x80xi32, #tpu.memory_space<vmem>>, %arg9: memref<1x80xi32, #tpu.memory_space<vmem>>, %arg10: memref<1x80xi32, #tpu.memory_space<vmem>>, %arg11: memref<1x80xi32, #tpu.memory_space<vmem>>, %arg12: memref<1x80xi32, #tpu.memory_space<vmem>>, %arg13: memref<1x80xi32, #tpu.memory_space<vmem>>, %arg14: memref<80x128xf32, #tpu.memory_space<vmem>>, %arg15: memref<80x128xf32, #tpu.memory_space<vmem>>, %arg16: memref<80x128xf32, #tpu.memory_space<vmem>>, %arg17: memref<80x128xf32, #tpu.memory_space<vmem>>, %arg18: memref<32x128xf32, #tpu.memory_space<vmem>>, %arg19: memref<!tpu.dma_semaphore, #tpu.memory_space<semaphore_mem>>, %arg20: memref<!tpu.dma_semaphore, #tpu.memory_space<semaphore_mem>>, %arg21: memref<!tpu.dma_semaphore, #tpu.memory_space<semaphore_mem>>, %arg22: memref<!tpu.dma_semaphore, #tpu.memory_space<semaphore_mem>>, %arg23: memref<!tpu.dma_semaphore, #tpu.memory_space<semaphore_mem>>, %arg24: memref<!tpu.dma_semaphore, #tpu.memory_space<semaphore_mem>>, %arg25: memref<!tpu.dma_semaphore, #tpu.memory_space<semaphore_mem>>, %arg26: memref<!tpu.dma_semaphore, #tpu.memory_space<semaphore_mem>>, %arg27: memref<!tpu.dma_semaphore, #tpu.memory_space<semaphore_mem>>, %arg28: memref<!tpu.dma_semaphore, #tpu.memory_space<semaphore_mem>>, %arg29: memref<!tpu.dma_semaphore, #tpu.memory_space<semaphore_mem>>, %arg30: memref<!tpu.dma_semaphore, #tpu.memory_space<semaphore_mem>>, %arg31: memref<10240x128xf32, #tpu.memory_space<vmem_shared>>) attributes {dimension_semantics = [#tpu.dimension_semantics<core_parallel>, #tpu.dimension_semantics<subcore_parallel>], iteration_bounds = array<i64: 2, 16>, scalar_prefetch = 0 : i64, scratch_operands = 26 : i64, tpu.core_type = #tpu.core_type<sc_vector_subcore>, window_params = [{transform_indices = #map}, {transform_indices = #map1}, {transform_indices = #map1}, {transform_indices = #map1}]} {
    %mul3A = arith.constant 2 : i32
    %mul3A_0 = arith.muli %arg1, %mul3A : i32
    %add3A = arith.addi %mul3A_0, %arg0 : i32
    %scan3A = arith.constant 0 : i32
    %scan3A_1 = arith.constant 32 : i32
    %scan3A_2 = arith.addi %scan3A, %scan3A_1 : i32
    %scan3A_3 = arith.constant 1 : i32
    scf.for %scan3A_252 = %scan3A to %scan3A_2 step %scan3A_3  : i32 {
      %mul3A_253 = arith.constant 1 : i32
      %mul3A_254 = arith.muli %scan3A_252, %mul3A_253 : i32
      %add3A_255 = arith.constant 0 : i32
      %add3A_256 = arith.addi %add3A_255, %mul3A_254 : i32
      %scan3A_257 = arith.constant 0 : i32
      %scan3A_258 = arith.constant 8 : i32
      %scan3A_259 = arith.addi %scan3A_257, %scan3A_258 : i32
      %scan3A_260 = arith.constant 1 : i32
      scf.for %scan3A_262 = %scan3A_257 to %scan3A_259 step %scan3A_260  : i32 {
        %mul3A_263 = arith.constant 16 : i32
        %mul3A_264 = arith.muli %scan3A_262, %mul3A_263 : i32
        %add3A_265 = arith.constant 0 : i32
        %add3A_266 = arith.addi %add3A_265, %mul3A_264 : i32
        %broadcast_in_dim3A = arith.constant 0.000000e+00 : f32
        %broadcast_in_dim3A_267 = vector.broadcast %broadcast_in_dim3A : f32 to vector<16xf32>
        %swap3A = arith.index_cast %add3A_256 : i32 to index
        %swap3A_268 = arith.index_cast %add3A_266 : i32 to index
        %swap3A_269 = tpu.vector_load %arg18[%swap3A, %swap3A_268] {strides = array<i32>} : memref<32x128xf32, #tpu.memory_space<vmem>>, vector<1x16xf32>,
        %swap3A_270 = vector.shape_cast %swap3A_269 : vector<1x16xf32> to vector<16xf32>
        %swap3A_271 = vector.shape_cast %broadcast_in_dim3A_267 : vector<16xf32> to vector<1x16xf32>
        tpu.vector_store %arg18[%swap3A, %swap3A_268], %swap3A_271 {strides = array<i32>} : memref<32x128xf32, #tpu.memory_space<vmem>>, vector<1x16xf32>,
      }
      %scan3A_261 = arith.constant 8 : i32
    }
    %scan3A_4 = arith.constant 32 : i32
    %scan3A_5 = arith.constant 0 : i32
    %scan3A_6 = arith.constant 20 : i32
    %scan3A_7 = arith.addi %scan3A_5, %scan3A_6 : i32
    %scan3A_8 = arith.constant 1 : i32
    scf.for %scan3A_252 = %scan3A_5 to %scan3A_7 step %scan3A_8  : i32 {
      %mul3A_253 = arith.constant 1 : i32
      %mul3A_254 = arith.muli %scan3A_252, %mul3A_253 : i32
      %add3A_255 = arith.constant 0 : i32
      %add3A_256 = arith.addi %add3A_255, %mul3A_254 : i32
      %mul3A_257 = arith.constant 640 : i32
      %mul3A_258 = arith.muli %arg1, %mul3A_257 : i32
      %mul3A_259 = arith.constant 32 : i32
      %mul3A_260 = arith.muli %add3A_256, %mul3A_259 : i32
      %add3A_261 = arith.addi %mul3A_258, %mul3A_260 : i32
      "tpu.region"() ({
        %run_scoped3A_262 = tpu.sem_alloc : memref<!tpu.dma_semaphore, #tpu.memory_space<semaphore_mem>>
        %dma_start3A_263 = arith.constant 0 : i32
        %dma_start3A_264 = tpu.memref_slice %arg31[%add3A_261, %dma_start3A_263] : memref<10240x128xf32, #tpu.memory_space<vmem_shared>> -> memref<32x128xf32, #tpu.memory_space<vmem_shared>>
        %dma_start3A_265 = arith.constant 0 : i32
        %dma_start3A_266 = tpu.memref_slice %arg31[%add3A_261, %dma_start3A_265] : memref<10240x128xf32, #tpu.memory_space<vmem_shared>> -> memref<32x128xf32, #tpu.memory_space<vmem_shared>>
        tpu.enqueue_dma source(%arg18 : memref<32x128xf32, #tpu.memory_space<vmem>>) target(%dma_start3A_266 : memref<32x128xf32, #tpu.memory_space<vmem_shared>>) target_semaphore(%run_scoped3A_262 : memref<!tpu.dma_semaphore, #tpu.memory_space<semaphore_mem>>)
        %dma_wait3A_267 = arith.constant 0 : i32
        %dma_wait3A_268 = tpu.memref_slice %arg31[%add3A_261, %dma_wait3A_267] : memref<10240x128xf32, #tpu.memory_space<vmem_shared>> -> memref<32x128xf32, #tpu.memory_space<vmem_shared>>
        %dma_wait3A_269 = arith.constant 0 : i32
        %dma_wait3A_270 = tpu.memref_slice %arg31[%add3A_261, %dma_wait3A_269] : memref<10240x128xf32, #tpu.memory_space<vmem_shared>> -> memref<32x128xf32, #tpu.memory_space<vmem_shared>>
        tpu.wait_dma2 semaphore(%run_scoped3A_262 : memref<!tpu.dma_semaphore, #tpu.memory_space<semaphore_mem>>) src(%arg18 : memref<32x128xf32, #tpu.memory_space<vmem>>) dst(%dma_wait3A_270 : memref<32x128xf32, #tpu.memory_space<vmem_shared>>)
        tpu.yield
      }) : () -> ()
    }
    %scan3A_9 = arith.constant 20 : i32
    %barrier3A = arith.constant 0 : index
    tpu.barrier barrier_id(%barrier3A)
    %dma_start3A = arith.constant 0 : i32
    %dma_start3A_10 = arith.constant 0 : i32
    %dma_start3A_11 = tpu.memref_slice %arg3[%add3A, %dma_start3A, %dma_start3A_10] : memref<32x125x80xi32, #tpu.memory_space<hbm>> -> memref<1x1x80xi32, #tpu.memory_space<hbm>>
    %dma_start3A_12 = tpu.memref_squeeze %dma_start3A_11 : memref<1x1x80xi32, #tpu.memory_space<hbm>> -> memref<1x80xi32, #tpu.memory_space<hbm>>
    %dma_start3A_13 = arith.constant 0 : i32
    %dma_start3A_14 = arith.constant 0 : i32
    %dma_start3A_15 = tpu.memref_slice %arg3[%add3A, %dma_start3A_13, %dma_start3A_14] : memref<32x125x80xi32, #tpu.memory_space<hbm>> -> memref<1x1x80xi32, #tpu.memory_space<hbm>>
    %dma_start3A_16 = tpu.memref_squeeze %dma_start3A_15 : memref<1x1x80xi32, #tpu.memory_space<hbm>> -> memref<1x80xi32, #tpu.memory_space<hbm>>
    tpu.enqueue_dma source(%dma_start3A_16 : memref<1x80xi32, #tpu.memory_space<hbm>>) target(%arg6 : memref<1x80xi32, #tpu.memory_space<vmem>>) target_semaphore(%arg19 : memref<!tpu.dma_semaphore, #tpu.memory_space<semaphore_mem>>)
    %dma_start3A_17 = arith.constant 0 : i32
    %dma_start3A_18 = arith.constant 0 : i32
    %dma_start3A_19 = tpu.memref_slice %arg4[%add3A, %dma_start3A_17, %dma_start3A_18] : memref<32x125x80xi32, #tpu.memory_space<hbm>> -> memref<1x1x80xi32, #tpu.memory_space<hbm>>
    %dma_start3A_20 = tpu.memref_squeeze %dma_start3A_19 : memref<1x1x80xi32, #tpu.memory_space<hbm>> -> memref<1x80xi32, #tpu.memory_space<hbm>>
    %dma_start3A_21 = arith.constant 0 : i32
    %dma_start3A_22 = arith.constant 0 : i32
    %dma_start3A_23 = tpu.memref_slice %arg4[%add3A, %dma_start3A_21, %dma_start3A_22] : memref<32x125x80xi32, #tpu.memory_space<hbm>> -> memref<1x1x80xi32, #tpu.memory_space<hbm>>
    %dma_start3A_24 = tpu.memref_squeeze %dma_start3A_23 : memref<1x1x80xi32, #tpu.memory_space<hbm>> -> memref<1x80xi32, #tpu.memory_space<hbm>>
    tpu.enqueue_dma source(%dma_start3A_24 : memref<1x80xi32, #tpu.memory_space<hbm>>) target(%arg10 : memref<1x80xi32, #tpu.memory_space<vmem>>) target_semaphore(%arg27 : memref<!tpu.dma_semaphore, #tpu.memory_space<semaphore_mem>>)
    %dma_start3A_25 = arith.constant 1 : i32
    %dma_start3A_26 = arith.constant 0 : i32
    %dma_start3A_27 = tpu.memref_slice %arg3[%add3A, %dma_start3A_25, %dma_start3A_26] : memref<32x125x80xi32, #tpu.memory_space<hbm>> -> memref<1x1x80xi32, #tpu.memory_space<hbm>>
    %dma_start3A_28 = tpu.memref_squeeze %dma_start3A_27 : memref<1x1x80xi32, #tpu.memory_space<hbm>> -> memref<1x80xi32, #tpu.memory_space<hbm>>
    %dma_start3A_29 = arith.constant 1 : i32
    %dma_start3A_30 = arith.constant 0 : i32
    %dma_start3A_31 = tpu.memref_slice %arg3[%add3A, %dma_start3A_29, %dma_start3A_30] : memref<32x125x80xi32, #tpu.memory_space<hbm>> -> memref<1x1x80xi32, #tpu.memory_space<hbm>>
    %dma_start3A_32 = tpu.memref_squeeze %dma_start3A_31 : memref<1x1x80xi32, #tpu.memory_space<hbm>> -> memref<1x80xi32, #tpu.memory_space<hbm>>
    tpu.enqueue_dma source(%dma_start3A_32 : memref<1x80xi32, #tpu.memory_space<hbm>>) target(%arg7 : memref<1x80xi32, #tpu.memory_space<vmem>>) target_semaphore(%arg20 : memref<!tpu.dma_semaphore, #tpu.memory_space<semaphore_mem>>)
    %dma_start3A_33 = arith.constant 1 : i32
    %dma_start3A_34 = arith.constant 0 : i32
    %dma_start3A_35 = tpu.memref_slice %arg4[%add3A, %dma_start3A_33, %dma_start3A_34] : memref<32x125x80xi32, #tpu.memory_space<hbm>> -> memref<1x1x80xi32, #tpu.memory_space<hbm>>
    %dma_start3A_36 = tpu.memref_squeeze %dma_start3A_35 : memref<1x1x80xi32, #tpu.memory_space<hbm>> -> memref<1x80xi32, #tpu.memory_space<hbm>>
    %dma_start3A_37 = arith.constant 1 : i32
    %dma_start3A_38 = arith.constant 0 : i32
    %dma_start3A_39 = tpu.memref_slice %arg4[%add3A, %dma_start3A_37, %dma_start3A_38] : memref<32x125x80xi32, #tpu.memory_space<hbm>> -> memref<1x1x80xi32, #tpu.memory_space<hbm>>
    %dma_start3A_40 = tpu.memref_squeeze %dma_start3A_39 : memref<1x1x80xi32, #tpu.memory_space<hbm>> -> memref<1x80xi32, #tpu.memory_space<hbm>>
    tpu.enqueue_dma source(%dma_start3A_40 : memref<1x80xi32, #tpu.memory_space<hbm>>) target(%arg11 : memref<1x80xi32, #tpu.memory_space<vmem>>) target_semaphore(%arg28 : memref<!tpu.dma_semaphore, #tpu.memory_space<semaphore_mem>>)
    %dma_start3A_41 = arith.constant 2 : i32
    %dma_start3A_42 = arith.constant 0 : i32
    %dma_start3A_43 = tpu.memref_slice %arg3[%add3A, %dma_start3A_41, %dma_start3A_42] : memref<32x125x80xi32, #tpu.memory_space<hbm>> -> memref<1x1x80xi32, #tpu.memory_space<hbm>>
    %dma_start3A_44 = tpu.memref_squeeze %dma_start3A_43 : memref<1x1x80xi32, #tpu.memory_space<hbm>> -> memref<1x80xi32, #tpu.memory_space<hbm>>
    %dma_start3A_45 = arith.constant 2 : i32
    %dma_start3A_46 = arith.constant 0 : i32
    %dma_start3A_47 = tpu.memref_slice %arg3[%add3A, %dma_start3A_45, %dma_start3A_46] : memref<32x125x80xi32, #tpu.memory_space<hbm>> -> memref<1x1x80xi32, #tpu.memory_space<hbm>>
    %dma_start3A_48 = tpu.memref_squeeze %dma_start3A_47 : memref<1x1x80xi32, #tpu.memory_space<hbm>> -> memref<1x80xi32, #tpu.memory_space<hbm>>
    tpu.enqueue_dma source(%dma_start3A_48 : memref<1x80xi32, #tpu.memory_space<hbm>>) target(%arg8 : memref<1x80xi32, #tpu.memory_space<vmem>>) target_semaphore(%arg21 : memref<!tpu.dma_semaphore, #tpu.memory_space<semaphore_mem>>)
    %dma_start3A_49 = arith.constant 2 : i32
    %dma_start3A_50 = arith.constant 0 : i32
    %dma_start3A_51 = tpu.memref_slice %arg4[%add3A, %dma_start3A_49, %dma_start3A_50] : memref<32x125x80xi32, #tpu.memory_space<hbm>> -> memref<1x1x80xi32, #tpu.memory_space<hbm>>
    %dma_start3A_52 = tpu.memref_squeeze %dma_start3A_51 : memref<1x1x80xi32, #tpu.memory_space<hbm>> -> memref<1x80xi32, #tpu.memory_space<hbm>>
    %dma_start3A_53 = arith.constant 2 : i32
    %dma_start3A_54 = arith.constant 0 : i32
    %dma_start3A_55 = tpu.memref_slice %arg4[%add3A, %dma_start3A_53, %dma_start3A_54] : memref<32x125x80xi32, #tpu.memory_space<hbm>> -> memref<1x1x80xi32, #tpu.memory_space<hbm>>
    %dma_start3A_56 = tpu.memref_squeeze %dma_start3A_55 : memref<1x1x80xi32, #tpu.memory_space<hbm>> -> memref<1x80xi32, #tpu.memory_space<hbm>>
    tpu.enqueue_dma source(%dma_start3A_56 : memref<1x80xi32, #tpu.memory_space<hbm>>) target(%arg12 : memref<1x80xi32, #tpu.memory_space<vmem>>) target_semaphore(%arg29 : memref<!tpu.dma_semaphore, #tpu.memory_space<semaphore_mem>>)
    %dma_start3A_57 = arith.constant 3 : i32
    %dma_start3A_58 = arith.constant 0 : i32
    %dma_start3A_59 = tpu.memref_slice %arg3[%add3A, %dma_start3A_57, %dma_start3A_58] : memref<32x125x80xi32, #tpu.memory_space<hbm>> -> memref<1x1x80xi32, #tpu.memory_space<hbm>>
    %dma_start3A_60 = tpu.memref_squeeze %dma_start3A_59 : memref<1x1x80xi32, #tpu.memory_space<hbm>> -> memref<1x80xi32, #tpu.memory_space<hbm>>
    %dma_start3A_61 = arith.constant 3 : i32
    %dma_start3A_62 = arith.constant 0 : i32
    %dma_start3A_63 = tpu.memref_slice %arg3[%add3A, %dma_start3A_61, %dma_start3A_62] : memref<32x125x80xi32, #tpu.memory_space<hbm>> -> memref<1x1x80xi32, #tpu.memory_space<hbm>>
    %dma_start3A_64 = tpu.memref_squeeze %dma_start3A_63 : memref<1x1x80xi32, #tpu.memory_space<hbm>> -> memref<1x80xi32, #tpu.memory_space<hbm>>
    tpu.enqueue_dma source(%dma_start3A_64 : memref<1x80xi32, #tpu.memory_space<hbm>>) target(%arg9 : memref<1x80xi32, #tpu.memory_space<vmem>>) target_semaphore(%arg22 : memref<!tpu.dma_semaphore, #tpu.memory_space<semaphore_mem>>)
    %dma_start3A_65 = arith.constant 3 : i32
    %dma_start3A_66 = arith.constant 0 : i32
    %dma_start3A_67 = tpu.memref_slice %arg4[%add3A, %dma_start3A_65, %dma_start3A_66] : memref<32x125x80xi32, #tpu.memory_space<hbm>> -> memref<1x1x80xi32, #tpu.memory_space<hbm>>
    %dma_start3A_68 = tpu.memref_squeeze %dma_start3A_67 : memref<1x1x80xi32, #tpu.memory_space<hbm>> -> memref<1x80xi32, #tpu.memory_space<hbm>>
    %dma_start3A_69 = arith.constant 3 : i32
    %dma_start3A_70 = arith.constant 0 : i32
    %dma_start3A_71 = tpu.memref_slice %arg4[%add3A, %dma_start3A_69, %dma_start3A_70] : memref<32x125x80xi32, #tpu.memory_space<hbm>> -> memref<1x1x80xi32, #tpu.memory_space<hbm>>
    %dma_start3A_72 = tpu.memref_squeeze %dma_start3A_71 : memref<1x1x80xi32, #tpu.memory_space<hbm>> -> memref<1x80xi32, #tpu.memory_space<hbm>>
    tpu.enqueue_dma source(%dma_start3A_72 : memref<1x80xi32, #tpu.memory_space<hbm>>) target(%arg13 : memref<1x80xi32, #tpu.memory_space<vmem>>) target_semaphore(%arg30 : memref<!tpu.dma_semaphore, #tpu.memory_space<semaphore_mem>>)
    %dma_wait3A = arith.constant 0 : i32
    %dma_wait3A_73 = arith.constant 0 : i32
    %dma_wait3A_74 = tpu.memref_slice %arg3[%add3A, %dma_wait3A, %dma_wait3A_73] : memref<32x125x80xi32, #tpu.memory_space<hbm>> -> memref<1x1x80xi32, #tpu.memory_space<hbm>>
    %dma_wait3A_75 = tpu.memref_squeeze %dma_wait3A_74 : memref<1x1x80xi32, #tpu.memory_space<hbm>> -> memref<1x80xi32, #tpu.memory_space<hbm>>
    %dma_wait3A_76 = arith.constant 0 : i32
    %dma_wait3A_77 = arith.constant 0 : i32
    %dma_wait3A_78 = tpu.memref_slice %arg3[%add3A, %dma_wait3A_76, %dma_wait3A_77] : memref<32x125x80xi32, #tpu.memory_space<hbm>> -> memref<1x1x80xi32, #tpu.memory_space<hbm>>
    %dma_wait3A_79 = tpu.memref_squeeze %dma_wait3A_78 : memref<1x1x80xi32, #tpu.memory_space<hbm>> -> memref<1x80xi32, #tpu.memory_space<hbm>>
    tpu.wait_dma2 semaphore(%arg19 : memref<!tpu.dma_semaphore, #tpu.memory_space<semaphore_mem>>) src(%dma_wait3A_79 : memref<1x80xi32, #tpu.memory_space<hbm>>) dst(%arg6 : memref<1x80xi32, #tpu.memory_space<vmem>>)
    %dma_start3A_80 = arith.constant 0 : i32
    %dma_start3A_81 = arith.constant 0 : i32
    %dma_start3A_82 = tpu.memref_slice %arg6[%dma_start3A_80, %dma_start3A_81] : memref<1x80xi32, #tpu.memory_space<vmem>> -> memref<1x80xi32, #tpu.memory_space<vmem>>
    %dma_start3A_83 = tpu.memref_squeeze %dma_start3A_82 : memref<1x80xi32, #tpu.memory_space<vmem>> -> memref<80xi32, #tpu.memory_space<vmem>>
    %dma_start3A_84 = arith.constant 0 : i32
    %dma_start3A_85 = arith.constant 0 : i32
    %dma_start3A_86 = tpu.memref_slice %arg2[%dma_start3A_84, %dma_start3A_85] : memref<10000x128xf32, #tpu.memory_space<hbm>> -> memref<10000x128xf32, #tpu.memory_space<hbm>>
    tpu.enqueue_indirect_dma source(%dma_start3A_86 : memref<10000x128xf32, #tpu.memory_space<hbm>>) target(%arg14 : memref<80x128xf32, #tpu.memory_space<vmem>>) offsets(%dma_start3A_83 : memref<80xi32, #tpu.memory_space<vmem>>) semaphore(%arg23 : memref<!tpu.dma_semaphore, #tpu.memory_space<semaphore_mem>>)
    %dma_wait3A_87 = arith.constant 1 : i32
    %dma_wait3A_88 = arith.constant 0 : i32
    %dma_wait3A_89 = tpu.memref_slice %arg3[%add3A, %dma_wait3A_87, %dma_wait3A_88] : memref<32x125x80xi32, #tpu.memory_space<hbm>> -> memref<1x1x80xi32, #tpu.memory_space<hbm>>
    %dma_wait3A_90 = tpu.memref_squeeze %dma_wait3A_89 : memref<1x1x80xi32, #tpu.memory_space<hbm>> -> memref<1x80xi32, #tpu.memory_space<hbm>>
    %dma_wait3A_91 = arith.constant 1 : i32
    %dma_wait3A_92 = arith.constant 0 : i32
    %dma_wait3A_93 = tpu.memref_slice %arg3[%add3A, %dma_wait3A_91, %dma_wait3A_92] : memref<32x125x80xi32, #tpu.memory_space<hbm>> -> memref<1x1x80xi32, #tpu.memory_space<hbm>>
    %dma_wait3A_94 = tpu.memref_squeeze %dma_wait3A_93 : memref<1x1x80xi32, #tpu.memory_space<hbm>> -> memref<1x80xi32, #tpu.memory_space<hbm>>
    tpu.wait_dma2 semaphore(%arg20 : memref<!tpu.dma_semaphore, #tpu.memory_space<semaphore_mem>>) src(%dma_wait3A_94 : memref<1x80xi32, #tpu.memory_space<hbm>>) dst(%arg7 : memref<1x80xi32, #tpu.memory_space<vmem>>)
    %dma_start3A_95 = arith.constant 0 : i32
    %dma_start3A_96 = arith.constant 0 : i32
    %dma_start3A_97 = tpu.memref_slice %arg7[%dma_start3A_95, %dma_start3A_96] : memref<1x80xi32, #tpu.memory_space<vmem>> -> memref<1x80xi32, #tpu.memory_space<vmem>>
    %dma_start3A_98 = tpu.memref_squeeze %dma_start3A_97 : memref<1x80xi32, #tpu.memory_space<vmem>> -> memref<80xi32, #tpu.memory_space<vmem>>
    %dma_start3A_99 = arith.constant 0 : i32
    %dma_start3A_100 = arith.constant 0 : i32
    %dma_start3A_101 = tpu.memref_slice %arg2[%dma_start3A_99, %dma_start3A_100] : memref<10000x128xf32, #tpu.memory_space<hbm>> -> memref<10000x128xf32, #tpu.memory_space<hbm>>
    tpu.enqueue_indirect_dma source(%dma_start3A_101 : memref<10000x128xf32, #tpu.memory_space<hbm>>) target(%arg15 : memref<80x128xf32, #tpu.memory_space<vmem>>) offsets(%dma_start3A_98 : memref<80xi32, #tpu.memory_space<vmem>>) semaphore(%arg24 : memref<!tpu.dma_semaphore, #tpu.memory_space<semaphore_mem>>)
    %dma_wait3A_102 = arith.constant 2 : i32
    %dma_wait3A_103 = arith.constant 0 : i32
    %dma_wait3A_104 = tpu.memref_slice %arg3[%add3A, %dma_wait3A_102, %dma_wait3A_103] : memref<32x125x80xi32, #tpu.memory_space<hbm>> -> memref<1x1x80xi32, #tpu.memory_space<hbm>>
    %dma_wait3A_105 = tpu.memref_squeeze %dma_wait3A_104 : memref<1x1x80xi32, #tpu.memory_space<hbm>> -> memref<1x80xi32, #tpu.memory_space<hbm>>
    %dma_wait3A_106 = arith.constant 2 : i32
    %dma_wait3A_107 = arith.constant 0 : i32
    %dma_wait3A_108 = tpu.memref_slice %arg3[%add3A, %dma_wait3A_106, %dma_wait3A_107] : memref<32x125x80xi32, #tpu.memory_space<hbm>> -> memref<1x1x80xi32, #tpu.memory_space<hbm>>
    %dma_wait3A_109 = tpu.memref_squeeze %dma_wait3A_108 : memref<1x1x80xi32, #tpu.memory_space<hbm>> -> memref<1x80xi32, #tpu.memory_space<hbm>>
    tpu.wait_dma2 semaphore(%arg21 : memref<!tpu.dma_semaphore, #tpu.memory_space<semaphore_mem>>) src(%dma_wait3A_109 : memref<1x80xi32, #tpu.memory_space<hbm>>) dst(%arg8 : memref<1x80xi32, #tpu.memory_space<vmem>>)
    %dma_start3A_110 = arith.constant 0 : i32
    %dma_start3A_111 = arith.constant 0 : i32
    %dma_start3A_112 = tpu.memref_slice %arg8[%dma_start3A_110, %dma_start3A_111] : memref<1x80xi32, #tpu.memory_space<vmem>> -> memref<1x80xi32, #tpu.memory_space<vmem>>
    %dma_start3A_113 = tpu.memref_squeeze %dma_start3A_112 : memref<1x80xi32, #tpu.memory_space<vmem>> -> memref<80xi32, #tpu.memory_space<vmem>>
    %dma_start3A_114 = arith.constant 0 : i32
    %dma_start3A_115 = arith.constant 0 : i32
    %dma_start3A_116 = tpu.memref_slice %arg2[%dma_start3A_114, %dma_start3A_115] : memref<10000x128xf32, #tpu.memory_space<hbm>> -> memref<10000x128xf32, #tpu.memory_space<hbm>>
    tpu.enqueue_indirect_dma source(%dma_start3A_116 : memref<10000x128xf32, #tpu.memory_space<hbm>>) target(%arg16 : memref<80x128xf32, #tpu.memory_space<vmem>>) offsets(%dma_start3A_113 : memref<80xi32, #tpu.memory_space<vmem>>) semaphore(%arg25 : memref<!tpu.dma_semaphore, #tpu.memory_space<semaphore_mem>>)
    %scan3A_117 = arith.constant 0 : i32
    %scan3A_118 = arith.constant 30 : i32
    %scan3A_119 = arith.addi %scan3A_117, %scan3A_118 : i32
    %scan3A_120 = arith.constant 1 : i32
    scf.for %scan3A_252 = %scan3A_117 to %scan3A_119 step %scan3A_120  : i32 {
      %mul3A_253 = arith.constant 4 : i32
      %mul3A_254 = arith.muli %scan3A_252, %mul3A_253 : i32
      %add3A_255 = arith.constant 0 : i32
      %add3A_256 = arith.addi %add3A_255, %mul3A_254 : i32
      %add3A_257 = arith.constant 0 : i32
      %add3A_258 = arith.addi %add3A_256, %add3A_257 : i32
      %add3A_259 = arith.constant 3 : i32
      %add3A_260 = arith.addi %add3A_258, %add3A_259 : i32
      %dma_wait3A_261 = arith.constant 0 : i32
      %dma_wait3A_262 = tpu.memref_slice %arg3[%add3A, %add3A_260, %dma_wait3A_261] : memref<32x125x80xi32, #tpu.memory_space<hbm>> -> memref<1x1x80xi32, #tpu.memory_space<hbm>>
      %dma_wait3A_263 = tpu.memref_squeeze %dma_wait3A_262 : memref<1x1x80xi32, #tpu.memory_space<hbm>> -> memref<1x80xi32, #tpu.memory_space<hbm>>
      %dma_wait3A_264 = arith.constant 0 : i32
      %dma_wait3A_265 = tpu.memref_slice %arg3[%add3A, %add3A_260, %dma_wait3A_264] : memref<32x125x80xi32, #tpu.memory_space<hbm>> -> memref<1x1x80xi32, #tpu.memory_space<hbm>>
      %dma_wait3A_266 = tpu.memref_squeeze %dma_wait3A_265 : memref<1x1x80xi32, #tpu.memory_space<hbm>> -> memref<1x80xi32, #tpu.memory_space<hbm>>
      tpu.wait_dma2 semaphore(%arg22 : memref<!tpu.dma_semaphore, #tpu.memory_space<semaphore_mem>>) src(%dma_wait3A_266 : memref<1x80xi32, #tpu.memory_space<hbm>>) dst(%arg9 : memref<1x80xi32, #tpu.memory_space<vmem>>)
      %dma_start3A_267 = arith.constant 0 : i32
      %dma_start3A_268 = arith.constant 0 : i32
      %dma_start3A_269 = tpu.memref_slice %arg9[%dma_start3A_267, %dma_start3A_268] : memref<1x80xi32, #tpu.memory_space<vmem>> -> memref<1x80xi32, #tpu.memory_space<vmem>>
      %dma_start3A_270 = tpu.memref_squeeze %dma_start3A_269 : memref<1x80xi32, #tpu.memory_space<vmem>> -> memref<80xi32, #tpu.memory_space<vmem>>
      %dma_start3A_271 = arith.constant 0 : i32
      %dma_start3A_272 = arith.constant 0 : i32
      %dma_start3A_273 = tpu.memref_slice %arg2[%dma_start3A_271, %dma_start3A_272] : memref<10000x128xf32, #tpu.memory_space<hbm>> -> memref<10000x128xf32, #tpu.memory_space<hbm>>
      tpu.enqueue_indirect_dma source(%dma_start3A_273 : memref<10000x128xf32, #tpu.memory_space<hbm>>) target(%arg17 : memref<80x128xf32, #tpu.memory_space<vmem>>) offsets(%dma_start3A_270 : memref<80xi32, #tpu.memory_space<vmem>>) semaphore(%arg26 : memref<!tpu.dma_semaphore, #tpu.memory_space<semaphore_mem>>)
      %dma_wait3A_274 = arith.constant 0 : i32
      %dma_wait3A_275 = arith.constant 0 : i32
      %dma_wait3A_276 = tpu.memref_slice %arg6[%dma_wait3A_274, %dma_wait3A_275] : memref<1x80xi32, #tpu.memory_space<vmem>> -> memref<1x80xi32, #tpu.memory_space<vmem>>
      %dma_wait3A_277 = tpu.memref_squeeze %dma_wait3A_276 : memref<1x80xi32, #tpu.memory_space<vmem>> -> memref<80xi32, #tpu.memory_space<vmem>>
      %dma_wait3A_278 = arith.constant 0 : i32
      %dma_wait3A_279 = arith.constant 0 : i32
      %dma_wait3A_280 = tpu.memref_slice %arg2[%dma_wait3A_278, %dma_wait3A_279] : memref<10000x128xf32, #tpu.memory_space<hbm>> -> memref<10000x128xf32, #tpu.memory_space<hbm>>
      tpu.wait_indirect_dma semaphore(%arg23 : memref<!tpu.dma_semaphore, #tpu.memory_space<semaphore_mem>>) src(%dma_wait3A_280 : memref<10000x128xf32, #tpu.memory_space<hbm>>) dst(%arg14 : memref<80x128xf32, #tpu.memory_space<vmem>>)
      %add3A_281 = arith.constant 4 : i32
      %add3A_282 = arith.addi %add3A_258, %add3A_281 : i32
      %dma_start3A_283 = arith.constant 0 : i32
      %dma_start3A_284 = tpu.memref_slice %arg3[%add3A, %add3A_282, %dma_start3A_283] : memref<32x125x80xi32, #tpu.memory_space<hbm>> -> memref<1x1x80xi32, #tpu.memory_space<hbm>>
      %dma_start3A_285 = tpu.memref_squeeze %dma_start3A_284 : memref<1x1x80xi32, #tpu.memory_space<hbm>> -> memref<1x80xi32, #tpu.memory_space<hbm>>
      %dma_start3A_286 = arith.constant 0 : i32
      %dma_start3A_287 = tpu.memref_slice %arg3[%add3A, %add3A_282, %dma_start3A_286] : memref<32x125x80xi32, #tpu.memory_space<hbm>> -> memref<1x1x80xi32, #tpu.memory_space<hbm>>
      %dma_start3A_288 = tpu.memref_squeeze %dma_start3A_287 : memref<1x1x80xi32, #tpu.memory_space<hbm>> -> memref<1x80xi32, #tpu.memory_space<hbm>>
      tpu.enqueue_dma source(%dma_start3A_288 : memref<1x80xi32, #tpu.memory_space<hbm>>) target(%arg6 : memref<1x80xi32, #tpu.memory_space<vmem>>) target_semaphore(%arg19 : memref<!tpu.dma_semaphore, #tpu.memory_space<semaphore_mem>>)
      %dma_wait3A_289 = arith.constant 0 : i32
      %dma_wait3A_290 = tpu.memref_slice %arg4[%add3A, %add3A_258, %dma_wait3A_289] : memref<32x125x80xi32, #tpu.memory_space<hbm>> -> memref<1x1x80xi32, #tpu.memory_space<hbm>>
      %dma_wait3A_291 = tpu.memref_squeeze %dma_wait3A_290 : memref<1x1x80xi32, #tpu.memory_space<hbm>> -> memref<1x80xi32, #tpu.memory_space<hbm>>
      %dma_wait3A_292 = arith.constant 0 : i32
      %dma_wait3A_293 = tpu.memref_slice %arg4[%add3A, %add3A_258, %dma_wait3A_292] : memref<32x125x80xi32, #tpu.memory_space<hbm>> -> memref<1x1x80xi32, #tpu.memory_space<hbm>>
      %dma_wait3A_294 = tpu.memref_squeeze %dma_wait3A_293 : memref<1x1x80xi32, #tpu.memory_space<hbm>> -> memref<1x80xi32, #tpu.memory_space<hbm>>
      tpu.wait_dma2 semaphore(%arg27 : memref<!tpu.dma_semaphore, #tpu.memory_space<semaphore_mem>>) src(%dma_wait3A_294 : memref<1x80xi32, #tpu.memory_space<hbm>>) dst(%arg10 : memref<1x80xi32, #tpu.memory_space<vmem>>)
      %run_scoped3A_295 = arith.constant 0 : i32
      "tpu.region"() ({
        %run_scoped3A_445 = tpu.sem_alloc : memref<!tpu.dma_semaphore, #tpu.memory_space<semaphore_mem>>
        %dma_start3A_446 = arith.constant 0 : i32
        %dma_start3A_447 = tpu.memref_slice %arg10[%run_scoped3A_295, %dma_start3A_446] : memref<1x80xi32, #tpu.memory_space<vmem>> -> memref<1x80xi32, #tpu.memory_space<vmem>>
        %dma_start3A_448 = tpu.memref_squeeze %dma_start3A_447 : memref<1x80xi32, #tpu.memory_space<vmem>> -> memref<80xi32, #tpu.memory_space<vmem>>
        %dma_start3A_449 = arith.constant 0 : i32
        %dma_start3A_450 = arith.constant 0 : i32
        %dma_start3A_451 = tpu.memref_slice %arg31[%dma_start3A_449, %dma_start3A_450] : memref<10240x128xf32, #tpu.memory_space<vmem_shared>> -> memref<10240x128xf32, #tpu.memory_space<vmem_shared>>
        tpu.enqueue_indirect_dma source(%arg14 : memref<80x128xf32, #tpu.memory_space<vmem>>) target(%dma_start3A_451 : memref<10240x128xf32, #tpu.memory_space<vmem_shared>>) offsets(%dma_start3A_448 : memref<80xi32, #tpu.memory_space<vmem>>) semaphore(%run_scoped3A_445 : memref<!tpu.dma_semaphore, #tpu.memory_space<semaphore_mem>>) {add = true}
        %dma_wait3A_452 = arith.constant 0 : i32
        %dma_wait3A_453 = tpu.memref_slice %arg10[%run_scoped3A_295, %dma_wait3A_452] : memref<1x80xi32, #tpu.memory_space<vmem>> -> memref<1x80xi32, #tpu.memory_space<vmem>>
        %dma_wait3A_454 = tpu.memref_squeeze %dma_wait3A_453 : memref<1x80xi32, #tpu.memory_space<vmem>> -> memref<80xi32, #tpu.memory_space<vmem>>
        %dma_wait3A_455 = arith.constant 0 : i32
        %dma_wait3A_456 = arith.constant 0 : i32
        %dma_wait3A_457 = tpu.memref_slice %arg31[%dma_wait3A_455, %dma_wait3A_456] : memref<10240x128xf32, #tpu.memory_space<vmem_shared>> -> memref<10240x128xf32, #tpu.memory_space<vmem_shared>>
        tpu.wait_indirect_dma semaphore(%run_scoped3A_445 : memref<!tpu.dma_semaphore, #tpu.memory_space<semaphore_mem>>) src(%arg14 : memref<80x128xf32, #tpu.memory_space<vmem>>) dst(%dma_wait3A_457 : memref<10240x128xf32, #tpu.memory_space<vmem_shared>>)
        tpu.yield
      }) : () -> ()
      %add3A_296 = arith.constant 4 : i32
      %add3A_297 = arith.addi %add3A_258, %add3A_296 : i32
      %dma_start3A_298 = arith.constant 0 : i32
      %dma_start3A_299 = tpu.memref_slice %arg4[%add3A, %add3A_297, %dma_start3A_298] : memref<32x125x80xi32, #tpu.memory_space<hbm>> -> memref<1x1x80xi32, #tpu.memory_space<hbm>>
      %dma_start3A_300 = tpu.memref_squeeze %dma_start3A_299 : memref<1x1x80xi32, #tpu.memory_space<hbm>> -> memref<1x80xi32, #tpu.memory_space<hbm>>
      %dma_start3A_301 = arith.constant 0 : i32
      %dma_start3A_302 = tpu.memref_slice %arg4[%add3A, %add3A_297, %dma_start3A_301] : memref<32x125x80xi32, #tpu.memory_space<hbm>> -> memref<1x1x80xi32, #tpu.memory_space<hbm>>
      %dma_start3A_303 = tpu.memref_squeeze %dma_start3A_302 : memref<1x1x80xi32, #tpu.memory_space<hbm>> -> memref<1x80xi32, #tpu.memory_space<hbm>>
      tpu.enqueue_dma source(%dma_start3A_303 : memref<1x80xi32, #tpu.memory_space<hbm>>) target(%arg10 : memref<1x80xi32, #tpu.memory_space<vmem>>) target_semaphore(%arg27 : memref<!tpu.dma_semaphore, #tpu.memory_space<semaphore_mem>>)
      %add3A_304 = arith.constant 1 : i32
      %add3A_305 = arith.addi %add3A_256, %add3A_304 : i32
      %add3A_306 = arith.constant 3 : i32
      %add3A_307 = arith.addi %add3A_305, %add3A_306 : i32
      %dma_wait3A_308 = arith.constant 0 : i32
      %dma_wait3A_309 = tpu.memref_slice %arg3[%add3A, %add3A_307, %dma_wait3A_308] : memref<32x125x80xi32, #tpu.memory_space<hbm>> -> memref<1x1x80xi32, #tpu.memory_space<hbm>>
      %dma_wait3A_310 = tpu.memref_squeeze %dma_wait3A_309 : memref<1x1x80xi32, #tpu.memory_space<hbm>> -> memref<1x80xi32, #tpu.memory_space<hbm>>
      %dma_wait3A_311 = arith.constant 0 : i32
      %dma_wait3A_312 = tpu.memref_slice %arg3[%add3A, %add3A_307, %dma_wait3A_311] : memref<32x125x80xi32, #tpu.memory_space<hbm>> -> memref<1x1x80xi32, #tpu.memory_space<hbm>>
      %dma_wait3A_313 = tpu.memref_squeeze %dma_wait3A_312 : memref<1x1x80xi32, #tpu.memory_space<hbm>> -> memref<1x80xi32, #tpu.memory_space<hbm>>
      tpu.wait_dma2 semaphore(%arg19 : memref<!tpu.dma_semaphore, #tpu.memory_space<semaphore_mem>>) src(%dma_wait3A_313 : memref<1x80xi32, #tpu.memory_space<hbm>>) dst(%arg6 : memref<1x80xi32, #tpu.memory_space<vmem>>)
      %dma_start3A_314 = arith.constant 0 : i32
      %dma_start3A_315 = arith.constant 0 : i32
      %dma_start3A_316 = tpu.memref_slice %arg6[%dma_start3A_314, %dma_start3A_315] : memref<1x80xi32, #tpu.memory_space<vmem>> -> memref<1x80xi32, #tpu.memory_space<vmem>>
      %dma_start3A_317 = tpu.memref_squeeze %dma_start3A_316 : memref<1x80xi32, #tpu.memory_space<vmem>> -> memref<80xi32, #tpu.memory_space<vmem>>
      %dma_start3A_318 = arith.constant 0 : i32
      %dma_start3A_319 = arith.constant 0 : i32
      %dma_start3A_320 = tpu.memref_slice %arg2[%dma_start3A_318, %dma_start3A_319] : memref<10000x128xf32, #tpu.memory_space<hbm>> -> memref<10000x128xf32, #tpu.memory_space<hbm>>
      tpu.enqueue_indirect_dma source(%dma_start3A_320 : memref<10000x128xf32, #tpu.memory_space<hbm>>) target(%arg14 : memref<80x128xf32, #tpu.memory_space<vmem>>) offsets(%dma_start3A_317 : memref<80xi32, #tpu.memory_space<vmem>>) semaphore(%arg23 : memref<!tpu.dma_semaphore, #tpu.memory_space<semaphore_mem>>)
      %dma_wait3A_321 = arith.constant 0 : i32
      %dma_wait3A_322 = arith.constant 0 : i32
      %dma_wait3A_323 = tpu.memref_slice %arg7[%dma_wait3A_321, %dma_wait3A_322] : memref<1x80xi32, #tpu.memory_space<vmem>> -> memref<1x80xi32, #tpu.memory_space<vmem>>
      %dma_wait3A_324 = tpu.memref_squeeze %dma_wait3A_323 : memref<1x80xi32, #tpu.memory_space<vmem>> -> memref<80xi32, #tpu.memory_space<vmem>>
      %dma_wait3A_325 = arith.constant 0 : i32
      %dma_wait3A_326 = arith.constant 0 : i32
      %dma_wait3A_327 = tpu.memref_slice %arg2[%dma_wait3A_325, %dma_wait3A_326] : memref<10000x128xf32, #tpu.memory_space<hbm>> -> memref<10000x128xf32, #tpu.memory_space<hbm>>
      tpu.wait_indirect_dma semaphore(%arg24 : memref<!tpu.dma_semaphore, #tpu.memory_space<semaphore_mem>>) src(%dma_wait3A_327 : memref<10000x128xf32, #tpu.memory_space<hbm>>) dst(%arg15 : memref<80x128xf32, #tpu.memory_space<vmem>>)
      %add3A_328 = arith.constant 4 : i32
      %add3A_329 = arith.addi %add3A_305, %add3A_328 : i32
      %dma_start3A_330 = arith.constant 0 : i32
      %dma_start3A_331 = tpu.memref_slice %arg3[%add3A, %add3A_329, %dma_start3A_330] : memref<32x125x80xi32, #tpu.memory_space<hbm>> -> memref<1x1x80xi32, #tpu.memory_space<hbm>>
      %dma_start3A_332 = tpu.memref_squeeze %dma_start3A_331 : memref<1x1x80xi32, #tpu.memory_space<hbm>> -> memref<1x80xi32, #tpu.memory_space<hbm>>
      %dma_start3A_333 = arith.constant 0 : i32
      %dma_start3A_334 = tpu.memref_slice %arg3[%add3A, %add3A_329, %dma_start3A_333] : memref<32x125x80xi32, #tpu.memory_space<hbm>> -> memref<1x1x80xi32, #tpu.memory_space<hbm>>
      %dma_start3A_335 = tpu.memref_squeeze %dma_start3A_334 : memref<1x1x80xi32, #tpu.memory_space<hbm>> -> memref<1x80xi32, #tpu.memory_space<hbm>>
      tpu.enqueue_dma source(%dma_start3A_335 : memref<1x80xi32, #tpu.memory_space<hbm>>) target(%arg7 : memref<1x80xi32, #tpu.memory_space<vmem>>) target_semaphore(%arg20 : memref<!tpu.dma_semaphore, #tpu.memory_space<semaphore_mem>>)
      %dma_wait3A_336 = arith.constant 0 : i32
      %dma_wait3A_337 = tpu.memref_slice %arg4[%add3A, %add3A_305, %dma_wait3A_336] : memref<32x125x80xi32, #tpu.memory_space<hbm>> -> memref<1x1x80xi32, #tpu.memory_space<hbm>>
      %dma_wait3A_338 = tpu.memref_squeeze %dma_wait3A_337 : memref<1x1x80xi32, #tpu.memory_space<hbm>> -> memref<1x80xi32, #tpu.memory_space<hbm>>
      %dma_wait3A_339 = arith.constant 0 : i32
      %dma_wait3A_340 = tpu.memref_slice %arg4[%add3A, %add3A_305, %dma_wait3A_339] : memref<32x125x80xi32, #tpu.memory_space<hbm>> -> memref<1x1x80xi32, #tpu.memory_space<hbm>>
      %dma_wait3A_341 = tpu.memref_squeeze %dma_wait3A_340 : memref<1x1x80xi32, #tpu.memory_space<hbm>> -> memref<1x80xi32, #tpu.memory_space<hbm>>
      tpu.wait_dma2 semaphore(%arg28 : memref<!tpu.dma_semaphore, #tpu.memory_space<semaphore_mem>>) src(%dma_wait3A_341 : memref<1x80xi32, #tpu.memory_space<hbm>>) dst(%arg11 : memref<1x80xi32, #tpu.memory_space<vmem>>)
      %run_scoped3A_342 = arith.constant 0 : i32
      "tpu.region"() ({
        %run_scoped3A_445 = tpu.sem_alloc : memref<!tpu.dma_semaphore, #tpu.memory_space<semaphore_mem>>
        %dma_start3A_446 = arith.constant 0 : i32
        %dma_start3A_447 = tpu.memref_slice %arg11[%run_scoped3A_342, %dma_start3A_446] : memref<1x80xi32, #tpu.memory_space<vmem>> -> memref<1x80xi32, #tpu.memory_space<vmem>>
        %dma_start3A_448 = tpu.memref_squeeze %dma_start3A_447 : memref<1x80xi32, #tpu.memory_space<vmem>> -> memref<80xi32, #tpu.memory_space<vmem>>
        %dma_start3A_449 = arith.constant 0 : i32
        %dma_start3A_450 = arith.constant 0 : i32
        %dma_start3A_451 = tpu.memref_slice %arg31[%dma_start3A_449, %dma_start3A_450] : memref<10240x128xf32, #tpu.memory_space<vmem_shared>> -> memref<10240x128xf32, #tpu.memory_space<vmem_shared>>
        tpu.enqueue_indirect_dma source(%arg15 : memref<80x128xf32, #tpu.memory_space<vmem>>) target(%dma_start3A_451 : memref<10240x128xf32, #tpu.memory_space<vmem_shared>>) offsets(%dma_start3A_448 : memref<80xi32, #tpu.memory_space<vmem>>) semaphore(%run_scoped3A_445 : memref<!tpu.dma_semaphore, #tpu.memory_space<semaphore_mem>>) {add = true}
        %dma_wait3A_452 = arith.constant 0 : i32
        %dma_wait3A_453 = tpu.memref_slice %arg11[%run_scoped3A_342, %dma_wait3A_452] : memref<1x80xi32, #tpu.memory_space<vmem>> -> memref<1x80xi32, #tpu.memory_space<vmem>>
        %dma_wait3A_454 = tpu.memref_squeeze %dma_wait3A_453 : memref<1x80xi32, #tpu.memory_space<vmem>> -> memref<80xi32, #tpu.memory_space<vmem>>
        %dma_wait3A_455 = arith.constant 0 : i32
        %dma_wait3A_456 = arith.constant 0 : i32
        %dma_wait3A_457 = tpu.memref_slice %arg31[%dma_wait3A_455, %dma_wait3A_456] : memref<10240x128xf32, #tpu.memory_space<vmem_shared>> -> memref<10240x128xf32, #tpu.memory_space<vmem_shared>>
        tpu.wait_indirect_dma semaphore(%run_scoped3A_445 : memref<!tpu.dma_semaphore, #tpu.memory_space<semaphore_mem>>) src(%arg15 : memref<80x128xf32, #tpu.memory_space<vmem>>) dst(%dma_wait3A_457 : memref<10240x128xf32, #tpu.memory_space<vmem_shared>>)
        tpu.yield
      }) : () -> ()
      %add3A_343 = arith.constant 4 : i32
      %add3A_344 = arith.addi %add3A_305, %add3A_343 : i32
      %dma_start3A_345 = arith.constant 0 : i32
      %dma_start3A_346 = tpu.memref_slice %arg4[%add3A, %add3A_344, %dma_start3A_345] : memref<32x125x80xi32, #tpu.memory_space<hbm>> -> memref<1x1x80xi32, #tpu.memory_space<hbm>>
      %dma_start3A_347 = tpu.memref_squeeze %dma_start3A_346 : memref<1x1x80xi32, #tpu.memory_space<hbm>> -> memref<1x80xi32, #tpu.memory_space<hbm>>
      %dma_start3A_348 = arith.constant 0 : i32
      %dma_start3A_349 = tpu.memref_slice %arg4[%add3A, %add3A_344, %dma_start3A_348] : memref<32x125x80xi32, #tpu.memory_space<hbm>> -> memref<1x1x80xi32, #tpu.memory_space<hbm>>
      %dma_start3A_350 = tpu.memref_squeeze %dma_start3A_349 : memref<1x1x80xi32, #tpu.memory_space<hbm>> -> memref<1x80xi32, #tpu.memory_space<hbm>>
      tpu.enqueue_dma source(%dma_start3A_350 : memref<1x80xi32, #tpu.memory_space<hbm>>) target(%arg11 : memref<1x80xi32, #tpu.memory_space<vmem>>) target_semaphore(%arg28 : memref<!tpu.dma_semaphore, #tpu.memory_space<semaphore_mem>>)
      %add3A_351 = arith.constant 2 : i32
      %add3A_352 = arith.addi %add3A_256, %add3A_351 : i32
      %add3A_353 = arith.constant 3 : i32
      %add3A_354 = arith.addi %add3A_352, %add3A_353 : i32
      %dma_wait3A_355 = arith.constant 0 : i32
      %dma_wait3A_356 = tpu.memref_slice %arg3[%add3A, %add3A_354, %dma_wait3A_355] : memref<32x125x80xi32, #tpu.memory_space<hbm>> -> memref<1x1x80xi32, #tpu.memory_space<hbm>>
      %dma_wait3A_357 = tpu.memref_squeeze %dma_wait3A_356 : memref<1x1x80xi32, #tpu.memory_space<hbm>> -> memref<1x80xi32, #tpu.memory_space<hbm>>
      %dma_wait3A_358 = arith.constant 0 : i32
      %dma_wait3A_359 = tpu.memref_slice %arg3[%add3A, %add3A_354, %dma_wait3A_358] : memref<32x125x80xi32, #tpu.memory_space<hbm>> -> memref<1x1x80xi32, #tpu.memory_space<hbm>>
      %dma_wait3A_360 = tpu.memref_squeeze %dma_wait3A_359 : memref<1x1x80xi32, #tpu.memory_space<hbm>> -> memref<1x80xi32, #tpu.memory_space<hbm>>
      tpu.wait_dma2 semaphore(%arg20 : memref<!tpu.dma_semaphore, #tpu.memory_space<semaphore_mem>>) src(%dma_wait3A_360 : memref<1x80xi32, #tpu.memory_space<hbm>>) dst(%arg7 : memref<1x80xi32, #tpu.memory_space<vmem>>)
      %dma_start3A_361 = arith.constant 0 : i32
      %dma_start3A_362 = arith.constant 0 : i32
      %dma_start3A_363 = tpu.memref_slice %arg7[%dma_start3A_361, %dma_start3A_362] : memref<1x80xi32, #tpu.memory_space<vmem>> -> memref<1x80xi32, #tpu.memory_space<vmem>>
      %dma_start3A_364 = tpu.memref_squeeze %dma_start3A_363 : memref<1x80xi32, #tpu.memory_space<vmem>> -> memref<80xi32, #tpu.memory_space<vmem>>
      %dma_start3A_365 = arith.constant 0 : i32
      %dma_start3A_366 = arith.constant 0 : i32
      %dma_start3A_367 = tpu.memref_slice %arg2[%dma_start3A_365, %dma_start3A_366] : memref<10000x128xf32, #tpu.memory_space<hbm>> -> memref<10000x128xf32, #tpu.memory_space<hbm>>
      tpu.enqueue_indirect_dma source(%dma_start3A_367 : memref<10000x128xf32, #tpu.memory_space<hbm>>) target(%arg15 : memref<80x128xf32, #tpu.memory_space<vmem>>) offsets(%dma_start3A_364 : memref<80xi32, #tpu.memory_space<vmem>>) semaphore(%arg24 : memref<!tpu.dma_semaphore, #tpu.memory_space<semaphore_mem>>)
      %dma_wait3A_368 = arith.constant 0 : i32
      %dma_wait3A_369 = arith.constant 0 : i32
      %dma_wait3A_370 = tpu.memref_slice %arg8[%dma_wait3A_368, %dma_wait3A_369] : memref<1x80xi32, #tpu.memory_space<vmem>> -> memref<1x80xi32, #tpu.memory_space<vmem>>
      %dma_wait3A_371 = tpu.memref_squeeze %dma_wait3A_370 : memref<1x80xi32, #tpu.memory_space<vmem>> -> memref<80xi32, #tpu.memory_space<vmem>>
      %dma_wait3A_372 = arith.constant 0 : i32
      %dma_wait3A_373 = arith.constant 0 : i32
      %dma_wait3A_374 = tpu.memref_slice %arg2[%dma_wait3A_372, %dma_wait3A_373] : memref<10000x128xf32, #tpu.memory_space<hbm>> -> memref<10000x128xf32, #tpu.memory_space<hbm>>
      tpu.wait_indirect_dma semaphore(%arg25 : memref<!tpu.dma_semaphore, #tpu.memory_space<semaphore_mem>>) src(%dma_wait3A_374 : memref<10000x128xf32, #tpu.memory_space<hbm>>) dst(%arg16 : memref<80x128xf32, #tpu.memory_space<vmem>>)
      %add3A_375 = arith.constant 4 : i32
      %add3A_376 = arith.addi %add3A_352, %add3A_375 : i32
      %dma_start3A_377 = arith.constant 0 : i32
      %dma_start3A_378 = tpu.memref_slice %arg3[%add3A, %add3A_376, %dma_start3A_377] : memref<32x125x80xi32, #tpu.memory_space<hbm>> -> memref<1x1x80xi32, #tpu.memory_space<hbm>>
      %dma_start3A_379 = tpu.memref_squeeze %dma_start3A_378 : memref<1x1x80xi32, #tpu.memory_space<hbm>> -> memref<1x80xi32, #tpu.memory_space<hbm>>
      %dma_start3A_380 = arith.constant 0 : i32
      %dma_start3A_381 = tpu.memref_slice %arg3[%add3A, %add3A_376, %dma_start3A_380] : memref<32x125x80xi32, #tpu.memory_space<hbm>> -> memref<1x1x80xi32, #tpu.memory_space<hbm>>
      %dma_start3A_382 = tpu.memref_squeeze %dma_start3A_381 : memref<1x1x80xi32, #tpu.memory_space<hbm>> -> memref<1x80xi32, #tpu.memory_space<hbm>>
      tpu.enqueue_dma source(%dma_start3A_382 : memref<1x80xi32, #tpu.memory_space<hbm>>) target(%arg8 : memref<1x80xi32, #tpu.memory_space<vmem>>) target_semaphore(%arg21 : memref<!tpu.dma_semaphore, #tpu.memory_space<semaphore_mem>>)
      %dma_wait3A_383 = arith.constant 0 : i32
      %dma_wait3A_384 = tpu.memref_slice %arg4[%add3A, %add3A_352, %dma_wait3A_383] : memref<32x125x80xi32, #tpu.memory_space<hbm>> -> memref<1x1x80xi32, #tpu.memory_space<hbm>>
      %dma_wait3A_385 = tpu.memref_squeeze %dma_wait3A_384 : memref<1x1x80xi32, #tpu.memory_space<hbm>> -> memref<1x80xi32, #tpu.memory_space<hbm>>
      %dma_wait3A_386 = arith.constant 0 : i32
      %dma_wait3A_387 = tpu.memref_slice %arg4[%add3A, %add3A_352, %dma_wait3A_386] : memref<32x125x80xi32, #tpu.memory_space<hbm>> -> memref<1x1x80xi32, #tpu.memory_space<hbm>>
      %dma_wait3A_388 = tpu.memref_squeeze %dma_wait3A_387 : memref<1x1x80xi32, #tpu.memory_space<hbm>> -> memref<1x80xi32, #tpu.memory_space<hbm>>
      tpu.wait_dma2 semaphore(%arg29 : memref<!tpu.dma_semaphore, #tpu.memory_space<semaphore_mem>>) src(%dma_wait3A_388 : memref<1x80xi32, #tpu.memory_space<hbm>>) dst(%arg12 : memref<1x80xi32, #tpu.memory_space<vmem>>)
      %run_scoped3A_389 = arith.constant 0 : i32
      "tpu.region"() ({
        %run_scoped3A_445 = tpu.sem_alloc : memref<!tpu.dma_semaphore, #tpu.memory_space<semaphore_mem>>
        %dma_start3A_446 = arith.constant 0 : i32
        %dma_start3A_447 = tpu.memref_slice %arg12[%run_scoped3A_389, %dma_start3A_446] : memref<1x80xi32, #tpu.memory_space<vmem>> -> memref<1x80xi32, #tpu.memory_space<vmem>>
        %dma_start3A_448 = tpu.memref_squeeze %dma_start3A_447 : memref<1x80xi32, #tpu.memory_space<vmem>> -> memref<80xi32, #tpu.memory_space<vmem>>
        %dma_start3A_449 = arith.constant 0 : i32
        %dma_start3A_450 = arith.constant 0 : i32
        %dma_start3A_451 = tpu.memref_slice %arg31[%dma_start3A_449, %dma_start3A_450] : memref<10240x128xf32, #tpu.memory_space<vmem_shared>> -> memref<10240x128xf32, #tpu.memory_space<vmem_shared>>
        tpu.enqueue_indirect_dma source(%arg16 : memref<80x128xf32, #tpu.memory_space<vmem>>) target(%dma_start3A_451 : memref<10240x128xf32, #tpu.memory_space<vmem_shared>>) offsets(%dma_start3A_448 : memref<80xi32, #tpu.memory_space<vmem>>) semaphore(%run_scoped3A_445 : memref<!tpu.dma_semaphore, #tpu.memory_space<semaphore_mem>>) {add = true}
        %dma_wait3A_452 = arith.constant 0 : i32
        %dma_wait3A_453 = tpu.memref_slice %arg12[%run_scoped3A_389, %dma_wait3A_452] : memref<1x80xi32, #tpu.memory_space<vmem>> -> memref<1x80xi32, #tpu.memory_space<vmem>>
        %dma_wait3A_454 = tpu.memref_squeeze %dma_wait3A_453 : memref<1x80xi32, #tpu.memory_space<vmem>> -> memref<80xi32, #tpu.memory_space<vmem>>
        %dma_wait3A_455 = arith.constant 0 : i32
        %dma_wait3A_456 = arith.constant 0 : i32
        %dma_wait3A_457 = tpu.memref_slice %arg31[%dma_wait3A_455, %dma_wait3A_456] : memref<10240x128xf32, #tpu.memory_space<vmem_shared>> -> memref<10240x128xf32, #tpu.memory_space<vmem_shared>>
        tpu.wait_indirect_dma semaphore(%run_scoped3A_445 : memref<!tpu.dma_semaphore, #tpu.memory_space<semaphore_mem>>) src(%arg16 : memref<80x128xf32, #tpu.memory_space<vmem>>) dst(%dma_wait3A_457 : memref<10240x128xf32, #tpu.memory_space<vmem_shared>>)
        tpu.yield
      }) : () -> ()
      %add3A_390 = arith.constant 4 : i32
      %add3A_391 = arith.addi %add3A_352, %add3A_390 : i32
      %dma_start3A_392 = arith.constant 0 : i32
      %dma_start3A_393 = tpu.memref_slice %arg4[%add3A, %add3A_391, %dma_start3A_392] : memref<32x125x80xi32, #tpu.memory_space<hbm>> -> memref<1x1x80xi32, #tpu.memory_space<hbm>>
      %dma_start3A_394 = tpu.memref_squeeze %dma_start3A_393 : memref<1x1x80xi32, #tpu.memory_space<hbm>> -> memref<1x80xi32, #tpu.memory_space<hbm>>
      %dma_start3A_395 = arith.constant 0 : i32
      %dma_start3A_396 = tpu.memref_slice %arg4[%add3A, %add3A_391, %dma_start3A_395] : memref<32x125x80xi32, #tpu.memory_space<hbm>> -> memref<1x1x80xi32, #tpu.memory_space<hbm>>
      %dma_start3A_397 = tpu.memref_squeeze %dma_start3A_396 : memref<1x1x80xi32, #tpu.memory_space<hbm>> -> memref<1x80xi32, #tpu.memory_space<hbm>>
      tpu.enqueue_dma source(%dma_start3A_397 : memref<1x80xi32, #tpu.memory_space<hbm>>) target(%arg12 : memref<1x80xi32, #tpu.memory_space<vmem>>) target_semaphore(%arg29 : memref<!tpu.dma_semaphore, #tpu.memory_space<semaphore_mem>>)
      %add3A_398 = arith.constant 3 : i32
      %add3A_399 = arith.addi %add3A_256, %add3A_398 : i32
      %add3A_400 = arith.constant 3 : i32
      %add3A_401 = arith.addi %add3A_399, %add3A_400 : i32
      %dma_wait3A_402 = arith.constant 0 : i32
      %dma_wait3A_403 = tpu.memref_slice %arg3[%add3A, %add3A_401, %dma_wait3A_402] : memref<32x125x80xi32, #tpu.memory_space<hbm>> -> memref<1x1x80xi32, #tpu.memory_space<hbm>>
      %dma_wait3A_404 = tpu.memref_squeeze %dma_wait3A_403 : memref<1x1x80xi32, #tpu.memory_space<hbm>> -> memref<1x80xi32, #tpu.memory_space<hbm>>
      %dma_wait3A_405 = arith.constant 0 : i32
      %dma_wait3A_406 = tpu.memref_slice %arg3[%add3A, %add3A_401, %dma_wait3A_405] : memref<32x125x80xi32, #tpu.memory_space<hbm>> -> memref<1x1x80xi32, #tpu.memory_space<hbm>>
      %dma_wait3A_407 = tpu.memref_squeeze %dma_wait3A_406 : memref<1x1x80xi32, #tpu.memory_space<hbm>> -> memref<1x80xi32, #tpu.memory_space<hbm>>
      tpu.wait_dma2 semaphore(%arg21 : memref<!tpu.dma_semaphore, #tpu.memory_space<semaphore_mem>>) src(%dma_wait3A_407 : memref<1x80xi32, #tpu.memory_space<hbm>>) dst(%arg8 : memref<1x80xi32, #tpu.memory_space<vmem>>)
      %dma_start3A_408 = arith.constant 0 : i32
      %dma_start3A_409 = arith.constant 0 : i32
      %dma_start3A_410 = tpu.memref_slice %arg8[%dma_start3A_408, %dma_start3A_409] : memref<1x80xi32, #tpu.memory_space<vmem>> -> memref<1x80xi32, #tpu.memory_space<vmem>>
      %dma_start3A_411 = tpu.memref_squeeze %dma_start3A_410 : memref<1x80xi32, #tpu.memory_space<vmem>> -> memref<80xi32, #tpu.memory_space<vmem>>
      %dma_start3A_412 = arith.constant 0 : i32
      %dma_start3A_413 = arith.constant 0 : i32
      %dma_start3A_414 = tpu.memref_slice %arg2[%dma_start3A_412, %dma_start3A_413] : memref<10000x128xf32, #tpu.memory_space<hbm>> -> memref<10000x128xf32, #tpu.memory_space<hbm>>
      tpu.enqueue_indirect_dma source(%dma_start3A_414 : memref<10000x128xf32, #tpu.memory_space<hbm>>) target(%arg16 : memref<80x128xf32, #tpu.memory_space<vmem>>) offsets(%dma_start3A_411 : memref<80xi32, #tpu.memory_space<vmem>>) semaphore(%arg25 : memref<!tpu.dma_semaphore, #tpu.memory_space<semaphore_mem>>)
      %dma_wait3A_415 = arith.constant 0 : i32
      %dma_wait3A_416 = arith.constant 0 : i32
      %dma_wait3A_417 = tpu.memref_slice %arg9[%dma_wait3A_415, %dma_wait3A_416] : memref<1x80xi32, #tpu.memory_space<vmem>> -> memref<1x80xi32, #tpu.memory_space<vmem>>
      %dma_wait3A_418 = tpu.memref_squeeze %dma_wait3A_417 : memref<1x80xi32, #tpu.memory_space<vmem>> -> memref<80xi32, #tpu.memory_space<vmem>>
      %dma_wait3A_419 = arith.constant 0 : i32
      %dma_wait3A_420 = arith.constant 0 : i32
      %dma_wait3A_421 = tpu.memref_slice %arg2[%dma_wait3A_419, %dma_wait3A_420] : memref<10000x128xf32, #tpu.memory_space<hbm>> -> memref<10000x128xf32, #tpu.memory_space<hbm>>
      tpu.wait_indirect_dma semaphore(%arg26 : memref<!tpu.dma_semaphore, #tpu.memory_space<semaphore_mem>>) src(%dma_wait3A_421 : memref<10000x128xf32, #tpu.memory_space<hbm>>) dst(%arg17 : memref<80x128xf32, #tpu.memory_space<vmem>>)
      %add3A_422 = arith.constant 4 : i32
      %add3A_423 = arith.addi %add3A_399, %add3A_422 : i32
      %dma_start3A_424 = arith.constant 0 : i32
      %dma_start3A_425 = tpu.memref_slice %arg3[%add3A, %add3A_423, %dma_start3A_424] : memref<32x125x80xi32, #tpu.memory_space<hbm>> -> memref<1x1x80xi32, #tpu.memory_space<hbm>>
      %dma_start3A_426 = tpu.memref_squeeze %dma_start3A_425 : memref<1x1x80xi32, #tpu.memory_space<hbm>> -> memref<1x80xi32, #tpu.memory_space<hbm>>
      %dma_start3A_427 = arith.constant 0 : i32
      %dma_start3A_428 = tpu.memref_slice %arg3[%add3A, %add3A_423, %dma_start3A_427] : memref<32x125x80xi32, #tpu.memory_space<hbm>> -> memref<1x1x80xi32, #tpu.memory_space<hbm>>
      %dma_start3A_429 = tpu.memref_squeeze %dma_start3A_428 : memref<1x1x80xi32, #tpu.memory_space<hbm>> -> memref<1x80xi32, #tpu.memory_space<hbm>>
      tpu.enqueue_dma source(%dma_start3A_429 : memref<1x80xi32, #tpu.memory_space<hbm>>) target(%arg9 : memref<1x80xi32, #tpu.memory_space<vmem>>) target_semaphore(%arg22 : memref<!tpu.dma_semaphore, #tpu.memory_space<semaphore_mem>>)
      %dma_wait3A_430 = arith.constant 0 : i32
      %dma_wait3A_431 = tpu.memref_slice %arg4[%add3A, %add3A_399, %dma_wait3A_430] : memref<32x125x80xi32, #tpu.memory_space<hbm>> -> memref<1x1x80xi32, #tpu.memory_space<hbm>>
      %dma_wait3A_432 = tpu.memref_squeeze %dma_wait3A_431 : memref<1x1x80xi32, #tpu.memory_space<hbm>> -> memref<1x80xi32, #tpu.memory_space<hbm>>
      %dma_wait3A_433 = arith.constant 0 : i32
      %dma_wait3A_434 = tpu.memref_slice %arg4[%add3A, %add3A_399, %dma_wait3A_433] : memref<32x125x80xi32, #tpu.memory_space<hbm>> -> memref<1x1x80xi32, #tpu.memory_space<hbm>>
      %dma_wait3A_435 = tpu.memref_squeeze %dma_wait3A_434 : memref<1x1x80xi32, #tpu.memory_space<hbm>> -> memref<1x80xi32, #tpu.memory_space<hbm>>
      tpu.wait_dma2 semaphore(%arg30 : memref<!tpu.dma_semaphore, #tpu.memory_space<semaphore_mem>>) src(%dma_wait3A_435 : memref<1x80xi32, #tpu.memory_space<hbm>>) dst(%arg13 : memref<1x80xi32, #tpu.memory_space<vmem>>)
      %run_scoped3A_436 = arith.constant 0 : i32
      "tpu.region"() ({
        %run_scoped3A_445 = tpu.sem_alloc : memref<!tpu.dma_semaphore, #tpu.memory_space<semaphore_mem>>
        %dma_start3A_446 = arith.constant 0 : i32
        %dma_start3A_447 = tpu.memref_slice %arg13[%run_scoped3A_436, %dma_start3A_446] : memref<1x80xi32, #tpu.memory_space<vmem>> -> memref<1x80xi32, #tpu.memory_space<vmem>>
        %dma_start3A_448 = tpu.memref_squeeze %dma_start3A_447 : memref<1x80xi32, #tpu.memory_space<vmem>> -> memref<80xi32, #tpu.memory_space<vmem>>
        %dma_start3A_449 = arith.constant 0 : i32
        %dma_start3A_450 = arith.constant 0 : i32
        %dma_start3A_451 = tpu.memref_slice %arg31[%dma_start3A_449, %dma_start3A_450] : memref<10240x128xf32, #tpu.memory_space<vmem_shared>> -> memref<10240x128xf32, #tpu.memory_space<vmem_shared>>
        tpu.enqueue_indirect_dma source(%arg17 : memref<80x128xf32, #tpu.memory_space<vmem>>) target(%dma_start3A_451 : memref<10240x128xf32, #tpu.memory_space<vmem_shared>>) offsets(%dma_start3A_448 : memref<80xi32, #tpu.memory_space<vmem>>) semaphore(%run_scoped3A_445 : memref<!tpu.dma_semaphore, #tpu.memory_space<semaphore_mem>>) {add = true}
        %dma_wait3A_452 = arith.constant 0 : i32
        %dma_wait3A_453 = tpu.memref_slice %arg13[%run_scoped3A_436, %dma_wait3A_452] : memref<1x80xi32, #tpu.memory_space<vmem>> -> memref<1x80xi32, #tpu.memory_space<vmem>>
        %dma_wait3A_454 = tpu.memref_squeeze %dma_wait3A_453 : memref<1x80xi32, #tpu.memory_space<vmem>> -> memref<80xi32, #tpu.memory_space<vmem>>
        %dma_wait3A_455 = arith.constant 0 : i32
        %dma_wait3A_456 = arith.constant 0 : i32
        %dma_wait3A_457 = tpu.memref_slice %arg31[%dma_wait3A_455, %dma_wait3A_456] : memref<10240x128xf32, #tpu.memory_space<vmem_shared>> -> memref<10240x128xf32, #tpu.memory_space<vmem_shared>>
        tpu.wait_indirect_dma semaphore(%run_scoped3A_445 : memref<!tpu.dma_semaphore, #tpu.memory_space<semaphore_mem>>) src(%arg17 : memref<80x128xf32, #tpu.memory_space<vmem>>) dst(%dma_wait3A_457 : memref<10240x128xf32, #tpu.memory_space<vmem_shared>>)
        tpu.yield
      }) : () -> ()
      %add3A_437 = arith.constant 4 : i32
      %add3A_438 = arith.addi %add3A_399, %add3A_437 : i32
      %dma_start3A_439 = arith.constant 0 : i32
      %dma_start3A_440 = tpu.memref_slice %arg4[%add3A, %add3A_438, %dma_start3A_439] : memref<32x125x80xi32, #tpu.memory_space<hbm>> -> memref<1x1x80xi32, #tpu.memory_space<hbm>>
      %dma_start3A_441 = tpu.memref_squeeze %dma_start3A_440 : memref<1x1x80xi32, #tpu.memory_space<hbm>> -> memref<1x80xi32, #tpu.memory_space<hbm>>
      %dma_start3A_442 = arith.constant 0 : i32
      %dma_start3A_443 = tpu.memref_slice %arg4[%add3A, %add3A_438, %dma_start3A_442] : memref<32x125x80xi32, #tpu.memory_space<hbm>> -> memref<1x1x80xi32, #tpu.memory_space<hbm>>
      %dma_start3A_444 = tpu.memref_squeeze %dma_start3A_443 : memref<1x1x80xi32, #tpu.memory_space<hbm>> -> memref<1x80xi32, #tpu.memory_space<hbm>>
      tpu.enqueue_dma source(%dma_start3A_444 : memref<1x80xi32, #tpu.memory_space<hbm>>) target(%arg13 : memref<1x80xi32, #tpu.memory_space<vmem>>) target_semaphore(%arg30 : memref<!tpu.dma_semaphore, #tpu.memory_space<semaphore_mem>>)
    }
    %scan3A_121 = arith.constant 30 : i32
    %dma_wait3A_122 = arith.constant 123 : i32
    %dma_wait3A_123 = arith.constant 0 : i32
    %dma_wait3A_124 = tpu.memref_slice %arg3[%add3A, %dma_wait3A_122, %dma_wait3A_123] : memref<32x125x80xi32, #tpu.memory_space<hbm>> -> memref<1x1x80xi32, #tpu.memory_space<hbm>>
    %dma_wait3A_125 = tpu.memref_squeeze %dma_wait3A_124 : memref<1x1x80xi32, #tpu.memory_space<hbm>> -> memref<1x80xi32, #tpu.memory_space<hbm>>
    %dma_wait3A_126 = arith.constant 123 : i32
    %dma_wait3A_127 = arith.constant 0 : i32
    %dma_wait3A_128 = tpu.memref_slice %arg3[%add3A, %dma_wait3A_126, %dma_wait3A_127] : memref<32x125x80xi32, #tpu.memory_space<hbm>> -> memref<1x1x80xi32, #tpu.memory_space<hbm>>
    %dma_wait3A_129 = tpu.memref_squeeze %dma_wait3A_128 : memref<1x1x80xi32, #tpu.memory_space<hbm>> -> memref<1x80xi32, #tpu.memory_space<hbm>>
    tpu.wait_dma2 semaphore(%arg22 : memref<!tpu.dma_semaphore, #tpu.memory_space<semaphore_mem>>) src(%dma_wait3A_129 : memref<1x80xi32, #tpu.memory_space<hbm>>) dst(%arg9 : memref<1x80xi32, #tpu.memory_space<vmem>>)
    %dma_start3A_130 = arith.constant 0 : i32
    %dma_start3A_131 = arith.constant 0 : i32
    %dma_start3A_132 = tpu.memref_slice %arg9[%dma_start3A_130, %dma_start3A_131] : memref<1x80xi32, #tpu.memory_space<vmem>> -> memref<1x80xi32, #tpu.memory_space<vmem>>
    %dma_start3A_133 = tpu.memref_squeeze %dma_start3A_132 : memref<1x80xi32, #tpu.memory_space<vmem>> -> memref<80xi32, #tpu.memory_space<vmem>>
    %dma_start3A_134 = arith.constant 0 : i32
    %dma_start3A_135 = arith.constant 0 : i32
    %dma_start3A_136 = tpu.memref_slice %arg2[%dma_start3A_134, %dma_start3A_135] : memref<10000x128xf32, #tpu.memory_space<hbm>> -> memref<10000x128xf32, #tpu.memory_space<hbm>>
    tpu.enqueue_indirect_dma source(%dma_start3A_136 : memref<10000x128xf32, #tpu.memory_space<hbm>>) target(%arg17 : memref<80x128xf32, #tpu.memory_space<vmem>>) offsets(%dma_start3A_133 : memref<80xi32, #tpu.memory_space<vmem>>) semaphore(%arg26 : memref<!tpu.dma_semaphore, #tpu.memory_space<semaphore_mem>>)
    %dma_wait3A_137 = arith.constant 0 : i32
    %dma_wait3A_138 = arith.constant 0 : i32
    %dma_wait3A_139 = tpu.memref_slice %arg6[%dma_wait3A_137, %dma_wait3A_138] : memref<1x80xi32, #tpu.memory_space<vmem>> -> memref<1x80xi32, #tpu.memory_space<vmem>>
    %dma_wait3A_140 = tpu.memref_squeeze %dma_wait3A_139 : memref<1x80xi32, #tpu.memory_space<vmem>> -> memref<80xi32, #tpu.memory_space<vmem>>
    %dma_wait3A_141 = arith.constant 0 : i32
    %dma_wait3A_142 = arith.constant 0 : i32
    %dma_wait3A_143 = tpu.memref_slice %arg2[%dma_wait3A_141, %dma_wait3A_142] : memref<10000x128xf32, #tpu.memory_space<hbm>> -> memref<10000x128xf32, #tpu.memory_space<hbm>>
    tpu.wait_indirect_dma semaphore(%arg23 : memref<!tpu.dma_semaphore, #tpu.memory_space<semaphore_mem>>) src(%dma_wait3A_143 : memref<10000x128xf32, #tpu.memory_space<hbm>>) dst(%arg14 : memref<80x128xf32, #tpu.memory_space<vmem>>)
    %dma_start3A_144 = arith.constant 124 : i32
    %dma_start3A_145 = arith.constant 0 : i32
    %dma_start3A_146 = tpu.memref_slice %arg3[%add3A, %dma_start3A_144, %dma_start3A_145] : memref<32x125x80xi32, #tpu.memory_space<hbm>> -> memref<1x1x80xi32, #tpu.memory_space<hbm>>
    %dma_start3A_147 = tpu.memref_squeeze %dma_start3A_146 : memref<1x1x80xi32, #tpu.memory_space<hbm>> -> memref<1x80xi32, #tpu.memory_space<hbm>>
    %dma_start3A_148 = arith.constant 124 : i32
    %dma_start3A_149 = arith.constant 0 : i32
    %dma_start3A_150 = tpu.memref_slice %arg3[%add3A, %dma_start3A_148, %dma_start3A_149] : memref<32x125x80xi32, #tpu.memory_space<hbm>> -> memref<1x1x80xi32, #tpu.memory_space<hbm>>
    %dma_start3A_151 = tpu.memref_squeeze %dma_start3A_150 : memref<1x1x80xi32, #tpu.memory_space<hbm>> -> memref<1x80xi32, #tpu.memory_space<hbm>>
    tpu.enqueue_dma source(%dma_start3A_151 : memref<1x80xi32, #tpu.memory_space<hbm>>) target(%arg6 : memref<1x80xi32, #tpu.memory_space<vmem>>) target_semaphore(%arg19 : memref<!tpu.dma_semaphore, #tpu.memory_space<semaphore_mem>>)
    %dma_wait3A_152 = arith.constant 120 : i32
    %dma_wait3A_153 = arith.constant 0 : i32
    %dma_wait3A_154 = tpu.memref_slice %arg4[%add3A, %dma_wait3A_152, %dma_wait3A_153] : memref<32x125x80xi32, #tpu.memory_space<hbm>> -> memref<1x1x80xi32, #tpu.memory_space<hbm>>
    %dma_wait3A_155 = tpu.memref_squeeze %dma_wait3A_154 : memref<1x1x80xi32, #tpu.memory_space<hbm>> -> memref<1x80xi32, #tpu.memory_space<hbm>>
    %dma_wait3A_156 = arith.constant 120 : i32
    %dma_wait3A_157 = arith.constant 0 : i32
    %dma_wait3A_158 = tpu.memref_slice %arg4[%add3A, %dma_wait3A_156, %dma_wait3A_157] : memref<32x125x80xi32, #tpu.memory_space<hbm>> -> memref<1x1x80xi32, #tpu.memory_space<hbm>>
    %dma_wait3A_159 = tpu.memref_squeeze %dma_wait3A_158 : memref<1x1x80xi32, #tpu.memory_space<hbm>> -> memref<1x80xi32, #tpu.memory_space<hbm>>
    tpu.wait_dma2 semaphore(%arg27 : memref<!tpu.dma_semaphore, #tpu.memory_space<semaphore_mem>>) src(%dma_wait3A_159 : memref<1x80xi32, #tpu.memory_space<hbm>>) dst(%arg10 : memref<1x80xi32, #tpu.memory_space<vmem>>)
    %run_scoped3A = arith.constant 0 : i32
    "tpu.region"() ({
      %run_scoped3A_252 = tpu.sem_alloc : memref<!tpu.dma_semaphore, #tpu.memory_space<semaphore_mem>>
      %dma_start3A_253 = arith.constant 0 : i32
      %dma_start3A_254 = tpu.memref_slice %arg10[%run_scoped3A, %dma_start3A_253] : memref<1x80xi32, #tpu.memory_space<vmem>> -> memref<1x80xi32, #tpu.memory_space<vmem>>
      %dma_start3A_255 = tpu.memref_squeeze %dma_start3A_254 : memref<1x80xi32, #tpu.memory_space<vmem>> -> memref<80xi32, #tpu.memory_space<vmem>>
      %dma_start3A_256 = arith.constant 0 : i32
      %dma_start3A_257 = arith.constant 0 : i32
      %dma_start3A_258 = tpu.memref_slice %arg31[%dma_start3A_256, %dma_start3A_257] : memref<10240x128xf32, #tpu.memory_space<vmem_shared>> -> memref<10240x128xf32, #tpu.memory_space<vmem_shared>>
      tpu.enqueue_indirect_dma source(%arg14 : memref<80x128xf32, #tpu.memory_space<vmem>>) target(%dma_start3A_258 : memref<10240x128xf32, #tpu.memory_space<vmem_shared>>) offsets(%dma_start3A_255 : memref<80xi32, #tpu.memory_space<vmem>>) semaphore(%run_scoped3A_252 : memref<!tpu.dma_semaphore, #tpu.memory_space<semaphore_mem>>) {add = true}
      %dma_wait3A_259 = arith.constant 0 : i32
      %dma_wait3A_260 = tpu.memref_slice %arg10[%run_scoped3A, %dma_wait3A_259] : memref<1x80xi32, #tpu.memory_space<vmem>> -> memref<1x80xi32, #tpu.memory_space<vmem>>
      %dma_wait3A_261 = tpu.memref_squeeze %dma_wait3A_260 : memref<1x80xi32, #tpu.memory_space<vmem>> -> memref<80xi32, #tpu.memory_space<vmem>>
      %dma_wait3A_262 = arith.constant 0 : i32
      %dma_wait3A_263 = arith.constant 0 : i32
      %dma_wait3A_264 = tpu.memref_slice %arg31[%dma_wait3A_262, %dma_wait3A_263] : memref<10240x128xf32, #tpu.memory_space<vmem_shared>> -> memref<10240x128xf32, #tpu.memory_space<vmem_shared>>
      tpu.wait_indirect_dma semaphore(%run_scoped3A_252 : memref<!tpu.dma_semaphore, #tpu.memory_space<semaphore_mem>>) src(%arg14 : memref<80x128xf32, #tpu.memory_space<vmem>>) dst(%dma_wait3A_264 : memref<10240x128xf32, #tpu.memory_space<vmem_shared>>)
      tpu.yield
    }) : () -> ()
    %dma_start3A_160 = arith.constant 124 : i32
    %dma_start3A_161 = arith.constant 0 : i32
    %dma_start3A_162 = tpu.memref_slice %arg4[%add3A, %dma_start3A_160, %dma_start3A_161] : memref<32x125x80xi32, #tpu.memory_space<hbm>> -> memref<1x1x80xi32, #tpu.memory_space<hbm>>
    %dma_start3A_163 = tpu.memref_squeeze %dma_start3A_162 : memref<1x1x80xi32, #tpu.memory_space<hbm>> -> memref<1x80xi32, #tpu.memory_space<hbm>>
    %dma_start3A_164 = arith.constant 124 : i32
    %dma_start3A_165 = arith.constant 0 : i32
    %dma_start3A_166 = tpu.memref_slice %arg4[%add3A, %dma_start3A_164, %dma_start3A_165] : memref<32x125x80xi32, #tpu.memory_space<hbm>> -> memref<1x1x80xi32, #tpu.memory_space<hbm>>
    %dma_start3A_167 = tpu.memref_squeeze %dma_start3A_166 : memref<1x1x80xi32, #tpu.memory_space<hbm>> -> memref<1x80xi32, #tpu.memory_space<hbm>>
    tpu.enqueue_dma source(%dma_start3A_167 : memref<1x80xi32, #tpu.memory_space<hbm>>) target(%arg10 : memref<1x80xi32, #tpu.memory_space<vmem>>) target_semaphore(%arg27 : memref<!tpu.dma_semaphore, #tpu.memory_space<semaphore_mem>>)
    %dma_wait3A_168 = arith.constant 124 : i32
    %dma_wait3A_169 = arith.constant 0 : i32
    %dma_wait3A_170 = tpu.memref_slice %arg3[%add3A, %dma_wait3A_168, %dma_wait3A_169] : memref<32x125x80xi32, #tpu.memory_space<hbm>> -> memref<1x1x80xi32, #tpu.memory_space<hbm>>
    %dma_wait3A_171 = tpu.memref_squeeze %dma_wait3A_170 : memref<1x1x80xi32, #tpu.memory_space<hbm>> -> memref<1x80xi32, #tpu.memory_space<hbm>>
    %dma_wait3A_172 = arith.constant 124 : i32
    %dma_wait3A_173 = arith.constant 0 : i32
    %dma_wait3A_174 = tpu.memref_slice %arg3[%add3A, %dma_wait3A_172, %dma_wait3A_173] : memref<32x125x80xi32, #tpu.memory_space<hbm>> -> memref<1x1x80xi32, #tpu.memory_space<hbm>>
    %dma_wait3A_175 = tpu.memref_squeeze %dma_wait3A_174 : memref<1x1x80xi32, #tpu.memory_space<hbm>> -> memref<1x80xi32, #tpu.memory_space<hbm>>
    tpu.wait_dma2 semaphore(%arg19 : memref<!tpu.dma_semaphore, #tpu.memory_space<semaphore_mem>>) src(%dma_wait3A_175 : memref<1x80xi32, #tpu.memory_space<hbm>>) dst(%arg6 : memref<1x80xi32, #tpu.memory_space<vmem>>)
    %dma_start3A_176 = arith.constant 0 : i32
    %dma_start3A_177 = arith.constant 0 : i32
    %dma_start3A_178 = tpu.memref_slice %arg6[%dma_start3A_176, %dma_start3A_177] : memref<1x80xi32, #tpu.memory_space<vmem>> -> memref<1x80xi32, #tpu.memory_space<vmem>>
    %dma_start3A_179 = tpu.memref_squeeze %dma_start3A_178 : memref<1x80xi32, #tpu.memory_space<vmem>> -> memref<80xi32, #tpu.memory_space<vmem>>
    %dma_start3A_180 = arith.constant 0 : i32
    %dma_start3A_181 = arith.constant 0 : i32
    %dma_start3A_182 = tpu.memref_slice %arg2[%dma_start3A_180, %dma_start3A_181] : memref<10000x128xf32, #tpu.memory_space<hbm>> -> memref<10000x128xf32, #tpu.memory_space<hbm>>
    tpu.enqueue_indirect_dma source(%dma_start3A_182 : memref<10000x128xf32, #tpu.memory_space<hbm>>) target(%arg14 : memref<80x128xf32, #tpu.memory_space<vmem>>) offsets(%dma_start3A_179 : memref<80xi32, #tpu.memory_space<vmem>>) semaphore(%arg23 : memref<!tpu.dma_semaphore, #tpu.memory_space<semaphore_mem>>)
    %dma_wait3A_183 = arith.constant 0 : i32
    %dma_wait3A_184 = arith.constant 0 : i32
    %dma_wait3A_185 = tpu.memref_slice %arg7[%dma_wait3A_183, %dma_wait3A_184] : memref<1x80xi32, #tpu.memory_space<vmem>> -> memref<1x80xi32, #tpu.memory_space<vmem>>
    %dma_wait3A_186 = tpu.memref_squeeze %dma_wait3A_185 : memref<1x80xi32, #tpu.memory_space<vmem>> -> memref<80xi32, #tpu.memory_space<vmem>>
    %dma_wait3A_187 = arith.constant 0 : i32
    %dma_wait3A_188 = arith.constant 0 : i32
    %dma_wait3A_189 = tpu.memref_slice %arg2[%dma_wait3A_187, %dma_wait3A_188] : memref<10000x128xf32, #tpu.memory_space<hbm>> -> memref<10000x128xf32, #tpu.memory_space<hbm>>
    tpu.wait_indirect_dma semaphore(%arg24 : memref<!tpu.dma_semaphore, #tpu.memory_space<semaphore_mem>>) src(%dma_wait3A_189 : memref<10000x128xf32, #tpu.memory_space<hbm>>) dst(%arg15 : memref<80x128xf32, #tpu.memory_space<vmem>>)
    %dma_wait3A_190 = arith.constant 121 : i32
    %dma_wait3A_191 = arith.constant 0 : i32
    %dma_wait3A_192 = tpu.memref_slice %arg4[%add3A, %dma_wait3A_190, %dma_wait3A_191] : memref<32x125x80xi32, #tpu.memory_space<hbm>> -> memref<1x1x80xi32, #tpu.memory_space<hbm>>
    %dma_wait3A_193 = tpu.memref_squeeze %dma_wait3A_192 : memref<1x1x80xi32, #tpu.memory_space<hbm>> -> memref<1x80xi32, #tpu.memory_space<hbm>>
    %dma_wait3A_194 = arith.constant 121 : i32
    %dma_wait3A_195 = arith.constant 0 : i32
    %dma_wait3A_196 = tpu.memref_slice %arg4[%add3A, %dma_wait3A_194, %dma_wait3A_195] : memref<32x125x80xi32, #tpu.memory_space<hbm>> -> memref<1x1x80xi32, #tpu.memory_space<hbm>>
    %dma_wait3A_197 = tpu.memref_squeeze %dma_wait3A_196 : memref<1x1x80xi32, #tpu.memory_space<hbm>> -> memref<1x80xi32, #tpu.memory_space<hbm>>
    tpu.wait_dma2 semaphore(%arg28 : memref<!tpu.dma_semaphore, #tpu.memory_space<semaphore_mem>>) src(%dma_wait3A_197 : memref<1x80xi32, #tpu.memory_space<hbm>>) dst(%arg11 : memref<1x80xi32, #tpu.memory_space<vmem>>)
    %run_scoped3A_198 = arith.constant 0 : i32
    "tpu.region"() ({
      %run_scoped3A_252 = tpu.sem_alloc : memref<!tpu.dma_semaphore, #tpu.memory_space<semaphore_mem>>
      %dma_start3A_253 = arith.constant 0 : i32
      %dma_start3A_254 = tpu.memref_slice %arg11[%run_scoped3A_198, %dma_start3A_253] : memref<1x80xi32, #tpu.memory_space<vmem>> -> memref<1x80xi32, #tpu.memory_space<vmem>>
      %dma_start3A_255 = tpu.memref_squeeze %dma_start3A_254 : memref<1x80xi32, #tpu.memory_space<vmem>> -> memref<80xi32, #tpu.memory_space<vmem>>
      %dma_start3A_256 = arith.constant 0 : i32
      %dma_start3A_257 = arith.constant 0 : i32
      %dma_start3A_258 = tpu.memref_slice %arg31[%dma_start3A_256, %dma_start3A_257] : memref<10240x128xf32, #tpu.memory_space<vmem_shared>> -> memref<10240x128xf32, #tpu.memory_space<vmem_shared>>
      tpu.enqueue_indirect_dma source(%arg15 : memref<80x128xf32, #tpu.memory_space<vmem>>) target(%dma_start3A_258 : memref<10240x128xf32, #tpu.memory_space<vmem_shared>>) offsets(%dma_start3A_255 : memref<80xi32, #tpu.memory_space<vmem>>) semaphore(%run_scoped3A_252 : memref<!tpu.dma_semaphore, #tpu.memory_space<semaphore_mem>>) {add = true}
      %dma_wait3A_259 = arith.constant 0 : i32
      %dma_wait3A_260 = tpu.memref_slice %arg11[%run_scoped3A_198, %dma_wait3A_259] : memref<1x80xi32, #tpu.memory_space<vmem>> -> memref<1x80xi32, #tpu.memory_space<vmem>>
      %dma_wait3A_261 = tpu.memref_squeeze %dma_wait3A_260 : memref<1x80xi32, #tpu.memory_space<vmem>> -> memref<80xi32, #tpu.memory_space<vmem>>
      %dma_wait3A_262 = arith.constant 0 : i32
      %dma_wait3A_263 = arith.constant 0 : i32
      %dma_wait3A_264 = tpu.memref_slice %arg31[%dma_wait3A_262, %dma_wait3A_263] : memref<10240x128xf32, #tpu.memory_space<vmem_shared>> -> memref<10240x128xf32, #tpu.memory_space<vmem_shared>>
      tpu.wait_indirect_dma semaphore(%run_scoped3A_252 : memref<!tpu.dma_semaphore, #tpu.memory_space<semaphore_mem>>) src(%arg15 : memref<80x128xf32, #tpu.memory_space<vmem>>) dst(%dma_wait3A_264 : memref<10240x128xf32, #tpu.memory_space<vmem_shared>>)
      tpu.yield
    }) : () -> ()
    %dma_wait3A_199 = arith.constant 0 : i32
    %dma_wait3A_200 = arith.constant 0 : i32
    %dma_wait3A_201 = tpu.memref_slice %arg8[%dma_wait3A_199, %dma_wait3A_200] : memref<1x80xi32, #tpu.memory_space<vmem>> -> memref<1x80xi32, #tpu.memory_space<vmem>>
    %dma_wait3A_202 = tpu.memref_squeeze %dma_wait3A_201 : memref<1x80xi32, #tpu.memory_space<vmem>> -> memref<80xi32, #tpu.memory_space<vmem>>
    %dma_wait3A_203 = arith.constant 0 : i32
    %dma_wait3A_204 = arith.constant 0 : i32
    %dma_wait3A_205 = tpu.memref_slice %arg2[%dma_wait3A_203, %dma_wait3A_204] : memref<10000x128xf32, #tpu.memory_space<hbm>> -> memref<10000x128xf32, #tpu.memory_space<hbm>>
    tpu.wait_indirect_dma semaphore(%arg25 : memref<!tpu.dma_semaphore, #tpu.memory_space<semaphore_mem>>) src(%dma_wait3A_205 : memref<10000x128xf32, #tpu.memory_space<hbm>>) dst(%arg16 : memref<80x128xf32, #tpu.memory_space<vmem>>)
    %dma_wait3A_206 = arith.constant 122 : i32
    %dma_wait3A_207 = arith.constant 0 : i32
    %dma_wait3A_208 = tpu.memref_slice %arg4[%add3A, %dma_wait3A_206, %dma_wait3A_207] : memref<32x125x80xi32, #tpu.memory_space<hbm>> -> memref<1x1x80xi32, #tpu.memory_space<hbm>>
    %dma_wait3A_209 = tpu.memref_squeeze %dma_wait3A_208 : memref<1x1x80xi32, #tpu.memory_space<hbm>> -> memref<1x80xi32, #tpu.memory_space<hbm>>
    %dma_wait3A_210 = arith.constant 122 : i32
    %dma_wait3A_211 = arith.constant 0 : i32
    %dma_wait3A_212 = tpu.memref_slice %arg4[%add3A, %dma_wait3A_210, %dma_wait3A_211] : memref<32x125x80xi32, #tpu.memory_space<hbm>> -> memref<1x1x80xi32, #tpu.memory_space<hbm>>
    %dma_wait3A_213 = tpu.memref_squeeze %dma_wait3A_212 : memref<1x1x80xi32, #tpu.memory_space<hbm>> -> memref<1x80xi32, #tpu.memory_space<hbm>>
    tpu.wait_dma2 semaphore(%arg29 : memref<!tpu.dma_semaphore, #tpu.memory_space<semaphore_mem>>) src(%dma_wait3A_213 : memref<1x80xi32, #tpu.memory_space<hbm>>) dst(%arg12 : memref<1x80xi32, #tpu.memory_space<vmem>>)
    %run_scoped3A_214 = arith.constant 0 : i32
    "tpu.region"() ({
      %run_scoped3A_252 = tpu.sem_alloc : memref<!tpu.dma_semaphore, #tpu.memory_space<semaphore_mem>>
      %dma_start3A_253 = arith.constant 0 : i32
      %dma_start3A_254 = tpu.memref_slice %arg12[%run_scoped3A_214, %dma_start3A_253] : memref<1x80xi32, #tpu.memory_space<vmem>> -> memref<1x80xi32, #tpu.memory_space<vmem>>
      %dma_start3A_255 = tpu.memref_squeeze %dma_start3A_254 : memref<1x80xi32, #tpu.memory_space<vmem>> -> memref<80xi32, #tpu.memory_space<vmem>>
      %dma_start3A_256 = arith.constant 0 : i32
      %dma_start3A_257 = arith.constant 0 : i32
      %dma_start3A_258 = tpu.memref_slice %arg31[%dma_start3A_256, %dma_start3A_257] : memref<10240x128xf32, #tpu.memory_space<vmem_shared>> -> memref<10240x128xf32, #tpu.memory_space<vmem_shared>>
      tpu.enqueue_indirect_dma source(%arg16 : memref<80x128xf32, #tpu.memory_space<vmem>>) target(%dma_start3A_258 : memref<10240x128xf32, #tpu.memory_space<vmem_shared>>) offsets(%dma_start3A_255 : memref<80xi32, #tpu.memory_space<vmem>>) semaphore(%run_scoped3A_252 : memref<!tpu.dma_semaphore, #tpu.memory_space<semaphore_mem>>) {add = true}
      %dma_wait3A_259 = arith.constant 0 : i32
      %dma_wait3A_260 = tpu.memref_slice %arg12[%run_scoped3A_214, %dma_wait3A_259] : memref<1x80xi32, #tpu.memory_space<vmem>> -> memref<1x80xi32, #tpu.memory_space<vmem>>
      %dma_wait3A_261 = tpu.memref_squeeze %dma_wait3A_260 : memref<1x80xi32, #tpu.memory_space<vmem>> -> memref<80xi32, #tpu.memory_space<vmem>>
      %dma_wait3A_262 = arith.constant 0 : i32
      %dma_wait3A_263 = arith.constant 0 : i32
      %dma_wait3A_264 = tpu.memref_slice %arg31[%dma_wait3A_262, %dma_wait3A_263] : memref<10240x128xf32, #tpu.memory_space<vmem_shared>> -> memref<10240x128xf32, #tpu.memory_space<vmem_shared>>
      tpu.wait_indirect_dma semaphore(%run_scoped3A_252 : memref<!tpu.dma_semaphore, #tpu.memory_space<semaphore_mem>>) src(%arg16 : memref<80x128xf32, #tpu.memory_space<vmem>>) dst(%dma_wait3A_264 : memref<10240x128xf32, #tpu.memory_space<vmem_shared>>)
      tpu.yield
    }) : () -> ()
    %dma_wait3A_215 = arith.constant 0 : i32
    %dma_wait3A_216 = arith.constant 0 : i32
    %dma_wait3A_217 = tpu.memref_slice %arg9[%dma_wait3A_215, %dma_wait3A_216] : memref<1x80xi32, #tpu.memory_space<vmem>> -> memref<1x80xi32, #tpu.memory_space<vmem>>
    %dma_wait3A_218 = tpu.memref_squeeze %dma_wait3A_217 : memref<1x80xi32, #tpu.memory_space<vmem>> -> memref<80xi32, #tpu.memory_space<vmem>>
    %dma_wait3A_219 = arith.constant 0 : i32
    %dma_wait3A_220 = arith.constant 0 : i32
    %dma_wait3A_221 = tpu.memref_slice %arg2[%dma_wait3A_219, %dma_wait3A_220] : memref<10000x128xf32, #tpu.memory_space<hbm>> -> memref<10000x128xf32, #tpu.memory_space<hbm>>
    tpu.wait_indirect_dma semaphore(%arg26 : memref<!tpu.dma_semaphore, #tpu.memory_space<semaphore_mem>>) src(%dma_wait3A_221 : memref<10000x128xf32, #tpu.memory_space<hbm>>) dst(%arg17 : memref<80x128xf32, #tpu.memory_space<vmem>>)
    %dma_wait3A_222 = arith.constant 123 : i32
    %dma_wait3A_223 = arith.constant 0 : i32
    %dma_wait3A_224 = tpu.memref_slice %arg4[%add3A, %dma_wait3A_222, %dma_wait3A_223] : memref<32x125x80xi32, #tpu.memory_space<hbm>> -> memref<1x1x80xi32, #tpu.memory_space<hbm>>
    %dma_wait3A_225 = tpu.memref_squeeze %dma_wait3A_224 : memref<1x1x80xi32, #tpu.memory_space<hbm>> -> memref<1x80xi32, #tpu.memory_space<hbm>>
    %dma_wait3A_226 = arith.constant 123 : i32
    %dma_wait3A_227 = arith.constant 0 : i32
    %dma_wait3A_228 = tpu.memref_slice %arg4[%add3A, %dma_wait3A_226, %dma_wait3A_227] : memref<32x125x80xi32, #tpu.memory_space<hbm>> -> memref<1x1x80xi32, #tpu.memory_space<hbm>>
    %dma_wait3A_229 = tpu.memref_squeeze %dma_wait3A_228 : memref<1x1x80xi32, #tpu.memory_space<hbm>> -> memref<1x80xi32, #tpu.memory_space<hbm>>
    tpu.wait_dma2 semaphore(%arg30 : memref<!tpu.dma_semaphore, #tpu.memory_space<semaphore_mem>>) src(%dma_wait3A_229 : memref<1x80xi32, #tpu.memory_space<hbm>>) dst(%arg13 : memref<1x80xi32, #tpu.memory_space<vmem>>)
    %run_scoped3A_230 = arith.constant 0 : i32
    "tpu.region"() ({
      %run_scoped3A_252 = tpu.sem_alloc : memref<!tpu.dma_semaphore, #tpu.memory_space<semaphore_mem>>
      %dma_start3A_253 = arith.constant 0 : i32
      %dma_start3A_254 = tpu.memref_slice %arg13[%run_scoped3A_230, %dma_start3A_253] : memref<1x80xi32, #tpu.memory_space<vmem>> -> memref<1x80xi32, #tpu.memory_space<vmem>>
      %dma_start3A_255 = tpu.memref_squeeze %dma_start3A_254 : memref<1x80xi32, #tpu.memory_space<vmem>> -> memref<80xi32, #tpu.memory_space<vmem>>
      %dma_start3A_256 = arith.constant 0 : i32
      %dma_start3A_257 = arith.constant 0 : i32
      %dma_start3A_258 = tpu.memref_slice %arg31[%dma_start3A_256, %dma_start3A_257] : memref<10240x128xf32, #tpu.memory_space<vmem_shared>> -> memref<10240x128xf32, #tpu.memory_space<vmem_shared>>
      tpu.enqueue_indirect_dma source(%arg17 : memref<80x128xf32, #tpu.memory_space<vmem>>) target(%dma_start3A_258 : memref<10240x128xf32, #tpu.memory_space<vmem_shared>>) offsets(%dma_start3A_255 : memref<80xi32, #tpu.memory_space<vmem>>) semaphore(%run_scoped3A_252 : memref<!tpu.dma_semaphore, #tpu.memory_space<semaphore_mem>>) {add = true}
      %dma_wait3A_259 = arith.constant 0 : i32
      %dma_wait3A_260 = tpu.memref_slice %arg13[%run_scoped3A_230, %dma_wait3A_259] : memref<1x80xi32, #tpu.memory_space<vmem>> -> memref<1x80xi32, #tpu.memory_space<vmem>>
      %dma_wait3A_261 = tpu.memref_squeeze %dma_wait3A_260 : memref<1x80xi32, #tpu.memory_space<vmem>> -> memref<80xi32, #tpu.memory_space<vmem>>
      %dma_wait3A_262 = arith.constant 0 : i32
      %dma_wait3A_263 = arith.constant 0 : i32
      %dma_wait3A_264 = tpu.memref_slice %arg31[%dma_wait3A_262, %dma_wait3A_263] : memref<10240x128xf32, #tpu.memory_space<vmem_shared>> -> memref<10240x128xf32, #tpu.memory_space<vmem_shared>>
      tpu.wait_indirect_dma semaphore(%run_scoped3A_252 : memref<!tpu.dma_semaphore, #tpu.memory_space<semaphore_mem>>) src(%arg17 : memref<80x128xf32, #tpu.memory_space<vmem>>) dst(%dma_wait3A_264 : memref<10240x128xf32, #tpu.memory_space<vmem_shared>>)
      tpu.yield
    }) : () -> ()
    %dma_wait3A_231 = arith.constant 0 : i32
    %dma_wait3A_232 = arith.constant 0 : i32
    %dma_wait3A_233 = tpu.memref_slice %arg6[%dma_wait3A_231, %dma_wait3A_232] : memref<1x80xi32, #tpu.memory_space<vmem>> -> memref<1x80xi32, #tpu.memory_space<vmem>>
    %dma_wait3A_234 = tpu.memref_squeeze %dma_wait3A_233 : memref<1x80xi32, #tpu.memory_space<vmem>> -> memref<80xi32, #tpu.memory_space<vmem>>
    %dma_wait3A_235 = arith.constant 0 : i32
    %dma_wait3A_236 = arith.constant 0 : i32
    %dma_wait3A_237 = tpu.memref_slice %arg2[%dma_wait3A_235, %dma_wait3A_236] : memref<10000x128xf32, #tpu.memory_space<hbm>> -> memref<10000x128xf32, #tpu.memory_space<hbm>>
    tpu.wait_indirect_dma semaphore(%arg23 : memref<!tpu.dma_semaphore, #tpu.memory_space<semaphore_mem>>) src(%dma_wait3A_237 : memref<10000x128xf32, #tpu.memory_space<hbm>>) dst(%arg14 : memref<80x128xf32, #tpu.memory_space<vmem>>)
    %dma_wait3A_238 = arith.constant 124 : i32
    %dma_wait3A_239 = arith.constant 0 : i32
    %dma_wait3A_240 = tpu.memref_slice %arg4[%add3A, %dma_wait3A_238, %dma_wait3A_239] : memref<32x125x80xi32, #tpu.memory_space<hbm>> -> memref<1x1x80xi32, #tpu.memory_space<hbm>>
    %dma_wait3A_241 = tpu.memref_squeeze %dma_wait3A_240 : memref<1x1x80xi32, #tpu.memory_space<hbm>> -> memref<1x80xi32, #tpu.memory_space<hbm>>
    %dma_wait3A_242 = arith.constant 124 : i32
    %dma_wait3A_243 = arith.constant 0 : i32
    %dma_wait3A_244 = tpu.memref_slice %arg4[%add3A, %dma_wait3A_242, %dma_wait3A_243] : memref<32x125x80xi32, #tpu.memory_space<hbm>> -> memref<1x1x80xi32, #tpu.memory_space<hbm>>
    %dma_wait3A_245 = tpu.memref_squeeze %dma_wait3A_244 : memref<1x1x80xi32, #tpu.memory_space<hbm>> -> memref<1x80xi32, #tpu.memory_space<hbm>>
    tpu.wait_dma2 semaphore(%arg27 : memref<!tpu.dma_semaphore, #tpu.memory_space<semaphore_mem>>) src(%dma_wait3A_245 : memref<1x80xi32, #tpu.memory_space<hbm>>) dst(%arg10 : memref<1x80xi32, #tpu.memory_space<vmem>>)
    %run_scoped3A_246 = arith.constant 0 : i32
    "tpu.region"() ({
      %run_scoped3A_252 = tpu.sem_alloc : memref<!tpu.dma_semaphore, #tpu.memory_space<semaphore_mem>>
      %dma_start3A_253 = arith.constant 0 : i32
      %dma_start3A_254 = tpu.memref_slice %arg10[%run_scoped3A_246, %dma_start3A_253] : memref<1x80xi32, #tpu.memory_space<vmem>> -> memref<1x80xi32, #tpu.memory_space<vmem>>
      %dma_start3A_255 = tpu.memref_squeeze %dma_start3A_254 : memref<1x80xi32, #tpu.memory_space<vmem>> -> memref<80xi32, #tpu.memory_space<vmem>>
      %dma_start3A_256 = arith.constant 0 : i32
      %dma_start3A_257 = arith.constant 0 : i32
      %dma_start3A_258 = tpu.memref_slice %arg31[%dma_start3A_256, %dma_start3A_257] : memref<10240x128xf32, #tpu.memory_space<vmem_shared>> -> memref<10240x128xf32, #tpu.memory_space<vmem_shared>>
      tpu.enqueue_indirect_dma source(%arg14 : memref<80x128xf32, #tpu.memory_space<vmem>>) target(%dma_start3A_258 : memref<10240x128xf32, #tpu.memory_space<vmem_shared>>) offsets(%dma_start3A_255 : memref<80xi32, #tpu.memory_space<vmem>>) semaphore(%run_scoped3A_252 : memref<!tpu.dma_semaphore, #tpu.memory_space<semaphore_mem>>) {add = true}
      %dma_wait3A_259 = arith.constant 0 : i32
      %dma_wait3A_260 = tpu.memref_slice %arg10[%run_scoped3A_246, %dma_wait3A_259] : memref<1x80xi32, #tpu.memory_space<vmem>> -> memref<1x80xi32, #tpu.memory_space<vmem>>
      %dma_wait3A_261 = tpu.memref_squeeze %dma_wait3A_260 : memref<1x80xi32, #tpu.memory_space<vmem>> -> memref<80xi32, #tpu.memory_space<vmem>>
      %dma_wait3A_262 = arith.constant 0 : i32
      %dma_wait3A_263 = arith.constant 0 : i32
      %dma_wait3A_264 = tpu.memref_slice %arg31[%dma_wait3A_262, %dma_wait3A_263] : memref<10240x128xf32, #tpu.memory_space<vmem_shared>> -> memref<10240x128xf32, #tpu.memory_space<vmem_shared>>
      tpu.wait_indirect_dma semaphore(%run_scoped3A_252 : memref<!tpu.dma_semaphore, #tpu.memory_space<semaphore_mem>>) src(%arg14 : memref<80x128xf32, #tpu.memory_space<vmem>>) dst(%dma_wait3A_264 : memref<10240x128xf32, #tpu.memory_space<vmem_shared>>)
      tpu.yield
    }) : () -> ()
    %barrier3A_247 = arith.constant 0 : index
    tpu.barrier barrier_id(%barrier3A_247)
    %mul3A_248 = arith.constant 640 : i32
    %mul3A_249 = arith.muli %arg1, %mul3A_248 : i32
    %mul3A_250 = arith.constant 640 : i32
    %mul3A_251 = arith.muli %arg1, %mul3A_250 : i32
    "tpu.region"() ({
      %run_scoped3A_252 = tpu.sem_alloc : memref<!tpu.dma_semaphore, #tpu.memory_space<semaphore_mem>>
      %dma_start3A_253 = arith.constant 0 : i32
      %dma_start3A_254 = tpu.memref_slice %arg5[%arg0, %mul3A_251, %dma_start3A_253] : memref<2x10240x128xf32, #tpu.memory_space<hbm>> -> memref<1x640x128xf32, #tpu.memory_space<hbm>>
      %dma_start3A_255 = tpu.memref_squeeze %dma_start3A_254 : memref<1x640x128xf32, #tpu.memory_space<hbm>> -> memref<640x128xf32, #tpu.memory_space<hbm>>
      %dma_start3A_256 = arith.constant 0 : i32
      %dma_start3A_257 = tpu.memref_slice %arg31[%mul3A_249, %dma_start3A_256] : memref<10240x128xf32, #tpu.memory_space<vmem_shared>> -> memref<640x128xf32, #tpu.memory_space<vmem_shared>>
      tpu.enqueue_dma source(%dma_start3A_257 : memref<640x128xf32, #tpu.memory_space<vmem_shared>>) target(%dma_start3A_255 : memref<640x128xf32, #tpu.memory_space<hbm>>) target_semaphore(%run_scoped3A_252 : memref<!tpu.dma_semaphore, #tpu.memory_space<semaphore_mem>>)
      %dma_wait3A_258 = arith.constant 0 : i32
      %dma_wait3A_259 = tpu.memref_slice %arg5[%arg0, %mul3A_251, %dma_wait3A_258] : memref<2x10240x128xf32, #tpu.memory_space<hbm>> -> memref<1x640x128xf32, #tpu.memory_space<hbm>>
      %dma_wait3A_260 = tpu.memref_squeeze %dma_wait3A_259 : memref<1x640x128xf32, #tpu.memory_space<hbm>> -> memref<640x128xf32, #tpu.memory_space<hbm>>
      %dma_wait3A_261 = arith.constant 0 : i32
      %dma_wait3A_262 = tpu.memref_slice %arg31[%mul3A_249, %dma_wait3A_261] : memref<10240x128xf32, #tpu.memory_space<vmem_shared>> -> memref<640x128xf32, #tpu.memory_space<vmem_shared>>
      tpu.wait_dma2 semaphore(%run_scoped3A_252 : memref<!tpu.dma_semaphore, #tpu.memory_space<semaphore_mem>>) src(%dma_wait3A_262 : memref<640x128xf32, #tpu.memory_space<vmem_shared>>) dst(%dma_wait3A_260 : memref<640x128xf32, #tpu.memory_space<hbm>>)
      tpu.yield
    }) : () -> ()
    return
  }
}

#map = affine_map<(d0, d1) -> (0, 0)>
#map1 = affine_map<(d0, d1) -> (0, 0, 0)>
module attributes {stable_mosaic.version = 14 : i64} {
  func.func @k(%arg0: i32, %arg1: i32, %arg2: memref<10000x128xf32, #tpu.memory_space<hbm>>, %arg3: memref<32x125x80xi32, #tpu.memory_space<hbm>>, %arg4: memref<32x125x80xi32, #tpu.memory_space<hbm>>, %arg5: memref<2x10240x128xf32, #tpu.memory_space<hbm>>, %arg6: memref<1x80xi32, #tpu.memory_space<vmem>>, %arg7: memref<1x80xi32, #tpu.memory_space<vmem>>, %arg8: memref<1x80xi32, #tpu.memory_space<vmem>>, %arg9: memref<1x80xi32, #tpu.memory_space<vmem>>, %arg10: memref<1x80xi32, #tpu.memory_space<vmem>>, %arg11: memref<1x80xi32, #tpu.memory_space<vmem>>, %arg12: memref<1x80xi32, #tpu.memory_space<vmem>>, %arg13: memref<1x80xi32, #tpu.memory_space<vmem>>, %arg14: memref<80x128xf32, #tpu.memory_space<vmem>>, %arg15: memref<80x128xf32, #tpu.memory_space<vmem>>, %arg16: memref<80x128xf32, #tpu.memory_space<vmem>>, %arg17: memref<80x128xf32, #tpu.memory_space<vmem>>, %arg18: memref<32x128xf32, #tpu.memory_space<vmem>>, %arg19: memref<!tpu.dma_semaphore, #tpu.memory_space<semaphore_mem>>, %arg20: memref<!tpu.dma_semaphore, #tpu.memory_space<semaphore_mem>>, %arg21: memref<!tpu.dma_semaphore, #tpu.memory_space<semaphore_mem>>, %arg22: memref<!tpu.dma_semaphore, #tpu.memory_space<semaphore_mem>>, %arg23: memref<!tpu.dma_semaphore, #tpu.memory_space<semaphore_mem>>, %arg24: memref<!tpu.dma_semaphore, #tpu.memory_space<semaphore_mem>>, %arg25: memref<!tpu.dma_semaphore, #tpu.memory_space<semaphore_mem>>, %arg26: memref<!tpu.dma_semaphore, #tpu.memory_space<semaphore_mem>>, %arg27: memref<!tpu.dma_semaphore, #tpu.memory_space<semaphore_mem>>, %arg28: memref<!tpu.dma_semaphore, #tpu.memory_space<semaphore_mem>>, %arg29: memref<!tpu.dma_semaphore, #tpu.memory_space<semaphore_mem>>, %arg30: memref<!tpu.dma_semaphore, #tpu.memory_space<semaphore_mem>>, %arg31: memref<10240x128xf32, #tpu.memory_space<vmem_shared>>) attributes {dimension_semantics = [#tpu.dimension_semantics<core_parallel>, #tpu.dimension_semantics<subcore_parallel>], iteration_bounds = array<i64: 2, 16>, scalar_prefetch = 0 : i64, scratch_operands = 26 : i64, tpu.core_type = #tpu.core_type<sc_vector_subcore>, window_params = [{transform_indices = #map}, {transform_indices = #map1}, {transform_indices = #map1}, {transform_indices = #map1}]} {
    %mul3A = arith.constant 2 : i32
    %mul3A_0 = arith.muli %arg1, %mul3A : i32
    %add3A = arith.addi %mul3A_0, %arg0 : i32
    %scan3A = arith.constant 0 : i32
    %scan3A_1 = arith.constant 32 : i32
    %scan3A_2 = arith.addi %scan3A, %scan3A_1 : i32
    %scan3A_3 = arith.constant 1 : i32
    scf.for %scan3A_252 = %scan3A to %scan3A_2 step %scan3A_3  : i32 {
      %mul3A_253 = arith.constant 1 : i32
      %mul3A_254 = arith.muli %scan3A_252, %mul3A_253 : i32
      %add3A_255 = arith.constant 0 : i32
      %add3A_256 = arith.addi %add3A_255, %mul3A_254 : i32
      %scan3A_257 = arith.constant 0 : i32
      %scan3A_258 = arith.constant 8 : i32
      %scan3A_259 = arith.addi %scan3A_257, %scan3A_258 : i32
      %scan3A_260 = arith.constant 1 : i32
      scf.for %scan3A_262 = %scan3A_257 to %scan3A_259 step %scan3A_260  : i32 {
        %mul3A_263 = arith.constant 16 : i32
        %mul3A_264 = arith.muli %scan3A_262, %mul3A_263 : i32
        %add3A_265 = arith.constant 0 : i32
        %add3A_266 = arith.addi %add3A_265, %mul3A_264 : i32
        %broadcast_in_dim3A = arith.constant 0.000000e+00 : f32
        %broadcast_in_dim3A_267 = vector.broadcast %broadcast_in_dim3A : f32 to vector<16xf32>
        %swap3A = arith.index_cast %add3A_256 : i32 to index
        %swap3A_268 = arith.index_cast %add3A_266 : i32 to index
        %swap3A_269 = tpu.vector_load %arg18[%swap3A, %swap3A_268] {strides = array<i32>} : memref<32x128xf32, #tpu.memory_space<vmem>>, vector<1x16xf32>,
        %swap3A_270 = vector.shape_cast %swap3A_269 : vector<1x16xf32> to vector<16xf32>
        %swap3A_271 = vector.shape_cast %broadcast_in_dim3A_267 : vector<16xf32> to vector<1x16xf32>
        tpu.vector_store %arg18[%swap3A, %swap3A_268], %swap3A_271 {strides = array<i32>} : memref<32x128xf32, #tpu.memory_space<vmem>>, vector<1x16xf32>,
      }
      %scan3A_261 = arith.constant 8 : i32
    }
    %scan3A_4 = arith.constant 32 : i32
    %scan3A_5 = arith.constant 0 : i32
    %scan3A_6 = arith.constant 20 : i32
    %scan3A_7 = arith.addi %scan3A_5, %scan3A_6 : i32
    %scan3A_8 = arith.constant 1 : i32
    scf.for %scan3A_252 = %scan3A_5 to %scan3A_7 step %scan3A_8  : i32 {
      %mul3A_253 = arith.constant 1 : i32
      %mul3A_254 = arith.muli %scan3A_252, %mul3A_253 : i32
      %add3A_255 = arith.constant 0 : i32
      %add3A_256 = arith.addi %add3A_255, %mul3A_254 : i32
      %mul3A_257 = arith.constant 640 : i32
      %mul3A_258 = arith.muli %arg1, %mul3A_257 : i32
      %mul3A_259 = arith.constant 32 : i32
      %mul3A_260 = arith.muli %add3A_256, %mul3A_259 : i32
      %add3A_261 = arith.addi %mul3A_258, %mul3A_260 : i32
      "tpu.region"() ({
        %run_scoped3A_262 = tpu.sem_alloc : memref<!tpu.dma_semaphore, #tpu.memory_space<semaphore_mem>>
        %dma_start3A_263 = arith.constant 0 : i32
        %dma_start3A_264 = tpu.memref_slice %arg31[%add3A_261, %dma_start3A_263] : memref<10240x128xf32, #tpu.memory_space<vmem_shared>> -> memref<32x128xf32, #tpu.memory_space<vmem_shared>>
        %dma_start3A_265 = arith.constant 0 : i32
        %dma_start3A_266 = tpu.memref_slice %arg31[%add3A_261, %dma_start3A_265] : memref<10240x128xf32, #tpu.memory_space<vmem_shared>> -> memref<32x128xf32, #tpu.memory_space<vmem_shared>>
        tpu.enqueue_dma source(%arg18 : memref<32x128xf32, #tpu.memory_space<vmem>>) target(%dma_start3A_266 : memref<32x128xf32, #tpu.memory_space<vmem_shared>>) target_semaphore(%run_scoped3A_262 : memref<!tpu.dma_semaphore, #tpu.memory_space<semaphore_mem>>)
        %dma_wait3A_267 = arith.constant 0 : i32
        %dma_wait3A_268 = tpu.memref_slice %arg31[%add3A_261, %dma_wait3A_267] : memref<10240x128xf32, #tpu.memory_space<vmem_shared>> -> memref<32x128xf32, #tpu.memory_space<vmem_shared>>
        %dma_wait3A_269 = arith.constant 0 : i32
        %dma_wait3A_270 = tpu.memref_slice %arg31[%add3A_261, %dma_wait3A_269] : memref<10240x128xf32, #tpu.memory_space<vmem_shared>> -> memref<32x128xf32, #tpu.memory_space<vmem_shared>>
        tpu.wait_dma2 semaphore(%run_scoped3A_262 : memref<!tpu.dma_semaphore, #tpu.memory_space<semaphore_mem>>) src(%arg18 : memref<32x128xf32, #tpu.memory_space<vmem>>) dst(%dma_wait3A_270 : memref<32x128xf32, #tpu.memory_space<vmem_shared>>)
        tpu.yield
      }) : () -> ()
    }
    %scan3A_9 = arith.constant 20 : i32
    %barrier3A = arith.constant 0 : index
    tpu.barrier barrier_id(%barrier3A)
    %dma_start3A = arith.constant 0 : i32
    %dma_start3A_10 = arith.constant 0 : i32
    %dma_start3A_11 = tpu.memref_slice %arg3[%add3A, %dma_start3A, %dma_start3A_10] : memref<32x125x80xi32, #tpu.memory_space<hbm>> -> memref<1x1x80xi32, #tpu.memory_space<hbm>>
    %dma_start3A_12 = tpu.memref_squeeze %dma_start3A_11 : memref<1x1x80xi32, #tpu.memory_space<hbm>> -> memref<1x80xi32, #tpu.memory_space<hbm>>
    %dma_start3A_13 = arith.constant 0 : i32
    %dma_start3A_14 = arith.constant 0 : i32
    %dma_start3A_15 = tpu.memref_slice %arg3[%add3A, %dma_start3A_13, %dma_start3A_14] : memref<32x125x80xi32, #tpu.memory_space<hbm>> -> memref<1x1x80xi32, #tpu.memory_space<hbm>>
    %dma_start3A_16 = tpu.memref_squeeze %dma_start3A_15 : memref<1x1x80xi32, #tpu.memory_space<hbm>> -> memref<1x80xi32, #tpu.memory_space<hbm>>
    tpu.enqueue_dma source(%dma_start3A_16 : memref<1x80xi32, #tpu.memory_space<hbm>>) target(%arg6 : memref<1x80xi32, #tpu.memory_space<vmem>>) target_semaphore(%arg19 : memref<!tpu.dma_semaphore, #tpu.memory_space<semaphore_mem>>)
    %dma_start3A_17 = arith.constant 0 : i32
    %dma_start3A_18 = arith.constant 0 : i32
    %dma_start3A_19 = tpu.memref_slice %arg4[%add3A, %dma_start3A_17, %dma_start3A_18] : memref<32x125x80xi32, #tpu.memory_space<hbm>> -> memref<1x1x80xi32, #tpu.memory_space<hbm>>
    %dma_start3A_20 = tpu.memref_squeeze %dma_start3A_19 : memref<1x1x80xi32, #tpu.memory_space<hbm>> -> memref<1x80xi32, #tpu.memory_space<hbm>>
    %dma_start3A_21 = arith.constant 0 : i32
    %dma_start3A_22 = arith.constant 0 : i32
    %dma_start3A_23 = tpu.memref_slice %arg4[%add3A, %dma_start3A_21, %dma_start3A_22] : memref<32x125x80xi32, #tpu.memory_space<hbm>> -> memref<1x1x80xi32, #tpu.memory_space<hbm>>
    %dma_start3A_24 = tpu.memref_squeeze %dma_start3A_23 : memref<1x1x80xi32, #tpu.memory_space<hbm>> -> memref<1x80xi32, #tpu.memory_space<hbm>>
    tpu.enqueue_dma source(%dma_start3A_24 : memref<1x80xi32, #tpu.memory_space<hbm>>) target(%arg10 : memref<1x80xi32, #tpu.memory_space<vmem>>) target_semaphore(%arg27 : memref<!tpu.dma_semaphore, #tpu.memory_space<semaphore_mem>>)
    %dma_start3A_25 = arith.constant 1 : i32
    %dma_start3A_26 = arith.constant 0 : i32
    %dma_start3A_27 = tpu.memref_slice %arg3[%add3A, %dma_start3A_25, %dma_start3A_26] : memref<32x125x80xi32, #tpu.memory_space<hbm>> -> memref<1x1x80xi32, #tpu.memory_space<hbm>>
    %dma_start3A_28 = tpu.memref_squeeze %dma_start3A_27 : memref<1x1x80xi32, #tpu.memory_space<hbm>> -> memref<1x80xi32, #tpu.memory_space<hbm>>
    %dma_start3A_29 = arith.constant 1 : i32
    %dma_start3A_30 = arith.constant 0 : i32
    %dma_start3A_31 = tpu.memref_slice %arg3[%add3A, %dma_start3A_29, %dma_start3A_30] : memref<32x125x80xi32, #tpu.memory_space<hbm>> -> memref<1x1x80xi32, #tpu.memory_space<hbm>>
    %dma_start3A_32 = tpu.memref_squeeze %dma_start3A_31 : memref<1x1x80xi32, #tpu.memory_space<hbm>> -> memref<1x80xi32, #tpu.memory_space<hbm>>
    tpu.enqueue_dma source(%dma_start3A_32 : memref<1x80xi32, #tpu.memory_space<hbm>>) target(%arg7 : memref<1x80xi32, #tpu.memory_space<vmem>>) target_semaphore(%arg20 : memref<!tpu.dma_semaphore, #tpu.memory_space<semaphore_mem>>)
    %dma_start3A_33 = arith.constant 1 : i32
    %dma_start3A_34 = arith.constant 0 : i32
    %dma_start3A_35 = tpu.memref_slice %arg4[%add3A, %dma_start3A_33, %dma_start3A_34] : memref<32x125x80xi32, #tpu.memory_space<hbm>> -> memref<1x1x80xi32, #tpu.memory_space<hbm>>
    %dma_start3A_36 = tpu.memref_squeeze %dma_start3A_35 : memref<1x1x80xi32, #tpu.memory_space<hbm>> -> memref<1x80xi32, #tpu.memory_space<hbm>>
    %dma_start3A_37 = arith.constant 1 : i32
    %dma_start3A_38 = arith.constant 0 : i32
    %dma_start3A_39 = tpu.memref_slice %arg4[%add3A, %dma_start3A_37, %dma_start3A_38] : memref<32x125x80xi32, #tpu.memory_space<hbm>> -> memref<1x1x80xi32, #tpu.memory_space<hbm>>
    %dma_start3A_40 = tpu.memref_squeeze %dma_start3A_39 : memref<1x1x80xi32, #tpu.memory_space<hbm>> -> memref<1x80xi32, #tpu.memory_space<hbm>>
    tpu.enqueue_dma source(%dma_start3A_40 : memref<1x80xi32, #tpu.memory_space<hbm>>) target(%arg11 : memref<1x80xi32, #tpu.memory_space<vmem>>) target_semaphore(%arg28 : memref<!tpu.dma_semaphore, #tpu.memory_space<semaphore_mem>>)
    %dma_start3A_41 = arith.constant 2 : i32
    %dma_start3A_42 = arith.constant 0 : i32
    %dma_start3A_43 = tpu.memref_slice %arg3[%add3A, %dma_start3A_41, %dma_start3A_42] : memref<32x125x80xi32, #tpu.memory_space<hbm>> -> memref<1x1x80xi32, #tpu.memory_space<hbm>>
    %dma_start3A_44 = tpu.memref_squeeze %dma_start3A_43 : memref<1x1x80xi32, #tpu.memory_space<hbm>> -> memref<1x80xi32, #tpu.memory_space<hbm>>
    %dma_start3A_45 = arith.constant 2 : i32
    %dma_start3A_46 = arith.constant 0 : i32
    %dma_start3A_47 = tpu.memref_slice %arg3[%add3A, %dma_start3A_45, %dma_start3A_46] : memref<32x125x80xi32, #tpu.memory_space<hbm>> -> memref<1x1x80xi32, #tpu.memory_space<hbm>>
    %dma_start3A_48 = tpu.memref_squeeze %dma_start3A_47 : memref<1x1x80xi32, #tpu.memory_space<hbm>> -> memref<1x80xi32, #tpu.memory_space<hbm>>
    tpu.enqueue_dma source(%dma_start3A_48 : memref<1x80xi32, #tpu.memory_space<hbm>>) target(%arg8 : memref<1x80xi32, #tpu.memory_space<vmem>>) target_semaphore(%arg21 : memref<!tpu.dma_semaphore, #tpu.memory_space<semaphore_mem>>)
    %dma_start3A_49 = arith.constant 2 : i32
    %dma_start3A_50 = arith.constant 0 : i32
    %dma_start3A_51 = tpu.memref_slice %arg4[%add3A, %dma_start3A_49, %dma_start3A_50] : memref<32x125x80xi32, #tpu.memory_space<hbm>> -> memref<1x1x80xi32, #tpu.memory_space<hbm>>
    %dma_start3A_52 = tpu.memref_squeeze %dma_start3A_51 : memref<1x1x80xi32, #tpu.memory_space<hbm>> -> memref<1x80xi32, #tpu.memory_space<hbm>>
    %dma_start3A_53 = arith.constant 2 : i32
    %dma_start3A_54 = arith.constant 0 : i32
    %dma_start3A_55 = tpu.memref_slice %arg4[%add3A, %dma_start3A_53, %dma_start3A_54] : memref<32x125x80xi32, #tpu.memory_space<hbm>> -> memref<1x1x80xi32, #tpu.memory_space<hbm>>
    %dma_start3A_56 = tpu.memref_squeeze %dma_start3A_55 : memref<1x1x80xi32, #tpu.memory_space<hbm>> -> memref<1x80xi32, #tpu.memory_space<hbm>>
    tpu.enqueue_dma source(%dma_start3A_56 : memref<1x80xi32, #tpu.memory_space<hbm>>) target(%arg12 : memref<1x80xi32, #tpu.memory_space<vmem>>) target_semaphore(%arg29 : memref<!tpu.dma_semaphore, #tpu.memory_space<semaphore_mem>>)
    %dma_start3A_57 = arith.constant 3 : i32
    %dma_start3A_58 = arith.constant 0 : i32
    %dma_start3A_59 = tpu.memref_slice %arg3[%add3A, %dma_start3A_57, %dma_start3A_58] : memref<32x125x80xi32, #tpu.memory_space<hbm>> -> memref<1x1x80xi32, #tpu.memory_space<hbm>>
    %dma_start3A_60 = tpu.memref_squeeze %dma_start3A_59 : memref<1x1x80xi32, #tpu.memory_space<hbm>> -> memref<1x80xi32, #tpu.memory_space<hbm>>
    %dma_start3A_61 = arith.constant 3 : i32
    %dma_start3A_62 = arith.constant 0 : i32
    %dma_start3A_63 = tpu.memref_slice %arg3[%add3A, %dma_start3A_61, %dma_start3A_62] : memref<32x125x80xi32, #tpu.memory_space<hbm>> -> memref<1x1x80xi32, #tpu.memory_space<hbm>>
    %dma_start3A_64 = tpu.memref_squeeze %dma_start3A_63 : memref<1x1x80xi32, #tpu.memory_space<hbm>> -> memref<1x80xi32, #tpu.memory_space<hbm>>
    tpu.enqueue_dma source(%dma_start3A_64 : memref<1x80xi32, #tpu.memory_space<hbm>>) target(%arg9 : memref<1x80xi32, #tpu.memory_space<vmem>>) target_semaphore(%arg22 : memref<!tpu.dma_semaphore, #tpu.memory_space<semaphore_mem>>)
    %dma_start3A_65 = arith.constant 3 : i32
    %dma_start3A_66 = arith.constant 0 : i32
    %dma_start3A_67 = tpu.memref_slice %arg4[%add3A, %dma_start3A_65, %dma_start3A_66] : memref<32x125x80xi32, #tpu.memory_space<hbm>> -> memref<1x1x80xi32, #tpu.memory_space<hbm>>
    %dma_start3A_68 = tpu.memref_squeeze %dma_start3A_67 : memref<1x1x80xi32, #tpu.memory_space<hbm>> -> memref<1x80xi32, #tpu.memory_space<hbm>>
    %dma_start3A_69 = arith.constant 3 : i32
    %dma_start3A_70 = arith.constant 0 : i32
    %dma_start3A_71 = tpu.memref_slice %arg4[%add3A, %dma_start3A_69, %dma_start3A_70] : memref<32x125x80xi32, #tpu.memory_space<hbm>> -> memref<1x1x80xi32, #tpu.memory_space<hbm>>
    %dma_start3A_72 = tpu.memref_squeeze %dma_start3A_71 : memref<1x1x80xi32, #tpu.memory_space<hbm>> -> memref<1x80xi32, #tpu.memory_space<hbm>>
    tpu.enqueue_dma source(%dma_start3A_72 : memref<1x80xi32, #tpu.memory_space<hbm>>) target(%arg13 : memref<1x80xi32, #tpu.memory_space<vmem>>) target_semaphore(%arg30 : memref<!tpu.dma_semaphore, #tpu.memory_space<semaphore_mem>>)
    %dma_wait3A = arith.constant 0 : i32
    %dma_wait3A_73 = arith.constant 0 : i32
    %dma_wait3A_74 = tpu.memref_slice %arg3[%add3A, %dma_wait3A, %dma_wait3A_73] : memref<32x125x80xi32, #tpu.memory_space<hbm>> -> memref<1x1x80xi32, #tpu.memory_space<hbm>>
    %dma_wait3A_75 = tpu.memref_squeeze %dma_wait3A_74 : memref<1x1x80xi32, #tpu.memory_space<hbm>> -> memref<1x80xi32, #tpu.memory_space<hbm>>
    %dma_wait3A_76 = arith.constant 0 : i32
    %dma_wait3A_77 = arith.constant 0 : i32
    %dma_wait3A_78 = tpu.memref_slice %arg3[%add3A, %dma_wait3A_76, %dma_wait3A_77] : memref<32x125x80xi32, #tpu.memory_space<hbm>> -> memref<1x1x80xi32, #tpu.memory_space<hbm>>
    %dma_wait3A_79 = tpu.memref_squeeze %dma_wait3A_78 : memref<1x1x80xi32, #tpu.memory_space<hbm>> -> memref<1x80xi32, #tpu.memory_space<hbm>>
    tpu.wait_dma2 semaphore(%arg19 : memref<!tpu.dma_semaphore, #tpu.memory_space<semaphore_mem>>) src(%dma_wait3A_79 : memref<1x80xi32, #tpu.memory_space<hbm>>) dst(%arg6 : memref<1x80xi32, #tpu.memory_space<vmem>>)
    %dma_start3A_80 = arith.constant 0 : i32
    %dma_start3A_81 = arith.constant 0 : i32
    %dma_start3A_82 = tpu.memref_slice %arg6[%dma_start3A_80, %dma_start3A_81] : memref<1x80xi32, #tpu.memory_space<vmem>> -> memref<1x80xi32, #tpu.memory_space<vmem>>
    %dma_start3A_83 = tpu.memref_squeeze %dma_start3A_82 : memref<1x80xi32, #tpu.memory_space<vmem>> -> memref<80xi32, #tpu.memory_space<vmem>>
    %dma_start3A_84 = arith.constant 0 : i32
    %dma_start3A_85 = arith.constant 0 : i32
    %dma_start3A_86 = tpu.memref_slice %arg2[%dma_start3A_84, %dma_start3A_85] : memref<10000x128xf32, #tpu.memory_space<hbm>> -> memref<10000x128xf32, #tpu.memory_space<hbm>>
    tpu.enqueue_indirect_dma source(%dma_start3A_86 : memref<10000x128xf32, #tpu.memory_space<hbm>>) target(%arg14 : memref<80x128xf32, #tpu.memory_space<vmem>>) offsets(%dma_start3A_83 : memref<80xi32, #tpu.memory_space<vmem>>) semaphore(%arg23 : memref<!tpu.dma_semaphore, #tpu.memory_space<semaphore_mem>>)
    %dma_wait3A_87 = arith.constant 1 : i32
    %dma_wait3A_88 = arith.constant 0 : i32
    %dma_wait3A_89 = tpu.memref_slice %arg3[%add3A, %dma_wait3A_87, %dma_wait3A_88] : memref<32x125x80xi32, #tpu.memory_space<hbm>> -> memref<1x1x80xi32, #tpu.memory_space<hbm>>
    %dma_wait3A_90 = tpu.memref_squeeze %dma_wait3A_89 : memref<1x1x80xi32, #tpu.memory_space<hbm>> -> memref<1x80xi32, #tpu.memory_space<hbm>>
    %dma_wait3A_91 = arith.constant 1 : i32
    %dma_wait3A_92 = arith.constant 0 : i32
    %dma_wait3A_93 = tpu.memref_slice %arg3[%add3A, %dma_wait3A_91, %dma_wait3A_92] : memref<32x125x80xi32, #tpu.memory_space<hbm>> -> memref<1x1x80xi32, #tpu.memory_space<hbm>>
    %dma_wait3A_94 = tpu.memref_squeeze %dma_wait3A_93 : memref<1x1x80xi32, #tpu.memory_space<hbm>> -> memref<1x80xi32, #tpu.memory_space<hbm>>
    tpu.wait_dma2 semaphore(%arg20 : memref<!tpu.dma_semaphore, #tpu.memory_space<semaphore_mem>>) src(%dma_wait3A_94 : memref<1x80xi32, #tpu.memory_space<hbm>>) dst(%arg7 : memref<1x80xi32, #tpu.memory_space<vmem>>)
    %dma_start3A_95 = arith.constant 0 : i32
    %dma_start3A_96 = arith.constant 0 : i32
    %dma_start3A_97 = tpu.memref_slice %arg7[%dma_start3A_95, %dma_start3A_96] : memref<1x80xi32, #tpu.memory_space<vmem>> -> memref<1x80xi32, #tpu.memory_space<vmem>>
    %dma_start3A_98 = tpu.memref_squeeze %dma_start3A_97 : memref<1x80xi32, #tpu.memory_space<vmem>> -> memref<80xi32, #tpu.memory_space<vmem>>
    %dma_start3A_99 = arith.constant 0 : i32
    %dma_start3A_100 = arith.constant 0 : i32
    %dma_start3A_101 = tpu.memref_slice %arg2[%dma_start3A_99, %dma_start3A_100] : memref<10000x128xf32, #tpu.memory_space<hbm>> -> memref<10000x128xf32, #tpu.memory_space<hbm>>
    tpu.enqueue_indirect_dma source(%dma_start3A_101 : memref<10000x128xf32, #tpu.memory_space<hbm>>) target(%arg15 : memref<80x128xf32, #tpu.memory_space<vmem>>) offsets(%dma_start3A_98 : memref<80xi32, #tpu.memory_space<vmem>>) semaphore(%arg24 : memref<!tpu.dma_semaphore, #tpu.memory_space<semaphore_mem>>)
    %dma_wait3A_102 = arith.constant 2 : i32
    %dma_wait3A_103 = arith.constant 0 : i32
    %dma_wait3A_104 = tpu.memref_slice %arg3[%add3A, %dma_wait3A_102, %dma_wait3A_103] : memref<32x125x80xi32, #tpu.memory_space<hbm>> -> memref<1x1x80xi32, #tpu.memory_space<hbm>>
    %dma_wait3A_105 = tpu.memref_squeeze %dma_wait3A_104 : memref<1x1x80xi32, #tpu.memory_space<hbm>> -> memref<1x80xi32, #tpu.memory_space<hbm>>
    %dma_wait3A_106 = arith.constant 2 : i32
    %dma_wait3A_107 = arith.constant 0 : i32
    %dma_wait3A_108 = tpu.memref_slice %arg3[%add3A, %dma_wait3A_106, %dma_wait3A_107] : memref<32x125x80xi32, #tpu.memory_space<hbm>> -> memref<1x1x80xi32, #tpu.memory_space<hbm>>
    %dma_wait3A_109 = tpu.memref_squeeze %dma_wait3A_108 : memref<1x1x80xi32, #tpu.memory_space<hbm>> -> memref<1x80xi32, #tpu.memory_space<hbm>>
    tpu.wait_dma2 semaphore(%arg21 : memref<!tpu.dma_semaphore, #tpu.memory_space<semaphore_mem>>) src(%dma_wait3A_109 : memref<1x80xi32, #tpu.memory_space<hbm>>) dst(%arg8 : memref<1x80xi32, #tpu.memory_space<vmem>>)
    %dma_start3A_110 = arith.constant 0 : i32
    %dma_start3A_111 = arith.constant 0 : i32
    %dma_start3A_112 = tpu.memref_slice %arg8[%dma_start3A_110, %dma_start3A_111] : memref<1x80xi32, #tpu.memory_space<vmem>> -> memref<1x80xi32, #tpu.memory_space<vmem>>
    %dma_start3A_113 = tpu.memref_squeeze %dma_start3A_112 : memref<1x80xi32, #tpu.memory_space<vmem>> -> memref<80xi32, #tpu.memory_space<vmem>>
    %dma_start3A_114 = arith.constant 0 : i32
    %dma_start3A_115 = arith.constant 0 : i32
    %dma_start3A_116 = tpu.memref_slice %arg2[%dma_start3A_114, %dma_start3A_115] : memref<10000x128xf32, #tpu.memory_space<hbm>> -> memref<10000x128xf32, #tpu.memory_space<hbm>>
    tpu.enqueue_indirect_dma source(%dma_start3A_116 : memref<10000x128xf32, #tpu.memory_space<hbm>>) target(%arg16 : memref<80x128xf32, #tpu.memory_space<vmem>>) offsets(%dma_start3A_113 : memref<80xi32, #tpu.memory_space<vmem>>) semaphore(%arg25 : memref<!tpu.dma_semaphore, #tpu.memory_space<semaphore_mem>>)
    %scan3A_117 = arith.constant 0 : i32
    %scan3A_118 = arith.constant 30 : i32
    %scan3A_119 = arith.addi %scan3A_117, %scan3A_118 : i32
    %scan3A_120 = arith.constant 1 : i32
    scf.for %scan3A_252 = %scan3A_117 to %scan3A_119 step %scan3A_120  : i32 {
      %mul3A_253 = arith.constant 4 : i32
      %mul3A_254 = arith.muli %scan3A_252, %mul3A_253 : i32
      %add3A_255 = arith.constant 0 : i32
      %add3A_256 = arith.addi %add3A_255, %mul3A_254 : i32
      %add3A_257 = arith.constant 0 : i32
      %add3A_258 = arith.addi %add3A_256, %add3A_257 : i32
      %add3A_259 = arith.constant 3 : i32
      %add3A_260 = arith.addi %add3A_258, %add3A_259 : i32
      %dma_wait3A_261 = arith.constant 0 : i32
      %dma_wait3A_262 = tpu.memref_slice %arg3[%add3A, %add3A_260, %dma_wait3A_261] : memref<32x125x80xi32, #tpu.memory_space<hbm>> -> memref<1x1x80xi32, #tpu.memory_space<hbm>>
      %dma_wait3A_263 = tpu.memref_squeeze %dma_wait3A_262 : memref<1x1x80xi32, #tpu.memory_space<hbm>> -> memref<1x80xi32, #tpu.memory_space<hbm>>
      %dma_wait3A_264 = arith.constant 0 : i32
      %dma_wait3A_265 = tpu.memref_slice %arg3[%add3A, %add3A_260, %dma_wait3A_264] : memref<32x125x80xi32, #tpu.memory_space<hbm>> -> memref<1x1x80xi32, #tpu.memory_space<hbm>>
      %dma_wait3A_266 = tpu.memref_squeeze %dma_wait3A_265 : memref<1x1x80xi32, #tpu.memory_space<hbm>> -> memref<1x80xi32, #tpu.memory_space<hbm>>
      tpu.wait_dma2 semaphore(%arg22 : memref<!tpu.dma_semaphore, #tpu.memory_space<semaphore_mem>>) src(%dma_wait3A_266 : memref<1x80xi32, #tpu.memory_space<hbm>>) dst(%arg9 : memref<1x80xi32, #tpu.memory_space<vmem>>)
      %dma_start3A_267 = arith.constant 0 : i32
      %dma_start3A_268 = arith.constant 0 : i32
      %dma_start3A_269 = tpu.memref_slice %arg9[%dma_start3A_267, %dma_start3A_268] : memref<1x80xi32, #tpu.memory_space<vmem>> -> memref<1x80xi32, #tpu.memory_space<vmem>>
      %dma_start3A_270 = tpu.memref_squeeze %dma_start3A_269 : memref<1x80xi32, #tpu.memory_space<vmem>> -> memref<80xi32, #tpu.memory_space<vmem>>
      %dma_start3A_271 = arith.constant 0 : i32
      %dma_start3A_272 = arith.constant 0 : i32
      %dma_start3A_273 = tpu.memref_slice %arg2[%dma_start3A_271, %dma_start3A_272] : memref<10000x128xf32, #tpu.memory_space<hbm>> -> memref<10000x128xf32, #tpu.memory_space<hbm>>
      tpu.enqueue_indirect_dma source(%dma_start3A_273 : memref<10000x128xf32, #tpu.memory_space<hbm>>) target(%arg17 : memref<80x128xf32, #tpu.memory_space<vmem>>) offsets(%dma_start3A_270 : memref<80xi32, #tpu.memory_space<vmem>>) semaphore(%arg26 : memref<!tpu.dma_semaphore, #tpu.memory_space<semaphore_mem>>)
      %dma_wait3A_274 = arith.constant 0 : i32
      %dma_wait3A_275 = arith.constant 0 : i32
      %dma_wait3A_276 = tpu.memref_slice %arg6[%dma_wait3A_274, %dma_wait3A_275] : memref<1x80xi32, #tpu.memory_space<vmem>> -> memref<1x80xi32, #tpu.memory_space<vmem>>
      %dma_wait3A_277 = tpu.memref_squeeze %dma_wait3A_276 : memref<1x80xi32, #tpu.memory_space<vmem>> -> memref<80xi32, #tpu.memory_space<vmem>>
      %dma_wait3A_278 = arith.constant 0 : i32
      %dma_wait3A_279 = arith.constant 0 : i32
      %dma_wait3A_280 = tpu.memref_slice %arg2[%dma_wait3A_278, %dma_wait3A_279] : memref<10000x128xf32, #tpu.memory_space<hbm>> -> memref<10000x128xf32, #tpu.memory_space<hbm>>
      tpu.wait_indirect_dma semaphore(%arg23 : memref<!tpu.dma_semaphore, #tpu.memory_space<semaphore_mem>>) src(%dma_wait3A_280 : memref<10000x128xf32, #tpu.memory_space<hbm>>) dst(%arg14 : memref<80x128xf32, #tpu.memory_space<vmem>>)
      %add3A_281 = arith.constant 4 : i32
      %add3A_282 = arith.addi %add3A_258, %add3A_281 : i32
      %dma_start3A_283 = arith.constant 0 : i32
      %dma_start3A_284 = tpu.memref_slice %arg3[%add3A, %add3A_282, %dma_start3A_283] : memref<32x125x80xi32, #tpu.memory_space<hbm>> -> memref<1x1x80xi32, #tpu.memory_space<hbm>>
      %dma_start3A_285 = tpu.memref_squeeze %dma_start3A_284 : memref<1x1x80xi32, #tpu.memory_space<hbm>> -> memref<1x80xi32, #tpu.memory_space<hbm>>
      %dma_start3A_286 = arith.constant 0 : i32
      %dma_start3A_287 = tpu.memref_slice %arg3[%add3A, %add3A_282, %dma_start3A_286] : memref<32x125x80xi32, #tpu.memory_space<hbm>> -> memref<1x1x80xi32, #tpu.memory_space<hbm>>
      %dma_start3A_288 = tpu.memref_squeeze %dma_start3A_287 : memref<1x1x80xi32, #tpu.memory_space<hbm>> -> memref<1x80xi32, #tpu.memory_space<hbm>>
      tpu.enqueue_dma source(%dma_start3A_288 : memref<1x80xi32, #tpu.memory_space<hbm>>) target(%arg6 : memref<1x80xi32, #tpu.memory_space<vmem>>) target_semaphore(%arg19 : memref<!tpu.dma_semaphore, #tpu.memory_space<semaphore_mem>>)
      %dma_wait3A_289 = arith.constant 0 : i32
      %dma_wait3A_290 = tpu.memref_slice %arg4[%add3A, %add3A_258, %dma_wait3A_289] : memref<32x125x80xi32, #tpu.memory_space<hbm>> -> memref<1x1x80xi32, #tpu.memory_space<hbm>>
      %dma_wait3A_291 = tpu.memref_squeeze %dma_wait3A_290 : memref<1x1x80xi32, #tpu.memory_space<hbm>> -> memref<1x80xi32, #tpu.memory_space<hbm>>
      %dma_wait3A_292 = arith.constant 0 : i32
      %dma_wait3A_293 = tpu.memref_slice %arg4[%add3A, %add3A_258, %dma_wait3A_292] : memref<32x125x80xi32, #tpu.memory_space<hbm>> -> memref<1x1x80xi32, #tpu.memory_space<hbm>>
      %dma_wait3A_294 = tpu.memref_squeeze %dma_wait3A_293 : memref<1x1x80xi32, #tpu.memory_space<hbm>> -> memref<1x80xi32, #tpu.memory_space<hbm>>
      tpu.wait_dma2 semaphore(%arg27 : memref<!tpu.dma_semaphore, #tpu.memory_space<semaphore_mem>>) src(%dma_wait3A_294 : memref<1x80xi32, #tpu.memory_space<hbm>>) dst(%arg10 : memref<1x80xi32, #tpu.memory_space<vmem>>)
      %run_scoped3A_295 = arith.constant 0 : i32
      "tpu.region"() ({
        %run_scoped3A_445 = tpu.sem_alloc : memref<!tpu.dma_semaphore, #tpu.memory_space<semaphore_mem>>
        %dma_start3A_446 = arith.constant 0 : i32
        %dma_start3A_447 = tpu.memref_slice %arg10[%run_scoped3A_295, %dma_start3A_446] : memref<1x80xi32, #tpu.memory_space<vmem>> -> memref<1x80xi32, #tpu.memory_space<vmem>>
        %dma_start3A_448 = tpu.memref_squeeze %dma_start3A_447 : memref<1x80xi32, #tpu.memory_space<vmem>> -> memref<80xi32, #tpu.memory_space<vmem>>
        %dma_start3A_449 = arith.constant 0 : i32
        %dma_start3A_450 = arith.constant 0 : i32
        %dma_start3A_451 = tpu.memref_slice %arg31[%dma_start3A_449, %dma_start3A_450] : memref<10240x128xf32, #tpu.memory_space<vmem_shared>> -> memref<10240x128xf32, #tpu.memory_space<vmem_shared>>
        tpu.enqueue_indirect_dma source(%arg14 : memref<80x128xf32, #tpu.memory_space<vmem>>) target(%dma_start3A_451 : memref<10240x128xf32, #tpu.memory_space<vmem_shared>>) offsets(%dma_start3A_448 : memref<80xi32, #tpu.memory_space<vmem>>) semaphore(%run_scoped3A_445 : memref<!tpu.dma_semaphore, #tpu.memory_space<semaphore_mem>>) {add = true}
        %dma_wait3A_452 = arith.constant 0 : i32
        %dma_wait3A_453 = tpu.memref_slice %arg10[%run_scoped3A_295, %dma_wait3A_452] : memref<1x80xi32, #tpu.memory_space<vmem>> -> memref<1x80xi32, #tpu.memory_space<vmem>>
        %dma_wait3A_454 = tpu.memref_squeeze %dma_wait3A_453 : memref<1x80xi32, #tpu.memory_space<vmem>> -> memref<80xi32, #tpu.memory_space<vmem>>
        %dma_wait3A_455 = arith.constant 0 : i32
        %dma_wait3A_456 = arith.constant 0 : i32
        %dma_wait3A_457 = tpu.memref_slice %arg31[%dma_wait3A_455, %dma_wait3A_456] : memref<10240x128xf32, #tpu.memory_space<vmem_shared>> -> memref<10240x128xf32, #tpu.memory_space<vmem_shared>>
        tpu.wait_indirect_dma semaphore(%run_scoped3A_445 : memref<!tpu.dma_semaphore, #tpu.memory_space<semaphore_mem>>) src(%arg14 : memref<80x128xf32, #tpu.memory_space<vmem>>) dst(%dma_wait3A_457 : memref<10240x128xf32, #tpu.memory_space<vmem_shared>>)
        tpu.yield
      }) : () -> ()
      %add3A_296 = arith.constant 4 : i32
      %add3A_297 = arith.addi %add3A_258, %add3A_296 : i32
      %dma_start3A_298 = arith.constant 0 : i32
      %dma_start3A_299 = tpu.memref_slice %arg4[%add3A, %add3A_297, %dma_start3A_298] : memref<32x125x80xi32, #tpu.memory_space<hbm>> -> memref<1x1x80xi32, #tpu.memory_space<hbm>>
      %dma_start3A_300 = tpu.memref_squeeze %dma_start3A_299 : memref<1x1x80xi32, #tpu.memory_space<hbm>> -> memref<1x80xi32, #tpu.memory_space<hbm>>
      %dma_start3A_301 = arith.constant 0 : i32
      %dma_start3A_302 = tpu.memref_slice %arg4[%add3A, %add3A_297, %dma_start3A_301] : memref<32x125x80xi32, #tpu.memory_space<hbm>> -> memref<1x1x80xi32, #tpu.memory_space<hbm>>
      %dma_start3A_303 = tpu.memref_squeeze %dma_start3A_302 : memref<1x1x80xi32, #tpu.memory_space<hbm>> -> memref<1x80xi32, #tpu.memory_space<hbm>>
      tpu.enqueue_dma source(%dma_start3A_303 : memref<1x80xi32, #tpu.memory_space<hbm>>) target(%arg10 : memref<1x80xi32, #tpu.memory_space<vmem>>) target_semaphore(%arg27 : memref<!tpu.dma_semaphore, #tpu.memory_space<semaphore_mem>>)
      %add3A_304 = arith.constant 1 : i32
      %add3A_305 = arith.addi %add3A_256, %add3A_304 : i32
      %add3A_306 = arith.constant 3 : i32
      %add3A_307 = arith.addi %add3A_305, %add3A_306 : i32
      %dma_wait3A_308 = arith.constant 0 : i32
      %dma_wait3A_309 = tpu.memref_slice %arg3[%add3A, %add3A_307, %dma_wait3A_308] : memref<32x125x80xi32, #tpu.memory_space<hbm>> -> memref<1x1x80xi32, #tpu.memory_space<hbm>>
      %dma_wait3A_310 = tpu.memref_squeeze %dma_wait3A_309 : memref<1x1x80xi32, #tpu.memory_space<hbm>> -> memref<1x80xi32, #tpu.memory_space<hbm>>
      %dma_wait3A_311 = arith.constant 0 : i32
      %dma_wait3A_312 = tpu.memref_slice %arg3[%add3A, %add3A_307, %dma_wait3A_311] : memref<32x125x80xi32, #tpu.memory_space<hbm>> -> memref<1x1x80xi32, #tpu.memory_space<hbm>>
      %dma_wait3A_313 = tpu.memref_squeeze %dma_wait3A_312 : memref<1x1x80xi32, #tpu.memory_space<hbm>> -> memref<1x80xi32, #tpu.memory_space<hbm>>
      tpu.wait_dma2 semaphore(%arg19 : memref<!tpu.dma_semaphore, #tpu.memory_space<semaphore_mem>>) src(%dma_wait3A_313 : memref<1x80xi32, #tpu.memory_space<hbm>>) dst(%arg6 : memref<1x80xi32, #tpu.memory_space<vmem>>)
      %dma_start3A_314 = arith.constant 0 : i32
      %dma_start3A_315 = arith.constant 0 : i32
      %dma_start3A_316 = tpu.memref_slice %arg6[%dma_start3A_314, %dma_start3A_315] : memref<1x80xi32, #tpu.memory_space<vmem>> -> memref<1x80xi32, #tpu.memory_space<vmem>>
      %dma_start3A_317 = tpu.memref_squeeze %dma_start3A_316 : memref<1x80xi32, #tpu.memory_space<vmem>> -> memref<80xi32, #tpu.memory_space<vmem>>
      %dma_start3A_318 = arith.constant 0 : i32
      %dma_start3A_319 = arith.constant 0 : i32
      %dma_start3A_320 = tpu.memref_slice %arg2[%dma_start3A_318, %dma_start3A_319] : memref<10000x128xf32, #tpu.memory_space<hbm>> -> memref<10000x128xf32, #tpu.memory_space<hbm>>
      tpu.enqueue_indirect_dma source(%dma_start3A_320 : memref<10000x128xf32, #tpu.memory_space<hbm>>) target(%arg14 : memref<80x128xf32, #tpu.memory_space<vmem>>) offsets(%dma_start3A_317 : memref<80xi32, #tpu.memory_space<vmem>>) semaphore(%arg23 : memref<!tpu.dma_semaphore, #tpu.memory_space<semaphore_mem>>)
      %dma_wait3A_321 = arith.constant 0 : i32
      %dma_wait3A_322 = arith.constant 0 : i32
      %dma_wait3A_323 = tpu.memref_slice %arg7[%dma_wait3A_321, %dma_wait3A_322] : memref<1x80xi32, #tpu.memory_space<vmem>> -> memref<1x80xi32, #tpu.memory_space<vmem>>
      %dma_wait3A_324 = tpu.memref_squeeze %dma_wait3A_323 : memref<1x80xi32, #tpu.memory_space<vmem>> -> memref<80xi32, #tpu.memory_space<vmem>>
      %dma_wait3A_325 = arith.constant 0 : i32
      %dma_wait3A_326 = arith.constant 0 : i32
      %dma_wait3A_327 = tpu.memref_slice %arg2[%dma_wait3A_325, %dma_wait3A_326] : memref<10000x128xf32, #tpu.memory_space<hbm>> -> memref<10000x128xf32, #tpu.memory_space<hbm>>
      tpu.wait_indirect_dma semaphore(%arg24 : memref<!tpu.dma_semaphore, #tpu.memory_space<semaphore_mem>>) src(%dma_wait3A_327 : memref<10000x128xf32, #tpu.memory_space<hbm>>) dst(%arg15 : memref<80x128xf32, #tpu.memory_space<vmem>>)
      %add3A_328 = arith.constant 4 : i32
      %add3A_329 = arith.addi %add3A_305, %add3A_328 : i32
      %dma_start3A_330 = arith.constant 0 : i32
      %dma_start3A_331 = tpu.memref_slice %arg3[%add3A, %add3A_329, %dma_start3A_330] : memref<32x125x80xi32, #tpu.memory_space<hbm>> -> memref<1x1x80xi32, #tpu.memory_space<hbm>>
      %dma_start3A_332 = tpu.memref_squeeze %dma_start3A_331 : memref<1x1x80xi32, #tpu.memory_space<hbm>> -> memref<1x80xi32, #tpu.memory_space<hbm>>
      %dma_start3A_333 = arith.constant 0 : i32
      %dma_start3A_334 = tpu.memref_slice %arg3[%add3A, %add3A_329, %dma_start3A_333] : memref<32x125x80xi32, #tpu.memory_space<hbm>> -> memref<1x1x80xi32, #tpu.memory_space<hbm>>
      %dma_start3A_335 = tpu.memref_squeeze %dma_start3A_334 : memref<1x1x80xi32, #tpu.memory_space<hbm>> -> memref<1x80xi32, #tpu.memory_space<hbm>>
      tpu.enqueue_dma source(%dma_start3A_335 : memref<1x80xi32, #tpu.memory_space<hbm>>) target(%arg7 : memref<1x80xi32, #tpu.memory_space<vmem>>) target_semaphore(%arg20 : memref<!tpu.dma_semaphore, #tpu.memory_space<semaphore_mem>>)
      %dma_wait3A_336 = arith.constant 0 : i32
      %dma_wait3A_337 = tpu.memref_slice %arg4[%add3A, %add3A_305, %dma_wait3A_336] : memref<32x125x80xi32, #tpu.memory_space<hbm>> -> memref<1x1x80xi32, #tpu.memory_space<hbm>>
      %dma_wait3A_338 = tpu.memref_squeeze %dma_wait3A_337 : memref<1x1x80xi32, #tpu.memory_space<hbm>> -> memref<1x80xi32, #tpu.memory_space<hbm>>
      %dma_wait3A_339 = arith.constant 0 : i32
      %dma_wait3A_340 = tpu.memref_slice %arg4[%add3A, %add3A_305, %dma_wait3A_339] : memref<32x125x80xi32, #tpu.memory_space<hbm>> -> memref<1x1x80xi32, #tpu.memory_space<hbm>>
      %dma_wait3A_341 = tpu.memref_squeeze %dma_wait3A_340 : memref<1x1x80xi32, #tpu.memory_space<hbm>> -> memref<1x80xi32, #tpu.memory_space<hbm>>
      tpu.wait_dma2 semaphore(%arg28 : memref<!tpu.dma_semaphore, #tpu.memory_space<semaphore_mem>>) src(%dma_wait3A_341 : memref<1x80xi32, #tpu.memory_space<hbm>>) dst(%arg11 : memref<1x80xi32, #tpu.memory_space<vmem>>)
      %run_scoped3A_342 = arith.constant 0 : i32
      "tpu.region"() ({
        %run_scoped3A_445 = tpu.sem_alloc : memref<!tpu.dma_semaphore, #tpu.memory_space<semaphore_mem>>
        %dma_start3A_446 = arith.constant 0 : i32
        %dma_start3A_447 = tpu.memref_slice %arg11[%run_scoped3A_342, %dma_start3A_446] : memref<1x80xi32, #tpu.memory_space<vmem>> -> memref<1x80xi32, #tpu.memory_space<vmem>>
        %dma_start3A_448 = tpu.memref_squeeze %dma_start3A_447 : memref<1x80xi32, #tpu.memory_space<vmem>> -> memref<80xi32, #tpu.memory_space<vmem>>
        %dma_start3A_449 = arith.constant 0 : i32
        %dma_start3A_450 = arith.constant 0 : i32
        %dma_start3A_451 = tpu.memref_slice %arg31[%dma_start3A_449, %dma_start3A_450] : memref<10240x128xf32, #tpu.memory_space<vmem_shared>> -> memref<10240x128xf32, #tpu.memory_space<vmem_shared>>
        tpu.enqueue_indirect_dma source(%arg15 : memref<80x128xf32, #tpu.memory_space<vmem>>) target(%dma_start3A_451 : memref<10240x128xf32, #tpu.memory_space<vmem_shared>>) offsets(%dma_start3A_448 : memref<80xi32, #tpu.memory_space<vmem>>) semaphore(%run_scoped3A_445 : memref<!tpu.dma_semaphore, #tpu.memory_space<semaphore_mem>>) {add = true}
        %dma_wait3A_452 = arith.constant 0 : i32
        %dma_wait3A_453 = tpu.memref_slice %arg11[%run_scoped3A_342, %dma_wait3A_452] : memref<1x80xi32, #tpu.memory_space<vmem>> -> memref<1x80xi32, #tpu.memory_space<vmem>>
        %dma_wait3A_454 = tpu.memref_squeeze %dma_wait3A_453 : memref<1x80xi32, #tpu.memory_space<vmem>> -> memref<80xi32, #tpu.memory_space<vmem>>
        %dma_wait3A_455 = arith.constant 0 : i32
        %dma_wait3A_456 = arith.constant 0 : i32
        %dma_wait3A_457 = tpu.memref_slice %arg31[%dma_wait3A_455, %dma_wait3A_456] : memref<10240x128xf32, #tpu.memory_space<vmem_shared>> -> memref<10240x128xf32, #tpu.memory_space<vmem_shared>>
        tpu.wait_indirect_dma semaphore(%run_scoped3A_445 : memref<!tpu.dma_semaphore, #tpu.memory_space<semaphore_mem>>) src(%arg15 : memref<80x128xf32, #tpu.memory_space<vmem>>) dst(%dma_wait3A_457 : memref<10240x128xf32, #tpu.memory_space<vmem_shared>>)
        tpu.yield
      }) : () -> ()
      %add3A_343 = arith.constant 4 : i32
      %add3A_344 = arith.addi %add3A_305, %add3A_343 : i32
      %dma_start3A_345 = arith.constant 0 : i32
      %dma_start3A_346 = tpu.memref_slice %arg4[%add3A, %add3A_344, %dma_start3A_345] : memref<32x125x80xi32, #tpu.memory_space<hbm>> -> memref<1x1x80xi32, #tpu.memory_space<hbm>>
      %dma_start3A_347 = tpu.memref_squeeze %dma_start3A_346 : memref<1x1x80xi32, #tpu.memory_space<hbm>> -> memref<1x80xi32, #tpu.memory_space<hbm>>
      %dma_start3A_348 = arith.constant 0 : i32
      %dma_start3A_349 = tpu.memref_slice %arg4[%add3A, %add3A_344, %dma_start3A_348] : memref<32x125x80xi32, #tpu.memory_space<hbm>> -> memref<1x1x80xi32, #tpu.memory_space<hbm>>
      %dma_start3A_350 = tpu.memref_squeeze %dma_start3A_349 : memref<1x1x80xi32, #tpu.memory_space<hbm>> -> memref<1x80xi32, #tpu.memory_space<hbm>>
      tpu.enqueue_dma source(%dma_start3A_350 : memref<1x80xi32, #tpu.memory_space<hbm>>) target(%arg11 : memref<1x80xi32, #tpu.memory_space<vmem>>) target_semaphore(%arg28 : memref<!tpu.dma_semaphore, #tpu.memory_space<semaphore_mem>>)
      %add3A_351 = arith.constant 2 : i32
      %add3A_352 = arith.addi %add3A_256, %add3A_351 : i32
      %add3A_353 = arith.constant 3 : i32
      %add3A_354 = arith.addi %add3A_352, %add3A_353 : i32
      %dma_wait3A_355 = arith.constant 0 : i32
      %dma_wait3A_356 = tpu.memref_slice %arg3[%add3A, %add3A_354, %dma_wait3A_355] : memref<32x125x80xi32, #tpu.memory_space<hbm>> -> memref<1x1x80xi32, #tpu.memory_space<hbm>>
      %dma_wait3A_357 = tpu.memref_squeeze %dma_wait3A_356 : memref<1x1x80xi32, #tpu.memory_space<hbm>> -> memref<1x80xi32, #tpu.memory_space<hbm>>
      %dma_wait3A_358 = arith.constant 0 : i32
      %dma_wait3A_359 = tpu.memref_slice %arg3[%add3A, %add3A_354, %dma_wait3A_358] : memref<32x125x80xi32, #tpu.memory_space<hbm>> -> memref<1x1x80xi32, #tpu.memory_space<hbm>>
      %dma_wait3A_360 = tpu.memref_squeeze %dma_wait3A_359 : memref<1x1x80xi32, #tpu.memory_space<hbm>> -> memref<1x80xi32, #tpu.memory_space<hbm>>
      tpu.wait_dma2 semaphore(%arg20 : memref<!tpu.dma_semaphore, #tpu.memory_space<semaphore_mem>>) src(%dma_wait3A_360 : memref<1x80xi32, #tpu.memory_space<hbm>>) dst(%arg7 : memref<1x80xi32, #tpu.memory_space<vmem>>)
      %dma_start3A_361 = arith.constant 0 : i32
      %dma_start3A_362 = arith.constant 0 : i32
      %dma_start3A_363 = tpu.memref_slice %arg7[%dma_start3A_361, %dma_start3A_362] : memref<1x80xi32, #tpu.memory_space<vmem>> -> memref<1x80xi32, #tpu.memory_space<vmem>>
      %dma_start3A_364 = tpu.memref_squeeze %dma_start3A_363 : memref<1x80xi32, #tpu.memory_space<vmem>> -> memref<80xi32, #tpu.memory_space<vmem>>
      %dma_start3A_365 = arith.constant 0 : i32
      %dma_start3A_366 = arith.constant 0 : i32
      %dma_start3A_367 = tpu.memref_slice %arg2[%dma_start3A_365, %dma_start3A_366] : memref<10000x128xf32, #tpu.memory_space<hbm>> -> memref<10000x128xf32, #tpu.memory_space<hbm>>
      tpu.enqueue_indirect_dma source(%dma_start3A_367 : memref<10000x128xf32, #tpu.memory_space<hbm>>) target(%arg15 : memref<80x128xf32, #tpu.memory_space<vmem>>) offsets(%dma_start3A_364 : memref<80xi32, #tpu.memory_space<vmem>>) semaphore(%arg24 : memref<!tpu.dma_semaphore, #tpu.memory_space<semaphore_mem>>)
      %dma_wait3A_368 = arith.constant 0 : i32
      %dma_wait3A_369 = arith.constant 0 : i32
      %dma_wait3A_370 = tpu.memref_slice %arg8[%dma_wait3A_368, %dma_wait3A_369] : memref<1x80xi32, #tpu.memory_space<vmem>> -> memref<1x80xi32, #tpu.memory_space<vmem>>
      %dma_wait3A_371 = tpu.memref_squeeze %dma_wait3A_370 : memref<1x80xi32, #tpu.memory_space<vmem>> -> memref<80xi32, #tpu.memory_space<vmem>>
      %dma_wait3A_372 = arith.constant 0 : i32
      %dma_wait3A_373 = arith.constant 0 : i32
      %dma_wait3A_374 = tpu.memref_slice %arg2[%dma_wait3A_372, %dma_wait3A_373] : memref<10000x128xf32, #tpu.memory_space<hbm>> -> memref<10000x128xf32, #tpu.memory_space<hbm>>
      tpu.wait_indirect_dma semaphore(%arg25 : memref<!tpu.dma_semaphore, #tpu.memory_space<semaphore_mem>>) src(%dma_wait3A_374 : memref<10000x128xf32, #tpu.memory_space<hbm>>) dst(%arg16 : memref<80x128xf32, #tpu.memory_space<vmem>>)
      %add3A_375 = arith.constant 4 : i32
      %add3A_376 = arith.addi %add3A_352, %add3A_375 : i32
      %dma_start3A_377 = arith.constant 0 : i32
      %dma_start3A_378 = tpu.memref_slice %arg3[%add3A, %add3A_376, %dma_start3A_377] : memref<32x125x80xi32, #tpu.memory_space<hbm>> -> memref<1x1x80xi32, #tpu.memory_space<hbm>>
      %dma_start3A_379 = tpu.memref_squeeze %dma_start3A_378 : memref<1x1x80xi32, #tpu.memory_space<hbm>> -> memref<1x80xi32, #tpu.memory_space<hbm>>
      %dma_start3A_380 = arith.constant 0 : i32
      %dma_start3A_381 = tpu.memref_slice %arg3[%add3A, %add3A_376, %dma_start3A_380] : memref<32x125x80xi32, #tpu.memory_space<hbm>> -> memref<1x1x80xi32, #tpu.memory_space<hbm>>
      %dma_start3A_382 = tpu.memref_squeeze %dma_start3A_381 : memref<1x1x80xi32, #tpu.memory_space<hbm>> -> memref<1x80xi32, #tpu.memory_space<hbm>>
      tpu.enqueue_dma source(%dma_start3A_382 : memref<1x80xi32, #tpu.memory_space<hbm>>) target(%arg8 : memref<1x80xi32, #tpu.memory_space<vmem>>) target_semaphore(%arg21 : memref<!tpu.dma_semaphore, #tpu.memory_space<semaphore_mem>>)
      %dma_wait3A_383 = arith.constant 0 : i32
      %dma_wait3A_384 = tpu.memref_slice %arg4[%add3A, %add3A_352, %dma_wait3A_383] : memref<32x125x80xi32, #tpu.memory_space<hbm>> -> memref<1x1x80xi32, #tpu.memory_space<hbm>>
      %dma_wait3A_385 = tpu.memref_squeeze %dma_wait3A_384 : memref<1x1x80xi32, #tpu.memory_space<hbm>> -> memref<1x80xi32, #tpu.memory_space<hbm>>
      %dma_wait3A_386 = arith.constant 0 : i32
      %dma_wait3A_387 = tpu.memref_slice %arg4[%add3A, %add3A_352, %dma_wait3A_386] : memref<32x125x80xi32, #tpu.memory_space<hbm>> -> memref<1x1x80xi32, #tpu.memory_space<hbm>>
      %dma_wait3A_388 = tpu.memref_squeeze %dma_wait3A_387 : memref<1x1x80xi32, #tpu.memory_space<hbm>> -> memref<1x80xi32, #tpu.memory_space<hbm>>
      tpu.wait_dma2 semaphore(%arg29 : memref<!tpu.dma_semaphore, #tpu.memory_space<semaphore_mem>>) src(%dma_wait3A_388 : memref<1x80xi32, #tpu.memory_space<hbm>>) dst(%arg12 : memref<1x80xi32, #tpu.memory_space<vmem>>)
      %run_scoped3A_389 = arith.constant 0 : i32
      "tpu.region"() ({
        %run_scoped3A_445 = tpu.sem_alloc : memref<!tpu.dma_semaphore, #tpu.memory_space<semaphore_mem>>
        %dma_start3A_446 = arith.constant 0 : i32
        %dma_start3A_447 = tpu.memref_slice %arg12[%run_scoped3A_389, %dma_start3A_446] : memref<1x80xi32, #tpu.memory_space<vmem>> -> memref<1x80xi32, #tpu.memory_space<vmem>>
        %dma_start3A_448 = tpu.memref_squeeze %dma_start3A_447 : memref<1x80xi32, #tpu.memory_space<vmem>> -> memref<80xi32, #tpu.memory_space<vmem>>
        %dma_start3A_449 = arith.constant 0 : i32
        %dma_start3A_450 = arith.constant 0 : i32
        %dma_start3A_451 = tpu.memref_slice %arg31[%dma_start3A_449, %dma_start3A_450] : memref<10240x128xf32, #tpu.memory_space<vmem_shared>> -> memref<10240x128xf32, #tpu.memory_space<vmem_shared>>
        tpu.enqueue_indirect_dma source(%arg16 : memref<80x128xf32, #tpu.memory_space<vmem>>) target(%dma_start3A_451 : memref<10240x128xf32, #tpu.memory_space<vmem_shared>>) offsets(%dma_start3A_448 : memref<80xi32, #tpu.memory_space<vmem>>) semaphore(%run_scoped3A_445 : memref<!tpu.dma_semaphore, #tpu.memory_space<semaphore_mem>>) {add = true}
        %dma_wait3A_452 = arith.constant 0 : i32
        %dma_wait3A_453 = tpu.memref_slice %arg12[%run_scoped3A_389, %dma_wait3A_452] : memref<1x80xi32, #tpu.memory_space<vmem>> -> memref<1x80xi32, #tpu.memory_space<vmem>>
        %dma_wait3A_454 = tpu.memref_squeeze %dma_wait3A_453 : memref<1x80xi32, #tpu.memory_space<vmem>> -> memref<80xi32, #tpu.memory_space<vmem>>
        %dma_wait3A_455 = arith.constant 0 : i32
        %dma_wait3A_456 = arith.constant 0 : i32
        %dma_wait3A_457 = tpu.memref_slice %arg31[%dma_wait3A_455, %dma_wait3A_456] : memref<10240x128xf32, #tpu.memory_space<vmem_shared>> -> memref<10240x128xf32, #tpu.memory_space<vmem_shared>>
        tpu.wait_indirect_dma semaphore(%run_scoped3A_445 : memref<!tpu.dma_semaphore, #tpu.memory_space<semaphore_mem>>) src(%arg16 : memref<80x128xf32, #tpu.memory_space<vmem>>) dst(%dma_wait3A_457 : memref<10240x128xf32, #tpu.memory_space<vmem_shared>>)
        tpu.yield
      }) : () -> ()
      %add3A_390 = arith.constant 4 : i32
      %add3A_391 = arith.addi %add3A_352, %add3A_390 : i32
      %dma_start3A_392 = arith.constant 0 : i32
      %dma_start3A_393 = tpu.memref_slice %arg4[%add3A, %add3A_391, %dma_start3A_392] : memref<32x125x80xi32, #tpu.memory_space<hbm>> -> memref<1x1x80xi32, #tpu.memory_space<hbm>>
      %dma_start3A_394 = tpu.memref_squeeze %dma_start3A_393 : memref<1x1x80xi32, #tpu.memory_space<hbm>> -> memref<1x80xi32, #tpu.memory_space<hbm>>
      %dma_start3A_395 = arith.constant 0 : i32
      %dma_start3A_396 = tpu.memref_slice %arg4[%add3A, %add3A_391, %dma_start3A_395] : memref<32x125x80xi32, #tpu.memory_space<hbm>> -> memref<1x1x80xi32, #tpu.memory_space<hbm>>
      %dma_start3A_397 = tpu.memref_squeeze %dma_start3A_396 : memref<1x1x80xi32, #tpu.memory_space<hbm>> -> memref<1x80xi32, #tpu.memory_space<hbm>>
      tpu.enqueue_dma source(%dma_start3A_397 : memref<1x80xi32, #tpu.memory_space<hbm>>) target(%arg12 : memref<1x80xi32, #tpu.memory_space<vmem>>) target_semaphore(%arg29 : memref<!tpu.dma_semaphore, #tpu.memory_space<semaphore_mem>>)
      %add3A_398 = arith.constant 3 : i32
      %add3A_399 = arith.addi %add3A_256, %add3A_398 : i32
      %add3A_400 = arith.constant 3 : i32
      %add3A_401 = arith.addi %add3A_399, %add3A_400 : i32
      %dma_wait3A_402 = arith.constant 0 : i32
      %dma_wait3A_403 = tpu.memref_slice %arg3[%add3A, %add3A_401, %dma_wait3A_402] : memref<32x125x80xi32, #tpu.memory_space<hbm>> -> memref<1x1x80xi32, #tpu.memory_space<hbm>>
      %dma_wait3A_404 = tpu.memref_squeeze %dma_wait3A_403 : memref<1x1x80xi32, #tpu.memory_space<hbm>> -> memref<1x80xi32, #tpu.memory_space<hbm>>
      %dma_wait3A_405 = arith.constant 0 : i32
      %dma_wait3A_406 = tpu.memref_slice %arg3[%add3A, %add3A_401, %dma_wait3A_405] : memref<32x125x80xi32, #tpu.memory_space<hbm>> -> memref<1x1x80xi32, #tpu.memory_space<hbm>>
      %dma_wait3A_407 = tpu.memref_squeeze %dma_wait3A_406 : memref<1x1x80xi32, #tpu.memory_space<hbm>> -> memref<1x80xi32, #tpu.memory_space<hbm>>
      tpu.wait_dma2 semaphore(%arg21 : memref<!tpu.dma_semaphore, #tpu.memory_space<semaphore_mem>>) src(%dma_wait3A_407 : memref<1x80xi32, #tpu.memory_space<hbm>>) dst(%arg8 : memref<1x80xi32, #tpu.memory_space<vmem>>)
      %dma_start3A_408 = arith.constant 0 : i32
      %dma_start3A_409 = arith.constant 0 : i32
      %dma_start3A_410 = tpu.memref_slice %arg8[%dma_start3A_408, %dma_start3A_409] : memref<1x80xi32, #tpu.memory_space<vmem>> -> memref<1x80xi32, #tpu.memory_space<vmem>>
      %dma_start3A_411 = tpu.memref_squeeze %dma_start3A_410 : memref<1x80xi32, #tpu.memory_space<vmem>> -> memref<80xi32, #tpu.memory_space<vmem>>
      %dma_start3A_412 = arith.constant 0 : i32
      %dma_start3A_413 = arith.constant 0 : i32
      %dma_start3A_414 = tpu.memref_slice %arg2[%dma_start3A_412, %dma_start3A_413] : memref<10000x128xf32, #tpu.memory_space<hbm>> -> memref<10000x128xf32, #tpu.memory_space<hbm>>
      tpu.enqueue_indirect_dma source(%dma_start3A_414 : memref<10000x128xf32, #tpu.memory_space<hbm>>) target(%arg16 : memref<80x128xf32, #tpu.memory_space<vmem>>) offsets(%dma_start3A_411 : memref<80xi32, #tpu.memory_space<vmem>>) semaphore(%arg25 : memref<!tpu.dma_semaphore, #tpu.memory_space<semaphore_mem>>)
      %dma_wait3A_415 = arith.constant 0 : i32
      %dma_wait3A_416 = arith.constant 0 : i32
      %dma_wait3A_417 = tpu.memref_slice %arg9[%dma_wait3A_415, %dma_wait3A_416] : memref<1x80xi32, #tpu.memory_space<vmem>> -> memref<1x80xi32, #tpu.memory_space<vmem>>
      %dma_wait3A_418 = tpu.memref_squeeze %dma_wait3A_417 : memref<1x80xi32, #tpu.memory_space<vmem>> -> memref<80xi32, #tpu.memory_space<vmem>>
      %dma_wait3A_419 = arith.constant 0 : i32
      %dma_wait3A_420 = arith.constant 0 : i32
      %dma_wait3A_421 = tpu.memref_slice %arg2[%dma_wait3A_419, %dma_wait3A_420] : memref<10000x128xf32, #tpu.memory_space<hbm>> -> memref<10000x128xf32, #tpu.memory_space<hbm>>
      tpu.wait_indirect_dma semaphore(%arg26 : memref<!tpu.dma_semaphore, #tpu.memory_space<semaphore_mem>>) src(%dma_wait3A_421 : memref<10000x128xf32, #tpu.memory_space<hbm>>) dst(%arg17 : memref<80x128xf32, #tpu.memory_space<vmem>>)
      %add3A_422 = arith.constant 4 : i32
      %add3A_423 = arith.addi %add3A_399, %add3A_422 : i32
      %dma_start3A_424 = arith.constant 0 : i32
      %dma_start3A_425 = tpu.memref_slice %arg3[%add3A, %add3A_423, %dma_start3A_424] : memref<32x125x80xi32, #tpu.memory_space<hbm>> -> memref<1x1x80xi32, #tpu.memory_space<hbm>>
      %dma_start3A_426 = tpu.memref_squeeze %dma_start3A_425 : memref<1x1x80xi32, #tpu.memory_space<hbm>> -> memref<1x80xi32, #tpu.memory_space<hbm>>
      %dma_start3A_427 = arith.constant 0 : i32
      %dma_start3A_428 = tpu.memref_slice %arg3[%add3A, %add3A_423, %dma_start3A_427] : memref<32x125x80xi32, #tpu.memory_space<hbm>> -> memref<1x1x80xi32, #tpu.memory_space<hbm>>
      %dma_start3A_429 = tpu.memref_squeeze %dma_start3A_428 : memref<1x1x80xi32, #tpu.memory_space<hbm>> -> memref<1x80xi32, #tpu.memory_space<hbm>>
      tpu.enqueue_dma source(%dma_start3A_429 : memref<1x80xi32, #tpu.memory_space<hbm>>) target(%arg9 : memref<1x80xi32, #tpu.memory_space<vmem>>) target_semaphore(%arg22 : memref<!tpu.dma_semaphore, #tpu.memory_space<semaphore_mem>>)
      %dma_wait3A_430 = arith.constant 0 : i32
      %dma_wait3A_431 = tpu.memref_slice %arg4[%add3A, %add3A_399, %dma_wait3A_430] : memref<32x125x80xi32, #tpu.memory_space<hbm>> -> memref<1x1x80xi32, #tpu.memory_space<hbm>>
      %dma_wait3A_432 = tpu.memref_squeeze %dma_wait3A_431 : memref<1x1x80xi32, #tpu.memory_space<hbm>> -> memref<1x80xi32, #tpu.memory_space<hbm>>
      %dma_wait3A_433 = arith.constant 0 : i32
      %dma_wait3A_434 = tpu.memref_slice %arg4[%add3A, %add3A_399, %dma_wait3A_433] : memref<32x125x80xi32, #tpu.memory_space<hbm>> -> memref<1x1x80xi32, #tpu.memory_space<hbm>>
      %dma_wait3A_435 = tpu.memref_squeeze %dma_wait3A_434 : memref<1x1x80xi32, #tpu.memory_space<hbm>> -> memref<1x80xi32, #tpu.memory_space<hbm>>
      tpu.wait_dma2 semaphore(%arg30 : memref<!tpu.dma_semaphore, #tpu.memory_space<semaphore_mem>>) src(%dma_wait3A_435 : memref<1x80xi32, #tpu.memory_space<hbm>>) dst(%arg13 : memref<1x80xi32, #tpu.memory_space<vmem>>)
      %run_scoped3A_436 = arith.constant 0 : i32
      "tpu.region"() ({
        %run_scoped3A_445 = tpu.sem_alloc : memref<!tpu.dma_semaphore, #tpu.memory_space<semaphore_mem>>
        %dma_start3A_446 = arith.constant 0 : i32
        %dma_start3A_447 = tpu.memref_slice %arg13[%run_scoped3A_436, %dma_start3A_446] : memref<1x80xi32, #tpu.memory_space<vmem>> -> memref<1x80xi32, #tpu.memory_space<vmem>>
        %dma_start3A_448 = tpu.memref_squeeze %dma_start3A_447 : memref<1x80xi32, #tpu.memory_space<vmem>> -> memref<80xi32, #tpu.memory_space<vmem>>
        %dma_start3A_449 = arith.constant 0 : i32
        %dma_start3A_450 = arith.constant 0 : i32
        %dma_start3A_451 = tpu.memref_slice %arg31[%dma_start3A_449, %dma_start3A_450] : memref<10240x128xf32, #tpu.memory_space<vmem_shared>> -> memref<10240x128xf32, #tpu.memory_space<vmem_shared>>
        tpu.enqueue_indirect_dma source(%arg17 : memref<80x128xf32, #tpu.memory_space<vmem>>) target(%dma_start3A_451 : memref<10240x128xf32, #tpu.memory_space<vmem_shared>>) offsets(%dma_start3A_448 : memref<80xi32, #tpu.memory_space<vmem>>) semaphore(%run_scoped3A_445 : memref<!tpu.dma_semaphore, #tpu.memory_space<semaphore_mem>>) {add = true}
        %dma_wait3A_452 = arith.constant 0 : i32
        %dma_wait3A_453 = tpu.memref_slice %arg13[%run_scoped3A_436, %dma_wait3A_452] : memref<1x80xi32, #tpu.memory_space<vmem>> -> memref<1x80xi32, #tpu.memory_space<vmem>>
        %dma_wait3A_454 = tpu.memref_squeeze %dma_wait3A_453 : memref<1x80xi32, #tpu.memory_space<vmem>> -> memref<80xi32, #tpu.memory_space<vmem>>
        %dma_wait3A_455 = arith.constant 0 : i32
        %dma_wait3A_456 = arith.constant 0 : i32
        %dma_wait3A_457 = tpu.memref_slice %arg31[%dma_wait3A_455, %dma_wait3A_456] : memref<10240x128xf32, #tpu.memory_space<vmem_shared>> -> memref<10240x128xf32, #tpu.memory_space<vmem_shared>>
        tpu.wait_indirect_dma semaphore(%run_scoped3A_445 : memref<!tpu.dma_semaphore, #tpu.memory_space<semaphore_mem>>) src(%arg17 : memref<80x128xf32, #tpu.memory_space<vmem>>) dst(%dma_wait3A_457 : memref<10240x128xf32, #tpu.memory_space<vmem_shared>>)
        tpu.yield
      }) : () -> ()
      %add3A_437 = arith.constant 4 : i32
      %add3A_438 = arith.addi %add3A_399, %add3A_437 : i32
      %dma_start3A_439 = arith.constant 0 : i32
      %dma_start3A_440 = tpu.memref_slice %arg4[%add3A, %add3A_438, %dma_start3A_439] : memref<32x125x80xi32, #tpu.memory_space<hbm>> -> memref<1x1x80xi32, #tpu.memory_space<hbm>>
      %dma_start3A_441 = tpu.memref_squeeze %dma_start3A_440 : memref<1x1x80xi32, #tpu.memory_space<hbm>> -> memref<1x80xi32, #tpu.memory_space<hbm>>
      %dma_start3A_442 = arith.constant 0 : i32
      %dma_start3A_443 = tpu.memref_slice %arg4[%add3A, %add3A_438, %dma_start3A_442] : memref<32x125x80xi32, #tpu.memory_space<hbm>> -> memref<1x1x80xi32, #tpu.memory_space<hbm>>
      %dma_start3A_444 = tpu.memref_squeeze %dma_start3A_443 : memref<1x1x80xi32, #tpu.memory_space<hbm>> -> memref<1x80xi32, #tpu.memory_space<hbm>>
      tpu.enqueue_dma source(%dma_start3A_444 : memref<1x80xi32, #tpu.memory_space<hbm>>) target(%arg13 : memref<1x80xi32, #tpu.memory_space<vmem>>) target_semaphore(%arg30 : memref<!tpu.dma_semaphore, #tpu.memory_space<semaphore_mem>>)
    }
    %scan3A_121 = arith.constant 30 : i32
    %dma_wait3A_122 = arith.constant 123 : i32
    %dma_wait3A_123 = arith.constant 0 : i32
    %dma_wait3A_124 = tpu.memref_slice %arg3[%add3A, %dma_wait3A_122, %dma_wait3A_123] : memref<32x125x80xi32, #tpu.memory_space<hbm>> -> memref<1x1x80xi32, #tpu.memory_space<hbm>>
    %dma_wait3A_125 = tpu.memref_squeeze %dma_wait3A_124 : memref<1x1x80xi32, #tpu.memory_space<hbm>> -> memref<1x80xi32, #tpu.memory_space<hbm>>
    %dma_wait3A_126 = arith.constant 123 : i32
    %dma_wait3A_127 = arith.constant 0 : i32
    %dma_wait3A_128 = tpu.memref_slice %arg3[%add3A, %dma_wait3A_126, %dma_wait3A_127] : memref<32x125x80xi32, #tpu.memory_space<hbm>> -> memref<1x1x80xi32, #tpu.memory_space<hbm>>
    %dma_wait3A_129 = tpu.memref_squeeze %dma_wait3A_128 : memref<1x1x80xi32, #tpu.memory_space<hbm>> -> memref<1x80xi32, #tpu.memory_space<hbm>>
    tpu.wait_dma2 semaphore(%arg22 : memref<!tpu.dma_semaphore, #tpu.memory_space<semaphore_mem>>) src(%dma_wait3A_129 : memref<1x80xi32, #tpu.memory_space<hbm>>) dst(%arg9 : memref<1x80xi32, #tpu.memory_space<vmem>>)
    %dma_start3A_130 = arith.constant 0 : i32
    %dma_start3A_131 = arith.constant 0 : i32
    %dma_start3A_132 = tpu.memref_slice %arg9[%dma_start3A_130, %dma_start3A_131] : memref<1x80xi32, #tpu.memory_space<vmem>> -> memref<1x80xi32, #tpu.memory_space<vmem>>
    %dma_start3A_133 = tpu.memref_squeeze %dma_start3A_132 : memref<1x80xi32, #tpu.memory_space<vmem>> -> memref<80xi32, #tpu.memory_space<vmem>>
    %dma_start3A_134 = arith.constant 0 : i32
    %dma_start3A_135 = arith.constant 0 : i32
    %dma_start3A_136 = tpu.memref_slice %arg2[%dma_start3A_134, %dma_start3A_135] : memref<10000x128xf32, #tpu.memory_space<hbm>> -> memref<10000x128xf32, #tpu.memory_space<hbm>>
    tpu.enqueue_indirect_dma source(%dma_start3A_136 : memref<10000x128xf32, #tpu.memory_space<hbm>>) target(%arg17 : memref<80x128xf32, #tpu.memory_space<vmem>>) offsets(%dma_start3A_133 : memref<80xi32, #tpu.memory_space<vmem>>) semaphore(%arg26 : memref<!tpu.dma_semaphore, #tpu.memory_space<semaphore_mem>>)
    %dma_wait3A_137 = arith.constant 0 : i32
    %dma_wait3A_138 = arith.constant 0 : i32
    %dma_wait3A_139 = tpu.memref_slice %arg6[%dma_wait3A_137, %dma_wait3A_138] : memref<1x80xi32, #tpu.memory_space<vmem>> -> memref<1x80xi32, #tpu.memory_space<vmem>>
    %dma_wait3A_140 = tpu.memref_squeeze %dma_wait3A_139 : memref<1x80xi32, #tpu.memory_space<vmem>> -> memref<80xi32, #tpu.memory_space<vmem>>
    %dma_wait3A_141 = arith.constant 0 : i32
    %dma_wait3A_142 = arith.constant 0 : i32
    %dma_wait3A_143 = tpu.memref_slice %arg2[%dma_wait3A_141, %dma_wait3A_142] : memref<10000x128xf32, #tpu.memory_space<hbm>> -> memref<10000x128xf32, #tpu.memory_space<hbm>>
    tpu.wait_indirect_dma semaphore(%arg23 : memref<!tpu.dma_semaphore, #tpu.memory_space<semaphore_mem>>) src(%dma_wait3A_143 : memref<10000x128xf32, #tpu.memory_space<hbm>>) dst(%arg14 : memref<80x128xf32, #tpu.memory_space<vmem>>)
    %dma_start3A_144 = arith.constant 124 : i32
    %dma_start3A_145 = arith.constant 0 : i32
    %dma_start3A_146 = tpu.memref_slice %arg3[%add3A, %dma_start3A_144, %dma_start3A_145] : memref<32x125x80xi32, #tpu.memory_space<hbm>> -> memref<1x1x80xi32, #tpu.memory_space<hbm>>
    %dma_start3A_147 = tpu.memref_squeeze %dma_start3A_146 : memref<1x1x80xi32, #tpu.memory_space<hbm>> -> memref<1x80xi32, #tpu.memory_space<hbm>>
    %dma_start3A_148 = arith.constant 124 : i32
    %dma_start3A_149 = arith.constant 0 : i32
    %dma_start3A_150 = tpu.memref_slice %arg3[%add3A, %dma_start3A_148, %dma_start3A_149] : memref<32x125x80xi32, #tpu.memory_space<hbm>> -> memref<1x1x80xi32, #tpu.memory_space<hbm>>
    %dma_start3A_151 = tpu.memref_squeeze %dma_start3A_150 : memref<1x1x80xi32, #tpu.memory_space<hbm>> -> memref<1x80xi32, #tpu.memory_space<hbm>>
    tpu.enqueue_dma source(%dma_start3A_151 : memref<1x80xi32, #tpu.memory_space<hbm>>) target(%arg6 : memref<1x80xi32, #tpu.memory_space<vmem>>) target_semaphore(%arg19 : memref<!tpu.dma_semaphore, #tpu.memory_space<semaphore_mem>>)
    %dma_wait3A_152 = arith.constant 120 : i32
    %dma_wait3A_153 = arith.constant 0 : i32
    %dma_wait3A_154 = tpu.memref_slice %arg4[%add3A, %dma_wait3A_152, %dma_wait3A_153] : memref<32x125x80xi32, #tpu.memory_space<hbm>> -> memref<1x1x80xi32, #tpu.memory_space<hbm>>
    %dma_wait3A_155 = tpu.memref_squeeze %dma_wait3A_154 : memref<1x1x80xi32, #tpu.memory_space<hbm>> -> memref<1x80xi32, #tpu.memory_space<hbm>>
    %dma_wait3A_156 = arith.constant 120 : i32
    %dma_wait3A_157 = arith.constant 0 : i32
    %dma_wait3A_158 = tpu.memref_slice %arg4[%add3A, %dma_wait3A_156, %dma_wait3A_157] : memref<32x125x80xi32, #tpu.memory_space<hbm>> -> memref<1x1x80xi32, #tpu.memory_space<hbm>>
    %dma_wait3A_159 = tpu.memref_squeeze %dma_wait3A_158 : memref<1x1x80xi32, #tpu.memory_space<hbm>> -> memref<1x80xi32, #tpu.memory_space<hbm>>
    tpu.wait_dma2 semaphore(%arg27 : memref<!tpu.dma_semaphore, #tpu.memory_space<semaphore_mem>>) src(%dma_wait3A_159 : memref<1x80xi32, #tpu.memory_space<hbm>>) dst(%arg10 : memref<1x80xi32, #tpu.memory_space<vmem>>)
    %run_scoped3A = arith.constant 0 : i32
    "tpu.region"() ({
      %run_scoped3A_252 = tpu.sem_alloc : memref<!tpu.dma_semaphore, #tpu.memory_space<semaphore_mem>>
      %dma_start3A_253 = arith.constant 0 : i32
      %dma_start3A_254 = tpu.memref_slice %arg10[%run_scoped3A, %dma_start3A_253] : memref<1x80xi32, #tpu.memory_space<vmem>> -> memref<1x80xi32, #tpu.memory_space<vmem>>
      %dma_start3A_255 = tpu.memref_squeeze %dma_start3A_254 : memref<1x80xi32, #tpu.memory_space<vmem>> -> memref<80xi32, #tpu.memory_space<vmem>>
      %dma_start3A_256 = arith.constant 0 : i32
      %dma_start3A_257 = arith.constant 0 : i32
      %dma_start3A_258 = tpu.memref_slice %arg31[%dma_start3A_256, %dma_start3A_257] : memref<10240x128xf32, #tpu.memory_space<vmem_shared>> -> memref<10240x128xf32, #tpu.memory_space<vmem_shared>>
      tpu.enqueue_indirect_dma source(%arg14 : memref<80x128xf32, #tpu.memory_space<vmem>>) target(%dma_start3A_258 : memref<10240x128xf32, #tpu.memory_space<vmem_shared>>) offsets(%dma_start3A_255 : memref<80xi32, #tpu.memory_space<vmem>>) semaphore(%run_scoped3A_252 : memref<!tpu.dma_semaphore, #tpu.memory_space<semaphore_mem>>) {add = true}
      %dma_wait3A_259 = arith.constant 0 : i32
      %dma_wait3A_260 = tpu.memref_slice %arg10[%run_scoped3A, %dma_wait3A_259] : memref<1x80xi32, #tpu.memory_space<vmem>> -> memref<1x80xi32, #tpu.memory_space<vmem>>
      %dma_wait3A_261 = tpu.memref_squeeze %dma_wait3A_260 : memref<1x80xi32, #tpu.memory_space<vmem>> -> memref<80xi32, #tpu.memory_space<vmem>>
      %dma_wait3A_262 = arith.constant 0 : i32
      %dma_wait3A_263 = arith.constant 0 : i32
      %dma_wait3A_264 = tpu.memref_slice %arg31[%dma_wait3A_262, %dma_wait3A_263] : memref<10240x128xf32, #tpu.memory_space<vmem_shared>> -> memref<10240x128xf32, #tpu.memory_space<vmem_shared>>
      tpu.wait_indirect_dma semaphore(%run_scoped3A_252 : memref<!tpu.dma_semaphore, #tpu.memory_space<semaphore_mem>>) src(%arg14 : memref<80x128xf32, #tpu.memory_space<vmem>>) dst(%dma_wait3A_264 : memref<10240x128xf32, #tpu.memory_space<vmem_shared>>)
      tpu.yield
    }) : () -> ()
    %dma_start3A_160 = arith.constant 124 : i32
    %dma_start3A_161 = arith.constant 0 : i32
    %dma_start3A_162 = tpu.memref_slice %arg4[%add3A, %dma_start3A_160, %dma_start3A_161] : memref<32x125x80xi32, #tpu.memory_space<hbm>> -> memref<1x1x80xi32, #tpu.memory_space<hbm>>
    %dma_start3A_163 = tpu.memref_squeeze %dma_start3A_162 : memref<1x1x80xi32, #tpu.memory_space<hbm>> -> memref<1x80xi32, #tpu.memory_space<hbm>>
    %dma_start3A_164 = arith.constant 124 : i32
    %dma_start3A_165 = arith.constant 0 : i32
    %dma_start3A_166 = tpu.memref_slice %arg4[%add3A, %dma_start3A_164, %dma_start3A_165] : memref<32x125x80xi32, #tpu.memory_space<hbm>> -> memref<1x1x80xi32, #tpu.memory_space<hbm>>
    %dma_start3A_167 = tpu.memref_squeeze %dma_start3A_166 : memref<1x1x80xi32, #tpu.memory_space<hbm>> -> memref<1x80xi32, #tpu.memory_space<hbm>>
    tpu.enqueue_dma source(%dma_start3A_167 : memref<1x80xi32, #tpu.memory_space<hbm>>) target(%arg10 : memref<1x80xi32, #tpu.memory_space<vmem>>) target_semaphore(%arg27 : memref<!tpu.dma_semaphore, #tpu.memory_space<semaphore_mem>>)
    %dma_wait3A_168 = arith.constant 124 : i32
    %dma_wait3A_169 = arith.constant 0 : i32
    %dma_wait3A_170 = tpu.memref_slice %arg3[%add3A, %dma_wait3A_168, %dma_wait3A_169] : memref<32x125x80xi32, #tpu.memory_space<hbm>> -> memref<1x1x80xi32, #tpu.memory_space<hbm>>
    %dma_wait3A_171 = tpu.memref_squeeze %dma_wait3A_170 : memref<1x1x80xi32, #tpu.memory_space<hbm>> -> memref<1x80xi32, #tpu.memory_space<hbm>>
    %dma_wait3A_172 = arith.constant 124 : i32
    %dma_wait3A_173 = arith.constant 0 : i32
    %dma_wait3A_174 = tpu.memref_slice %arg3[%add3A, %dma_wait3A_172, %dma_wait3A_173] : memref<32x125x80xi32, #tpu.memory_space<hbm>> -> memref<1x1x80xi32, #tpu.memory_space<hbm>>
    %dma_wait3A_175 = tpu.memref_squeeze %dma_wait3A_174 : memref<1x1x80xi32, #tpu.memory_space<hbm>> -> memref<1x80xi32, #tpu.memory_space<hbm>>
    tpu.wait_dma2 semaphore(%arg19 : memref<!tpu.dma_semaphore, #tpu.memory_space<semaphore_mem>>) src(%dma_wait3A_175 : memref<1x80xi32, #tpu.memory_space<hbm>>) dst(%arg6 : memref<1x80xi32, #tpu.memory_space<vmem>>)
    %dma_start3A_176 = arith.constant 0 : i32
    %dma_start3A_177 = arith.constant 0 : i32
    %dma_start3A_178 = tpu.memref_slice %arg6[%dma_start3A_176, %dma_start3A_177] : memref<1x80xi32, #tpu.memory_space<vmem>> -> memref<1x80xi32, #tpu.memory_space<vmem>>
    %dma_start3A_179 = tpu.memref_squeeze %dma_start3A_178 : memref<1x80xi32, #tpu.memory_space<vmem>> -> memref<80xi32, #tpu.memory_space<vmem>>
    %dma_start3A_180 = arith.constant 0 : i32
    %dma_start3A_181 = arith.constant 0 : i32
    %dma_start3A_182 = tpu.memref_slice %arg2[%dma_start3A_180, %dma_start3A_181] : memref<10000x128xf32, #tpu.memory_space<hbm>> -> memref<10000x128xf32, #tpu.memory_space<hbm>>
    tpu.enqueue_indirect_dma source(%dma_start3A_182 : memref<10000x128xf32, #tpu.memory_space<hbm>>) target(%arg14 : memref<80x128xf32, #tpu.memory_space<vmem>>) offsets(%dma_start3A_179 : memref<80xi32, #tpu.memory_space<vmem>>) semaphore(%arg23 : memref<!tpu.dma_semaphore, #tpu.memory_space<semaphore_mem>>)
    %dma_wait3A_183 = arith.constant 0 : i32
    %dma_wait3A_184 = arith.constant 0 : i32
    %dma_wait3A_185 = tpu.memref_slice %arg7[%dma_wait3A_183, %dma_wait3A_184] : memref<1x80xi32, #tpu.memory_space<vmem>> -> memref<1x80xi32, #tpu.memory_space<vmem>>
    %dma_wait3A_186 = tpu.memref_squeeze %dma_wait3A_185 : memref<1x80xi32, #tpu.memory_space<vmem>> -> memref<80xi32, #tpu.memory_space<vmem>>
    %dma_wait3A_187 = arith.constant 0 : i32
    %dma_wait3A_188 = arith.constant 0 : i32
    %dma_wait3A_189 = tpu.memref_slice %arg2[%dma_wait3A_187, %dma_wait3A_188] : memref<10000x128xf32, #tpu.memory_space<hbm>> -> memref<10000x128xf32, #tpu.memory_space<hbm>>
    tpu.wait_indirect_dma semaphore(%arg24 : memref<!tpu.dma_semaphore, #tpu.memory_space<semaphore_mem>>) src(%dma_wait3A_189 : memref<10000x128xf32, #tpu.memory_space<hbm>>) dst(%arg15 : memref<80x128xf32, #tpu.memory_space<vmem>>)
    %dma_wait3A_190 = arith.constant 121 : i32
    %dma_wait3A_191 = arith.constant 0 : i32
    %dma_wait3A_192 = tpu.memref_slice %arg4[%add3A, %dma_wait3A_190, %dma_wait3A_191] : memref<32x125x80xi32, #tpu.memory_space<hbm>> -> memref<1x1x80xi32, #tpu.memory_space<hbm>>
    %dma_wait3A_193 = tpu.memref_squeeze %dma_wait3A_192 : memref<1x1x80xi32, #tpu.memory_space<hbm>> -> memref<1x80xi32, #tpu.memory_space<hbm>>
    %dma_wait3A_194 = arith.constant 121 : i32
    %dma_wait3A_195 = arith.constant 0 : i32
    %dma_wait3A_196 = tpu.memref_slice %arg4[%add3A, %dma_wait3A_194, %dma_wait3A_195] : memref<32x125x80xi32, #tpu.memory_space<hbm>> -> memref<1x1x80xi32, #tpu.memory_space<hbm>>
    %dma_wait3A_197 = tpu.memref_squeeze %dma_wait3A_196 : memref<1x1x80xi32, #tpu.memory_space<hbm>> -> memref<1x80xi32, #tpu.memory_space<hbm>>
    tpu.wait_dma2 semaphore(%arg28 : memref<!tpu.dma_semaphore, #tpu.memory_space<semaphore_mem>>) src(%dma_wait3A_197 : memref<1x80xi32, #tpu.memory_space<hbm>>) dst(%arg11 : memref<1x80xi32, #tpu.memory_space<vmem>>)
    %run_scoped3A_198 = arith.constant 0 : i32
    "tpu.region"() ({
      %run_scoped3A_252 = tpu.sem_alloc : memref<!tpu.dma_semaphore, #tpu.memory_space<semaphore_mem>>
      %dma_start3A_253 = arith.constant 0 : i32
      %dma_start3A_254 = tpu.memref_slice %arg11[%run_scoped3A_198, %dma_start3A_253] : memref<1x80xi32, #tpu.memory_space<vmem>> -> memref<1x80xi32, #tpu.memory_space<vmem>>
      %dma_start3A_255 = tpu.memref_squeeze %dma_start3A_254 : memref<1x80xi32, #tpu.memory_space<vmem>> -> memref<80xi32, #tpu.memory_space<vmem>>
      %dma_start3A_256 = arith.constant 0 : i32
      %dma_start3A_257 = arith.constant 0 : i32
      %dma_start3A_258 = tpu.memref_slice %arg31[%dma_start3A_256, %dma_start3A_257] : memref<10240x128xf32, #tpu.memory_space<vmem_shared>> -> memref<10240x128xf32, #tpu.memory_space<vmem_shared>>
      tpu.enqueue_indirect_dma source(%arg15 : memref<80x128xf32, #tpu.memory_space<vmem>>) target(%dma_start3A_258 : memref<10240x128xf32, #tpu.memory_space<vmem_shared>>) offsets(%dma_start3A_255 : memref<80xi32, #tpu.memory_space<vmem>>) semaphore(%run_scoped3A_252 : memref<!tpu.dma_semaphore, #tpu.memory_space<semaphore_mem>>) {add = true}
      %dma_wait3A_259 = arith.constant 0 : i32
      %dma_wait3A_260 = tpu.memref_slice %arg11[%run_scoped3A_198, %dma_wait3A_259] : memref<1x80xi32, #tpu.memory_space<vmem>> -> memref<1x80xi32, #tpu.memory_space<vmem>>
      %dma_wait3A_261 = tpu.memref_squeeze %dma_wait3A_260 : memref<1x80xi32, #tpu.memory_space<vmem>> -> memref<80xi32, #tpu.memory_space<vmem>>
      %dma_wait3A_262 = arith.constant 0 : i32
      %dma_wait3A_263 = arith.constant 0 : i32
      %dma_wait3A_264 = tpu.memref_slice %arg31[%dma_wait3A_262, %dma_wait3A_263] : memref<10240x128xf32, #tpu.memory_space<vmem_shared>> -> memref<10240x128xf32, #tpu.memory_space<vmem_shared>>
      tpu.wait_indirect_dma semaphore(%run_scoped3A_252 : memref<!tpu.dma_semaphore, #tpu.memory_space<semaphore_mem>>) src(%arg15 : memref<80x128xf32, #tpu.memory_space<vmem>>) dst(%dma_wait3A_264 : memref<10240x128xf32, #tpu.memory_space<vmem_shared>>)
      tpu.yield
    }) : () -> ()
    %dma_wait3A_199 = arith.constant 0 : i32
    %dma_wait3A_200 = arith.constant 0 : i32
    %dma_wait3A_201 = tpu.memref_slice %arg8[%dma_wait3A_199, %dma_wait3A_200] : memref<1x80xi32, #tpu.memory_space<vmem>> -> memref<1x80xi32, #tpu.memory_space<vmem>>
    %dma_wait3A_202 = tpu.memref_squeeze %dma_wait3A_201 : memref<1x80xi32, #tpu.memory_space<vmem>> -> memref<80xi32, #tpu.memory_space<vmem>>
    %dma_wait3A_203 = arith.constant 0 : i32
    %dma_wait3A_204 = arith.constant 0 : i32
    %dma_wait3A_205 = tpu.memref_slice %arg2[%dma_wait3A_203, %dma_wait3A_204] : memref<10000x128xf32, #tpu.memory_space<hbm>> -> memref<10000x128xf32, #tpu.memory_space<hbm>>
    tpu.wait_indirect_dma semaphore(%arg25 : memref<!tpu.dma_semaphore, #tpu.memory_space<semaphore_mem>>) src(%dma_wait3A_205 : memref<10000x128xf32, #tpu.memory_space<hbm>>) dst(%arg16 : memref<80x128xf32, #tpu.memory_space<vmem>>)
    %dma_wait3A_206 = arith.constant 122 : i32
    %dma_wait3A_207 = arith.constant 0 : i32
    %dma_wait3A_208 = tpu.memref_slice %arg4[%add3A, %dma_wait3A_206, %dma_wait3A_207] : memref<32x125x80xi32, #tpu.memory_space<hbm>> -> memref<1x1x80xi32, #tpu.memory_space<hbm>>
    %dma_wait3A_209 = tpu.memref_squeeze %dma_wait3A_208 : memref<1x1x80xi32, #tpu.memory_space<hbm>> -> memref<1x80xi32, #tpu.memory_space<hbm>>
    %dma_wait3A_210 = arith.constant 122 : i32
    %dma_wait3A_211 = arith.constant 0 : i32
    %dma_wait3A_212 = tpu.memref_slice %arg4[%add3A, %dma_wait3A_210, %dma_wait3A_211] : memref<32x125x80xi32, #tpu.memory_space<hbm>> -> memref<1x1x80xi32, #tpu.memory_space<hbm>>
    %dma_wait3A_213 = tpu.memref_squeeze %dma_wait3A_212 : memref<1x1x80xi32, #tpu.memory_space<hbm>> -> memref<1x80xi32, #tpu.memory_space<hbm>>
    tpu.wait_dma2 semaphore(%arg29 : memref<!tpu.dma_semaphore, #tpu.memory_space<semaphore_mem>>) src(%dma_wait3A_213 : memref<1x80xi32, #tpu.memory_space<hbm>>) dst(%arg12 : memref<1x80xi32, #tpu.memory_space<vmem>>)
    %run_scoped3A_214 = arith.constant 0 : i32
    "tpu.region"() ({
      %run_scoped3A_252 = tpu.sem_alloc : memref<!tpu.dma_semaphore, #tpu.memory_space<semaphore_mem>>
      %dma_start3A_253 = arith.constant 0 : i32
      %dma_start3A_254 = tpu.memref_slice %arg12[%run_scoped3A_214, %dma_start3A_253] : memref<1x80xi32, #tpu.memory_space<vmem>> -> memref<1x80xi32, #tpu.memory_space<vmem>>
      %dma_start3A_255 = tpu.memref_squeeze %dma_start3A_254 : memref<1x80xi32, #tpu.memory_space<vmem>> -> memref<80xi32, #tpu.memory_space<vmem>>
      %dma_start3A_256 = arith.constant 0 : i32
      %dma_start3A_257 = arith.constant 0 : i32
      %dma_start3A_258 = tpu.memref_slice %arg31[%dma_start3A_256, %dma_start3A_257] : memref<10240x128xf32, #tpu.memory_space<vmem_shared>> -> memref<10240x128xf32, #tpu.memory_space<vmem_shared>>
      tpu.enqueue_indirect_dma source(%arg16 : memref<80x128xf32, #tpu.memory_space<vmem>>) target(%dma_start3A_258 : memref<10240x128xf32, #tpu.memory_space<vmem_shared>>) offsets(%dma_start3A_255 : memref<80xi32, #tpu.memory_space<vmem>>) semaphore(%run_scoped3A_252 : memref<!tpu.dma_semaphore, #tpu.memory_space<semaphore_mem>>) {add = true}
      %dma_wait3A_259 = arith.constant 0 : i32
      %dma_wait3A_260 = tpu.memref_slice %arg12[%run_scoped3A_214, %dma_wait3A_259] : memref<1x80xi32, #tpu.memory_space<vmem>> -> memref<1x80xi32, #tpu.memory_space<vmem>>
      %dma_wait3A_261 = tpu.memref_squeeze %dma_wait3A_260 : memref<1x80xi32, #tpu.memory_space<vmem>> -> memref<80xi32, #tpu.memory_space<vmem>>
      %dma_wait3A_262 = arith.constant 0 : i32
      %dma_wait3A_263 = arith.constant 0 : i32
      %dma_wait3A_264 = tpu.memref_slice %arg31[%dma_wait3A_262, %dma_wait3A_263] : memref<10240x128xf32, #tpu.memory_space<vmem_shared>> -> memref<10240x128xf32, #tpu.memory_space<vmem_shared>>
      tpu.wait_indirect_dma semaphore(%run_scoped3A_252 : memref<!tpu.dma_semaphore, #tpu.memory_space<semaphore_mem>>) src(%arg16 : memref<80x128xf32, #tpu.memory_space<vmem>>) dst(%dma_wait3A_264 : memref<10240x128xf32, #tpu.memory_space<vmem_shared>>)
      tpu.yield
    }) : () -> ()
    %dma_wait3A_215 = arith.constant 0 : i32
    %dma_wait3A_216 = arith.constant 0 : i32
    %dma_wait3A_217 = tpu.memref_slice %arg9[%dma_wait3A_215, %dma_wait3A_216] : memref<1x80xi32, #tpu.memory_space<vmem>> -> memref<1x80xi32, #tpu.memory_space<vmem>>
    %dma_wait3A_218 = tpu.memref_squeeze %dma_wait3A_217 : memref<1x80xi32, #tpu.memory_space<vmem>> -> memref<80xi32, #tpu.memory_space<vmem>>
    %dma_wait3A_219 = arith.constant 0 : i32
    %dma_wait3A_220 = arith.constant 0 : i32
    %dma_wait3A_221 = tpu.memref_slice %arg2[%dma_wait3A_219, %dma_wait3A_220] : memref<10000x128xf32, #tpu.memory_space<hbm>> -> memref<10000x128xf32, #tpu.memory_space<hbm>>
    tpu.wait_indirect_dma semaphore(%arg26 : memref<!tpu.dma_semaphore, #tpu.memory_space<semaphore_mem>>) src(%dma_wait3A_221 : memref<10000x128xf32, #tpu.memory_space<hbm>>) dst(%arg17 : memref<80x128xf32, #tpu.memory_space<vmem>>)
    %dma_wait3A_222 = arith.constant 123 : i32
    %dma_wait3A_223 = arith.constant 0 : i32
    %dma_wait3A_224 = tpu.memref_slice %arg4[%add3A, %dma_wait3A_222, %dma_wait3A_223] : memref<32x125x80xi32, #tpu.memory_space<hbm>> -> memref<1x1x80xi32, #tpu.memory_space<hbm>>
    %dma_wait3A_225 = tpu.memref_squeeze %dma_wait3A_224 : memref<1x1x80xi32, #tpu.memory_space<hbm>> -> memref<1x80xi32, #tpu.memory_space<hbm>>
    %dma_wait3A_226 = arith.constant 123 : i32
    %dma_wait3A_227 = arith.constant 0 : i32
    %dma_wait3A_228 = tpu.memref_slice %arg4[%add3A, %dma_wait3A_226, %dma_wait3A_227] : memref<32x125x80xi32, #tpu.memory_space<hbm>> -> memref<1x1x80xi32, #tpu.memory_space<hbm>>
    %dma_wait3A_229 = tpu.memref_squeeze %dma_wait3A_228 : memref<1x1x80xi32, #tpu.memory_space<hbm>> -> memref<1x80xi32, #tpu.memory_space<hbm>>
    tpu.wait_dma2 semaphore(%arg30 : memref<!tpu.dma_semaphore, #tpu.memory_space<semaphore_mem>>) src(%dma_wait3A_229 : memref<1x80xi32, #tpu.memory_space<hbm>>) dst(%arg13 : memref<1x80xi32, #tpu.memory_space<vmem>>)
    %run_scoped3A_230 = arith.constant 0 : i32
    "tpu.region"() ({
      %run_scoped3A_252 = tpu.sem_alloc : memref<!tpu.dma_semaphore, #tpu.memory_space<semaphore_mem>>
      %dma_start3A_253 = arith.constant 0 : i32
      %dma_start3A_254 = tpu.memref_slice %arg13[%run_scoped3A_230, %dma_start3A_253] : memref<1x80xi32, #tpu.memory_space<vmem>> -> memref<1x80xi32, #tpu.memory_space<vmem>>
      %dma_start3A_255 = tpu.memref_squeeze %dma_start3A_254 : memref<1x80xi32, #tpu.memory_space<vmem>> -> memref<80xi32, #tpu.memory_space<vmem>>
      %dma_start3A_256 = arith.constant 0 : i32
      %dma_start3A_257 = arith.constant 0 : i32
      %dma_start3A_258 = tpu.memref_slice %arg31[%dma_start3A_256, %dma_start3A_257] : memref<10240x128xf32, #tpu.memory_space<vmem_shared>> -> memref<10240x128xf32, #tpu.memory_space<vmem_shared>>
      tpu.enqueue_indirect_dma source(%arg17 : memref<80x128xf32, #tpu.memory_space<vmem>>) target(%dma_start3A_258 : memref<10240x128xf32, #tpu.memory_space<vmem_shared>>) offsets(%dma_start3A_255 : memref<80xi32, #tpu.memory_space<vmem>>) semaphore(%run_scoped3A_252 : memref<!tpu.dma_semaphore, #tpu.memory_space<semaphore_mem>>) {add = true}
      %dma_wait3A_259 = arith.constant 0 : i32
      %dma_wait3A_260 = tpu.memref_slice %arg13[%run_scoped3A_230, %dma_wait3A_259] : memref<1x80xi32, #tpu.memory_space<vmem>> -> memref<1x80xi32, #tpu.memory_space<vmem>>
      %dma_wait3A_261 = tpu.memref_squeeze %dma_wait3A_260 : memref<1x80xi32, #tpu.memory_space<vmem>> -> memref<80xi32, #tpu.memory_space<vmem>>
      %dma_wait3A_262 = arith.constant 0 : i32
      %dma_wait3A_263 = arith.constant 0 : i32
      %dma_wait3A_264 = tpu.memref_slice %arg31[%dma_wait3A_262, %dma_wait3A_263] : memref<10240x128xf32, #tpu.memory_space<vmem_shared>> -> memref<10240x128xf32, #tpu.memory_space<vmem_shared>>
      tpu.wait_indirect_dma semaphore(%run_scoped3A_252 : memref<!tpu.dma_semaphore, #tpu.memory_space<semaphore_mem>>) src(%arg17 : memref<80x128xf32, #tpu.memory_space<vmem>>) dst(%dma_wait3A_264 : memref<10240x128xf32, #tpu.memory_space<vmem_shared>>)
      tpu.yield
    }) : () -> ()
    %dma_wait3A_231 = arith.constant 0 : i32
    %dma_wait3A_232 = arith.constant 0 : i32
    %dma_wait3A_233 = tpu.memref_slice %arg6[%dma_wait3A_231, %dma_wait3A_232] : memref<1x80xi32, #tpu.memory_space<vmem>> -> memref<1x80xi32, #tpu.memory_space<vmem>>
    %dma_wait3A_234 = tpu.memref_squeeze %dma_wait3A_233 : memref<1x80xi32, #tpu.memory_space<vmem>> -> memref<80xi32, #tpu.memory_space<vmem>>
    %dma_wait3A_235 = arith.constant 0 : i32
    %dma_wait3A_236 = arith.constant 0 : i32
    %dma_wait3A_237 = tpu.memref_slice %arg2[%dma_wait3A_235, %dma_wait3A_236] : memref<10000x128xf32, #tpu.memory_space<hbm>> -> memref<10000x128xf32, #tpu.memory_space<hbm>>
    tpu.wait_indirect_dma semaphore(%arg23 : memref<!tpu.dma_semaphore, #tpu.memory_space<semaphore_mem>>) src(%dma_wait3A_237 : memref<10000x128xf32, #tpu.memory_space<hbm>>) dst(%arg14 : memref<80x128xf32, #tpu.memory_space<vmem>>)
    %dma_wait3A_238 = arith.constant 124 : i32
    %dma_wait3A_239 = arith.constant 0 : i32
    %dma_wait3A_240 = tpu.memref_slice %arg4[%add3A, %dma_wait3A_238, %dma_wait3A_239] : memref<32x125x80xi32, #tpu.memory_space<hbm>> -> memref<1x1x80xi32, #tpu.memory_space<hbm>>
    %dma_wait3A_241 = tpu.memref_squeeze %dma_wait3A_240 : memref<1x1x80xi32, #tpu.memory_space<hbm>> -> memref<1x80xi32, #tpu.memory_space<hbm>>
    %dma_wait3A_242 = arith.constant 124 : i32
    %dma_wait3A_243 = arith.constant 0 : i32
    %dma_wait3A_244 = tpu.memref_slice %arg4[%add3A, %dma_wait3A_242, %dma_wait3A_243] : memref<32x125x80xi32, #tpu.memory_space<hbm>> -> memref<1x1x80xi32, #tpu.memory_space<hbm>>
    %dma_wait3A_245 = tpu.memref_squeeze %dma_wait3A_244 : memref<1x1x80xi32, #tpu.memory_space<hbm>> -> memref<1x80xi32, #tpu.memory_space<hbm>>
    tpu.wait_dma2 semaphore(%arg27 : memref<!tpu.dma_semaphore, #tpu.memory_space<semaphore_mem>>) src(%dma_wait3A_245 : memref<1x80xi32, #tpu.memory_space<hbm>>) dst(%arg10 : memref<1x80xi32, #tpu.memory_space<vmem>>)
    %run_scoped3A_246 = arith.constant 0 : i32
    "tpu.region"() ({
      %run_scoped3A_252 = tpu.sem_alloc : memref<!tpu.dma_semaphore, #tpu.memory_space<semaphore_mem>>
      %dma_start3A_253 = arith.constant 0 : i32
      %dma_start3A_254 = tpu.memref_slice %arg10[%run_scoped3A_246, %dma_start3A_253] : memref<1x80xi32, #tpu.memory_space<vmem>> -> memref<1x80xi32, #tpu.memory_space<vmem>>
      %dma_start3A_255 = tpu.memref_squeeze %dma_start3A_254 : memref<1x80xi32, #tpu.memory_space<vmem>> -> memref<80xi32, #tpu.memory_space<vmem>>
      %dma_start3A_256 = arith.constant 0 : i32
      %dma_start3A_257 = arith.constant 0 : i32
      %dma_start3A_258 = tpu.memref_slice %arg31[%dma_start3A_256, %dma_start3A_257] : memref<10240x128xf32, #tpu.memory_space<vmem_shared>> -> memref<10240x128xf32, #tpu.memory_space<vmem_shared>>
      tpu.enqueue_indirect_dma source(%arg14 : memref<80x128xf32, #tpu.memory_space<vmem>>) target(%dma_start3A_258 : memref<10240x128xf32, #tpu.memory_space<vmem_shared>>) offsets(%dma_start3A_255 : memref<80xi32, #tpu.memory_space<vmem>>) semaphore(%run_scoped3A_252 : memref<!tpu.dma_semaphore, #tpu.memory_space<semaphore_mem>>) {add = true}
      %dma_wait3A_259 = arith.constant 0 : i32
      %dma_wait3A_260 = tpu.memref_slice %arg10[%run_scoped3A_246, %dma_wait3A_259] : memref<1x80xi32, #tpu.memory_space<vmem>> -> memref<1x80xi32, #tpu.memory_space<vmem>>
      %dma_wait3A_261 = tpu.memref_squeeze %dma_wait3A_260 : memref<1x80xi32, #tpu.memory_space<vmem>> -> memref<80xi32, #tpu.memory_space<vmem>>
      %dma_wait3A_262 = arith.constant 0 : i32
      %dma_wait3A_263 = arith.constant 0 : i32
      %dma_wait3A_264 = tpu.memref_slice %arg31[%dma_wait3A_262, %dma_wait3A_263] : memref<10240x128xf32, #tpu.memory_space<vmem_shared>> -> memref<10240x128xf32, #tpu.memory_space<vmem_shared>>
      tpu.wait_indirect_dma semaphore(%run_scoped3A_252 : memref<!tpu.dma_semaphore, #tpu.memory_space<semaphore_mem>>) src(%arg14 : memref<80x128xf32, #tpu.memory_space<vmem>>) dst(%dma_wait3A_264 : memref<10240x128xf32, #tpu.memory_space<vmem_shared>>)
      tpu.yield
    }) : () -> ()
    %barrier3A_247 = arith.constant 0 : index
    tpu.barrier barrier_id(%barrier3A_247)
    %mul3A_248 = arith.constant 640 : i32
    %mul3A_249 = arith.muli %arg1, %mul3A_248 : i32
    %mul3A_250 = arith.constant 640 : i32
    %mul3A_251 = arith.muli %arg1, %mul3A_250 : i32
    "tpu.region"() ({
      %run_scoped3A_252 = tpu.sem_alloc : memref<!tpu.dma_semaphore, #tpu.memory_space<semaphore_mem>>
      %dma_start3A_253 = arith.constant 0 : i32
      %dma_start3A_254 = tpu.memref_slice %arg5[%arg0, %mul3A_251, %dma_start3A_253] : memref<2x10240x128xf32, #tpu.memory_space<hbm>> -> memref<1x640x128xf32, #tpu.memory_space<hbm>>
      %dma_start3A_255 = tpu.memref_squeeze %dma_start3A_254 : memref<1x640x128xf32, #tpu.memory_space<hbm>> -> memref<640x128xf32, #tpu.memory_space<hbm>>
      %dma_start3A_256 = arith.constant 0 : i32
      %dma_start3A_257 = tpu.memref_slice %arg31[%mul3A_249, %dma_start3A_256] : memref<10240x128xf32, #tpu.memory_space<vmem_shared>> -> memref<640x128xf32, #tpu.memory_space<vmem_shared>>
      tpu.enqueue_dma source(%dma_start3A_257 : memref<640x128xf32, #tpu.memory_space<vmem_shared>>) target(%dma_start3A_255 : memref<640x128xf32, #tpu.memory_space<hbm>>) target_semaphore(%run_scoped3A_252 : memref<!tpu.dma_semaphore, #tpu.memory_space<semaphore_mem>>)
      %dma_wait3A_258 = arith.constant 0 : i32
      %dma_wait3A_259 = tpu.memref_slice %arg5[%arg0, %mul3A_251, %dma_wait3A_258] : memref<2x10240x128xf32, #tpu.memory_space<hbm>> -> memref<1x640x128xf32, #tpu.memory_space<hbm>>
      %dma_wait3A_260 = tpu.memref_squeeze %dma_wait3A_259 : memref<1x640x128xf32, #tpu.memory_space<hbm>> -> memref<640x128xf32, #tpu.memory_space<hbm>>
      %dma_wait3A_261 = arith.constant 0 : i32
      %dma_wait3A_262 = tpu.memref_slice %arg31[%mul3A_249, %dma_wait3A_261] : memref<10240x128xf32, #tpu.memory_space<vmem_shared>> -> memref<640x128xf32, #tpu.memory_space<vmem_shared>>
      tpu.wait_dma2 semaphore(%run_scoped3A_252 : memref<!tpu.dma_semaphore, #tpu.memory_space<semaphore_mem>>) src(%dma_wait3A_262 : memref<640x128xf32, #tpu.memory_space<vmem_shared>>) dst(%dma_wait3A_260 : memref<640x128xf32, #tpu.memory_space<hbm>>)
      tpu.yield
    }) : () -> ()
    return
  }
}

module attributes {stable_mosaic.version = 14 : i64} {
  func.func @_mid_body(%arg0: i32, %arg1: memref<2x1000x128xf32, #tpu.memory_space<vmem>>, %arg2: memref<1000x128xf32, #tpu.memory_space<vmem>>, %arg3: memref<1000x1xf32, #tpu.memory_space<vmem>>, %arg4: memref<1x128xf32, #tpu.memory_space<vmem>>, %arg5: memref<128x128xf32, #tpu.memory_space<vmem>>, %arg6: memref<1000x128xf32, #tpu.memory_space<vmem>>) attributes {dimension_semantics = [#tpu.dimension_semantics<arbitrary>], iteration_bounds = array<i64: 10>, scalar_prefetch = 0 : i64, scratch_operands = 0 : i64, tpu.core_type = #tpu.core_type<tc>, window_params = [{transform_indices = @transform_0, window_bounds = array<i64: 2, 1000, 128>}, {transform_indices = @transform_1, window_bounds = array<i64: 1000, 128>}, {transform_indices = @transform_2, window_bounds = array<i64: 1000, 1>}, {pipeline_mode = #tpu.pipeline_mode<synchronous>, transform_indices = @transform_3, window_bounds = array<i64: 1, 128>}, {pipeline_mode = #tpu.pipeline_mode<synchronous>, transform_indices = @transform_4, window_bounds = array<i64: 128, 128>}, {transform_indices = @transform_5, window_bounds = array<i64: 1000, 128>}]} {
    %get3A = arith.constant 0 : index
    %get3A_0 = arith.constant 0 : index
    %get3A_1 = vector.load %arg3[%get3A, %get3A_0] : memref<1000x1xf32, #tpu.memory_space<vmem>>, vector<1000x1xf32>
    %get3A_2 = arith.constant 0 : index
    %get3A_3 = arith.constant 0 : index
    %get3A_4 = arith.constant 0 : index
    %get3A_5 = vector.load %arg1[%get3A_2, %get3A_3, %get3A_4] : memref<2x1000x128xf32, #tpu.memory_space<vmem>>, vector<1x1000x128xf32>
    %get3A_6 = vector.shape_cast %get3A_5 : vector<1x1000x128xf32> to vector<1000x128xf32>
    %get3A_7 = arith.constant 1 : index
    %get3A_8 = arith.constant 0 : index
    %get3A_9 = arith.constant 0 : index
    %get3A_10 = vector.load %arg1[%get3A_7, %get3A_8, %get3A_9] : memref<2x1000x128xf32, #tpu.memory_space<vmem>>, vector<1x1000x128xf32>
    %get3A_11 = vector.shape_cast %get3A_10 : vector<1x1000x128xf32> to vector<1000x128xf32>
    %add3A = arith.addf %get3A_6, %get3A_11 : vector<1000x128xf32>
    %get3A_12 = arith.constant 0 : index
    %get3A_13 = arith.constant 0 : index
    %get3A_14 = vector.load %arg2[%get3A_12, %get3A_13] : memref<1000x128xf32, #tpu.memory_space<vmem>>, vector<1000x128xf32>
    %add3A_15 = arith.addf %add3A, %get3A_14 : vector<1000x128xf32>
    %mul3A = vector.broadcast %get3A_1 : vector<1000x1xf32> to vector<1000x128xf32>
    %mul3A_16 = arith.mulf %mul3A, %add3A_15 : vector<1000x128xf32>
    %get3A_17 = arith.constant 0 : index
    %get3A_18 = arith.constant 0 : index
    %get3A_19 = vector.load %arg4[%get3A_17, %get3A_18] : memref<1x128xf32, #tpu.memory_space<vmem>>, vector<1x128xf32>
    %add3A_20 = vector.broadcast %get3A_19 : vector<1x128xf32> to vector<1000x128xf32>
    %add3A_21 = arith.addf %mul3A_16, %add3A_20 : vector<1000x128xf32>
    %max3A = arith.constant 0.000000e+00 : f32
    %max3A_22 = vector.broadcast %max3A : f32 to vector<1000x128xf32>
    %max3A_23 = arith.maximumf %add3A_21, %max3A_22 : vector<1000x128xf32>
    %get3A_24 = arith.constant 0 : index
    %get3A_25 = arith.constant 0 : index
    %get3A_26 = vector.load %arg5[%get3A_24, %get3A_25] : memref<128x128xf32, #tpu.memory_space<vmem>>, vector<128x128xf32>
    %dot_general3A = arith.constant dense<0.000000e+00> : vector<1000x128xf32>
    %dot_general3A_27 = tpu.matmul %max3A_23, %get3A_26, %dot_general3A {dimension_numbers = #tpu.dot_dimension_numbers<[1], [0], [0], [1], [0, 0, 1, 1], [], []>, transpose_lhs_hint = false} : vector<1000x128xf32>, vector<128x128xf32>, vector<1000x128xf32> -> vector<1000x128xf32>
    %mul3A_28 = vector.broadcast %get3A_1 : vector<1000x1xf32> to vector<1000x128xf32>
    %mul3A_29 = arith.mulf %dot_general3A_27, %mul3A_28 : vector<1000x128xf32>
    %swap3A = arith.constant 0 : index
    %swap3A_30 = arith.constant 0 : index
    %swap3A_31 = vector.load %arg6[%swap3A, %swap3A_30] : memref<1000x128xf32, #tpu.memory_space<vmem>>, vector<1000x128xf32>
    tpu.vector_store %arg6[%swap3A, %swap3A_30], %mul3A_29 {strides = array<i32>} : memref<1000x128xf32, #tpu.memory_space<vmem>>, vector<1000x128xf32>,
    return
  }
  func.func @transform_0(%arg0: i32) -> (i32, i32, i32) {
    %c0_i32 = arith.constant 0 : i32
    %c0_i32_0 = arith.constant 0 : i32
    %c0_i32_1 = arith.constant 0 : i32
    return %c0_i32, %arg0, %c0_i32_0 : i32, i32, i32
  }
  func.func @transform_1(%arg0: i32) -> (i32, i32) {
    %c0_i32 = arith.constant 0 : i32
    %c0_i32_0 = arith.constant 0 : i32
    return %arg0, %c0_i32 : i32, i32
  }
  func.func @transform_2(%arg0: i32) -> (i32, i32) {
    %c0_i32 = arith.constant 0 : i32
    %c0_i32_0 = arith.constant 0 : i32
    return %arg0, %c0_i32 : i32, i32
  }
  func.func @transform_3(%arg0: i32) -> (i32, i32) {
    %c0_i32 = arith.constant 0 : i32
    %c0_i32_0 = arith.constant 0 : i32
    %c0_i32_1 = arith.constant 0 : i32
    return %c0_i32, %c0_i32_0 : i32, i32
  }
  func.func @transform_4(%arg0: i32) -> (i32, i32) {
    %c0_i32 = arith.constant 0 : i32
    %c0_i32_0 = arith.constant 0 : i32
    %c0_i32_1 = arith.constant 0 : i32
    return %c0_i32, %c0_i32_0 : i32, i32
  }
  func.func @transform_5(%arg0: i32) -> (i32, i32) {
    %c0_i32 = arith.constant 0 : i32
    %c0_i32_0 = arith.constant 0 : i32
    return %arg0, %c0_i32 : i32, i32
  }
}

module attributes {stable_mosaic.version = 14 : i64} {
  func.func @_scale_body(%arg0: i32, %arg1: memref<2x1000x128xf32, #tpu.memory_space<vmem>>, %arg2: memref<1000x128xf32, #tpu.memory_space<vmem>>, %arg3: memref<128x128xf32, #tpu.memory_space<vmem>>, %arg4: memref<1000x128xf32, #tpu.memory_space<vmem>>, %arg5: memref<1000x1xf32, #tpu.memory_space<vmem>>) attributes {dimension_semantics = [#tpu.dimension_semantics<arbitrary>], iteration_bounds = array<i64: 10>, scalar_prefetch = 0 : i64, scratch_operands = 0 : i64, tpu.core_type = #tpu.core_type<tc>, window_params = [{transform_indices = @transform_0, window_bounds = array<i64: 2, 1000, 128>}, {transform_indices = @transform_1, window_bounds = array<i64: 1000, 128>}, {pipeline_mode = #tpu.pipeline_mode<synchronous>, transform_indices = @transform_2, window_bounds = array<i64: 128, 128>}, {transform_indices = @transform_3, window_bounds = array<i64: 1000, 128>}, {transform_indices = @transform_4, window_bounds = array<i64: 1000, 1>}]} {
    %get3A = arith.constant 0 : index
    %get3A_0 = arith.constant 0 : index
    %get3A_1 = arith.constant 0 : index
    %get3A_2 = vector.load %arg1[%get3A, %get3A_0, %get3A_1] : memref<2x1000x128xf32, #tpu.memory_space<vmem>>, vector<1x1000x1xf32>
    %get3A_3 = vector.shape_cast %get3A_2 : vector<1x1000x1xf32> to vector<1000x1xf32>
    %get3A_4 = arith.constant 1 : index
    %get3A_5 = arith.constant 0 : index
    %get3A_6 = arith.constant 0 : index
    %get3A_7 = vector.load %arg1[%get3A_4, %get3A_5, %get3A_6] : memref<2x1000x128xf32, #tpu.memory_space<vmem>>, vector<1x1000x1xf32>
    %get3A_8 = vector.shape_cast %get3A_7 : vector<1x1000x1xf32> to vector<1000x1xf32>
    %add3A = arith.addf %get3A_3, %get3A_8 : vector<1000x1xf32>
    %add3A_9 = arith.constant 1.000000e+00 : f32
    %add3A_10 = vector.broadcast %add3A_9 : f32 to vector<1000x1xf32>
    %add3A_11 = arith.addf %add3A, %add3A_10 : vector<1000x1xf32>
    %rsqrt3A = math.rsqrt %add3A_11 : vector<1000x1xf32>
    %swap3A = arith.constant 0 : index
    %swap3A_12 = arith.constant 0 : index
    %swap3A_13 = vector.load %arg5[%swap3A, %swap3A_12] : memref<1000x1xf32, #tpu.memory_space<vmem>>, vector<1000x1xf32>
    tpu.vector_store %arg5[%swap3A, %swap3A_12], %rsqrt3A {strides = array<i32>} : memref<1000x1xf32, #tpu.memory_space<vmem>>, vector<1000x1xf32>,
    %get3A_14 = arith.constant 0 : index
    %get3A_15 = arith.constant 0 : index
    %get3A_16 = vector.load %arg2[%get3A_14, %get3A_15] : memref<1000x128xf32, #tpu.memory_space<vmem>>, vector<1000x128xf32>
    %get3A_17 = arith.constant 0 : index
    %get3A_18 = arith.constant 0 : index
    %get3A_19 = vector.load %arg3[%get3A_17, %get3A_18] : memref<128x128xf32, #tpu.memory_space<vmem>>, vector<128x128xf32>
    %dot_general3A = arith.constant dense<0.000000e+00> : vector<1000x128xf32>
    %dot_general3A_20 = tpu.matmul %get3A_16, %get3A_19, %dot_general3A {dimension_numbers = #tpu.dot_dimension_numbers<[1], [0], [0], [1], [0, 0, 1, 1], [], []>, transpose_lhs_hint = false} : vector<1000x128xf32>, vector<128x128xf32>, vector<1000x128xf32> -> vector<1000x128xf32>
    %mul3A = vector.broadcast %rsqrt3A : vector<1000x1xf32> to vector<1000x128xf32>
    %mul3A_21 = arith.mulf %dot_general3A_20, %mul3A : vector<1000x128xf32>
    %swap3A_22 = arith.constant 0 : index
    %swap3A_23 = arith.constant 0 : index
    %swap3A_24 = vector.load %arg4[%swap3A_22, %swap3A_23] : memref<1000x128xf32, #tpu.memory_space<vmem>>, vector<1000x128xf32>
    tpu.vector_store %arg4[%swap3A_22, %swap3A_23], %mul3A_21 {strides = array<i32>} : memref<1000x128xf32, #tpu.memory_space<vmem>>, vector<1000x128xf32>,
    return
  }
  func.func @transform_0(%arg0: i32) -> (i32, i32, i32) {
    %c0_i32 = arith.constant 0 : i32
    %c0_i32_0 = arith.constant 0 : i32
    %c0_i32_1 = arith.constant 0 : i32
    return %c0_i32, %arg0, %c0_i32_0 : i32, i32, i32
  }
  func.func @transform_1(%arg0: i32) -> (i32, i32) {
    %c0_i32 = arith.constant 0 : i32
    %c0_i32_0 = arith.constant 0 : i32
    return %arg0, %c0_i32 : i32, i32
  }
  func.func @transform_2(%arg0: i32) -> (i32, i32) {
    %c0_i32 = arith.constant 0 : i32
    %c0_i32_0 = arith.constant 0 : i32
    %c0_i32_1 = arith.constant 0 : i32
    return %c0_i32, %c0_i32_0 : i32, i32
  }
  func.func @transform_3(%arg0: i32) -> (i32, i32) {
    %c0_i32 = arith.constant 0 : i32
    %c0_i32_0 = arith.constant 0 : i32
    return %arg0, %c0_i32 : i32, i32
  }
  func.func @transform_4(%arg0: i32) -> (i32, i32) {
    %c0_i32 = arith.constant 0 : i32
    %c0_i32_0 = arith.constant 0 : i32
    return %arg0, %c0_i32 : i32, i32
  }
}

module attributes {stable_mosaic.version = 14 : i64} {
  func.func @_final_body(%arg0: i32, %arg1: memref<2x1000x128xf32, #tpu.memory_space<vmem>>, %arg2: memref<1000x128xf32, #tpu.memory_space<vmem>>, %arg3: memref<1000x1xf32, #tpu.memory_space<vmem>>, %arg4: memref<1x128xf32, #tpu.memory_space<vmem>>, %arg5: memref<128x40xf32, #tpu.memory_space<vmem>>, %arg6: memref<1x40xf32, #tpu.memory_space<vmem>>, %arg7: memref<1000x128xf32, #tpu.memory_space<vmem>>, %arg8: memref<1000x40xf32, #tpu.memory_space<vmem>>) attributes {dimension_semantics = [#tpu.dimension_semantics<arbitrary>], iteration_bounds = array<i64: 10>, scalar_prefetch = 0 : i64, scratch_operands = 0 : i64, tpu.core_type = #tpu.core_type<tc>, window_params = [{transform_indices = @transform_0, window_bounds = array<i64: 2, 1000, 128>}, {transform_indices = @transform_1, window_bounds = array<i64: 1000, 128>}, {transform_indices = @transform_2, window_bounds = array<i64: 1000, 1>}, {pipeline_mode = #tpu.pipeline_mode<synchronous>, transform_indices = @transform_3, window_bounds = array<i64: 1, 128>}, {pipeline_mode = #tpu.pipeline_mode<synchronous>, transform_indices = @transform_4, window_bounds = array<i64: 128, 40>}, {pipeline_mode = #tpu.pipeline_mode<synchronous>, transform_indices = @transform_5, window_bounds = array<i64: 1, 40>}, {transform_indices = @transform_6, window_bounds = array<i64: 1000, 128>}, {transform_indices = @transform_7, window_bounds = array<i64: 1000, 40>}]} {
    %get3A = arith.constant 0 : index
    %get3A_0 = arith.constant 0 : index
    %get3A_1 = vector.load %arg3[%get3A, %get3A_0] : memref<1000x1xf32, #tpu.memory_space<vmem>>, vector<1000x1xf32>
    %get3A_2 = arith.constant 0 : index
    %get3A_3 = arith.constant 0 : index
    %get3A_4 = arith.constant 0 : index
    %get3A_5 = vector.load %arg1[%get3A_2, %get3A_3, %get3A_4] : memref<2x1000x128xf32, #tpu.memory_space<vmem>>, vector<1x1000x128xf32>
    %get3A_6 = vector.shape_cast %get3A_5 : vector<1x1000x128xf32> to vector<1000x128xf32>
    %get3A_7 = arith.constant 1 : index
    %get3A_8 = arith.constant 0 : index
    %get3A_9 = arith.constant 0 : index
    %get3A_10 = vector.load %arg1[%get3A_7, %get3A_8, %get3A_9] : memref<2x1000x128xf32, #tpu.memory_space<vmem>>, vector<1x1000x128xf32>
    %get3A_11 = vector.shape_cast %get3A_10 : vector<1x1000x128xf32> to vector<1000x128xf32>
    %add3A = arith.addf %get3A_6, %get3A_11 : vector<1000x128xf32>
    %get3A_12 = arith.constant 0 : index
    %get3A_13 = arith.constant 0 : index
    %get3A_14 = vector.load %arg2[%get3A_12, %get3A_13] : memref<1000x128xf32, #tpu.memory_space<vmem>>, vector<1000x128xf32>
    %add3A_15 = arith.addf %add3A, %get3A_14 : vector<1000x128xf32>
    %mul3A = vector.broadcast %get3A_1 : vector<1000x1xf32> to vector<1000x128xf32>
    %mul3A_16 = arith.mulf %mul3A, %add3A_15 : vector<1000x128xf32>
    %get3A_17 = arith.constant 0 : index
    %get3A_18 = arith.constant 0 : index
    %get3A_19 = vector.load %arg4[%get3A_17, %get3A_18] : memref<1x128xf32, #tpu.memory_space<vmem>>, vector<1x128xf32>
    %add3A_20 = vector.broadcast %get3A_19 : vector<1x128xf32> to vector<1000x128xf32>
    %add3A_21 = arith.addf %mul3A_16, %add3A_20 : vector<1000x128xf32>
    %swap3A = arith.constant 0 : index
    %swap3A_22 = arith.constant 0 : index
    %swap3A_23 = vector.load %arg7[%swap3A, %swap3A_22] : memref<1000x128xf32, #tpu.memory_space<vmem>>, vector<1000x128xf32>
    tpu.vector_store %arg7[%swap3A, %swap3A_22], %add3A_21 {strides = array<i32>} : memref<1000x128xf32, #tpu.memory_space<vmem>>, vector<1000x128xf32>,
    %get3A_24 = arith.constant 0 : index
    %get3A_25 = arith.constant 0 : index
    %get3A_26 = vector.load %arg5[%get3A_24, %get3A_25] : memref<128x40xf32, #tpu.memory_space<vmem>>, vector<128x40xf32>
    %dot_general3A = arith.constant dense<0.000000e+00> : vector<1000x40xf32>
    %dot_general3A_27 = tpu.matmul %add3A_21, %get3A_26, %dot_general3A {dimension_numbers = #tpu.dot_dimension_numbers<[1], [0], [0], [1], [0, 0, 1, 1], [], []>, transpose_lhs_hint = false} : vector<1000x128xf32>, vector<128x40xf32>, vector<1000x40xf32> -> vector<1000x40xf32>
    %get3A_28 = arith.constant 0 : index
    %get3A_29 = arith.constant 0 : index
    %get3A_30 = vector.load %arg6[%get3A_28, %get3A_29] : memref<1x40xf32, #tpu.memory_space<vmem>>, vector<1x40xf32>
    %add3A_31 = vector.broadcast %get3A_30 : vector<1x40xf32> to vector<1000x40xf32>
    %add3A_32 = arith.addf %dot_general3A_27, %add3A_31 : vector<1000x40xf32>
    %swap3A_33 = arith.constant 0 : index
    %swap3A_34 = arith.constant 0 : index
    %swap3A_35 = vector.load %arg8[%swap3A_33, %swap3A_34] : memref<1000x40xf32, #tpu.memory_space<vmem>>, vector<1000x40xf32>
    tpu.vector_store %arg8[%swap3A_33, %swap3A_34], %add3A_32 {strides = array<i32>} : memref<1000x40xf32, #tpu.memory_space<vmem>>, vector<1000x40xf32>,
    return
  }
  func.func @transform_0(%arg0: i32) -> (i32, i32, i32) {
    %c0_i32 = arith.constant 0 : i32
    %c0_i32_0 = arith.constant 0 : i32
    %c0_i32_1 = arith.constant 0 : i32
    return %c0_i32, %arg0, %c0_i32_0 : i32, i32, i32
  }
  func.func @transform_1(%arg0: i32) -> (i32, i32) {
    %c0_i32 = arith.constant 0 : i32
    %c0_i32_0 = arith.constant 0 : i32
    return %arg0, %c0_i32 : i32, i32
  }
  func.func @transform_2(%arg0: i32) -> (i32, i32) {
    %c0_i32 = arith.constant 0 : i32
    %c0_i32_0 = arith.constant 0 : i32
    return %arg0, %c0_i32 : i32, i32
  }
  func.func @transform_3(%arg0: i32) -> (i32, i32) {
    %c0_i32 = arith.constant 0 : i32
    %c0_i32_0 = arith.constant 0 : i32
    %c0_i32_1 = arith.constant 0 : i32
    return %c0_i32, %c0_i32_0 : i32, i32
  }
  func.func @transform_4(%arg0: i32) -> (i32, i32) {
    %c0_i32 = arith.constant 0 : i32
    %c0_i32_0 = arith.constant 0 : i32
    %c0_i32_1 = arith.constant 0 : i32
    return %c0_i32, %c0_i32_0 : i32, i32
  }
  func.func @transform_5(%arg0: i32) -> (i32, i32) {
    %c0_i32 = arith.constant 0 : i32
    %c0_i32_0 = arith.constant 0 : i32
    %c0_i32_1 = arith.constant 0 : i32
    return %c0_i32, %c0_i32_0 : i32, i32
  }
  func.func @transform_6(%arg0: i32) -> (i32, i32) {
    %c0_i32 = arith.constant 0 : i32
    %c0_i32_0 = arith.constant 0 : i32
    return %arg0, %c0_i32 : i32, i32
  }
  func.func @transform_7(%arg0: i32) -> (i32, i32) {
    %c0_i32 = arith.constant 0 : i32
    %c0_i32_0 = arith.constant 0 : i32
    return %arg0, %c0_i32 : i32, i32
  }
}

</mosaic_0001>

<sc_bundles>
// kernel: kernel.11.cloned.1.call-start
scs
__scs_entry_jumppad:
0x0: {  	(pc) =	sbr.rel $0x88, $3  }
0x1: {  	(tag) =	ssettag $0x0;
	lr =	simm.s32 $0x1  }
0x2: {  	[smem:$0x3F99] =	sst lr;
	_ =	strace $0xD0000000  }
0x3: {  	_ = 	snop  }
0x4: {  	_ = 	snop  }
0x5: {  	_ = 	snop  }
0x6: {  	_ = 	snop  }
0x7: {  	_ = 	snop  }
__scs_overlays_trampoline_lowered:
0x8: {  	[smem:$0x3FA8] =	sst s0  }
0x9: {  	[smem:$0x3FA9] =	sst s1  }
0xa: {  	[smem:$0x3FAA] =	sst s2  }
0xb: {  	[smem:$0x3FAB] =	sst s3  }
0xc: {  	[smem:$0x3FAC] =	sst s4  }
0xd: {  	[smem:$0x3FAD] =	sst s5  }
0xe: {  	[smem:$0x3FAE] =	sst s6  }
0xf: {  	[smem:$0x3FAF] =	sst s7  }
0x10: {  	[smem:$0x3FB0] =	sst s8  }
0x11: {  	[smem:$0x3FB1] =	sst s9;
	s0 =	simm.s32 @!p0 $0x0  }
0x12: {  	s1 =	sld [smem:$0x3F97];
	s0 =	simm.s32 @p0 $0x1  }
0x13: {  	[smem:$0x3FB2] =	sst s0;
	s0 =	simm.s32 @!p1 $0x0  }
0x14: {  	s2 =	sld [smem:$0x3F96];
	s0 =	simm.s32 @p1 $0x1  }
0x15: {  	[smem:$0x3FB3] =	sst s0;
	s0 =	simm.s32 @!p2 $0x0  }
0x16: {  	s3 =	sld [smem:$0x3FDB];
	s0 =	simm.s32 @p2 $0x1  }
0x17: {  	s4 =	simm.s32 $0x1BF5;
	[smem:$0x3FB5] =	sst s0  }
0x18: {  	s0 =	sld [smem:$0x3F98];
	_ =	swait.ge [sflag:s4], $0x0  }
0x19: {  	s7 =	sld [smem:$0x3F99]  }
0x1a: {  	s8 =	sadd.s32 $0xFFFFE003, lr  }
0x1b: {  	s9 =	sadd.s32 $0xFFFFFEF7, lr;
	s5 =	simm.s32 $0xFFFFFFFF;
	p2 =	slt.u32 s8, $0xFFFFF086  }
0x1c: {  	p1 =	slt.u32 s9, $0xF7A;
	s5 =	simm.s32 @!p2 $0x0  }
0x1d: {  	s5 =	simm.s32 @p1 $0x1;
	p0 =	seq.s32 s7, s2  }
0x1e: {  	s7 =	smul.u32 @!p0 $0xF7A, s2;
	p2 =	seq.s32 @!p0 s5, $0x0  }
0x1f: {  	s9 =	smul.u32 $0xF7A, s1;
	s8 =	simm.s32 @!p0 $0x1BF5;
	p2 =	por !p2, p0  }
0x20: {  	[sflag:s8] =	ssyncset.s32 @!p0 $0xFFFFF086;
	s6 =	sadd.s32 @!p0 s3, s7;
	s7 =	simm.s32 @!p0 $0x108  }
0x21: {  	s3 =	sadd.s32 s3, s9;
	s6 =	sadd.s32 @!p0 $0x88, s6;
	s7 =	simm.s32 @p2 $0x1082  }
0x22: {  	[simem:s7], [sflag:s8] =	dma.local @!p0 [hbm:s6], $0xF7A  }
0x23: {  	s9 =	sor.u32 $0xD0000000, s2;
	s6 =	simm.s32 $0x108;
	_ =	swait.ge @!p0 [sflag:s8], $0x0  }
0x24: {  	s3 =	sadd.s32 $0x88, s3;
	s6 =	simm.s32 @!p1 $0x1082;
	[sflag:s4] =	ssyncset.s32 $0xFFFFF086  }
0x25: {  	[simem:s6], [sflag:s4] =	dma.local [hbm:s3], $0xF7A  }
0x26: {  	[smem:$0x3F99] =	sst s1;
	(tag) =	ssettag s2;
	_ =	strace s9  }
0x27: {  	s1 =	sld [smem:$0x3FA9]  }
0x28: {  	s2 =	sld [smem:$0x3FAA]  }
0x29: {  	s4 =	sld [smem:$0x3FAC]  }
0x2a: {  	p0 =	seq.s32 s5, $0x0;
	s5 =	sld [smem:$0x3FAD]  }
0x2b: {  	s6 =	sld [smem:$0x3FAE]  }
0x2c: {  	s7 =	sld [smem:$0x3FAF]  }
0x2d: {  	s3 =	simm.s32 $0x108;
	s8 =	sld [smem:$0x3FB0]  }
0x2e: {  	s3 =	simm.s32 @!p0 $0x1082;
	s9 =	sld [smem:$0x3FB1]  }
0x2f: {  	lr =	sadd.s32 s0, s3;
	s0 =	sld [smem:$0x3FA8]  }
0x30: {  	s3 =	sld [smem:$0x3FAB]  }
0x31: {  	[smem:$0x3FB4] =	sst s10  }
0x32: {  	s10 =	sld [smem:$0x3FB2];
	_ =	sdelay $0x3  }
0x33: {  	p0 =	seq.s32 s10, $0x1;
	s10 =	sld [smem:$0x3FB4];
	_ =	sdelay $0x3  }
0x34: {  	[smem:$0x3FB4] =	sst s10  }
0x35: {  	s10 =	sld [smem:$0x3FB3];
	_ =	sdelay $0x3  }
0x36: {  	p1 =	seq.s32 s10, $0x1;
	s10 =	sld [smem:$0x3FB4];
	_ =	sdelay $0x3  }
0x37: {  	[smem:$0x3FB4] =	sst s10  }
0x38: {  	s10 =	sld [smem:$0x3FB5]  }
0x39: {  	_ = 	snop;
	(pc) =	sbr.ind lr, $3  }
0x3a: {  	_ = 	snop  }
0x3b: {  	_ = 	snop  }
0x3c: {  	p2 =	seq.s32 s10, $0x1;
	s10 =	sld [smem:$0x3FB4]  }
0x3d: {  	_ =	shalt  }
0x3e: {  	_ =	shalt  }
0x3f: {  	_ =	shalt  }
0x40: {  	_ =	shalt  }
0x41: {  	_ =	shalt  }
0x42: {  	_ =	shalt  }
0x43: {  	_ =	shalt  }
0x44: {  	_ =	shalt  }
0x45: {  	_ =	shalt  }
0x46: {  	_ =	shalt  }
0x47: {  	_ =	shalt  }
0x48: {  	_ =	shalt  }
0x49: {  	_ =	shalt  }
0x4a: {  	_ =	shalt  }
0x4b: {  	_ =	shalt  }
0x4c: {  	_ =	shalt  }
0x4d: {  	_ =	shalt  }
0x4e: {  	_ =	shalt  }
0x4f: {  	_ =	shalt  }
0x50: {  	_ =	shalt  }
0x51: {  	_ =	shalt  }
0x52: {  	_ =	shalt  }
0x53: {  	_ =	shalt  }
0x54: {  	_ =	shalt  }
0x55: {  	_ =	shalt  }
0x56: {  	_ =	shalt  }
0x57: {  	_ =	shalt  }
0x58: {  	_ =	shalt  }
0x59: {  	_ =	shalt  }
0x5a: {  	_ =	shalt  }
0x5b: {  	_ =	shalt  }
0x5c: {  	_ =	shalt  }
0x5d: {  	_ =	shalt  }
0x5e: {  	_ =	shalt  }
0x5f: {  	_ =	shalt  }
0x60: {  	_ =	shalt  }
0x61: {  	_ =	shalt  }
0x62: {  	_ =	shalt  }
0x63: {  	_ =	shalt  }
0x64: {  	_ =	shalt  }
0x65: {  	_ =	shalt  }
0x66: {  	_ =	shalt  }
0x67: {  	_ =	shalt  }
0x68: {  	_ =	shalt  }
0x69: {  	_ =	shalt  }
0x6a: {  	_ =	shalt  }
0x6b: {  	_ =	shalt  }
0x6c: {  	_ =	shalt  }
0x6d: {  	_ =	shalt  }
0x6e: {  	_ =	shalt  }
0x6f: {  	_ =	shalt  }
0x70: {  	_ =	shalt  }
0x71: {  	_ =	shalt  }
0x72: {  	_ =	shalt  }
0x73: {  	_ =	shalt  }
0x74: {  	_ =	shalt  }
0x75: {  	_ =	shalt  }
0x76: {  	_ =	shalt  }
0x77: {  	_ =	shalt  }
0x78: {  	_ =	shalt  }
0x79: {  	_ =	shalt  }
0x7a: {  	_ =	shalt  }
0x7b: {  	_ =	shalt  }
0x7c: {  	_ =	shalt  }
0x7d: {  	_ =	shalt  }
0x7e: {  	_ =	shalt  }
0x7f: {  	_ =	shalt  }
0x80: {  	_ =	shalt  }
0x81: {  	_ =	shalt  }
0x82: {  	_ =	shalt  }
0x83: {  	_ =	shalt  }
0x84: {  	_ =	shalt  }
0x85: {  	_ =	shalt  }
0x86: {  	_ =	shalt  }
0x87: {  	_ =	shalt  }
.Lfunc_end0:
.L_simem_size_0:
called_computation.1_lowered:
.L_overlay_start_0:
0x88: {  	s2 =	sld [smem:$0x3FD9]  }
0x89: {  	s3 =	sld [smem:$0x3FFE];
	_ =	sdelay $0x1  }
0x8a: {  	s1 =	srdreg.scid  }
0x8b: {  	s0 =	sand.u32 $0x1, s1  }
0x8c: {  	s14 =	sshll.u32 s0, $0xA;
	s2 =	sadd.s32 s3, s2  }
0x8d: {  	s2 =	sadd.s32 s2, s14  }
0x8e: {  	[smem:$0x3FC0] =	sst s2  }
0x8f: {  	_ = 	snop  }
0x90: {  	s2 =	sld [smem:$0x3FD0];
	_ =	sdelay $0x2  }
0x91: {  	s15 =	simm.s32 $0xA;
	s4 =	simm.s32 $0x10  }
0x92: {  	[smem:s4], [sflag:s15] =	dma.local [hbm:s2], $0x1  }
0x93: {  	_ =	swait.eq [sflag:s15], $0x1  }
0x94: {  	[sflag:s15] =	ssyncset.done $0x0  }
0x95: {  	[sflag:s15] =	ssyncadd.s32 $0xFFFFFFFF  }
0x96: {  	s16 =	sld [smem:$0x11];
	(tm) =	ssettm $0x1  }
0x97: {  	s17 =	sld [smem:$0x3FFB];
	_ =	sdelay $0x3  }
0x98: {  	_ =	strace s17  }
0x99: {  	s3 =	sld [smem:$0x3FFC];
	_ =	sdelay $0x3  }
0x9a: {  	_ =	strace s3  }
0x9b: {  	s3 =	sld [smem:$0x3FFD];
	_ =	sdelay $0x3  }
0x9c: {  	_ =	strace s3  }
0x9d: {  	_ =	strace $0x8FFFFFFF  }
0x9e: {  	s18 =	sld [smem:$0x3FDB];
	_ =	sdelay $0x1  }
0x9f: {  	s19 =	simm.s32 $_scs_section_size  }
0xa0: {  	s5 =	simm.s32 $_size__tile_overlayer_lowered;
	s6 =	simm.s32 $_tile_overlayer_lowered  }
0xa1: {  	s22 =	simm.s32 $0x1BFF;
	s21 =	sshll.u32 s6, $0x1;
	s3 =	sadd.s32 s19, s18  }
0xa2: {  	s7 =	simm.s32 $0x0;
	s20 =	sshll.u32 s5, $0x1;
	s5 =	sadd.s32 s21, s3  }
0xa3: {  	[timem:s7], [sflag:s22] =	dma.local [hbm:s5], s20  }
0xa4: {  	_ =	swait.ge [sflag:s22], s20  }
0xa5: {  	s4 =	ssub.s32 $0x0, s20;
	[sflag:s22] =	ssyncset.done $0x0  }
0xa6: {  	[sflag:s22] =	ssyncadd.s32 s4;
	_ =	sdelay $0x1  }
0xa7: {  	s23 =	simm.s32 $0x1B8B  }
0xa8: {  	_ =	swait.ge [sflag:s23], $0x1  }
0xa9: {  	[sflag:s23] =	ssyncset.done $0x0  }
0xaa: {  	s25 =	simm.s32 $0x1B8E;
	s24 =	sld [smem:$0x3FFE];
	[sflag:s23] =	ssyncadd.s32 $0xFFFFFFFF  }
0xab: {  	s26 =	simm.s32 $execute0_lowered;
	[smem:$0x3FD2] =	sst s25  }
0xac: {  	s5 =	sshll.u32 s26, $0x1;
	_ =	strace $0x80000049;
	[dreg:$0x1] =	wrdreg $0xFFFFFFFF  }
0xad: {  	s28 =	simm.s32 $_size_execute0_lowered;
	s3 =	sadd.s32 s3, s5;
	[dreg:$0x0] =	wrdreg $0x0  }
0xae: {  	s5 =	sshll.u32 s28, $0x1;
	[dreg:$0x2] =	wrdreg s3  }
0xaf: {  	[dreg:$0x3] =	wrdreg s5  }
0xb0: {  	[dreg:$0x4] =	wrdreg $0xC0  }
0xb1: {  	_ =	task [dreg:s7], $0x5FFFF  }
0xb2: {  	[dreg:$0x1] =	wrdreg $0xFFFFFFFF  }
0xb3: {  	[dreg:$0x0] =	wrdreg $0x60  }
0xb4: {  	[dreg:$0x2] =	wrdreg s16  }
0xb5: {  	[dreg:$0x3] =	wrdreg s24  }
0xb6: {  	[dreg:$0x4] =	wrdreg $0xB4000  }
0xb7: {  	[dreg:$0x5] =	wrdreg $0x9  }
0xb8: {  	_ =	task.clear_ibuf [dreg:s7], $0x6FFFF;
	_ =	strace $0x90000049  }
0xb9: {  	s29 =	simm.s32 $0x9;
	_ =	strace $0x8000004B  }
0xba: {  	_ =	swait.ge [sflag:s29], $0x1  }
0xbb: {  	[sflag:s29] =	ssyncadd.s32 $0xFFFFFFFF  }
0xbc: {  	_ =	strace $0x9000004B  }
0xbd: {  	_ =	sfence  }
0xbe: {  	s30 =	sld [smem:$0x0];
	_ =	sdelay $0x2  }
0xbf: {  	s31 =	sshll.u32 s1, $0xD;
	s1 =	sshrl.u32 s1, $0x2  }
0xc0: {  	s3 =	sand.u32 $0x4000, s31;
	s1 =	sadd.s32 s1, s30  }
0xc1: {  	s0 =	sor.u32 s3, s0;
	s1 =	sshll.u32 s1, $0x11  }
0xc2: {  	s0 =	sor.u32 s1, s0  }
0xc3: {  	s0 =	sadd.s32 $0x8F2B, s0  }
0xc4: {  	[sflag:s0] =	ssyncadd.remote.s32 $0x1  }
0xc5: {  	_ =	sfence.sel $0xFFFF  }
0xc6: {  	[dreg:$0x0] =	wrdreg $0xFFFFFFFF;
	(pc) =	sbr.abs _section_cstart, $3  }
0xc7: {  	[dreg:$0x1] =	wrdreg $0xFFFFFFFF  }
0xc8: {  	_ =	task.clear_ibuf [dreg:s7], $0x2FFFF;
	_ =	strace $0x9FFFFFFF  }
0xc9: {  	(tm) =	ssettm $0x7FFFFFFF  }
tec
execute0_lowered:
.L_overlay_start_1:
0x0: {  	(tag) =	ssettag $0x1  }
0x1: {  	s3 =	rddreg [dreg:$0x0]  }
0x2: {  	s1 =	rddreg [dreg:$0x1];
	s2 =	srdreg.scid  }
0x3: {  	s0 =	rddreg [dreg:$0x2];
	s10 =	stileid.u32;
	s4 =	simm.s32 $0x0  }
0x4: {  	s2 =	sand.u32 $0x1, s2;
	s7 =	smul.u32 $0x14000, s10;
	[smem:$0x7FF] =	sst s4  }
0x5: {  	s5 =	sadd.s32 $0x62A00, s1;
	s9 =	smul.u32 $0x50000, s10;
	s10 =	sshll.u32 s10, $0xF  }
0x6: {  	s6 =	smul.u32 $0x140000, s2;
	_ =	strace $0x8000004A;
	s8 =	ssub.s32 $0x2, s2  }
0x7: {  	s2 =	sshll.u32 s2, $0xE;
	s11 =	sshrl.u32 s8, $0x1;
	s13 =	sshrl.u32 s9, $0x2  }
0x8: {  	s7 =	sadd.s32 s7, s6;
	s12 =	ssub.s32 s8, s11;
	s20 =	sadd.s32 s13, s0  }
0x9: {  	s6 =	sadd.s32 $0x2A00, s1;
	s26 =	smax.u32 s12, $0x1;
	[dreg:$0x4] =	wrdreg s20  }
0xa: {  	s11 =	smov.u32 s0;
	s0 =	sadd.s32 $0x1000, s20;
	[dreg:$0x10] =	wrdreg s26  }
0xb: {  	s7 =	sshrl.u32 s7, $0x3;
	s12 =	sadd.s32 $0x6000, s20;
	[dreg:$0x11] =	wrdreg s0  }
0xc: {  	s13 =	sadd.s32 $0x7000, s20;
	s1 =	sadd.s32 s7, s1;
	[dreg:$0x16] =	wrdreg s12  }
0xd: {  	s7 =	sor.u32 s2, s10;
	s2 =	sadd.s32 $0x2000, s20;
	[dreg:$0x17] =	wrdreg s13  }
0xe: {  	s26 =	sadd.s32 $0x13000, s20;
	s14 =	sshrl.u32 s7, $0x3;
	[dreg:$0x12] =	wrdreg s2  }
0xf: {  	s1 =	sadd.s32 $0x12A00, s1;
	[smem:$0x7FD] =	sst s26;
	s15 =	sadd.s32 s5, s14  }
0x10: {  	s16 =	sor.u32 $0x10, s14;
	s17 =	sadd.s32 s6, s14;
	[dreg:$0xf] =	wrdreg s1  }
0x11: {  	s19 =	sor.u32 $0x20, s14;
	s22 =	sor.u32 $0x30, s14;
	[dreg:$0x5] =	wrdreg s15  }
0x12: {  	s9 =	sor.u32 $0x7C0, s14;
	s14 =	sadd.s32 $0x8000, s20;
	[dreg:$0x6] =	wrdreg s17  }
0x13: {  	s18 =	sadd.s32 s5, s16;
	[dreg:$0x18] =	wrdreg s14  }
0x14: {  	s8 =	sadd.s32 s6, s16;
	[dreg:$0x7] =	wrdreg s18  }
0x15: {  	s21 =	sadd.s32 s5, s19;
	[dreg:$0x8] =	wrdreg s8  }
0x16: {  	s10 =	sadd.s32 s6, s19;
	[dreg:$0x9] =	wrdreg s21  }
0x17: {  	s23 =	sadd.s32 s5, s22;
	[dreg:$0xa] =	wrdreg s10  }
0x18: {  	s24 =	sadd.s32 s5, s9;
	[dreg:$0xb] =	wrdreg s23  }
0x19: {  	s25 =	sadd.s32 s6, s9;
	[dreg:$0xd] =	wrdreg s24  }
0x1a: {  	s29 =	simm.s32 $0x300;
	s9 =	sadd.s32 $0x4000, s20;
	[dreg:$0xe] =	wrdreg s25  }
0x1b: {  	s30 =	simm.s32 $0x3;
	s15 =	sadd.s32 $0x9000, s20;
	[dreg:$0x14] =	wrdreg s9  }
0x1c: {  	s31 =	simm.s32 $0x5400;
	s16 =	sadd.s32 $0xA000, s20;
	[dreg:$0x19] =	wrdreg s15  }
0x1d: {  	s28 =	simm.s32 $0x300;
	s17 =	sadd.s32 $0xB000, s20;
	[dreg:$0x1a] =	wrdreg s16  }
0x1e: {  	s13 =	simm.s32 $0xA;
	s19 =	sadd.s32 $0xD000, s20;
	[dreg:$0x1b] =	wrdreg s17  }
0x1f: {  	s0 =	simm.s32 $0x0;
	s8 =	sadd.s32 s6, s22;
	[dreg:$0x1d] =	wrdreg s19  }
0x20: {  	s26 =	simm.s32 $0x100;
	s10 =	sadd.s32 $0x5000, s20;
	[dreg:$0xc] =	wrdreg s8  }
0x21: {  	s1 =	simm.s32 $0x4;
	s18 =	sadd.s32 $0xC000, s20;
	[dreg:$0x15] =	wrdreg s10  }
0x22: {  	s14 =	simm.s32 $0x7;
	s21 =	sadd.s32 $0xE000, s20;
	[dreg:$0x1c] =	wrdreg s18  }
0x23: {  	s22 =	sadd.s32 $0xF000, s20;
	s23 =	sadd.s32 $0x10000, s20;
	[dreg:$0x1e] =	wrdreg s21  }
0x24: {  	s24 =	sadd.s32 $0x11000, s20;
	s25 =	sadd.s32 $0x12000, s20;
	[dreg:$0x1f] =	wrdreg s22  }
0x25: {  	s17 =	simm.s32 $0xD;
	s16 =	simm.s32 $0x400;
	[smem:$0x7FA] =	sst s23  }
0x26: {  	s9 =	simm.s32 $0x5;
	s15 =	simm.s32 $0xB;
	[smem:$0x7FB] =	sst s24  }
0x27: {  	s8 =	sadd.s32 $0x3000, s20;
	[smem:$0x7FC] =	sst s25;
	s21 =	simm.s32 $0x80  }
0x28: {  	s23 =	simm.s32 $0x280;
	s25 =	simm.s32 $0x50;
	s24 =	simm.s32 $0x2  }
0x29: {  	v0 =	vimm.f32 $0.0e+00;
	s10 =	simm.s32 $0x9;
	s22 =	simm.s32 $0xC;
	[dreg:$0x13] =	wrdreg s8  }
.LBB2_1:
0x2a: {  	[smem:$0x7F9] =	sst s0;
	s18 =	simm.s32 $0x0;
	s19 =	simm.s32 $0x200  }
.LBB2_2:
0x2b: {  	p0 =	sne.s32 s19, $0x3E00;
	[tilespmem:s18+$0xA470] =	vst v0  }
0x2c: {  	[tilespmem:s18+$0xA400] =	vst v0  }
0x2d: {  	[tilespmem:s18+$0xA410] =	vst v0  }
.Ltmp0:
0x2e: {  	[tilespmem:s18+$0xA420] =	vst v0;
	(pc) =	sbr.rel @p0 .LBB2_2-.Ltmp0, $4  }
0x2f: {  	[tilespmem:s18+$0xA430] =	vst v0  }
0x30: {  	[tilespmem:s18+$0xA440] =	vst v0  }
0x31: {  	[tilespmem:s18+$0xA450] =	vst v0  }
0x32: {  	[tilespmem:s18+$0xA460] =	vst v0;
	s18 =	sshra.s32 s19, $0x2;
	s19 =	sadd.s32 $0x200, s19  }
0x33: {  	[tilespmem:s18+$0xA470] =	vst v0  }
0x34: {  	[tilespmem:s18+$0xA400] =	vst v0  }
0x35: {  	[tilespmem:s18+$0xA410] =	vst v0  }
0x36: {  	[tilespmem:s18+$0xA420] =	vst v0  }
0x37: {  	[tilespmem:s18+$0xA430] =	vst v0  }
0x38: {  	[tilespmem:s18+$0xA440] =	vst v0  }
0x39: {  	[tilespmem:s18+$0xA450] =	vst v0  }
0x3a: {  	[tilespmem:s18+$0xA460] =	vst v0;
	s19 =	simm.s32 $0xA400  }
0x3b: {  	[spmem:s20] =	stream.linear.scatter [tilespmem:s19], [sflag:$0xD], $0x1000, $0x38;
	[tilespmem:$0x1F400] =	vst v63  }
0x3c: {  	_ =	swait.ge [sflag:s17], $0x1000  }
0x3d: {  	[sflag:s17] =	ssyncset.done $0x0  }
0x3e: {  	s20 =	rddreg [dreg:$0x11];
	[sflag:s17] =	ssyncadd.s32 $0xFFFFF000  }
0x3f: {  	[spmem:s20] =	stream.linear.scatter [tilespmem:s19], [sflag:$0xD], $0x1000, $0x38;
	[tilespmem:$0x1F400] =	vst v63  }
0x40: {  	_ =	swait.ge [sflag:s17], $0x1000  }
0x41: {  	[sflag:s17] =	ssyncset.done $0x0  }
0x42: {  	s0 =	rddreg [dreg:$0x12];
	[sflag:s17] =	ssyncadd.s32 $0xFFFFF000  }
0x43: {  	[spmem:s0] =	stream.linear.scatter [tilespmem:s19], [sflag:$0xD], $0x1000, $0x38;
	[tilespmem:$0x1F400] =	vst v63  }
0x44: {  	_ =	swait.ge [sflag:s17], $0x1000  }
0x45: {  	[sflag:s17] =	ssyncset.done $0x0  }
0x46: {  	s2 =	rddreg [dreg:$0x13];
	[sflag:s17] =	ssyncadd.s32 $0xFFFFF000  }
0x47: {  	[spmem:s2] =	stream.linear.scatter [tilespmem:s19], [sflag:$0xD], $0x1000, $0x38;
	[tilespmem:$0x1F400] =	vst v63  }
0x48: {  	_ =	swait.ge [sflag:s17], $0x1000  }
0x49: {  	[sflag:s17] =	ssyncset.done $0x0  }
0x4a: {  	s8 =	rddreg [dreg:$0x14];
	[sflag:s17] =	ssyncadd.s32 $0xFFFFF000  }
0x4b: {  	[spmem:s8] =	stream.linear.scatter [tilespmem:s19], [sflag:$0xD], $0x1000, $0x38;
	[tilespmem:$0x1F400] =	vst v63  }
0x4c: {  	_ =	swait.ge [sflag:s17], $0x1000  }
0x4d: {  	[sflag:s17] =	ssyncset.done $0x0  }
0x4e: {  	s12 =	rddreg [dreg:$0x15];
	[sflag:s17] =	ssyncadd.s32 $0xFFFFF000  }
0x4f: {  	[spmem:s12] =	stream.linear.scatter [tilespmem:s19], [sflag:$0xD], $0x1000, $0x38;
	[tilespmem:$0x1F400] =	vst v63  }
0x50: {  	_ =	swait.ge [sflag:s17], $0x1000  }
0x51: {  	[sflag:s17] =	ssyncset.done $0x0  }
0x52: {  	s20 =	rddreg [dreg:$0x16];
	[sflag:s17] =	ssyncadd.s32 $0xFFFFF000  }
0x53: {  	[spmem:s20] =	stream.linear.scatter [tilespmem:s19], [sflag:$0xD], $0x1000, $0x38;
	[tilespmem:$0x1F400] =	vst v63  }
0x54: {  	_ =	swait.ge [sflag:s17], $0x1000  }
0x55: {  	[sflag:s17] =	ssyncset.done $0x0  }
0x56: {  	s0 =	rddreg [dreg:$0x17];
	[sflag:s17] =	ssyncadd.s32 $0xFFFFF000  }
0x57: {  	[spmem:s0] =	stream.linear.scatter [tilespmem:s19], [sflag:$0xD], $0x1000, $0x38;
	[tilespmem:$0x1F400] =	vst v63  }
0x58: {  	_ =	swait.ge [sflag:s17], $0x1000  }
0x59: {  	[sflag:s17] =	ssyncset.done $0x0  }
0x5a: {  	s2 =	rddreg [dreg:$0x18];
	[sflag:s17] =	ssyncadd.s32 $0xFFFFF000  }
0x5b: {  	[spmem:s2] =	stream.linear.scatter [tilespmem:s19], [sflag:$0xD], $0x1000, $0x38;
	[tilespmem:$0x1F400] =	vst v63  }
0x5c: {  	_ =	swait.ge [sflag:s17], $0x1000  }
0x5d: {  	[sflag:s17] =	ssyncset.done $0x0  }
0x5e: {  	s8 =	rddreg [dreg:$0x19];
	[sflag:s17] =	ssyncadd.s32 $0xFFFFF000  }
0x5f: {  	[spmem:s8] =	stream.linear.scatter [tilespmem:s19], [sflag:$0xD], $0x1000, $0x38;
	[tilespmem:$0x1F400] =	vst v63  }
0x60: {  	_ =	swait.ge [sflag:s17], $0x1000  }
0x61: {  	[sflag:s17] =	ssyncset.done $0x0  }
0x62: {  	s12 =	rddreg [dreg:$0x1a];
	[sflag:s17] =	ssyncadd.s32 $0xFFFFF000  }
0x63: {  	[spmem:s12] =	stream.linear.scatter [tilespmem:s19], [sflag:$0xD], $0x1000, $0x38;
	[tilespmem:$0x1F400] =	vst v63  }
0x64: {  	_ =	swait.ge [sflag:s17], $0x1000  }
0x65: {  	[sflag:s17] =	ssyncset.done $0x0  }
0x66: {  	s20 =	rddreg [dreg:$0x1b];
	[sflag:s17] =	ssyncadd.s32 $0xFFFFF000  }
0x67: {  	[spmem:s20] =	stream.linear.scatter [tilespmem:s19], [sflag:$0xD], $0x1000, $0x38;
	[tilespmem:$0x1F400] =	vst v63  }
0x68: {  	_ =	swait.ge [sflag:s17], $0x1000  }
0x69: {  	[sflag:s17] =	ssyncset.done $0x0  }
0x6a: {  	s0 =	rddreg [dreg:$0x1c];
	[sflag:s17] =	ssyncadd.s32 $0xFFFFF000  }
0x6b: {  	[spmem:s0] =	stream.linear.scatter [tilespmem:s19], [sflag:$0xD], $0x1000, $0x38;
	[tilespmem:$0x1F400] =	vst v63  }
0x6c: {  	_ =	swait.ge [sflag:s17], $0x1000  }
0x6d: {  	[sflag:s17] =	ssyncset.done $0x0  }
0x6e: {  	s2 =	rddreg [dreg:$0x1d];
	[sflag:s17] =	ssyncadd.s32 $0xFFFFF000  }
0x6f: {  	[spmem:s2] =	stream.linear.scatter [tilespmem:s19], [sflag:$0xD], $0x1000, $0x38;
	[tilespmem:$0x1F400] =	vst v63  }
0x70: {  	_ =	swait.ge [sflag:s17], $0x1000  }
0x71: {  	[sflag:s17] =	ssyncset.done $0x0  }
0x72: {  	s8 =	rddreg [dreg:$0x1e];
	[sflag:s17] =	ssyncadd.s32 $0xFFFFF000  }
0x73: {  	[spmem:s8] =	stream.linear.scatter [tilespmem:s19], [sflag:$0xD], $0x1000, $0x38;
	[tilespmem:$0x1F400] =	vst v63  }
0x74: {  	_ =	swait.ge [sflag:s17], $0x1000  }
0x75: {  	[sflag:s17] =	ssyncset.done $0x0  }
0x76: {  	s12 =	rddreg [dreg:$0x1f];
	[sflag:s17] =	ssyncadd.s32 $0xFFFFF000  }
0x77: {  	[spmem:s12] =	stream.linear.scatter [tilespmem:s19], [sflag:$0xD], $0x1000, $0x38;
	[tilespmem:$0x1F400] =	vst v63  }
0x78: {  	_ =	swait.ge [sflag:s17], $0x1000  }
0x79: {  	s20 =	sld [smem:$0x7FA]  }
0x7a: {  	[sflag:s17] =	ssyncset.done $0x0  }
0x7b: {  	[sflag:s17] =	ssyncadd.s32 $0xFFFFF000  }
0x7c: {  	[spmem:s20] =	stream.linear.scatter [tilespmem:s19], [sflag:$0xD], $0x1000, $0x38;
	[tilespmem:$0x1F400] =	vst v63  }
0x7d: {  	_ =	swait.ge [sflag:s17], $0x1000  }
0x7e: {  	s0 =	sld [smem:$0x7FB]  }
0x7f: {  	[sflag:s17] =	ssyncset.done $0x0  }
0x80: {  	[sflag:s17] =	ssyncadd.s32 $0xFFFFF000  }
0x81: {  	[spmem:s0] =	stream.linear.scatter [tilespmem:s19], [sflag:$0xD], $0x1000, $0x38;
	[tilespmem:$0x1F400] =	vst v63  }
0x82: {  	_ =	swait.ge [sflag:s17], $0x1000  }
0x83: {  	s2 =	sld [smem:$0x7FC]  }
0x84: {  	[sflag:s17] =	ssyncset.done $0x0  }
0x85: {  	[sflag:s17] =	ssyncadd.s32 $0xFFFFF000  }
0x86: {  	[spmem:s2] =	stream.linear.scatter [tilespmem:s19], [sflag:$0xD], $0x1000, $0x38;
	[tilespmem:$0x1F400] =	vst v63  }
0x87: {  	_ =	swait.ge [sflag:s17], $0x1000  }
0x88: {  	s8 =	sld [smem:$0x7FD]  }
0x89: {  	[sflag:s17] =	ssyncset.done $0x0  }
0x8a: {  	[sflag:s17] =	ssyncadd.s32 $0xFFFFF000  }
0x8b: {  	[spmem:s8] =	stream.linear.scatter [tilespmem:s19], [sflag:$0xD], $0x1000, $0x38;
	[tilespmem:$0x1F400] =	vst v63  }
0x8c: {  	_ =	swait.ge [sflag:s17], $0x1000  }
0x8d: {  	[sflag:s17] =	ssyncset.done $0x0  }
0x8e: {  	[sflag:s17] =	ssyncadd.s32 $0xFFFFF000  }
0x8f: {  	[bflag:$0x0] =	sbarrier.arrive $0xFFFF  }
0x90: {  	s12 =	rddreg [dreg:$0x5]  }
0x91: {  	[tilespmem:s4], [sflag:$0x1] =	stream.linear.gather [hbm4b:s12+s4], $0x80, $0x38;
	[tilespmem:$0x1F400] =	vst v63  }
0x92: {  	s0 =	simm.s32 $0x200;
	s19 =	rddreg [dreg:$0x6]  }
0x93: {  	[tilespmem:s0], [sflag:$0x9] =	stream.linear.gather [hbm4b:s19+s4], $0x80, $0x38;
	[tilespmem:$0x1F400] =	vst v63  }
0x94: {  	s20 =	rddreg [dreg:$0x7]  }
0x95: {  	[tilespmem:s21], [sflag:$0x2] =	stream.linear.gather [hbm4b:s20+s4], $0x80, $0x38;
	[tilespmem:$0x1F400] =	vst v63  }
0x96: {  	s2 =	rddreg [dreg:$0x8]  }
0x97: {  	[tilespmem:s23], [sflag:$0xA] =	stream.linear.gather [hbm4b:s2+s4], $0x80, $0x38;
	[tilespmem:$0x1F400] =	vst v63  }
0x98: {  	s8 =	rddreg [dreg:$0x9]  }
0x99: {  	[tilespmem:s26], [sflag:$0x3] =	stream.linear.gather [hbm4b:s8+s4], $0x80, $0x38;
	[tilespmem:$0x1F400] =	vst v63  }
0x9a: {  	s12 =	rddreg [dreg:$0xa]  }
0x9b: {  	[tilespmem:s29], [sflag:$0xB] =	stream.linear.gather [hbm4b:s12+s4], $0x80, $0x38;
	[tilespmem:$0x1F400] =	vst v63  }
0x9c: {  	s19 =	rddreg [dreg:$0xb];
	s2 =	simm.s32 $0x180  }
0x9d: {  	[tilespmem:s2], [sflag:$0x4] =	stream.linear.gather [hbm4b:s19+s4], $0x80, $0x38;
	[tilespmem:$0x1F400] =	vst v63  }
0x9e: {  	s18 =	simm.s32 $0x380;
	s20 =	rddreg [dreg:$0xc];
	s12 =	simm.s32 $0x1  }
0x9f: {  	[tilespmem:s18], [sflag:$0xC] =	stream.linear.gather [hbm4b:s20+s4], $0x80, $0x38;
	[tilespmem:$0x1F400] =	vst v63  }
0xa0: {  	_ =	swait.ge [sflag:s12], $0x80  }
0xa1: {  	[sflag:s12] =	ssyncset.done $0x0  }
0xa2: {  	[sflag:s12] =	ssyncadd.s32 $0xFFFFFF80  }
0xa3: {  	[tilespmem:s16], [sflag:$0x5] =	stream.indirect.gather [hbm4b:s3+s25], $0x80, s4, s25, $0xb8;
	[tilespmem:$0x1F400] =	vst v63  }
0xa4: {  	_ =	swait.ge [sflag:s24], $0x80  }
0xa5: {  	[sflag:s24] =	ssyncset.done $0x0  }
0xa6: {  	s8 =	simm.s32 $0x2C00;
	[sflag:s24] =	ssyncadd.s32 $0xFFFFFF80  }
0xa7: {  	[tilespmem:s8], [sflag:$0x6] =	stream.indirect.gather [hbm4b:s3+s25], $0x80, s21, s25, $0xb8;
	[tilespmem:$0x1F400] =	vst v63  }
0xa8: {  	_ =	swait.ge [sflag:s30], $0x80  }
0xa9: {  	[sflag:s30] =	ssyncset.done $0x0  }
0xaa: {  	[sflag:s30] =	ssyncadd.s32 $0xFFFFFF80  }
0xab: {  	[tilespmem:s31], [sflag:$0x7] =	stream.indirect.gather [hbm4b:s3+s25], $0x80, s26, s25, $0xb8;
	[tilespmem:$0x1F400] =	vst v63  }
0xac: {  	s19 =	simm.s32 $0x200;
	_ =	swait.ge [sflag:s1], $0x80  }
0xad: {  	s20 =	sand.u32 $0x7C00, s19;
	s19 =	sand.u32 $0x200, s19;
	[sflag:s1] =	ssyncset.done $0x0  }
0xae: {  	s20 =	sadd.s32 s7, s20;
	[sflag:s1] =	ssyncadd.s32 $0xFFFFFF80;
	s1 =	simm.s32 $0x7C00  }
0xaf: {  	[tilespmem:s1], [sflag:$0x8] =	stream.indirect.gather [hbm4b:s3+s25], $0x80, s2, s25, $0xb8;
	[tilespmem:$0x1F400] =	vst v63  }
0xb0: {  	s19 =	sor.u32 s19, s20;
	_ =	swait.ge [sflag:s9], $0x2800  }
0xb1: {  	s19 =	sshrl.u32 s19, $0x3;
	[sflag:s9] =	ssyncset.done $0x0  }
0xb2: {  	s1 =	sadd.s32 s5, s19;
	[sflag:s9] =	ssyncadd.s32 $0xFFFFD800  }
0xb3: {  	[tilespmem:s4], [sflag:$0x1] =	stream.linear.gather [hbm4b:s1+s4], $0x80, $0x38;
	[tilespmem:$0x1F400] =	vst v63  }
0xb4: {  	_ =	swait.ge [sflag:s10], $0x80  }
0xb5: {  	[sflag:s10] =	ssyncset.done $0x0  }
0xb6: {  	[sflag:s10] =	ssyncadd.s32 $0xFFFFFF80  }
0xb7: {  	[spmem:s11] =	stream.indirect.scatter.add.f32 [tilespmem:s16], [sflag:$0xD], $0x80, s0, s25, $0xb8;
	[tilespmem:$0x1F400] =	vst v63  }
0xb8: {  	_ =	swait.ge [sflag:s17], $0x2800  }
0xb9: {  	[sflag:s17] =	ssyncset.done $0x0  }
0xba: {  	s19 =	sadd.s32 s6, s19;
	s2 =	simm.s32 $0x280;
	[sflag:s17] =	ssyncadd.s32 $0xFFFFD800  }
0xbb: {  	[tilespmem:s0], [sflag:$0x9] =	stream.linear.gather [hbm4b:s19+s4], $0x80, $0x38;
	[tilespmem:$0x1F400] =	vst v63  }
0xbc: {  	s9 =	sand.u32 $0x7C00, s2;
	_ =	swait.ge [sflag:s12], $0x80  }
0xbd: {  	s20 =	sadd.s32 s7, s9;
	[sflag:s12] =	ssyncset.done $0x0  }
0xbe: {  	s19 =	sand.u32 $0x280, s2;
	[sflag:s12] =	ssyncadd.s32 $0xFFFFFF80;
	s12 =	simm.s32 $0x6  }
0xbf: {  	[tilespmem:s16], [sflag:$0x5] =	stream.indirect.gather [hbm4b:s3+s25], $0x80, s4, s25, $0xb8;
	[tilespmem:$0x1F400] =	vst v63  }
0xc0: {  	s19 =	sor.u32 s19, s20;
	_ =	swait.ge [sflag:s12], $0x2800  }
0xc1: {  	s19 =	sshrl.u32 s19, $0x3;
	[sflag:s12] =	ssyncset.done $0x0  }
0xc2: {  	s10 =	sadd.s32 s5, s19;
	[sflag:s12] =	ssyncadd.s32 $0xFFFFD800  }
0xc3: {  	[tilespmem:s21], [sflag:$0x2] =	stream.linear.gather [hbm4b:s10+s4], $0x80, $0x38;
	[tilespmem:$0x1F400] =	vst v63  }
0xc4: {  	_ =	swait.ge [sflag:s13], $0x80  }
0xc5: {  	[sflag:s13] =	ssyncset.done $0x0  }
0xc6: {  	[sflag:s13] =	ssyncadd.s32 $0xFFFFFF80  }
0xc7: {  	[spmem:s11] =	stream.indirect.scatter.add.f32 [tilespmem:s8], [sflag:$0xD], $0x80, s23, s25, $0xb8;
	[tilespmem:$0x1F400] =	vst v63  }
0xc8: {  	_ =	swait.ge [sflag:s17], $0x2800  }
0xc9: {  	[sflag:s17] =	ssyncset.done $0x0  }
0xca: {  	s19 =	sadd.s32 s6, s19;
	[sflag:s17] =	ssyncadd.s32 $0xFFFFD800  }
0xcb: {  	[tilespmem:s23], [sflag:$0xA] =	stream.linear.gather [hbm4b:s19+s4], $0x80, $0x38;
	[tilespmem:$0x1F400] =	vst v63  }
0xcc: {  	s13 =	simm.s32 $0x300;
	_ =	swait.ge [sflag:s24], $0x80  }
0xcd: {  	s16 =	sand.u32 $0x7C00, s13;
	[sflag:s24] =	ssyncset.done $0x0  }
0xce: {  	s20 =	sadd.s32 s7, s16;
	s19 =	sand.u32 $0x300, s13;
	[sflag:s24] =	ssyncadd.s32 $0xFFFFFF80  }
0xcf: {  	[tilespmem:s8], [sflag:$0x6] =	stream.indirect.gather [hbm4b:s3+s25], $0x80, s21, s25, $0xb8;
	[tilespmem:$0x1F400] =	vst v63  }
0xd0: {  	s19 =	sor.u32 s19, s20;
	_ =	swait.ge [sflag:s14], $0x2800  }
0xd1: {  	s19 =	sshrl.u32 s19, $0x3;
	[sflag:s14] =	ssyncset.done $0x0  }
0xd2: {  	s23 =	sadd.s32 s5, s19;
	[sflag:s14] =	ssyncadd.s32 $0xFFFFD800  }
0xd3: {  	[tilespmem:s26], [sflag:$0x3] =	stream.linear.gather [hbm4b:s23+s4], $0x80, $0x38;
	[tilespmem:$0x1F400] =	vst v63  }
0xd4: {  	_ =	swait.ge [sflag:s15], $0x80  }
0xd5: {  	[sflag:s15] =	ssyncset.done $0x0  }
0xd6: {  	[sflag:s15] =	ssyncadd.s32 $0xFFFFFF80  }
0xd7: {  	[spmem:s11] =	stream.indirect.scatter.add.f32 [tilespmem:s31], [sflag:$0xD], $0x80, s29, s25, $0xb8;
	[tilespmem:$0x1F400] =	vst v63  }
0xd8: {  	_ =	swait.ge [sflag:s17], $0x2800  }
0xd9: {  	[sflag:s17] =	ssyncset.done $0x0  }
0xda: {  	s19 =	sadd.s32 s6, s19;
	[sflag:s17] =	ssyncadd.s32 $0xFFFFD800  }
0xdb: {  	[tilespmem:s29], [sflag:$0xB] =	stream.linear.gather [hbm4b:s19+s4], $0x80, $0x38;
	[tilespmem:$0x1F400] =	vst v63  }
0xdc: {  	_ =	swait.ge [sflag:s30], $0x80  }
0xdd: {  	s24 =	sand.u32 $0x7C00, s18;
	s18 =	sand.u32 $0x380, s18;
	[sflag:s30] =	ssyncset.done $0x0  }
0xde: {  	s8 =	simm.s32 $0x8;
	s19 =	sadd.s32 s7, s24;
	[sflag:s30] =	ssyncadd.s32 $0xFFFFFF80  }
0xdf: {  	[tilespmem:s31], [sflag:$0x7] =	stream.indirect.gather [hbm4b:s3+s25], $0x80, s26, s25, $0xb8;
	[tilespmem:$0x1F400] =	vst v63  }
0xe0: {  	s18 =	sor.u32 s18, s19;
	_ =	swait.ge [sflag:s8], $0x2800  }
0xe1: {  	s19 =	sshrl.u32 s18, $0x3;
	[sflag:s8] =	ssyncset.done $0x0  }
0xe2: {  	s21 =	simm.s32 $0x180;
	s18 =	sadd.s32 s5, s19;
	[sflag:s8] =	ssyncadd.s32 $0xFFFFD800  }
0xe3: {  	[tilespmem:s21], [sflag:$0x4] =	stream.linear.gather [hbm4b:s18+s4], $0x80, $0x38;
	[tilespmem:$0x1F400] =	vst v63  }
0xe4: {  	s9 =	simm.s32 $0x4;
	s1 =	simm.s32 $0x3;
	_ =	swait.ge [sflag:s22], $0x80  }
0xe5: {  	s10 =	simm.s32 $0x5;
	s16 =	simm.s32 $0x9;
	[sflag:s22] =	ssyncset.done $0x0  }
0xe6: {  	s26 =	simm.s32 $0x7C00;
	s31 =	simm.s32 $0x380;
	[sflag:s22] =	ssyncadd.s32 $0xFFFFFF80  }
0xe7: {  	[spmem:s11] =	stream.indirect.scatter.add.f32 [tilespmem:s26], [sflag:$0xD], $0x80, s31, s25, $0xb8;
	[tilespmem:$0x1F400] =	vst v63  }
0xe8: {  	s29 =	simm.s32 $0x100;
	s20 =	sadd.s32 s6, s19;
	_ =	swait.ge [sflag:s17], $0x2800  }
0xe9: {  	s30 =	simm.s32 $0x2;
	s18 =	simm.s32 $0x580;
	[sflag:s17] =	ssyncset.done $0x0  }
.LBB2_4:
0xea: {  	p0 =	sne.s32 s18, $0x3D80;
	[sflag:s17] =	ssyncadd.s32 $0xFFFFD800;
	s19 =	smov.u32 s18  }
0xeb: {  	s18 =	sadd.s32 $0x200, s18;
	s24 =	simm.s32 $0x380;
	s13 =	simm.s32 $0x7C00  }
0xec: {  	[tilespmem:s24], [sflag:$0xC] =	stream.linear.gather [hbm4b:s20+s4], $0x80, $0x38;
	[tilespmem:$0x1F400] =	vst v63  }
0xed: {  	s2 =	simm.s32 $0x180;
	s20 =	sadd.s32 $0xFFFFFE80, s19;
	_ =	swait.ge [sflag:s9], $0x80  }
0xee: {  	s21 =	sand.u32 $0x7C00, s20;
	s20 =	sand.u32 $0x200, s20;
	[sflag:s9] =	ssyncset.done $0x0  }
0xef: {  	s21 =	sadd.s32 s7, s21;
	[sflag:s9] =	ssyncadd.s32 $0xFFFFFF80  }
0xf0: {  	[tilespmem:s13], [sflag:$0x8] =	stream.indirect.gather [hbm4b:s3+s25], $0x80, s2, s25, $0xb8;
	[tilespmem:$0x1F400] =	vst v63  }
0xf1: {  	s13 =	simm.s32 $0xA;
	s2 =	simm.s32 $0x7C00  }
0xf2: {  	s20 =	sor.u32 s20, s21;
	_ =	swait.ge [sflag:s10], $0x2800  }
0xf3: {  	s20 =	sshrl.u32 s20, $0x3;
	[sflag:s10] =	ssyncset.done $0x0  }
0xf4: {  	s21 =	sadd.s32 s5, s20;
	[sflag:s10] =	ssyncadd.s32 $0xFFFFD800  }
0xf5: {  	[tilespmem:s4], [sflag:$0x1] =	stream.linear.gather [hbm4b:s21+s4], $0x80, $0x38;
	[tilespmem:$0x1F400] =	vst v63  }
0xf6: {  	_ =	swait.ge [sflag:s16], $0x80  }
0xf7: {  	[sflag:s16] =	ssyncset.done $0x0  }
0xf8: {  	s0 =	simm.s32 $0x400;
	s21 =	simm.s32 $0x200;
	[sflag:s16] =	ssyncadd.s32 $0xFFFFFF80  }
0xf9: {  	[spmem:s11] =	stream.indirect.scatter.add.f32 [tilespmem:s0], [sflag:$0xD], $0x80, s21, s25, $0xb8;
	[tilespmem:$0x1F400] =	vst v63  }
0xfa: {  	_ =	swait.ge [sflag:s17], $0x2800  }
0xfb: {  	s20 =	sadd.s32 s6, s20;
	[sflag:s17] =	ssyncset.done $0x0  }
0xfc: {  	s26 =	simm.s32 $0x1;
	[sflag:s17] =	ssyncadd.s32 $0xFFFFD800  }
0xfd: {  	[tilespmem:s21], [sflag:$0x9] =	stream.linear.gather [hbm4b:s20+s4], $0x80, $0x38;
	[tilespmem:$0x1F400] =	vst v63  }
0xfe: {  	s20 =	sadd.s32 $0xFFFFFF00, s19;
	_ =	swait.ge [sflag:s26], $0x80  }
0xff: {  	s21 =	sand.u32 $0x7C00, s20;
	s20 =	sand.u32 $0x280, s20;
	[sflag:s26] =	ssyncset.done $0x0  }
0x100: {  	s21 =	sadd.s32 s7, s21;
	[sflag:s26] =	ssyncadd.s32 $0xFFFFFF80  }
0x101: {  	[tilespmem:s0], [sflag:$0x5] =	stream.indirect.gather [hbm4b:s3+s25], $0x80, s4, s25, $0xb8;
	[tilespmem:$0x1F400] =	vst v63  }
0x102: {  	s20 =	sor.u32 s20, s21;
	_ =	swait.ge [sflag:s12], $0x2800  }
0x103: {  	s20 =	sshrl.u32 s20, $0x3;
	[sflag:s12] =	ssyncset.done $0x0  }
0x104: {  	s26 =	simm.s32 $0x80;
	s21 =	sadd.s32 s5, s20;
	[sflag:s12] =	ssyncadd.s32 $0xFFFFD800  }
0x105: {  	[tilespmem:s26], [sflag:$0x2] =	stream.linear.gather [hbm4b:s21+s4], $0x80, $0x38;
	[tilespmem:$0x1F400] =	vst v63  }
0x106: {  	_ =	swait.ge [sflag:s13], $0x80  }
0x107: {  	[sflag:s13] =	ssyncset.done $0x0  }
0x108: {  	s31 =	simm.s32 $0x2C00;
	s0 =	simm.s32 $0x280;
	[sflag:s13] =	ssyncadd.s32 $0xFFFFFF80  }
0x109: {  	[spmem:s11] =	stream.indirect.scatter.add.f32 [tilespmem:s31], [sflag:$0xD], $0x80, s0, s25, $0xb8;
	[tilespmem:$0x1F400] =	vst v63  }
0x10a: {  	_ =	swait.ge [sflag:s17], $0x2800  }
0x10b: {  	s20 =	sadd.s32 s6, s20;
	[sflag:s17] =	ssyncset.done $0x0  }
0x10c: {  	s23 =	simm.s32 $0x280;
	[sflag:s17] =	ssyncadd.s32 $0xFFFFD800  }
0x10d: {  	[tilespmem:s0], [sflag:$0xA] =	stream.linear.gather [hbm4b:s20+s4], $0x80, $0x38;
	[tilespmem:$0x1F400] =	vst v63  }
0x10e: {  	s20 =	sadd.s32 $0xFFFFFF80, s19;
	_ =	swait.ge [sflag:s30], $0x80  }
0x10f: {  	s21 =	sand.u32 $0x7C00, s20;
	s20 =	sand.u32 $0x300, s20;
	[sflag:s30] =	ssyncset.done $0x0  }
0x110: {  	s0 =	simm.s32 $0x2C00;
	s21 =	sadd.s32 s7, s21;
	[sflag:s30] =	ssyncadd.s32 $0xFFFFFF80  }
0x111: {  	[tilespmem:s31], [sflag:$0x6] =	stream.indirect.gather [hbm4b:s3+s25], $0x80, s26, s25, $0xb8;
	[tilespmem:$0x1F400] =	vst v63  }
0x112: {  	s20 =	sor.u32 s20, s21;
	_ =	swait.ge [sflag:s14], $0x2800  }
0x113: {  	s20 =	sshrl.u32 s20, $0x3;
	[sflag:s14] =	ssyncset.done $0x0  }
0x114: {  	s21 =	sadd.s32 s5, s20;
	[sflag:s14] =	ssyncadd.s32 $0xFFFFD800  }
0x115: {  	[tilespmem:s29], [sflag:$0x3] =	stream.linear.gather [hbm4b:s21+s4], $0x80, $0x38;
	[tilespmem:$0x1F400] =	vst v63  }
0x116: {  	s21 =	simm.s32 $0x180  }
0x117: {  	_ =	swait.ge [sflag:s15], $0x80  }
0x118: {  	[sflag:s15] =	ssyncset.done $0x0  }
0x119: {  	s26 =	simm.s32 $0x5400;
	s31 =	simm.s32 $0x300;
	[sflag:s15] =	ssyncadd.s32 $0xFFFFFF80  }
0x11a: {  	[spmem:s11] =	stream.indirect.scatter.add.f32 [tilespmem:s26], [sflag:$0xD], $0x80, s31, s25, $0xb8;
	[tilespmem:$0x1F400] =	vst v63  }
0x11b: {  	_ =	swait.ge [sflag:s17], $0x2800  }
0x11c: {  	s20 =	sadd.s32 s6, s20;
	[sflag:s17] =	ssyncset.done $0x0  }
0x11d: {  	[sflag:s17] =	ssyncadd.s32 $0xFFFFD800  }
0x11e: {  	[tilespmem:s31], [sflag:$0xB] =	stream.linear.gather [hbm4b:s20+s4], $0x80, $0x38;
	[tilespmem:$0x1F400] =	vst v63  }
0x11f: {  	_ =	swait.ge [sflag:s1], $0x80  }
0x120: {  	s20 =	sand.u32 $0x7C00, s19;
	s19 =	sand.u32 $0x380, s19;
	[sflag:s1] =	ssyncset.done $0x0  }
0x121: {  	s31 =	simm.s32 $0x5400;
	s20 =	sadd.s32 s7, s20;
	[sflag:s1] =	ssyncadd.s32 $0xFFFFFF80  }
0x122: {  	[tilespmem:s26], [sflag:$0x7] =	stream.indirect.gather [hbm4b:s3+s25], $0x80, s29, s25, $0xb8;
	[tilespmem:$0x1F400] =	vst v63  }
0x123: {  	s19 =	sor.u32 s19, s20;
	_ =	swait.ge [sflag:s8], $0x2800  }
0x124: {  	s19 =	sshrl.u32 s19, $0x3;
	[sflag:s8] =	ssyncset.done $0x0  }
0x125: {  	s20 =	sadd.s32 s5, s19;
	[sflag:s8] =	ssyncadd.s32 $0xFFFFD800  }
0x126: {  	[tilespmem:s21], [sflag:$0x4] =	stream.linear.gather [hbm4b:s20+s4], $0x80, $0x38;
	[tilespmem:$0x1F400] =	vst v63  }
0x127: {  	_ =	swait.ge [sflag:s22], $0x80  }
.Ltmp1:
0x128: {  	[sflag:s22] =	ssyncset.done $0x0;
	(pc) =	sbr.rel @p0 .LBB2_4-.Ltmp1, $4  }
0x129: {  	[sflag:s22] =	ssyncadd.s32 $0xFFFFFF80  }
0x12a: {  	[spmem:s11] =	stream.indirect.scatter.add.f32 [tilespmem:s2], [sflag:$0xD], $0x80, s24, s25, $0xb8;
	[tilespmem:$0x1F400] =	vst v63  }
0x12b: {  	_ =	swait.ge [sflag:s17], $0x2800  }
0x12c: {  	s20 =	sadd.s32 s6, s19;
	[sflag:s17] =	ssyncset.done $0x0  }
0x12d: {  	[sflag:s17] =	ssyncadd.s32 $0xFFFFD800;
	s19 =	simm.s32 $0x380  }
0x12e: {  	[tilespmem:s19], [sflag:$0xC] =	stream.linear.gather [hbm4b:s20+s4], $0x80, $0x38;
	[tilespmem:$0x1F400] =	vst v63  }
0x12f: {  	_ =	swait.ge [sflag:s9], $0x80  }
0x130: {  	[sflag:s9] =	ssyncset.done $0x0  }
0x131: {  	[sflag:s9] =	ssyncadd.s32 $0xFFFFFF80  }
0x132: {  	[tilespmem:s2], [sflag:$0x8] =	stream.indirect.gather [hbm4b:s3+s25], $0x80, s21, s25, $0xb8;
	[tilespmem:$0x1F400] =	vst v63  }
0x133: {  	_ =	swait.ge [sflag:s10], $0x2800  }
0x134: {  	[sflag:s10] =	ssyncset.done $0x0  }
0x135: {  	s18 =	rddreg [dreg:$0xd];
	[sflag:s10] =	ssyncadd.s32 $0xFFFFD800  }
0x136: {  	[tilespmem:s4], [sflag:$0x1] =	stream.linear.gather [hbm4b:s18+s4], $0x80, $0x38;
	[tilespmem:$0x1F400] =	vst v63  }
0x137: {  	_ =	swait.ge [sflag:s16], $0x80  }
0x138: {  	[sflag:s16] =	ssyncset.done $0x0  }
0x139: {  	s1 =	simm.s32 $0x200;
	s21 =	simm.s32 $0x400;
	[sflag:s16] =	ssyncadd.s32 $0xFFFFFF80  }
0x13a: {  	[spmem:s11] =	stream.indirect.scatter.add.f32 [tilespmem:s21], [sflag:$0xD], $0x80, s1, s25, $0xb8;
	[tilespmem:$0x1F400] =	vst v63  }
0x13b: {  	_ =	swait.ge [sflag:s17], $0x2800  }
0x13c: {  	[sflag:s17] =	ssyncset.done $0x0  }
0x13d: {  	s26 =	simm.s32 $0x1;
	s24 =	rddreg [dreg:$0xe];
	[sflag:s17] =	ssyncadd.s32 $0xFFFFD800  }
0x13e: {  	[tilespmem:s1], [sflag:$0x9] =	stream.linear.gather [hbm4b:s24+s4], $0x80, $0x38;
	[tilespmem:$0x1F400] =	vst v63  }
0x13f: {  	_ =	swait.ge [sflag:s26], $0x80  }
0x140: {  	[sflag:s26] =	ssyncset.done $0x0  }
0x141: {  	[sflag:s26] =	ssyncadd.s32 $0xFFFFFF80  }
0x142: {  	[tilespmem:s21], [sflag:$0x5] =	stream.indirect.gather [hbm4b:s3+s25], $0x80, s4, s25, $0xb8;
	[tilespmem:$0x1F400] =	vst v63  }
0x143: {  	_ =	swait.ge [sflag:s12], $0x2800  }
0x144: {  	[sflag:s12] =	ssyncset.done $0x0  }
0x145: {  	[sflag:s12] =	ssyncadd.s32 $0xFFFFD800  }
0x146: {  	_ =	swait.ge [sflag:s13], $0x80  }
0x147: {  	[sflag:s13] =	ssyncset.done $0x0  }
0x148: {  	[sflag:s13] =	ssyncadd.s32 $0xFFFFFF80  }
0x149: {  	[spmem:s11] =	stream.indirect.scatter.add.f32 [tilespmem:s0], [sflag:$0xD], $0x80, s23, s25, $0xb8;
	[tilespmem:$0x1F400] =	vst v63  }
0x14a: {  	_ =	swait.ge [sflag:s17], $0x2800  }
0x14b: {  	[sflag:s17] =	ssyncset.done $0x0  }
0x14c: {  	[sflag:s17] =	ssyncadd.s32 $0xFFFFD800  }
0x14d: {  	_ =	swait.ge [sflag:s14], $0x2800  }
0x14e: {  	[sflag:s14] =	ssyncset.done $0x0  }
0x14f: {  	[sflag:s14] =	ssyncadd.s32 $0xFFFFD800  }
0x150: {  	_ =	swait.ge [sflag:s15], $0x80  }
0x151: {  	[sflag:s15] =	ssyncset.done $0x0  }
0x152: {  	[sflag:s15] =	ssyncadd.s32 $0xFFFFFF80  }
0x153: {  	[spmem:s11] =	stream.indirect.scatter.add.f32 [tilespmem:s31], [sflag:$0xD], $0x80, s28, s25, $0xb8;
	[tilespmem:$0x1F400] =	vst v63  }
0x154: {  	_ =	swait.ge [sflag:s17], $0x2800  }
0x155: {  	[sflag:s17] =	ssyncset.done $0x0  }
0x156: {  	[sflag:s17] =	ssyncadd.s32 $0xFFFFD800  }
0x157: {  	_ =	swait.ge [sflag:s8], $0x2800  }
0x158: {  	[sflag:s8] =	ssyncset.done $0x0  }
0x159: {  	[sflag:s8] =	ssyncadd.s32 $0xFFFFD800  }
0x15a: {  	_ =	swait.ge [sflag:s22], $0x80  }
0x15b: {  	[sflag:s22] =	ssyncset.done $0x0  }
0x15c: {  	[sflag:s22] =	ssyncadd.s32 $0xFFFFFF80  }
0x15d: {  	[spmem:s11] =	stream.indirect.scatter.add.f32 [tilespmem:s2], [sflag:$0xD], $0x80, s19, s25, $0xb8;
	[tilespmem:$0x1F400] =	vst v63  }
0x15e: {  	_ =	swait.ge [sflag:s17], $0x2800  }
0x15f: {  	[sflag:s17] =	ssyncset.done $0x0  }
0x160: {  	[sflag:s17] =	ssyncadd.s32 $0xFFFFD800  }
0x161: {  	_ =	swait.ge [sflag:s10], $0x2800  }
0x162: {  	[sflag:s10] =	ssyncset.done $0x0  }
0x163: {  	[sflag:s10] =	ssyncadd.s32 $0xFFFFD800  }
0x164: {  	_ =	swait.ge [sflag:s16], $0x80  }
0x165: {  	[sflag:s16] =	ssyncset.done $0x0  }
0x166: {  	[sflag:s16] =	ssyncadd.s32 $0xFFFFFF80  }
0x167: {  	[spmem:s11] =	stream.indirect.scatter.add.f32 [tilespmem:s21], [sflag:$0xD], $0x80, s1, s25, $0xb8;
	[tilespmem:$0x1F400] =	vst v63  }
0x168: {  	_ =	swait.ge [sflag:s17], $0x2800  }
0x169: {  	[sflag:s17] =	ssyncset.done $0x0  }
0x16a: {  	[sflag:s17] =	ssyncadd.s32 $0xFFFFD800  }
0x16b: {  	s20 =	stileid.u32;
	[bflag:$0x0] =	sbarrier.arrive $0xFFFF  }
0x16c: {  	s18 =	sshll.u32 s20, $0x6;
	s20 =	rddreg [dreg:$0x4]  }
0x16d: {  	s18 =	sor.u32 $0x1C0D, s18;
	s23 =	rddreg [dreg:$0xf];
	s21 =	sshrl.u32 s20, $0x3  }
0x16e: {  	[hbm:s23], [sflag:s18] =	dma.local [spmem:s21], $0x2800  }
0x16f: {  	_ =	swait.ge [sflag:s17], $0x2800  }
0x170: {  	s24 =	sld [smem:$0x7F9];
	_ =	sdelay $0x2  }
0x171: {  	s26 =	rddreg [dreg:$0x10];
	s0 =	sadd.s32 $0x1, s24  }
0x172: {  	p0 =	sne.s32 s0, s26  }
.Ltmp2:
0x173: {  	s29 =	simm.s32 $0x300;
	(pc) =	sbr.rel @p0 .LBB2_1-.Ltmp2, $4  }
0x174: {  	s30 =	simm.s32 $0x3;
	s9 =	simm.s32 $0x5;
	s31 =	simm.s32 $0x5400  }
0x175: {  	s10 =	simm.s32 $0x9;
	s16 =	simm.s32 $0x400;
	s1 =	simm.s32 $0x4  }
0x176: {  	s21 =	simm.s32 $0x80;
	s23 =	simm.s32 $0x280;
	[sflag:s17] =	ssyncset.done $0x0  }
0x177: {  	[sflag:s17] =	ssyncadd.s32 $0xFFFFD800;
	s24 =	simm.s32 $0x2;
	s26 =	simm.s32 $0x100  }
0x178: {  	_ =	sfence.sel $0x180000  }
0x179: {  	[bflag:$0x0] =	sbarrier.arrive $0xFFFF  }
0x17a: {  	_ =	strace $0x9000004A  }
0x17b: {  	s0 =	stileid.u32;
	[bflag:$0x2] =	sbarrier.arrive $0xFFFF  }
0x17c: {  	p0 =	sne.s32 s0, $0x0;
	s0 =	rddreg [dreg:$0x3]  }
0x17d: {  	s0 =	sadd.s32 @!p0 $0x100000, s0  }
0x17e: {  	[sflag:s0] =	ssyncadd.tile.s32 @!p0 $0x1;
	_ =	shalt  }
.Lfunc_end2:
_tile_overlayer_lowered:
.L_overlay_start_2:
0x17f: {  	(tag) =	ssettag $0x2  }
0x180: {  	s0 =	rddreg [dreg:$0x0];
	s2 =	stileid.u32  }
0x181: {  	s1 =	rddreg [dreg:$0x1];
	p0 =	sne.s32 s2, $0x0  }
0x182: {  	s3 =	rddreg [dreg:$0x2];
	[bflag:$0x3] =	sbarrier.arrive $0xFFFF;
	s2 =	simm.s32 @!p0 $0x1C0D  }
0x183: {  	[timem:s3], [sflag:s2] =	dma.local @!p0 [hbm:s0], s1  }
0x184: {  	s0 =	simm.s32 @!p0 $0xD  }
0x185: {  	_ =	swait.ge @!p0 [sflag:s0], s1  }
0x186: {  	s1 =	ssub.s32 @!p0 $0x0, s1;
	[sflag:s0] =	ssyncset.done @!p0 $0x0  }
0x187: {  	[sflag:s0] =	ssyncadd.s32 @!p0 s1  }
0x188: {  	[bflag:$0x3] =	sbarrier.arrive $0xFFFF  }
0x189: {  	_ =	shalt  }

// kernel: kernel.14.cloned.1.call-start
scs
__scs_entry_jumppad:
0x0: {  	(pc) =	sbr.rel $0x88, $3  }
0x1: {  	(tag) =	ssettag $0x0;
	lr =	simm.s32 $0x1  }
0x2: {  	[smem:$0x3F99] =	sst lr;
	_ =	strace $0xD0000000  }
0x3: {  	_ = 	snop  }
0x4: {  	_ = 	snop  }
0x5: {  	_ = 	snop  }
0x6: {  	_ = 	snop  }
0x7: {  	_ = 	snop  }
__scs_overlays_trampoline_lowered:
0x8: {  	[smem:$0x3FA8] =	sst s0  }
0x9: {  	[smem:$0x3FA9] =	sst s1  }
0xa: {  	[smem:$0x3FAA] =	sst s2  }
0xb: {  	[smem:$0x3FAB] =	sst s3  }
0xc: {  	[smem:$0x3FAC] =	sst s4  }
0xd: {  	[smem:$0x3FAD] =	sst s5  }
0xe: {  	[smem:$0x3FAE] =	sst s6  }
0xf: {  	[smem:$0x3FAF] =	sst s7  }
0x10: {  	[smem:$0x3FB0] =	sst s8  }
0x11: {  	[smem:$0x3FB1] =	sst s9;
	s0 =	simm.s32 @!p0 $0x0  }
0x12: {  	s1 =	sld [smem:$0x3F97];
	s0 =	simm.s32 @p0 $0x1  }
0x13: {  	[smem:$0x3FB2] =	sst s0;
	s0 =	simm.s32 @!p1 $0x0  }
0x14: {  	s2 =	sld [smem:$0x3F96];
	s0 =	simm.s32 @p1 $0x1  }
0x15: {  	[smem:$0x3FB3] =	sst s0;
	s0 =	simm.s32 @!p2 $0x0  }
0x16: {  	s3 =	sld [smem:$0x3FDB];
	s0 =	simm.s32 @p2 $0x1  }
0x17: {  	s4 =	simm.s32 $0x1BF5;
	[smem:$0x3FB5] =	sst s0  }
0x18: {  	s0 =	sld [smem:$0x3F98];
	_ =	swait.ge [sflag:s4], $0x0  }
0x19: {  	s7 =	sld [smem:$0x3F99]  }
0x1a: {  	s8 =	sadd.s32 $0xFFFFE003, lr  }
0x1b: {  	s9 =	sadd.s32 $0xFFFFFEF7, lr;
	s5 =	simm.s32 $0xFFFFFFFF;
	p2 =	slt.u32 s8, $0xFFFFF086  }
0x1c: {  	p1 =	slt.u32 s9, $0xF7A;
	s5 =	simm.s32 @!p2 $0x0  }
0x1d: {  	s5 =	simm.s32 @p1 $0x1;
	p0 =	seq.s32 s7, s2  }
0x1e: {  	s7 =	smul.u32 @!p0 $0xF7A, s2;
	p2 =	seq.s32 @!p0 s5, $0x0  }
0x1f: {  	s9 =	smul.u32 $0xF7A, s1;
	s8 =	simm.s32 @!p0 $0x1BF5;
	p2 =	por !p2, p0  }
0x20: {  	[sflag:s8] =	ssyncset.s32 @!p0 $0xFFFFF086;
	s6 =	sadd.s32 @!p0 s3, s7;
	s7 =	simm.s32 @!p0 $0x108  }
0x21: {  	s3 =	sadd.s32 s3, s9;
	s6 =	sadd.s32 @!p0 $0x88, s6;
	s7 =	simm.s32 @p2 $0x1082  }
0x22: {  	[simem:s7], [sflag:s8] =	dma.local @!p0 [hbm:s6], $0xF7A  }
0x23: {  	s9 =	sor.u32 $0xD0000000, s2;
	s6 =	simm.s32 $0x108;
	_ =	swait.ge @!p0 [sflag:s8], $0x0  }
0x24: {  	s3 =	sadd.s32 $0x88, s3;
	s6 =	simm.s32 @!p1 $0x1082;
	[sflag:s4] =	ssyncset.s32 $0xFFFFF086  }
0x25: {  	[simem:s6], [sflag:s4] =	dma.local [hbm:s3], $0xF7A  }
0x26: {  	[smem:$0x3F99] =	sst s1;
	(tag) =	ssettag s2;
	_ =	strace s9  }
0x27: {  	s1 =	sld [smem:$0x3FA9]  }
0x28: {  	s2 =	sld [smem:$0x3FAA]  }
0x29: {  	s4 =	sld [smem:$0x3FAC]  }
0x2a: {  	p0 =	seq.s32 s5, $0x0;
	s5 =	sld [smem:$0x3FAD]  }
0x2b: {  	s6 =	sld [smem:$0x3FAE]  }
0x2c: {  	s7 =	sld [smem:$0x3FAF]  }
0x2d: {  	s3 =	simm.s32 $0x108;
	s8 =	sld [smem:$0x3FB0]  }
0x2e: {  	s3 =	simm.s32 @!p0 $0x1082;
	s9 =	sld [smem:$0x3FB1]  }
0x2f: {  	lr =	sadd.s32 s0, s3;
	s0 =	sld [smem:$0x3FA8]  }
0x30: {  	s3 =	sld [smem:$0x3FAB]  }
0x31: {  	[smem:$0x3FB4] =	sst s10  }
0x32: {  	s10 =	sld [smem:$0x3FB2];
	_ =	sdelay $0x3  }
0x33: {  	p0 =	seq.s32 s10, $0x1;
	s10 =	sld [smem:$0x3FB4];
	_ =	sdelay $0x3  }
0x34: {  	[smem:$0x3FB4] =	sst s10  }
0x35: {  	s10 =	sld [smem:$0x3FB3];
	_ =	sdelay $0x3  }
0x36: {  	p1 =	seq.s32 s10, $0x1;
	s10 =	sld [smem:$0x3FB4];
	_ =	sdelay $0x3  }
0x37: {  	[smem:$0x3FB4] =	sst s10  }
0x38: {  	s10 =	sld [smem:$0x3FB5]  }
0x39: {  	_ = 	snop;
	(pc) =	sbr.ind lr, $3  }
0x3a: {  	_ = 	snop  }
0x3b: {  	_ = 	snop  }
0x3c: {  	p2 =	seq.s32 s10, $0x1;
	s10 =	sld [smem:$0x3FB4]  }
0x3d: {  	_ =	shalt  }
0x3e: {  	_ =	shalt  }
0x3f: {  	_ =	shalt  }
0x40: {  	_ =	shalt  }
0x41: {  	_ =	shalt  }
0x42: {  	_ =	shalt  }
0x43: {  	_ =	shalt  }
0x44: {  	_ =	shalt  }
0x45: {  	_ =	shalt  }
0x46: {  	_ =	shalt  }
0x47: {  	_ =	shalt  }
0x48: {  	_ =	shalt  }
0x49: {  	_ =	shalt  }
0x4a: {  	_ =	shalt  }
0x4b: {  	_ =	shalt  }
0x4c: {  	_ =	shalt  }
0x4d: {  	_ =	shalt  }
0x4e: {  	_ =	shalt  }
0x4f: {  	_ =	shalt  }
0x50: {  	_ =	shalt  }
0x51: {  	_ =	shalt  }
0x52: {  	_ =	shalt  }
0x53: {  	_ =	shalt  }
0x54: {  	_ =	shalt  }
0x55: {  	_ =	shalt  }
0x56: {  	_ =	shalt  }
0x57: {  	_ =	shalt  }
0x58: {  	_ =	shalt  }
0x59: {  	_ =	shalt  }
0x5a: {  	_ =	shalt  }
0x5b: {  	_ =	shalt  }
0x5c: {  	_ =	shalt  }
0x5d: {  	_ =	shalt  }
0x5e: {  	_ =	shalt  }
0x5f: {  	_ =	shalt  }
0x60: {  	_ =	shalt  }
0x61: {  	_ =	shalt  }
0x62: {  	_ =	shalt  }
0x63: {  	_ =	shalt  }
0x64: {  	_ =	shalt  }
0x65: {  	_ =	shalt  }
0x66: {  	_ =	shalt  }
0x67: {  	_ =	shalt  }
0x68: {  	_ =	shalt  }
0x69: {  	_ =	shalt  }
0x6a: {  	_ =	shalt  }
0x6b: {  	_ =	shalt  }
0x6c: {  	_ =	shalt  }
0x6d: {  	_ =	shalt  }
0x6e: {  	_ =	shalt  }
0x6f: {  	_ =	shalt  }
0x70: {  	_ =	shalt  }
0x71: {  	_ =	shalt  }
0x72: {  	_ =	shalt  }
0x73: {  	_ =	shalt  }
0x74: {  	_ =	shalt  }
0x75: {  	_ =	shalt  }
0x76: {  	_ =	shalt  }
0x77: {  	_ =	shalt  }
0x78: {  	_ =	shalt  }
0x79: {  	_ =	shalt  }
0x7a: {  	_ =	shalt  }
0x7b: {  	_ =	shalt  }
0x7c: {  	_ =	shalt  }
0x7d: {  	_ =	shalt  }
0x7e: {  	_ =	shalt  }
0x7f: {  	_ =	shalt  }
0x80: {  	_ =	shalt  }
0x81: {  	_ =	shalt  }
0x82: {  	_ =	shalt  }
0x83: {  	_ =	shalt  }
0x84: {  	_ =	shalt  }
0x85: {  	_ =	shalt  }
0x86: {  	_ =	shalt  }
0x87: {  	_ =	shalt  }
.Lfunc_end0:
.L_simem_size_0:
called_computation.2_lowered:
.L_overlay_start_0:
0x88: {  	s2 =	sld [smem:$0x3FD9]  }
0x89: {  	s3 =	sld [smem:$0x3FFE];
	_ =	sdelay $0x1  }
0x8a: {  	s1 =	srdreg.scid  }
0x8b: {  	s0 =	sand.u32 $0x1, s1  }
0x8c: {  	s14 =	sshll.u32 s0, $0xA;
	s2 =	sadd.s32 s3, s2  }
0x8d: {  	s2 =	sadd.s32 s2, s14  }
0x8e: {  	[smem:$0x3FC0] =	sst s2  }
0x8f: {  	_ = 	snop  }
0x90: {  	s2 =	sld [smem:$0x3FD0];
	_ =	sdelay $0x2  }
0x91: {  	s15 =	simm.s32 $0xA;
	s4 =	simm.s32 $0x10  }
0x92: {  	[smem:s4], [sflag:s15] =	dma.local [hbm:s2], $0x1  }
0x93: {  	_ =	swait.eq [sflag:s15], $0x1  }
0x94: {  	[sflag:s15] =	ssyncset.done $0x0  }
0x95: {  	[sflag:s15] =	ssyncadd.s32 $0xFFFFFFFF  }
0x96: {  	s16 =	sld [smem:$0x11];
	(tm) =	ssettm $0x1  }
0x97: {  	s17 =	sld [smem:$0x3FFB];
	_ =	sdelay $0x3  }
0x98: {  	_ =	strace s17  }
0x99: {  	s3 =	sld [smem:$0x3FFC];
	_ =	sdelay $0x3  }
0x9a: {  	_ =	strace s3  }
0x9b: {  	s3 =	sld [smem:$0x3FFD];
	_ =	sdelay $0x3  }
0x9c: {  	_ =	strace s3  }
0x9d: {  	_ =	strace $0x8FFFFFFF  }
0x9e: {  	s18 =	sld [smem:$0x3FDB];
	_ =	sdelay $0x1  }
0x9f: {  	s19 =	simm.s32 $_scs_section_size  }
0xa0: {  	s5 =	simm.s32 $_size__tile_overlayer_lowered;
	s6 =	simm.s32 $_tile_overlayer_lowered  }
0xa1: {  	s22 =	simm.s32 $0x1BFF;
	s21 =	sshll.u32 s6, $0x1;
	s3 =	sadd.s32 s19, s18  }
0xa2: {  	s7 =	simm.s32 $0x0;
	s20 =	sshll.u32 s5, $0x1;
	s5 =	sadd.s32 s21, s3  }
0xa3: {  	[timem:s7], [sflag:s22] =	dma.local [hbm:s5], s20  }
0xa4: {  	_ =	swait.ge [sflag:s22], s20  }
0xa5: {  	s4 =	ssub.s32 $0x0, s20;
	[sflag:s22] =	ssyncset.done $0x0  }
0xa6: {  	[sflag:s22] =	ssyncadd.s32 s4;
	_ =	sdelay $0x1  }
0xa7: {  	s23 =	simm.s32 $0x1B8B  }
0xa8: {  	_ =	swait.ge [sflag:s23], $0x1  }
0xa9: {  	[sflag:s23] =	ssyncset.done $0x0  }
0xaa: {  	s25 =	simm.s32 $0x1B8E;
	s24 =	sld [smem:$0x3FFE];
	[sflag:s23] =	ssyncadd.s32 $0xFFFFFFFF  }
0xab: {  	s26 =	simm.s32 $execute0_lowered;
	[smem:$0x3FD2] =	sst s25  }
0xac: {  	s5 =	sshll.u32 s26, $0x1;
	_ =	strace $0x8000004C;
	[dreg:$0x1] =	wrdreg $0xFFFFFFFF  }
0xad: {  	s28 =	simm.s32 $_size_execute0_lowered;
	s3 =	sadd.s32 s3, s5;
	[dreg:$0x0] =	wrdreg $0x0  }
0xae: {  	s5 =	sshll.u32 s28, $0x1;
	[dreg:$0x2] =	wrdreg s3  }
0xaf: {  	[dreg:$0x3] =	wrdreg s5  }
0xb0: {  	[dreg:$0x4] =	wrdreg $0xC0  }
0xb1: {  	_ =	task [dreg:s7], $0x5FFFF  }
0xb2: {  	[dreg:$0x1] =	wrdreg $0xFFFFFFFF  }
0xb3: {  	[dreg:$0x0] =	wrdreg $0x60  }
0xb4: {  	[dreg:$0x2] =	wrdreg s16  }
0xb5: {  	[dreg:$0x3] =	wrdreg s24  }
0xb6: {  	[dreg:$0x4] =	wrdreg $0xB4000  }
0xb7: {  	[dreg:$0x5] =	wrdreg $0x9  }
0xb8: {  	_ =	task.clear_ibuf [dreg:s7], $0x6FFFF;
	_ =	strace $0x9000004C  }
0xb9: {  	s29 =	simm.s32 $0x9;
	_ =	strace $0x8000004E  }
0xba: {  	_ =	swait.ge [sflag:s29], $0x1  }
0xbb: {  	[sflag:s29] =	ssyncadd.s32 $0xFFFFFFFF  }
0xbc: {  	_ =	strace $0x9000004E  }
0xbd: {  	_ =	sfence  }
0xbe: {  	s30 =	sld [smem:$0x0];
	_ =	sdelay $0x2  }
0xbf: {  	s31 =	sshll.u32 s1, $0xD;
	s1 =	sshrl.u32 s1, $0x2  }
0xc0: {  	s3 =	sand.u32 $0x4000, s31;
	s1 =	sadd.s32 s1, s30  }
0xc1: {  	s0 =	sor.u32 s3, s0;
	s1 =	sshll.u32 s1, $0x11  }
0xc2: {  	s0 =	sor.u32 s1, s0  }
0xc3: {  	s0 =	sadd.s32 $0x8F2B, s0  }
0xc4: {  	[sflag:s0] =	ssyncadd.remote.s32 $0x1  }
0xc5: {  	_ =	sfence.sel $0xFFFF  }
0xc6: {  	[dreg:$0x0] =	wrdreg $0xFFFFFFFF;
	(pc) =	sbr.abs _section_cstart, $3  }
0xc7: {  	[dreg:$0x1] =	wrdreg $0xFFFFFFFF  }
0xc8: {  	_ =	task.clear_ibuf [dreg:s7], $0x2FFFF;
	_ =	strace $0x9FFFFFFF  }
0xc9: {  	(tm) =	ssettm $0x7FFFFFFF  }
tec
execute0_lowered:
.L_overlay_start_1:
0x0: {  	(tag) =	ssettag $0x1  }
0x1: {  	s3 =	rddreg [dreg:$0x0]  }
0x2: {  	s1 =	rddreg [dreg:$0x1];
	s2 =	srdreg.scid  }
0x3: {  	s0 =	rddreg [dreg:$0x2];
	s10 =	stileid.u32;
	s4 =	simm.s32 $0x0  }
0x4: {  	s2 =	sand.u32 $0x1, s2;
	s7 =	smul.u32 $0x14000, s10;
	[smem:$0x7FF] =	sst s4  }
0x5: {  	s5 =	sadd.s32 $0x62A00, s1;
	s9 =	smul.u32 $0x50000, s10;
	s10 =	sshll.u32 s10, $0xF  }
0x6: {  	s6 =	smul.u32 $0x140000, s2;
	_ =	strace $0x8000004D;
	s8 =	ssub.s32 $0x2, s2  }
0x7: {  	s2 =	sshll.u32 s2, $0xE;
	s11 =	sshrl.u32 s8, $0x1;
	s13 =	sshrl.u32 s9, $0x2  }
0x8: {  	s7 =	sadd.s32 s7, s6;
	s12 =	ssub.s32 s8, s11;
	s20 =	sadd.s32 s13, s0  }
0x9: {  	s6 =	sadd.s32 $0x2A00, s1;
	s26 =	smax.u32 s12, $0x1;
	[dreg:$0x4] =	wrdreg s20  }
0xa: {  	s11 =	smov.u32 s0;
	s0 =	sadd.s32 $0x1000, s20;
	[dreg:$0x10] =	wrdreg s26  }
0xb: {  	s7 =	sshrl.u32 s7, $0x3;
	s12 =	sadd.s32 $0x6000, s20;
	[dreg:$0x11] =	wrdreg s0  }
0xc: {  	s13 =	sadd.s32 $0x7000, s20;
	s1 =	sadd.s32 s7, s1;
	[dreg:$0x16] =	wrdreg s12  }
0xd: {  	s7 =	sor.u32 s2, s10;
	s2 =	sadd.s32 $0x2000, s20;
	[dreg:$0x17] =	wrdreg s13  }
0xe: {  	s26 =	sadd.s32 $0x13000, s20;
	s14 =	sshrl.u32 s7, $0x3;
	[dreg:$0x12] =	wrdreg s2  }
0xf: {  	s1 =	sadd.s32 $0x12A00, s1;
	[smem:$0x7FD] =	sst s26;
	s15 =	sadd.s32 s5, s14  }
0x10: {  	s16 =	sor.u32 $0x10, s14;
	s17 =	sadd.s32 s6, s14;
	[dreg:$0xf] =	wrdreg s1  }
0x11: {  	s19 =	sor.u32 $0x20, s14;
	s22 =	sor.u32 $0x30, s14;
	[dreg:$0x5] =	wrdreg s15  }
0x12: {  	s9 =	sor.u32 $0x7C0, s14;
	s14 =	sadd.s32 $0x8000, s20;
	[dreg:$0x6] =	wrdreg s17  }
0x13: {  	s18 =	sadd.s32 s5, s16;
	[dreg:$0x18] =	wrdreg s14  }
0x14: {  	s8 =	sadd.s32 s6, s16;
	[dreg:$0x7] =	wrdreg s18  }
0x15: {  	s21 =	sadd.s32 s5, s19;
	[dreg:$0x8] =	wrdreg s8  }
0x16: {  	s10 =	sadd.s32 s6, s19;
	[dreg:$0x9] =	wrdreg s21  }
0x17: {  	s23 =	sadd.s32 s5, s22;
	[dreg:$0xa] =	wrdreg s10  }
0x18: {  	s24 =	sadd.s32 s5, s9;
	[dreg:$0xb] =	wrdreg s23  }
0x19: {  	s25 =	sadd.s32 s6, s9;
	[dreg:$0xd] =	wrdreg s24  }
0x1a: {  	s29 =	simm.s32 $0x300;
	s9 =	sadd.s32 $0x4000, s20;
	[dreg:$0xe] =	wrdreg s25  }
0x1b: {  	s30 =	simm.s32 $0x3;
	s15 =	sadd.s32 $0x9000, s20;
	[dreg:$0x14] =	wrdreg s9  }
0x1c: {  	s31 =	simm.s32 $0x5400;
	s16 =	sadd.s32 $0xA000, s20;
	[dreg:$0x19] =	wrdreg s15  }
0x1d: {  	s28 =	simm.s32 $0x300;
	s17 =	sadd.s32 $0xB000, s20;
	[dreg:$0x1a] =	wrdreg s16  }
0x1e: {  	s13 =	simm.s32 $0xA;
	s19 =	sadd.s32 $0xD000, s20;
	[dreg:$0x1b] =	wrdreg s17  }
0x1f: {  	s0 =	simm.s32 $0x0;
	s8 =	sadd.s32 s6, s22;
	[dreg:$0x1d] =	wrdreg s19  }
0x20: {  	s26 =	simm.s32 $0x100;
	s10 =	sadd.s32 $0x5000, s20;
	[dreg:$0xc] =	wrdreg s8  }
0x21: {  	s1 =	simm.s32 $0x4;
	s18 =	sadd.s32 $0xC000, s20;
	[dreg:$0x15] =	wrdreg s10  }
0x22: {  	s14 =	simm.s32 $0x7;
	s21 =	sadd.s32 $0xE000, s20;
	[dreg:$0x1c] =	wrdreg s18  }
0x23: {  	s22 =	sadd.s32 $0xF000, s20;
	s23 =	sadd.s32 $0x10000, s20;
	[dreg:$0x1e] =	wrdreg s21  }
0x24: {  	s24 =	sadd.s32 $0x11000, s20;
	s25 =	sadd.s32 $0x12000, s20;
	[dreg:$0x1f] =	wrdreg s22  }
0x25: {  	s17 =	simm.s32 $0xD;
	s16 =	simm.s32 $0x400;
	[smem:$0x7FA] =	sst s23  }
0x26: {  	s9 =	simm.s32 $0x5;
	s15 =	simm.s32 $0xB;
	[smem:$0x7FB] =	sst s24  }
0x27: {  	s8 =	sadd.s32 $0x3000, s20;
	[smem:$0x7FC] =	sst s25;
	s21 =	simm.s32 $0x80  }
0x28: {  	s23 =	simm.s32 $0x280;
	s25 =	simm.s32 $0x50;
	s24 =	simm.s32 $0x2  }
0x29: {  	v0 =	vimm.f32 $0.0e+00;
	s10 =	simm.s32 $0x9;
	s22 =	simm.s32 $0xC;
	[dreg:$0x13] =	wrdreg s8  }
.LBB2_1:
0x2a: {  	[smem:$0x7F9] =	sst s0;
	s18 =	simm.s32 $0x0;
	s19 =	simm.s32 $0x200  }
.LBB2_2:
0x2b: {  	p0 =	sne.s32 s19, $0x3E00;
	[tilespmem:s18+$0xA470] =	vst v0  }
0x2c: {  	[tilespmem:s18+$0xA400] =	vst v0  }
0x2d: {  	[tilespmem:s18+$0xA410] =	vst v0  }
.Ltmp0:
0x2e: {  	[tilespmem:s18+$0xA420] =	vst v0;
	(pc) =	sbr.rel @p0 .LBB2_2-.Ltmp0, $4  }
0x2f: {  	[tilespmem:s18+$0xA430] =	vst v0  }
0x30: {  	[tilespmem:s18+$0xA440] =	vst v0  }
0x31: {  	[tilespmem:s18+$0xA450] =	vst v0  }
0x32: {  	[tilespmem:s18+$0xA460] =	vst v0;
	s18 =	sshra.s32 s19, $0x2;
	s19 =	sadd.s32 $0x200, s19  }
0x33: {  	[tilespmem:s18+$0xA470] =	vst v0  }
0x34: {  	[tilespmem:s18+$0xA400] =	vst v0  }
0x35: {  	[tilespmem:s18+$0xA410] =	vst v0  }
0x36: {  	[tilespmem:s18+$0xA420] =	vst v0  }
0x37: {  	[tilespmem:s18+$0xA430] =	vst v0  }
0x38: {  	[tilespmem:s18+$0xA440] =	vst v0  }
0x39: {  	[tilespmem:s18+$0xA450] =	vst v0  }
0x3a: {  	[tilespmem:s18+$0xA460] =	vst v0;
	s19 =	simm.s32 $0xA400  }
0x3b: {  	[spmem:s20] =	stream.linear.scatter [tilespmem:s19], [sflag:$0xD], $0x1000, $0x38;
	[tilespmem:$0x1F400] =	vst v63  }
0x3c: {  	_ =	swait.ge [sflag:s17], $0x1000  }
0x3d: {  	[sflag:s17] =	ssyncset.done $0x0  }
0x3e: {  	s20 =	rddreg [dreg:$0x11];
	[sflag:s17] =	ssyncadd.s32 $0xFFFFF000  }
0x3f: {  	[spmem:s20] =	stream.linear.scatter [tilespmem:s19], [sflag:$0xD], $0x1000, $0x38;
	[tilespmem:$0x1F400] =	vst v63  }
0x40: {  	_ =	swait.ge [sflag:s17], $0x1000  }
0x41: {  	[sflag:s17] =	ssyncset.done $0x0  }
0x42: {  	s0 =	rddreg [dreg:$0x12];
	[sflag:s17] =	ssyncadd.s32 $0xFFFFF000  }
0x43: {  	[spmem:s0] =	stream.linear.scatter [tilespmem:s19], [sflag:$0xD], $0x1000, $0x38;
	[tilespmem:$0x1F400] =	vst v63  }
0x44: {  	_ =	swait.ge [sflag:s17], $0x1000  }
0x45: {  	[sflag:s17] =	ssyncset.done $0x0  }
0x46: {  	s2 =	rddreg [dreg:$0x13];
	[sflag:s17] =	ssyncadd.s32 $0xFFFFF000  }
0x47: {  	[spmem:s2] =	stream.linear.scatter [tilespmem:s19], [sflag:$0xD], $0x1000, $0x38;
	[tilespmem:$0x1F400] =	vst v63  }
0x48: {  	_ =	swait.ge [sflag:s17], $0x1000  }
0x49: {  	[sflag:s17] =	ssyncset.done $0x0  }
0x4a: {  	s8 =	rddreg [dreg:$0x14];
	[sflag:s17] =	ssyncadd.s32 $0xFFFFF000  }
0x4b: {  	[spmem:s8] =	stream.linear.scatter [tilespmem:s19], [sflag:$0xD], $0x1000, $0x38;
	[tilespmem:$0x1F400] =	vst v63  }
0x4c: {  	_ =	swait.ge [sflag:s17], $0x1000  }
0x4d: {  	[sflag:s17] =	ssyncset.done $0x0  }
0x4e: {  	s12 =	rddreg [dreg:$0x15];
	[sflag:s17] =	ssyncadd.s32 $0xFFFFF000  }
0x4f: {  	[spmem:s12] =	stream.linear.scatter [tilespmem:s19], [sflag:$0xD], $0x1000, $0x38;
	[tilespmem:$0x1F400] =	vst v63  }
0x50: {  	_ =	swait.ge [sflag:s17], $0x1000  }
0x51: {  	[sflag:s17] =	ssyncset.done $0x0  }
0x52: {  	s20 =	rddreg [dreg:$0x16];
	[sflag:s17] =	ssyncadd.s32 $0xFFFFF000  }
0x53: {  	[spmem:s20] =	stream.linear.scatter [tilespmem:s19], [sflag:$0xD], $0x1000, $0x38;
	[tilespmem:$0x1F400] =	vst v63  }
0x54: {  	_ =	swait.ge [sflag:s17], $0x1000  }
0x55: {  	[sflag:s17] =	ssyncset.done $0x0  }
0x56: {  	s0 =	rddreg [dreg:$0x17];
	[sflag:s17] =	ssyncadd.s32 $0xFFFFF000  }
0x57: {  	[spmem:s0] =	stream.linear.scatter [tilespmem:s19], [sflag:$0xD], $0x1000, $0x38;
	[tilespmem:$0x1F400] =	vst v63  }
0x58: {  	_ =	swait.ge [sflag:s17], $0x1000  }
0x59: {  	[sflag:s17] =	ssyncset.done $0x0  }
0x5a: {  	s2 =	rddreg [dreg:$0x18];
	[sflag:s17] =	ssyncadd.s32 $0xFFFFF000  }
0x5b: {  	[spmem:s2] =	stream.linear.scatter [tilespmem:s19], [sflag:$0xD], $0x1000, $0x38;
	[tilespmem:$0x1F400] =	vst v63  }
0x5c: {  	_ =	swait.ge [sflag:s17], $0x1000  }
0x5d: {  	[sflag:s17] =	ssyncset.done $0x0  }
0x5e: {  	s8 =	rddreg [dreg:$0x19];
	[sflag:s17] =	ssyncadd.s32 $0xFFFFF000  }
0x5f: {  	[spmem:s8] =	stream.linear.scatter [tilespmem:s19], [sflag:$0xD], $0x1000, $0x38;
	[tilespmem:$0x1F400] =	vst v63  }
0x60: {  	_ =	swait.ge [sflag:s17], $0x1000  }
0x61: {  	[sflag:s17] =	ssyncset.done $0x0  }
0x62: {  	s12 =	rddreg [dreg:$0x1a];
	[sflag:s17] =	ssyncadd.s32 $0xFFFFF000  }
0x63: {  	[spmem:s12] =	stream.linear.scatter [tilespmem:s19], [sflag:$0xD], $0x1000, $0x38;
	[tilespmem:$0x1F400] =	vst v63  }
0x64: {  	_ =	swait.ge [sflag:s17], $0x1000  }
0x65: {  	[sflag:s17] =	ssyncset.done $0x0  }
0x66: {  	s20 =	rddreg [dreg:$0x1b];
	[sflag:s17] =	ssyncadd.s32 $0xFFFFF000  }
0x67: {  	[spmem:s20] =	stream.linear.scatter [tilespmem:s19], [sflag:$0xD], $0x1000, $0x38;
	[tilespmem:$0x1F400] =	vst v63  }
0x68: {  	_ =	swait.ge [sflag:s17], $0x1000  }
0x69: {  	[sflag:s17] =	ssyncset.done $0x0  }
0x6a: {  	s0 =	rddreg [dreg:$0x1c];
	[sflag:s17] =	ssyncadd.s32 $0xFFFFF000  }
0x6b: {  	[spmem:s0] =	stream.linear.scatter [tilespmem:s19], [sflag:$0xD], $0x1000, $0x38;
	[tilespmem:$0x1F400] =	vst v63  }
0x6c: {  	_ =	swait.ge [sflag:s17], $0x1000  }
0x6d: {  	[sflag:s17] =	ssyncset.done $0x0  }
0x6e: {  	s2 =	rddreg [dreg:$0x1d];
	[sflag:s17] =	ssyncadd.s32 $0xFFFFF000  }
0x6f: {  	[spmem:s2] =	stream.linear.scatter [tilespmem:s19], [sflag:$0xD], $0x1000, $0x38;
	[tilespmem:$0x1F400] =	vst v63  }
0x70: {  	_ =	swait.ge [sflag:s17], $0x1000  }
0x71: {  	[sflag:s17] =	ssyncset.done $0x0  }
0x72: {  	s8 =	rddreg [dreg:$0x1e];
	[sflag:s17] =	ssyncadd.s32 $0xFFFFF000  }
0x73: {  	[spmem:s8] =	stream.linear.scatter [tilespmem:s19], [sflag:$0xD], $0x1000, $0x38;
	[tilespmem:$0x1F400] =	vst v63  }
0x74: {  	_ =	swait.ge [sflag:s17], $0x1000  }
0x75: {  	[sflag:s17] =	ssyncset.done $0x0  }
0x76: {  	s12 =	rddreg [dreg:$0x1f];
	[sflag:s17] =	ssyncadd.s32 $0xFFFFF000  }
0x77: {  	[spmem:s12] =	stream.linear.scatter [tilespmem:s19], [sflag:$0xD], $0x1000, $0x38;
	[tilespmem:$0x1F400] =	vst v63  }
0x78: {  	_ =	swait.ge [sflag:s17], $0x1000  }
0x79: {  	s20 =	sld [smem:$0x7FA]  }
0x7a: {  	[sflag:s17] =	ssyncset.done $0x0  }
0x7b: {  	[sflag:s17] =	ssyncadd.s32 $0xFFFFF000  }
0x7c: {  	[spmem:s20] =	stream.linear.scatter [tilespmem:s19], [sflag:$0xD], $0x1000, $0x38;
	[tilespmem:$0x1F400] =	vst v63  }
0x7d: {  	_ =	swait.ge [sflag:s17], $0x1000  }
0x7e: {  	s0 =	sld [smem:$0x7FB]  }
0x7f: {  	[sflag:s17] =	ssyncset.done $0x0  }
0x80: {  	[sflag:s17] =	ssyncadd.s32 $0xFFFFF000  }
0x81: {  	[spmem:s0] =	stream.linear.scatter [tilespmem:s19], [sflag:$0xD], $0x1000, $0x38;
	[tilespmem:$0x1F400] =	vst v63  }
0x82: {  	_ =	swait.ge [sflag:s17], $0x1000  }
0x83: {  	s2 =	sld [smem:$0x7FC]  }
0x84: {  	[sflag:s17] =	ssyncset.done $0x0  }
0x85: {  	[sflag:s17] =	ssyncadd.s32 $0xFFFFF000  }
0x86: {  	[spmem:s2] =	stream.linear.scatter [tilespmem:s19], [sflag:$0xD], $0x1000, $0x38;
	[tilespmem:$0x1F400] =	vst v63  }
0x87: {  	_ =	swait.ge [sflag:s17], $0x1000  }
0x88: {  	s8 =	sld [smem:$0x7FD]  }
0x89: {  	[sflag:s17] =	ssyncset.done $0x0  }
0x8a: {  	[sflag:s17] =	ssyncadd.s32 $0xFFFFF000  }
0x8b: {  	[spmem:s8] =	stream.linear.scatter [tilespmem:s19], [sflag:$0xD], $0x1000, $0x38;
	[tilespmem:$0x1F400] =	vst v63  }
0x8c: {  	_ =	swait.ge [sflag:s17], $0x1000  }
0x8d: {  	[sflag:s17] =	ssyncset.done $0x0  }
0x8e: {  	[sflag:s17] =	ssyncadd.s32 $0xFFFFF000  }
0x8f: {  	[bflag:$0x0] =	sbarrier.arrive $0xFFFF  }
0x90: {  	s12 =	rddreg [dreg:$0x5]  }
0x91: {  	[tilespmem:s4], [sflag:$0x1] =	stream.linear.gather [hbm4b:s12+s4], $0x80, $0x38;
	[tilespmem:$0x1F400] =	vst v63  }
0x92: {  	s0 =	simm.s32 $0x200;
	s19 =	rddreg [dreg:$0x6]  }
0x93: {  	[tilespmem:s0], [sflag:$0x9] =	stream.linear.gather [hbm4b:s19+s4], $0x80, $0x38;
	[tilespmem:$0x1F400] =	vst v63  }
0x94: {  	s20 =	rddreg [dreg:$0x7]  }
0x95: {  	[tilespmem:s21], [sflag:$0x2] =	stream.linear.gather [hbm4b:s20+s4], $0x80, $0x38;
	[tilespmem:$0x1F400] =	vst v63  }
0x96: {  	s2 =	rddreg [dreg:$0x8]  }
0x97: {  	[tilespmem:s23], [sflag:$0xA] =	stream.linear.gather [hbm4b:s2+s4], $0x80, $0x38;
	[tilespmem:$0x1F400] =	vst v63  }
0x98: {  	s8 =	rddreg [dreg:$0x9]  }
0x99: {  	[tilespmem:s26], [sflag:$0x3] =	stream.linear.gather [hbm4b:s8+s4], $0x80, $0x38;
	[tilespmem:$0x1F400] =	vst v63  }
0x9a: {  	s12 =	rddreg [dreg:$0xa]  }
0x9b: {  	[tilespmem:s29], [sflag:$0xB] =	stream.linear.gather [hbm4b:s12+s4], $0x80, $0x38;
	[tilespmem:$0x1F400] =	vst v63  }
0x9c: {  	s19 =	rddreg [dreg:$0xb];
	s2 =	simm.s32 $0x180  }
0x9d: {  	[tilespmem:s2], [sflag:$0x4] =	stream.linear.gather [hbm4b:s19+s4], $0x80, $0x38;
	[tilespmem:$0x1F400] =	vst v63  }
0x9e: {  	s18 =	simm.s32 $0x380;
	s20 =	rddreg [dreg:$0xc];
	s12 =	simm.s32 $0x1  }
0x9f: {  	[tilespmem:s18], [sflag:$0xC] =	stream.linear.gather [hbm4b:s20+s4], $0x80, $0x38;
	[tilespmem:$0x1F400] =	vst v63  }
0xa0: {  	_ =	swait.ge [sflag:s12], $0x80  }
0xa1: {  	[sflag:s12] =	ssyncset.done $0x0  }
0xa2: {  	[sflag:s12] =	ssyncadd.s32 $0xFFFFFF80  }
0xa3: {  	[tilespmem:s16], [sflag:$0x5] =	stream.indirect.gather [hbm4b:s3+s25], $0x80, s4, s25, $0xb8;
	[tilespmem:$0x1F400] =	vst v63  }
0xa4: {  	_ =	swait.ge [sflag:s24], $0x80  }
0xa5: {  	[sflag:s24] =	ssyncset.done $0x0  }
0xa6: {  	s8 =	simm.s32 $0x2C00;
	[sflag:s24] =	ssyncadd.s32 $0xFFFFFF80  }
0xa7: {  	[tilespmem:s8], [sflag:$0x6] =	stream.indirect.gather [hbm4b:s3+s25], $0x80, s21, s25, $0xb8;
	[tilespmem:$0x1F400] =	vst v63  }
0xa8: {  	_ =	swait.ge [sflag:s30], $0x80  }
0xa9: {  	[sflag:s30] =	ssyncset.done $0x0  }
0xaa: {  	[sflag:s30] =	ssyncadd.s32 $0xFFFFFF80  }
0xab: {  	[tilespmem:s31], [sflag:$0x7] =	stream.indirect.gather [hbm4b:s3+s25], $0x80, s26, s25, $0xb8;
	[tilespmem:$0x1F400] =	vst v63  }
0xac: {  	s19 =	simm.s32 $0x200;
	_ =	swait.ge [sflag:s1], $0x80  }
0xad: {  	s20 =	sand.u32 $0x7C00, s19;
	s19 =	sand.u32 $0x200, s19;
	[sflag:s1] =	ssyncset.done $0x0  }
0xae: {  	s20 =	sadd.s32 s7, s20;
	[sflag:s1] =	ssyncadd.s32 $0xFFFFFF80;
	s1 =	simm.s32 $0x7C00  }
0xaf: {  	[tilespmem:s1], [sflag:$0x8] =	stream.indirect.gather [hbm4b:s3+s25], $0x80, s2, s25, $0xb8;
	[tilespmem:$0x1F400] =	vst v63  }
0xb0: {  	s19 =	sor.u32 s19, s20;
	_ =	swait.ge [sflag:s9], $0x2800  }
0xb1: {  	s19 =	sshrl.u32 s19, $0x3;
	[sflag:s9] =	ssyncset.done $0x0  }
0xb2: {  	s1 =	sadd.s32 s5, s19;
	[sflag:s9] =	ssyncadd.s32 $0xFFFFD800  }
0xb3: {  	[tilespmem:s4], [sflag:$0x1] =	stream.linear.gather [hbm4b:s1+s4], $0x80, $0x38;
	[tilespmem:$0x1F400] =	vst v63  }
0xb4: {  	_ =	swait.ge [sflag:s10], $0x80  }
0xb5: {  	[sflag:s10] =	ssyncset.done $0x0  }
0xb6: {  	[sflag:s10] =	ssyncadd.s32 $0xFFFFFF80  }
0xb7: {  	[spmem:s11] =	stream.indirect.scatter.add.f32 [tilespmem:s16], [sflag:$0xD], $0x80, s0, s25, $0xb8;
	[tilespmem:$0x1F400] =	vst v63  }
0xb8: {  	_ =	swait.ge [sflag:s17], $0x2800  }
0xb9: {  	[sflag:s17] =	ssyncset.done $0x0  }
0xba: {  	s19 =	sadd.s32 s6, s19;
	s2 =	simm.s32 $0x280;
	[sflag:s17] =	ssyncadd.s32 $0xFFFFD800  }
0xbb: {  	[tilespmem:s0], [sflag:$0x9] =	stream.linear.gather [hbm4b:s19+s4], $0x80, $0x38;
	[tilespmem:$0x1F400] =	vst v63  }
0xbc: {  	s9 =	sand.u32 $0x7C00, s2;
	_ =	swait.ge [sflag:s12], $0x80  }
0xbd: {  	s20 =	sadd.s32 s7, s9;
	[sflag:s12] =	ssyncset.done $0x0  }
0xbe: {  	s19 =	sand.u32 $0x280, s2;
	[sflag:s12] =	ssyncadd.s32 $0xFFFFFF80;
	s12 =	simm.s32 $0x6  }
0xbf: {  	[tilespmem:s16], [sflag:$0x5] =	stream.indirect.gather [hbm4b:s3+s25], $0x80, s4, s25, $0xb8;
	[tilespmem:$0x1F400] =	vst v63  }
0xc0: {  	s19 =	sor.u32 s19, s20;
	_ =	swait.ge [sflag:s12], $0x2800  }
0xc1: {  	s19 =	sshrl.u32 s19, $0x3;
	[sflag:s12] =	ssyncset.done $0x0  }
0xc2: {  	s10 =	sadd.s32 s5, s19;
	[sflag:s12] =	ssyncadd.s32 $0xFFFFD800  }
0xc3: {  	[tilespmem:s21], [sflag:$0x2] =	stream.linear.gather [hbm4b:s10+s4], $0x80, $0x38;
	[tilespmem:$0x1F400] =	vst v63  }
0xc4: {  	_ =	swait.ge [sflag:s13], $0x80  }
0xc5: {  	[sflag:s13] =	ssyncset.done $0x0  }
0xc6: {  	[sflag:s13] =	ssyncadd.s32 $0xFFFFFF80  }
0xc7: {  	[spmem:s11] =	stream.indirect.scatter.add.f32 [tilespmem:s8], [sflag:$0xD], $0x80, s23, s25, $0xb8;
	[tilespmem:$0x1F400] =	vst v63  }
0xc8: {  	_ =	swait.ge [sflag:s17], $0x2800  }
0xc9: {  	[sflag:s17] =	ssyncset.done $0x0  }
0xca: {  	s19 =	sadd.s32 s6, s19;
	[sflag:s17] =	ssyncadd.s32 $0xFFFFD800  }
0xcb: {  	[tilespmem:s23], [sflag:$0xA] =	stream.linear.gather [hbm4b:s19+s4], $0x80, $0x38;
	[tilespmem:$0x1F400] =	vst v63  }
0xcc: {  	s13 =	simm.s32 $0x300;
	_ =	swait.ge [sflag:s24], $0x80  }
0xcd: {  	s16 =	sand.u32 $0x7C00, s13;
	[sflag:s24] =	ssyncset.done $0x0  }
0xce: {  	s20 =	sadd.s32 s7, s16;
	s19 =	sand.u32 $0x300, s13;
	[sflag:s24] =	ssyncadd.s32 $0xFFFFFF80  }
0xcf: {  	[tilespmem:s8], [sflag:$0x6] =	stream.indirect.gather [hbm4b:s3+s25], $0x80, s21, s25, $0xb8;
	[tilespmem:$0x1F400] =	vst v63  }
0xd0: {  	s19 =	sor.u32 s19, s20;
	_ =	swait.ge [sflag:s14], $0x2800  }
0xd1: {  	s19 =	sshrl.u32 s19, $0x3;
	[sflag:s14] =	ssyncset.done $0x0  }
0xd2: {  	s23 =	sadd.s32 s5, s19;
	[sflag:s14] =	ssyncadd.s32 $0xFFFFD800  }
0xd3: {  	[tilespmem:s26], [sflag:$0x3] =	stream.linear.gather [hbm4b:s23+s4], $0x80, $0x38;
	[tilespmem:$0x1F400] =	vst v63  }
0xd4: {  	_ =	swait.ge [sflag:s15], $0x80  }
0xd5: {  	[sflag:s15] =	ssyncset.done $0x0  }
0xd6: {  	[sflag:s15] =	ssyncadd.s32 $0xFFFFFF80  }
0xd7: {  	[spmem:s11] =	stream.indirect.scatter.add.f32 [tilespmem:s31], [sflag:$0xD], $0x80, s29, s25, $0xb8;
	[tilespmem:$0x1F400] =	vst v63  }
0xd8: {  	_ =	swait.ge [sflag:s17], $0x2800  }
0xd9: {  	[sflag:s17] =	ssyncset.done $0x0  }
0xda: {  	s19 =	sadd.s32 s6, s19;
	[sflag:s17] =	ssyncadd.s32 $0xFFFFD800  }
0xdb: {  	[tilespmem:s29], [sflag:$0xB] =	stream.linear.gather [hbm4b:s19+s4], $0x80, $0x38;
	[tilespmem:$0x1F400] =	vst v63  }
0xdc: {  	_ =	swait.ge [sflag:s30], $0x80  }
0xdd: {  	s24 =	sand.u32 $0x7C00, s18;
	s18 =	sand.u32 $0x380, s18;
	[sflag:s30] =	ssyncset.done $0x0  }
0xde: {  	s8 =	simm.s32 $0x8;
	s19 =	sadd.s32 s7, s24;
	[sflag:s30] =	ssyncadd.s32 $0xFFFFFF80  }
0xdf: {  	[tilespmem:s31], [sflag:$0x7] =	stream.indirect.gather [hbm4b:s3+s25], $0x80, s26, s25, $0xb8;
	[tilespmem:$0x1F400] =	vst v63  }
0xe0: {  	s18 =	sor.u32 s18, s19;
	_ =	swait.ge [sflag:s8], $0x2800  }
0xe1: {  	s19 =	sshrl.u32 s18, $0x3;
	[sflag:s8] =	ssyncset.done $0x0  }
0xe2: {  	s21 =	simm.s32 $0x180;
	s18 =	sadd.s32 s5, s19;
	[sflag:s8] =	ssyncadd.s32 $0xFFFFD800  }
0xe3: {  	[tilespmem:s21], [sflag:$0x4] =	stream.linear.gather [hbm4b:s18+s4], $0x80, $0x38;
	[tilespmem:$0x1F400] =	vst v63  }
0xe4: {  	s9 =	simm.s32 $0x4;
	s1 =	simm.s32 $0x3;
	_ =	swait.ge [sflag:s22], $0x80  }
0xe5: {  	s10 =	simm.s32 $0x5;
	s16 =	simm.s32 $0x9;
	[sflag:s22] =	ssyncset.done $0x0  }
0xe6: {  	s26 =	simm.s32 $0x7C00;
	s31 =	simm.s32 $0x380;
	[sflag:s22] =	ssyncadd.s32 $0xFFFFFF80  }
0xe7: {  	[spmem:s11] =	stream.indirect.scatter.add.f32 [tilespmem:s26], [sflag:$0xD], $0x80, s31, s25, $0xb8;
	[tilespmem:$0x1F400] =	vst v63  }
0xe8: {  	s29 =	simm.s32 $0x100;
	s20 =	sadd.s32 s6, s19;
	_ =	swait.ge [sflag:s17], $0x2800  }
0xe9: {  	s30 =	simm.s32 $0x2;
	s18 =	simm.s32 $0x580;
	[sflag:s17] =	ssyncset.done $0x0  }
.LBB2_4:
0xea: {  	p0 =	sne.s32 s18, $0x3D80;
	[sflag:s17] =	ssyncadd.s32 $0xFFFFD800;
	s19 =	smov.u32 s18  }
0xeb: {  	s18 =	sadd.s32 $0x200, s18;
	s24 =	simm.s32 $0x380;
	s13 =	simm.s32 $0x7C00  }
0xec: {  	[tilespmem:s24], [sflag:$0xC] =	stream.linear.gather [hbm4b:s20+s4], $0x80, $0x38;
	[tilespmem:$0x1F400] =	vst v63  }
0xed: {  	s2 =	simm.s32 $0x180;
	s20 =	sadd.s32 $0xFFFFFE80, s19;
	_ =	swait.ge [sflag:s9], $0x80  }
0xee: {  	s21 =	sand.u32 $0x7C00, s20;
	s20 =	sand.u32 $0x200, s20;
	[sflag:s9] =	ssyncset.done $0x0  }
0xef: {  	s21 =	sadd.s32 s7, s21;
	[sflag:s9] =	ssyncadd.s32 $0xFFFFFF80  }
0xf0: {  	[tilespmem:s13], [sflag:$0x8] =	stream.indirect.gather [hbm4b:s3+s25], $0x80, s2, s25, $0xb8;
	[tilespmem:$0x1F400] =	vst v63  }
0xf1: {  	s13 =	simm.s32 $0xA;
	s2 =	simm.s32 $0x7C00  }
0xf2: {  	s20 =	sor.u32 s20, s21;
	_ =	swait.ge [sflag:s10], $0x2800  }
0xf3: {  	s20 =	sshrl.u32 s20, $0x3;
	[sflag:s10] =	ssyncset.done $0x0  }
0xf4: {  	s21 =	sadd.s32 s5, s20;
	[sflag:s10] =	ssyncadd.s32 $0xFFFFD800  }
0xf5: {  	[tilespmem:s4], [sflag:$0x1] =	stream.linear.gather [hbm4b:s21+s4], $0x80, $0x38;
	[tilespmem:$0x1F400] =	vst v63  }
0xf6: {  	_ =	swait.ge [sflag:s16], $0x80  }
0xf7: {  	[sflag:s16] =	ssyncset.done $0x0  }
0xf8: {  	s0 =	simm.s32 $0x400;
	s21 =	simm.s32 $0x200;
	[sflag:s16] =	ssyncadd.s32 $0xFFFFFF80  }
0xf9: {  	[spmem:s11] =	stream.indirect.scatter.add.f32 [tilespmem:s0], [sflag:$0xD], $0x80, s21, s25, $0xb8;
	[tilespmem:$0x1F400] =	vst v63  }
0xfa: {  	_ =	swait.ge [sflag:s17], $0x2800  }
0xfb: {  	s20 =	sadd.s32 s6, s20;
	[sflag:s17] =	ssyncset.done $0x0  }
0xfc: {  	s26 =	simm.s32 $0x1;
	[sflag:s17] =	ssyncadd.s32 $0xFFFFD800  }
0xfd: {  	[tilespmem:s21], [sflag:$0x9] =	stream.linear.gather [hbm4b:s20+s4], $0x80, $0x38;
	[tilespmem:$0x1F400] =	vst v63  }
0xfe: {  	s20 =	sadd.s32 $0xFFFFFF00, s19;
	_ =	swait.ge [sflag:s26], $0x80  }
0xff: {  	s21 =	sand.u32 $0x7C00, s20;
	s20 =	sand.u32 $0x280, s20;
	[sflag:s26] =	ssyncset.done $0x0  }
0x100: {  	s21 =	sadd.s32 s7, s21;
	[sflag:s26] =	ssyncadd.s32 $0xFFFFFF80  }
0x101: {  	[tilespmem:s0], [sflag:$0x5] =	stream.indirect.gather [hbm4b:s3+s25], $0x80, s4, s25, $0xb8;
	[tilespmem:$0x1F400] =	vst v63  }
0x102: {  	s20 =	sor.u32 s20, s21;
	_ =	swait.ge [sflag:s12], $0x2800  }
0x103: {  	s20 =	sshrl.u32 s20, $0x3;
	[sflag:s12] =	ssyncset.done $0x0  }
0x104: {  	s26 =	simm.s32 $0x80;
	s21 =	sadd.s32 s5, s20;
	[sflag:s12] =	ssyncadd.s32 $0xFFFFD800  }
0x105: {  	[tilespmem:s26], [sflag:$0x2] =	stream.linear.gather [hbm4b:s21+s4], $0x80, $0x38;
	[tilespmem:$0x1F400] =	vst v63  }
0x106: {  	_ =	swait.ge [sflag:s13], $0x80  }
0x107: {  	[sflag:s13] =	ssyncset.done $0x0  }
0x108: {  	s31 =	simm.s32 $0x2C00;
	s0 =	simm.s32 $0x280;
	[sflag:s13] =	ssyncadd.s32 $0xFFFFFF80  }
0x109: {  	[spmem:s11] =	stream.indirect.scatter.add.f32 [tilespmem:s31], [sflag:$0xD], $0x80, s0, s25, $0xb8;
	[tilespmem:$0x1F400] =	vst v63  }
0x10a: {  	_ =	swait.ge [sflag:s17], $0x2800  }
0x10b: {  	s20 =	sadd.s32 s6, s20;
	[sflag:s17] =	ssyncset.done $0x0  }
0x10c: {  	s23 =	simm.s32 $0x280;
	[sflag:s17] =	ssyncadd.s32 $0xFFFFD800  }
0x10d: {  	[tilespmem:s0], [sflag:$0xA] =	stream.linear.gather [hbm4b:s20+s4], $0x80, $0x38;
	[tilespmem:$0x1F400] =	vst v63  }
0x10e: {  	s20 =	sadd.s32 $0xFFFFFF80, s19;
	_ =	swait.ge [sflag:s30], $0x80  }
0x10f: {  	s21 =	sand.u32 $0x7C00, s20;
	s20 =	sand.u32 $0x300, s20;
	[sflag:s30] =	ssyncset.done $0x0  }
0x110: {  	s0 =	simm.s32 $0x2C00;
	s21 =	sadd.s32 s7, s21;
	[sflag:s30] =	ssyncadd.s32 $0xFFFFFF80  }
0x111: {  	[tilespmem:s31], [sflag:$0x6] =	stream.indirect.gather [hbm4b:s3+s25], $0x80, s26, s25, $0xb8;
	[tilespmem:$0x1F400] =	vst v63  }
0x112: {  	s20 =	sor.u32 s20, s21;
	_ =	swait.ge [sflag:s14], $0x2800  }
0x113: {  	s20 =	sshrl.u32 s20, $0x3;
	[sflag:s14] =	ssyncset.done $0x0  }
0x114: {  	s21 =	sadd.s32 s5, s20;
	[sflag:s14] =	ssyncadd.s32 $0xFFFFD800  }
0x115: {  	[tilespmem:s29], [sflag:$0x3] =	stream.linear.gather [hbm4b:s21+s4], $0x80, $0x38;
	[tilespmem:$0x1F400] =	vst v63  }
0x116: {  	s21 =	simm.s32 $0x180  }
0x117: {  	_ =	swait.ge [sflag:s15], $0x80  }
0x118: {  	[sflag:s15] =	ssyncset.done $0x0  }
0x119: {  	s26 =	simm.s32 $0x5400;
	s31 =	simm.s32 $0x300;
	[sflag:s15] =	ssyncadd.s32 $0xFFFFFF80  }
0x11a: {  	[spmem:s11] =	stream.indirect.scatter.add.f32 [tilespmem:s26], [sflag:$0xD], $0x80, s31, s25, $0xb8;
	[tilespmem:$0x1F400] =	vst v63  }
0x11b: {  	_ =	swait.ge [sflag:s17], $0x2800  }
0x11c: {  	s20 =	sadd.s32 s6, s20;
	[sflag:s17] =	ssyncset.done $0x0  }
0x11d: {  	[sflag:s17] =	ssyncadd.s32 $0xFFFFD800  }
0x11e: {  	[tilespmem:s31], [sflag:$0xB] =	stream.linear.gather [hbm4b:s20+s4], $0x80, $0x38;
	[tilespmem:$0x1F400] =	vst v63  }
0x11f: {  	_ =	swait.ge [sflag:s1], $0x80  }
0x120: {  	s20 =	sand.u32 $0x7C00, s19;
	s19 =	sand.u32 $0x380, s19;
	[sflag:s1] =	ssyncset.done $0x0  }
0x121: {  	s31 =	simm.s32 $0x5400;
	s20 =	sadd.s32 s7, s20;
	[sflag:s1] =	ssyncadd.s32 $0xFFFFFF80  }
0x122: {  	[tilespmem:s26], [sflag:$0x7] =	stream.indirect.gather [hbm4b:s3+s25], $0x80, s29, s25, $0xb8;
	[tilespmem:$0x1F400] =	vst v63  }
0x123: {  	s19 =	sor.u32 s19, s20;
	_ =	swait.ge [sflag:s8], $0x2800  }
0x124: {  	s19 =	sshrl.u32 s19, $0x3;
	[sflag:s8] =	ssyncset.done $0x0  }
0x125: {  	s20 =	sadd.s32 s5, s19;
	[sflag:s8] =	ssyncadd.s32 $0xFFFFD800  }
0x126: {  	[tilespmem:s21], [sflag:$0x4] =	stream.linear.gather [hbm4b:s20+s4], $0x80, $0x38;
	[tilespmem:$0x1F400] =	vst v63  }
0x127: {  	_ =	swait.ge [sflag:s22], $0x80  }
.Ltmp1:
0x128: {  	[sflag:s22] =	ssyncset.done $0x0;
	(pc) =	sbr.rel @p0 .LBB2_4-.Ltmp1, $4  }
0x129: {  	[sflag:s22] =	ssyncadd.s32 $0xFFFFFF80  }
0x12a: {  	[spmem:s11] =	stream.indirect.scatter.add.f32 [tilespmem:s2], [sflag:$0xD], $0x80, s24, s25, $0xb8;
	[tilespmem:$0x1F400] =	vst v63  }
0x12b: {  	_ =	swait.ge [sflag:s17], $0x2800  }
0x12c: {  	s20 =	sadd.s32 s6, s19;
	[sflag:s17] =	ssyncset.done $0x0  }
0x12d: {  	[sflag:s17] =	ssyncadd.s32 $0xFFFFD800;
	s19 =	simm.s32 $0x380  }
0x12e: {  	[tilespmem:s19], [sflag:$0xC] =	stream.linear.gather [hbm4b:s20+s4], $0x80, $0x38;
	[tilespmem:$0x1F400] =	vst v63  }
0x12f: {  	_ =	swait.ge [sflag:s9], $0x80  }
0x130: {  	[sflag:s9] =	ssyncset.done $0x0  }
0x131: {  	[sflag:s9] =	ssyncadd.s32 $0xFFFFFF80  }
0x132: {  	[tilespmem:s2], [sflag:$0x8] =	stream.indirect.gather [hbm4b:s3+s25], $0x80, s21, s25, $0xb8;
	[tilespmem:$0x1F400] =	vst v63  }
0x133: {  	_ =	swait.ge [sflag:s10], $0x2800  }
0x134: {  	[sflag:s10] =	ssyncset.done $0x0  }
0x135: {  	s18 =	rddreg [dreg:$0xd];
	[sflag:s10] =	ssyncadd.s32 $0xFFFFD800  }
0x136: {  	[tilespmem:s4], [sflag:$0x1] =	stream.linear.gather [hbm4b:s18+s4], $0x80, $0x38;
	[tilespmem:$0x1F400] =	vst v63  }
0x137: {  	_ =	swait.ge [sflag:s16], $0x80  }
0x138: {  	[sflag:s16] =	ssyncset.done $0x0  }
0x139: {  	s1 =	simm.s32 $0x200;
	s21 =	simm.s32 $0x400;
	[sflag:s16] =	ssyncadd.s32 $0xFFFFFF80  }
0x13a: {  	[spmem:s11] =	stream.indirect.scatter.add.f32 [tilespmem:s21], [sflag:$0xD], $0x80, s1, s25, $0xb8;
	[tilespmem:$0x1F400] =	vst v63  }
0x13b: {  	_ =	swait.ge [sflag:s17], $0x2800  }
0x13c: {  	[sflag:s17] =	ssyncset.done $0x0  }
0x13d: {  	s26 =	simm.s32 $0x1;
	s24 =	rddreg [dreg:$0xe];
	[sflag:s17] =	ssyncadd.s32 $0xFFFFD800  }
0x13e: {  	[tilespmem:s1], [sflag:$0x9] =	stream.linear.gather [hbm4b:s24+s4], $0x80, $0x38;
	[tilespmem:$0x1F400] =	vst v63  }
0x13f: {  	_ =	swait.ge [sflag:s26], $0x80  }
0x140: {  	[sflag:s26] =	ssyncset.done $0x0  }
0x141: {  	[sflag:s26] =	ssyncadd.s32 $0xFFFFFF80  }
0x142: {  	[tilespmem:s21], [sflag:$0x5] =	stream.indirect.gather [hbm4b:s3+s25], $0x80, s4, s25, $0xb8;
	[tilespmem:$0x1F400] =	vst v63  }
0x143: {  	_ =	swait.ge [sflag:s12], $0x2800  }
0x144: {  	[sflag:s12] =	ssyncset.done $0x0  }
0x145: {  	[sflag:s12] =	ssyncadd.s32 $0xFFFFD800  }
0x146: {  	_ =	swait.ge [sflag:s13], $0x80  }
0x147: {  	[sflag:s13] =	ssyncset.done $0x0  }
0x148: {  	[sflag:s13] =	ssyncadd.s32 $0xFFFFFF80  }
0x149: {  	[spmem:s11] =	stream.indirect.scatter.add.f32 [tilespmem:s0], [sflag:$0xD], $0x80, s23, s25, $0xb8;
	[tilespmem:$0x1F400] =	vst v63  }
0x14a: {  	_ =	swait.ge [sflag:s17], $0x2800  }
0x14b: {  	[sflag:s17] =	ssyncset.done $0x0  }
0x14c: {  	[sflag:s17] =	ssyncadd.s32 $0xFFFFD800  }
0x14d: {  	_ =	swait.ge [sflag:s14], $0x2800  }
0x14e: {  	[sflag:s14] =	ssyncset.done $0x0  }
0x14f: {  	[sflag:s14] =	ssyncadd.s32 $0xFFFFD800  }
0x150: {  	_ =	swait.ge [sflag:s15], $0x80  }
0x151: {  	[sflag:s15] =	ssyncset.done $0x0  }
0x152: {  	[sflag:s15] =	ssyncadd.s32 $0xFFFFFF80  }
0x153: {  	[spmem:s11] =	stream.indirect.scatter.add.f32 [tilespmem:s31], [sflag:$0xD], $0x80, s28, s25, $0xb8;
	[tilespmem:$0x1F400] =	vst v63  }
0x154: {  	_ =	swait.ge [sflag:s17], $0x2800  }
0x155: {  	[sflag:s17] =	ssyncset.done $0x0  }
0x156: {  	[sflag:s17] =	ssyncadd.s32 $0xFFFFD800  }
0x157: {  	_ =	swait.ge [sflag:s8], $0x2800  }
0x158: {  	[sflag:s8] =	ssyncset.done $0x0  }
0x159: {  	[sflag:s8] =	ssyncadd.s32 $0xFFFFD800  }
0x15a: {  	_ =	swait.ge [sflag:s22], $0x80  }
0x15b: {  	[sflag:s22] =	ssyncset.done $0x0  }
0x15c: {  	[sflag:s22] =	ssyncadd.s32 $0xFFFFFF80  }
0x15d: {  	[spmem:s11] =	stream.indirect.scatter.add.f32 [tilespmem:s2], [sflag:$0xD], $0x80, s19, s25, $0xb8;
	[tilespmem:$0x1F400] =	vst v63  }
0x15e: {  	_ =	swait.ge [sflag:s17], $0x2800  }
0x15f: {  	[sflag:s17] =	ssyncset.done $0x0  }
0x160: {  	[sflag:s17] =	ssyncadd.s32 $0xFFFFD800  }
0x161: {  	_ =	swait.ge [sflag:s10], $0x2800  }
0x162: {  	[sflag:s10] =	ssyncset.done $0x0  }
0x163: {  	[sflag:s10] =	ssyncadd.s32 $0xFFFFD800  }
0x164: {  	_ =	swait.ge [sflag:s16], $0x80  }
0x165: {  	[sflag:s16] =	ssyncset.done $0x0  }
0x166: {  	[sflag:s16] =	ssyncadd.s32 $0xFFFFFF80  }
0x167: {  	[spmem:s11] =	stream.indirect.scatter.add.f32 [tilespmem:s21], [sflag:$0xD], $0x80, s1, s25, $0xb8;
	[tilespmem:$0x1F400] =	vst v63  }
0x168: {  	_ =	swait.ge [sflag:s17], $0x2800  }
0x169: {  	[sflag:s17] =	ssyncset.done $0x0  }
0x16a: {  	[sflag:s17] =	ssyncadd.s32 $0xFFFFD800  }
0x16b: {  	s20 =	stileid.u32;
	[bflag:$0x0] =	sbarrier.arrive $0xFFFF  }
0x16c: {  	s18 =	sshll.u32 s20, $0x6;
	s20 =	rddreg [dreg:$0x4]  }
0x16d: {  	s18 =	sor.u32 $0x1C0D, s18;
	s23 =	rddreg [dreg:$0xf];
	s21 =	sshrl.u32 s20, $0x3  }
0x16e: {  	[hbm:s23], [sflag:s18] =	dma.local [spmem:s21], $0x2800  }
0x16f: {  	_ =	swait.ge [sflag:s17], $0x2800  }
0x170: {  	s24 =	sld [smem:$0x7F9];
	_ =	sdelay $0x2  }
0x171: {  	s26 =	rddreg [dreg:$0x10];
	s0 =	sadd.s32 $0x1, s24  }
0x172: {  	p0 =	sne.s32 s0, s26  }
.Ltmp2:
0x173: {  	s29 =	simm.s32 $0x300;
	(pc) =	sbr.rel @p0 .LBB2_1-.Ltmp2, $4  }
0x174: {  	s30 =	simm.s32 $0x3;
	s9 =	simm.s32 $0x5;
	s31 =	simm.s32 $0x5400  }
0x175: {  	s10 =	simm.s32 $0x9;
	s16 =	simm.s32 $0x400;
	s1 =	simm.s32 $0x4  }
0x176: {  	s21 =	simm.s32 $0x80;
	s23 =	simm.s32 $0x280;
	[sflag:s17] =	ssyncset.done $0x0  }
0x177: {  	[sflag:s17] =	ssyncadd.s32 $0xFFFFD800;
	s24 =	simm.s32 $0x2;
	s26 =	simm.s32 $0x100  }
0x178: {  	_ =	sfence.sel $0x180000  }
0x179: {  	[bflag:$0x0] =	sbarrier.arrive $0xFFFF  }
0x17a: {  	_ =	strace $0x9000004D  }
0x17b: {  	s0 =	stileid.u32;
	[bflag:$0x2] =	sbarrier.arrive $0xFFFF  }
0x17c: {  	p0 =	sne.s32 s0, $0x0;
	s0 =	rddreg [dreg:$0x3]  }
0x17d: {  	s0 =	sadd.s32 @!p0 $0x100000, s0  }
0x17e: {  	[sflag:s0] =	ssyncadd.tile.s32 @!p0 $0x1;
	_ =	shalt  }
.Lfunc_end2:
_tile_overlayer_lowered:
.L_overlay_start_2:
0x17f: {  	(tag) =	ssettag $0x2  }
0x180: {  	s0 =	rddreg [dreg:$0x0];
	s2 =	stileid.u32  }
0x181: {  	s1 =	rddreg [dreg:$0x1];
	p0 =	sne.s32 s2, $0x0  }
0x182: {  	s3 =	rddreg [dreg:$0x2];
	[bflag:$0x3] =	sbarrier.arrive $0xFFFF;
	s2 =	simm.s32 @!p0 $0x1C0D  }
0x183: {  	[timem:s3], [sflag:s2] =	dma.local @!p0 [hbm:s0], s1  }
0x184: {  	s0 =	simm.s32 @!p0 $0xD  }
0x185: {  	_ =	swait.ge @!p0 [sflag:s0], s1  }
0x186: {  	s1 =	ssub.s32 @!p0 $0x0, s1;
	[sflag:s0] =	ssyncset.done @!p0 $0x0  }
0x187: {  	[sflag:s0] =	ssyncadd.s32 @!p0 s1  }
0x188: {  	[bflag:$0x3] =	sbarrier.arrive $0xFFFF  }
0x189: {  	_ =	shalt  }

// kernel: kernel.8.cloned.1.call-start
scs
__scs_entry_jumppad:
0x0: {  	(pc) =	sbr.rel $0x88, $3  }
0x1: {  	(tag) =	ssettag $0x0;
	lr =	simm.s32 $0x1  }
0x2: {  	[smem:$0x3F99] =	sst lr;
	_ =	strace $0xD0000000  }
0x3: {  	_ = 	snop  }
0x4: {  	_ = 	snop  }
0x5: {  	_ = 	snop  }
0x6: {  	_ = 	snop  }
0x7: {  	_ = 	snop  }
__scs_overlays_trampoline_lowered:
0x8: {  	[smem:$0x3FA8] =	sst s0  }
0x9: {  	[smem:$0x3FA9] =	sst s1  }
0xa: {  	[smem:$0x3FAA] =	sst s2  }
0xb: {  	[smem:$0x3FAB] =	sst s3  }
0xc: {  	[smem:$0x3FAC] =	sst s4  }
0xd: {  	[smem:$0x3FAD] =	sst s5  }
0xe: {  	[smem:$0x3FAE] =	sst s6  }
0xf: {  	[smem:$0x3FAF] =	sst s7  }
0x10: {  	[smem:$0x3FB0] =	sst s8  }
0x11: {  	[smem:$0x3FB1] =	sst s9;
	s0 =	simm.s32 @!p0 $0x0  }
0x12: {  	s1 =	sld [smem:$0x3F97];
	s0 =	simm.s32 @p0 $0x1  }
0x13: {  	[smem:$0x3FB2] =	sst s0;
	s0 =	simm.s32 @!p1 $0x0  }
0x14: {  	s2 =	sld [smem:$0x3F96];
	s0 =	simm.s32 @p1 $0x1  }
0x15: {  	[smem:$0x3FB3] =	sst s0;
	s0 =	simm.s32 @!p2 $0x0  }
0x16: {  	s3 =	sld [smem:$0x3FDB];
	s0 =	simm.s32 @p2 $0x1  }
0x17: {  	s4 =	simm.s32 $0x1BF5;
	[smem:$0x3FB5] =	sst s0  }
0x18: {  	s0 =	sld [smem:$0x3F98];
	_ =	swait.ge [sflag:s4], $0x0  }
0x19: {  	s7 =	sld [smem:$0x3F99]  }
0x1a: {  	s8 =	sadd.s32 $0xFFFFE003, lr  }
0x1b: {  	s9 =	sadd.s32 $0xFFFFFEF7, lr;
	s5 =	simm.s32 $0xFFFFFFFF;
	p2 =	slt.u32 s8, $0xFFFFF086  }
0x1c: {  	p1 =	slt.u32 s9, $0xF7A;
	s5 =	simm.s32 @!p2 $0x0  }
0x1d: {  	s5 =	simm.s32 @p1 $0x1;
	p0 =	seq.s32 s7, s2  }
0x1e: {  	s7 =	smul.u32 @!p0 $0xF7A, s2;
	p2 =	seq.s32 @!p0 s5, $0x0  }
0x1f: {  	s9 =	smul.u32 $0xF7A, s1;
	s8 =	simm.s32 @!p0 $0x1BF5;
	p2 =	por !p2, p0  }
0x20: {  	[sflag:s8] =	ssyncset.s32 @!p0 $0xFFFFF086;
	s6 =	sadd.s32 @!p0 s3, s7;
	s7 =	simm.s32 @!p0 $0x108  }
0x21: {  	s3 =	sadd.s32 s3, s9;
	s6 =	sadd.s32 @!p0 $0x88, s6;
	s7 =	simm.s32 @p2 $0x1082  }
0x22: {  	[simem:s7], [sflag:s8] =	dma.local @!p0 [hbm:s6], $0xF7A  }
0x23: {  	s9 =	sor.u32 $0xD0000000, s2;
	s6 =	simm.s32 $0x108;
	_ =	swait.ge @!p0 [sflag:s8], $0x0  }
0x24: {  	s3 =	sadd.s32 $0x88, s3;
	s6 =	simm.s32 @!p1 $0x1082;
	[sflag:s4] =	ssyncset.s32 $0xFFFFF086  }
0x25: {  	[simem:s6], [sflag:s4] =	dma.local [hbm:s3], $0xF7A  }
0x26: {  	[smem:$0x3F99] =	sst s1;
	(tag) =	ssettag s2;
	_ =	strace s9  }
0x27: {  	s1 =	sld [smem:$0x3FA9]  }
0x28: {  	s2 =	sld [smem:$0x3FAA]  }
0x29: {  	s4 =	sld [smem:$0x3FAC]  }
0x2a: {  	p0 =	seq.s32 s5, $0x0;
	s5 =	sld [smem:$0x3FAD]  }
0x2b: {  	s6 =	sld [smem:$0x3FAE]  }
0x2c: {  	s7 =	sld [smem:$0x3FAF]  }
0x2d: {  	s3 =	simm.s32 $0x108;
	s8 =	sld [smem:$0x3FB0]  }
0x2e: {  	s3 =	simm.s32 @!p0 $0x1082;
	s9 =	sld [smem:$0x3FB1]  }
0x2f: {  	lr =	sadd.s32 s0, s3;
	s0 =	sld [smem:$0x3FA8]  }
0x30: {  	s3 =	sld [smem:$0x3FAB]  }
0x31: {  	[smem:$0x3FB4] =	sst s10  }
0x32: {  	s10 =	sld [smem:$0x3FB2];
	_ =	sdelay $0x3  }
0x33: {  	p0 =	seq.s32 s10, $0x1;
	s10 =	sld [smem:$0x3FB4];
	_ =	sdelay $0x3  }
0x34: {  	[smem:$0x3FB4] =	sst s10  }
0x35: {  	s10 =	sld [smem:$0x3FB3];
	_ =	sdelay $0x3  }
0x36: {  	p1 =	seq.s32 s10, $0x1;
	s10 =	sld [smem:$0x3FB4];
	_ =	sdelay $0x3  }
0x37: {  	[smem:$0x3FB4] =	sst s10  }
0x38: {  	s10 =	sld [smem:$0x3FB5]  }
0x39: {  	_ = 	snop;
	(pc) =	sbr.ind lr, $3  }
0x3a: {  	_ = 	snop  }
0x3b: {  	_ = 	snop  }
0x3c: {  	p2 =	seq.s32 s10, $0x1;
	s10 =	sld [smem:$0x3FB4]  }
0x3d: {  	_ =	shalt  }
0x3e: {  	_ =	shalt  }
0x3f: {  	_ =	shalt  }
0x40: {  	_ =	shalt  }
0x41: {  	_ =	shalt  }
0x42: {  	_ =	shalt  }
0x43: {  	_ =	shalt  }
0x44: {  	_ =	shalt  }
0x45: {  	_ =	shalt  }
0x46: {  	_ =	shalt  }
0x47: {  	_ =	shalt  }
0x48: {  	_ =	shalt  }
0x49: {  	_ =	shalt  }
0x4a: {  	_ =	shalt  }
0x4b: {  	_ =	shalt  }
0x4c: {  	_ =	shalt  }
0x4d: {  	_ =	shalt  }
0x4e: {  	_ =	shalt  }
0x4f: {  	_ =	shalt  }
0x50: {  	_ =	shalt  }
0x51: {  	_ =	shalt  }
0x52: {  	_ =	shalt  }
0x53: {  	_ =	shalt  }
0x54: {  	_ =	shalt  }
0x55: {  	_ =	shalt  }
0x56: {  	_ =	shalt  }
0x57: {  	_ =	shalt  }
0x58: {  	_ =	shalt  }
0x59: {  	_ =	shalt  }
0x5a: {  	_ =	shalt  }
0x5b: {  	_ =	shalt  }
0x5c: {  	_ =	shalt  }
0x5d: {  	_ =	shalt  }
0x5e: {  	_ =	shalt  }
0x5f: {  	_ =	shalt  }
0x60: {  	_ =	shalt  }
0x61: {  	_ =	shalt  }
0x62: {  	_ =	shalt  }
0x63: {  	_ =	shalt  }
0x64: {  	_ =	shalt  }
0x65: {  	_ =	shalt  }
0x66: {  	_ =	shalt  }
0x67: {  	_ =	shalt  }
0x68: {  	_ =	shalt  }
0x69: {  	_ =	shalt  }
0x6a: {  	_ =	shalt  }
0x6b: {  	_ =	shalt  }
0x6c: {  	_ =	shalt  }
0x6d: {  	_ =	shalt  }
0x6e: {  	_ =	shalt  }
0x6f: {  	_ =	shalt  }
0x70: {  	_ =	shalt  }
0x71: {  	_ =	shalt  }
0x72: {  	_ =	shalt  }
0x73: {  	_ =	shalt  }
0x74: {  	_ =	shalt  }
0x75: {  	_ =	shalt  }
0x76: {  	_ =	shalt  }
0x77: {  	_ =	shalt  }
0x78: {  	_ =	shalt  }
0x79: {  	_ =	shalt  }
0x7a: {  	_ =	shalt  }
0x7b: {  	_ =	shalt  }
0x7c: {  	_ =	shalt  }
0x7d: {  	_ =	shalt  }
0x7e: {  	_ =	shalt  }
0x7f: {  	_ =	shalt  }
0x80: {  	_ =	shalt  }
0x81: {  	_ =	shalt  }
0x82: {  	_ =	shalt  }
0x83: {  	_ =	shalt  }
0x84: {  	_ =	shalt  }
0x85: {  	_ =	shalt  }
0x86: {  	_ =	shalt  }
0x87: {  	_ =	shalt  }
.Lfunc_end0:
.L_simem_size_0:
called_computation_lowered:
.L_overlay_start_0:
0x88: {  	s2 =	sld [smem:$0x3FD9]  }
0x89: {  	s3 =	sld [smem:$0x3FFE];
	_ =	sdelay $0x1  }
0x8a: {  	s1 =	srdreg.scid  }
0x8b: {  	s0 =	sand.u32 $0x1, s1  }
0x8c: {  	s16 =	sshll.u32 s0, $0xA;
	s2 =	sadd.s32 s3, s2  }
0x8d: {  	s2 =	sadd.s32 s2, s16  }
0x8e: {  	[smem:$0x3FC0] =	sst s2  }
0x8f: {  	_ = 	snop  }
0x90: {  	(tm) =	ssettm $0x1  }
0x91: {  	s17 =	sld [smem:$0x3FFB];
	_ =	sdelay $0x3  }
0x92: {  	_ =	strace s17  }
0x93: {  	s2 =	sld [smem:$0x3FFC];
	_ =	sdelay $0x3  }
0x94: {  	_ =	strace s2  }
0x95: {  	s2 =	sld [smem:$0x3FFD];
	_ =	sdelay $0x3  }
0x96: {  	_ =	strace s2  }
0x97: {  	_ =	strace $0x8FFFFFFF  }
0x98: {  	s18 =	sld [smem:$0x3FDB];
	_ =	sdelay $0x1  }
0x99: {  	s19 =	simm.s32 $_scs_section_size  }
0x9a: {  	s4 =	simm.s32 $_size__tile_overlayer_lowered;
	s5 =	simm.s32 $_tile_overlayer_lowered  }
0x9b: {  	s22 =	simm.s32 $0x1BFF;
	s21 =	sshll.u32 s5, $0x1;
	s2 =	sadd.s32 s19, s18  }
0x9c: {  	s6 =	simm.s32 $0x0;
	s20 =	sshll.u32 s4, $0x1;
	s4 =	sadd.s32 s21, s2  }
0x9d: {  	[timem:s6], [sflag:s22] =	dma.local [hbm:s4], s20  }
0x9e: {  	_ =	swait.ge [sflag:s22], s20  }
0x9f: {  	s3 =	ssub.s32 $0x0, s20;
	[sflag:s22] =	ssyncset.done $0x0  }
0xa0: {  	[sflag:s22] =	ssyncadd.s32 s3;
	_ =	sdelay $0x1  }
0xa1: {  	s23 =	simm.s32 $0x1B8B  }
0xa2: {  	_ =	swait.ge [sflag:s23], $0x1  }
0xa3: {  	[sflag:s23] =	ssyncset.done $0x0  }
0xa4: {  	s25 =	simm.s32 $0x1B8E;
	s24 =	sld [smem:$0x3FFE];
	[sflag:s23] =	ssyncadd.s32 $0xFFFFFFFF  }
0xa5: {  	s26 =	simm.s32 $execute0_lowered;
	[smem:$0x3FD2] =	sst s25  }
0xa6: {  	s4 =	sshll.u32 s26, $0x1;
	_ =	strace $0x80000046;
	[dreg:$0x1] =	wrdreg $0xFFFFFFFF  }
0xa7: {  	s28 =	simm.s32 $_size_execute0_lowered;
	s2 =	sadd.s32 s2, s4;
	[dreg:$0x0] =	wrdreg $0x0  }
0xa8: {  	s4 =	sshll.u32 s28, $0x1;
	[dreg:$0x2] =	wrdreg s2  }
0xa9: {  	[dreg:$0x3] =	wrdreg s4  }
0xaa: {  	[dreg:$0x4] =	wrdreg $0xC0  }
0xab: {  	_ =	task [dreg:s6], $0x5FFFF  }
0xac: {  	[dreg:$0x1] =	wrdreg $0xFFFFFFFF  }
0xad: {  	[dreg:$0x0] =	wrdreg $0x60  }
0xae: {  	[dreg:$0x2] =	wrdreg s24  }
0xaf: {  	[dreg:$0x3] =	wrdreg $0x78000  }
0xb0: {  	[dreg:$0x4] =	wrdreg $0x9  }
0xb1: {  	_ =	task.clear_ibuf [dreg:s6], $0x5FFFF;
	_ =	strace $0x90000046  }
0xb2: {  	s29 =	simm.s32 $0x9;
	_ =	strace $0x80000048  }
0xb3: {  	_ =	swait.ge [sflag:s29], $0x1  }
0xb4: {  	[sflag:s29] =	ssyncadd.s32 $0xFFFFFFFF  }
0xb5: {  	_ =	strace $0x90000048  }
0xb6: {  	_ =	sfence  }
0xb7: {  	s30 =	sld [smem:$0x0];
	_ =	sdelay $0x2  }
0xb8: {  	s31 =	sshll.u32 s1, $0xD;
	s1 =	sshrl.u32 s1, $0x2  }
0xb9: {  	s3 =	sand.u32 $0x4000, s31;
	s1 =	sadd.s32 s1, s30  }
0xba: {  	s0 =	sor.u32 s3, s0;
	s1 =	sshll.u32 s1, $0x11  }
0xbb: {  	s0 =	sor.u32 s1, s0  }
0xbc: {  	s0 =	sadd.s32 $0x8F2B, s0  }
0xbd: {  	[sflag:s0] =	ssyncadd.remote.s32 $0x1  }
0xbe: {  	_ =	sfence.sel $0xFFFF  }
0xbf: {  	[dreg:$0x0] =	wrdreg $0xFFFFFFFF;
	(pc) =	sbr.abs _section_cstart, $3  }
0xc0: {  	[dreg:$0x1] =	wrdreg $0xFFFFFFFF  }
0xc1: {  	_ =	task.clear_ibuf [dreg:s6], $0x2FFFF;
	_ =	strace $0x9FFFFFFF  }
0xc2: {  	(tm) =	ssettm $0x7FFFFFFF  }
0xc3: {  	_ =	shalt  }
tec
execute0_lowered:
.L_overlay_start_1:
0x0: {  	(tag) =	ssettag $0x1  }
0x1: {  	s0 =	rddreg [dreg:$0x0]  }
0x2: {  	s1 =	srdreg.scid;
	s2 =	rddreg [dreg:$0x1]  }
0x3: {  	s7 =	stileid.u32;
	s3 =	simm.s32 $0x0;
	s28 =	simm.s32 $0x4000  }
0x4: {  	s29 =	simm.s32 $0x2;
	s30 =	simm.s32 $0x50;
	s5 =	smul.u32 $0x14000, s7  }
0x5: {  	s31 =	simm.s32 $0x5000;
	s1 =	sand.u32 $0x1, s1;
	s6 =	smul.u32 $0x50000, s7  }
0x6: {  	[smem:$0x7FF] =	sst s3;
	s7 =	sshll.u32 s7, $0xC;
	s4 =	smul.u32 $0x140000, s1  }
0x7: {  	_ =	strace $0x80000047;
	s25 =	sshll.u32 s1, $0xB;
	s1 =	ssub.s32 $0x2, s1  }
0x8: {  	s26 =	sshrl.u32 s1, $0x1;
	s4 =	sadd.s32 s5, s4;
	s5 =	sadd.s32 s25, s0  }
0x9: {  	s6 =	sshrl.u32 s6, $0x2;
	s1 =	ssub.s32 s1, s26;
	s5 =	sadd.s32 s7, s5  }
0xa: {  	s4 =	sshrl.u32 s4, $0x3;
	s7 =	smax.u32 s1, $0x1;
	s5 =	sadd.s32 $0x2A00, s5  }
0xb: {  	s0 =	sadd.s32 s4, s0;
	s4 =	sadd.s32 s6, s2;
	[dreg:$0x3] =	wrdreg s5  }
0xc: {  	s6 =	sadd.s32 $0x12A00, s0;
	s8 =	sadd.s32 $0x1000, s4;
	s9 =	sadd.s32 $0x2000, s4  }
0xd: {  	s10 =	sadd.s32 $0x3000, s4;
	s11 =	sadd.s32 $0x4000, s4;
	s12 =	sadd.s32 $0x5000, s4  }
0xe: {  	s13 =	sadd.s32 $0x6000, s4;
	s14 =	sadd.s32 $0x7000, s4;
	s15 =	sadd.s32 $0x8000, s4  }
0xf: {  	s16 =	sadd.s32 $0x9000, s4;
	s17 =	sadd.s32 $0xA000, s4;
	s18 =	sadd.s32 $0xB000, s4  }
0x10: {  	s19 =	sadd.s32 $0xC000, s4;
	s20 =	sadd.s32 $0xD000, s4;
	s21 =	sadd.s32 $0xE000, s4  }
0x11: {  	s22 =	sadd.s32 $0xF000, s4;
	s23 =	sadd.s32 $0x10000, s4;
	s24 =	sadd.s32 $0x11000, s4  }
0x12: {  	v0 =	vimm.f32 $0.0e+00;
	v1 =	vimm.f32 $1.000000000e+00;
	s25 =	sadd.s32 $0x12000, s4;
	s26 =	sadd.s32 $0x13000, s4;
	s0 =	simm.s32 $0x1  }
.LBB2_1:
0x13: {  	s1 =	simm.s32 $0x0;
	s5 =	simm.s32 $0x200  }
.LBB2_2:
0x14: {  	p0 =	sne.s32 s5, $0x3E00;
	[tilespmem:s1+$0x4070] =	vst v0  }
0x15: {  	[tilespmem:s1+$0x4000] =	vst v0  }
0x16: {  	[tilespmem:s1+$0x4010] =	vst v0  }
.Ltmp0:
0x17: {  	[tilespmem:s1+$0x4020] =	vst v0;
	(pc) =	sbr.rel @p0 .LBB2_2-.Ltmp0, $4  }
0x18: {  	[tilespmem:s1+$0x4030] =	vst v0  }
0x19: {  	[tilespmem:s1+$0x4040] =	vst v0  }
0x1a: {  	[tilespmem:s1+$0x4050] =	vst v0  }
0x1b: {  	[tilespmem:s1+$0x4060] =	vst v0;
	s1 =	sshra.s32 s5, $0x2;
	s5 =	sadd.s32 $0x200, s5  }
0x1c: {  	[tilespmem:s1+$0x4070] =	vst v0  }
0x1d: {  	[tilespmem:s1+$0x4000] =	vst v0  }
0x1e: {  	[tilespmem:s1+$0x4010] =	vst v0  }
0x1f: {  	[tilespmem:s1+$0x4020] =	vst v0  }
0x20: {  	[tilespmem:s1+$0x4030] =	vst v0  }
0x21: {  	[tilespmem:s1+$0x4040] =	vst v0  }
0x22: {  	[tilespmem:s1+$0x4050] =	vst v0  }
0x23: {  	[tilespmem:s1+$0x4060] =	vst v0;
	s1 =	simm.s32 $0x70;
	s5 =	simm.s32 $0x3C0  }
.LBB2_4:
0x24: {  	p0 =	sne.s32 s5, $0x9FC0;
	[tilespmem:s1+$0x5000] =	vst v1  }
0x25: {  	[tilespmem:s1+$0x4F90] =	vst v1  }
0x26: {  	[tilespmem:s1+$0x4FA0] =	vst v1  }
.Ltmp1:
0x27: {  	[tilespmem:s1+$0x4FB0] =	vst v1;
	(pc) =	sbr.rel @p0 .LBB2_4-.Ltmp1, $4  }
0x28: {  	[tilespmem:s1+$0x4FC0] =	vst v1  }
0x29: {  	[tilespmem:s1+$0x4FD0] =	vst v1  }
0x2a: {  	[tilespmem:s1+$0x4FE0] =	vst v1  }
0x2b: {  	[tilespmem:s1+$0x4FF0] =	vst v1;
	s1 =	sshra.s32 s5, $0x2;
	s5 =	sadd.s32 $0x200, s5  }
0x2c: {  	[tilespmem:s1+$0x5000] =	vst v1  }
0x2d: {  	[tilespmem:s1+$0x4F90] =	vst v1  }
0x2e: {  	[tilespmem:s1+$0x4FA0] =	vst v1  }
0x2f: {  	[tilespmem:s1+$0x4FB0] =	vst v1  }
0x30: {  	[tilespmem:s1+$0x4FC0] =	vst v1  }
0x31: {  	[tilespmem:s1+$0x4FD0] =	vst v1  }
0x32: {  	[tilespmem:s1+$0x4FE0] =	vst v1  }
0x33: {  	[tilespmem:s1+$0x4FF0] =	vst v1  }
0x34: {  	[spmem:s4] =	stream.linear.scatter [tilespmem:s28], [sflag:$0x2], $0x1000, $0x38;
	[tilespmem:$0x1B800] =	vst v63  }
0x35: {  	_ =	swait.ge [sflag:s29], $0x1000  }
0x36: {  	[sflag:s29] =	ssyncset.done $0x0  }
0x37: {  	[sflag:s29] =	ssyncadd.s32 $0xFFFFF000  }
0x38: {  	[spmem:s8] =	stream.linear.scatter [tilespmem:s28], [sflag:$0x2], $0x1000, $0x38;
	[tilespmem:$0x1B800] =	vst v63  }
0x39: {  	_ =	swait.ge [sflag:s29], $0x1000  }
0x3a: {  	[sflag:s29] =	ssyncset.done $0x0  }
0x3b: {  	[sflag:s29] =	ssyncadd.s32 $0xFFFFF000  }
0x3c: {  	[spmem:s9] =	stream.linear.scatter [tilespmem:s28], [sflag:$0x2], $0x1000, $0x38;
	[tilespmem:$0x1B800] =	vst v63  }
0x3d: {  	_ =	swait.ge [sflag:s29], $0x1000  }
0x3e: {  	[sflag:s29] =	ssyncset.done $0x0  }
0x3f: {  	[sflag:s29] =	ssyncadd.s32 $0xFFFFF000  }
0x40: {  	[spmem:s10] =	stream.linear.scatter [tilespmem:s28], [sflag:$0x2], $0x1000, $0x38;
	[tilespmem:$0x1B800] =	vst v63  }
0x41: {  	_ =	swait.ge [sflag:s29], $0x1000  }
0x42: {  	[sflag:s29] =	ssyncset.done $0x0  }
0x43: {  	[sflag:s29] =	ssyncadd.s32 $0xFFFFF000  }
0x44: {  	[spmem:s11] =	stream.linear.scatter [tilespmem:s28], [sflag:$0x2], $0x1000, $0x38;
	[tilespmem:$0x1B800] =	vst v63  }
0x45: {  	_ =	swait.ge [sflag:s29], $0x1000  }
0x46: {  	[sflag:s29] =	ssyncset.done $0x0  }
0x47: {  	[sflag:s29] =	ssyncadd.s32 $0xFFFFF000  }
0x48: {  	[spmem:s12] =	stream.linear.scatter [tilespmem:s28], [sflag:$0x2], $0x1000, $0x38;
	[tilespmem:$0x1B800] =	vst v63  }
0x49: {  	_ =	swait.ge [sflag:s29], $0x1000  }
0x4a: {  	[sflag:s29] =	ssyncset.done $0x0  }
0x4b: {  	[sflag:s29] =	ssyncadd.s32 $0xFFFFF000  }
0x4c: {  	[spmem:s13] =	stream.linear.scatter [tilespmem:s28], [sflag:$0x2], $0x1000, $0x38;
	[tilespmem:$0x1B800] =	vst v63  }
0x4d: {  	_ =	swait.ge [sflag:s29], $0x1000  }
0x4e: {  	[sflag:s29] =	ssyncset.done $0x0  }
0x4f: {  	[sflag:s29] =	ssyncadd.s32 $0xFFFFF000  }
0x50: {  	[spmem:s14] =	stream.linear.scatter [tilespmem:s28], [sflag:$0x2], $0x1000, $0x38;
	[tilespmem:$0x1B800] =	vst v63  }
0x51: {  	_ =	swait.ge [sflag:s29], $0x1000  }
0x52: {  	[sflag:s29] =	ssyncset.done $0x0  }
0x53: {  	[sflag:s29] =	ssyncadd.s32 $0xFFFFF000  }
0x54: {  	[spmem:s15] =	stream.linear.scatter [tilespmem:s28], [sflag:$0x2], $0x1000, $0x38;
	[tilespmem:$0x1B800] =	vst v63  }
0x55: {  	_ =	swait.ge [sflag:s29], $0x1000  }
0x56: {  	[sflag:s29] =	ssyncset.done $0x0  }
0x57: {  	[sflag:s29] =	ssyncadd.s32 $0xFFFFF000  }
0x58: {  	[spmem:s16] =	stream.linear.scatter [tilespmem:s28], [sflag:$0x2], $0x1000, $0x38;
	[tilespmem:$0x1B800] =	vst v63  }
0x59: {  	_ =	swait.ge [sflag:s29], $0x1000  }
0x5a: {  	[sflag:s29] =	ssyncset.done $0x0  }
0x5b: {  	[sflag:s29] =	ssyncadd.s32 $0xFFFFF000  }
0x5c: {  	[spmem:s17] =	stream.linear.scatter [tilespmem:s28], [sflag:$0x2], $0x1000, $0x38;
	[tilespmem:$0x1B800] =	vst v63  }
0x5d: {  	_ =	swait.ge [sflag:s29], $0x1000  }
0x5e: {  	[sflag:s29] =	ssyncset.done $0x0  }
0x5f: {  	[sflag:s29] =	ssyncadd.s32 $0xFFFFF000  }
0x60: {  	[spmem:s18] =	stream.linear.scatter [tilespmem:s28], [sflag:$0x2], $0x1000, $0x38;
	[tilespmem:$0x1B800] =	vst v63  }
0x61: {  	_ =	swait.ge [sflag:s29], $0x1000  }
0x62: {  	[sflag:s29] =	ssyncset.done $0x0  }
0x63: {  	[sflag:s29] =	ssyncadd.s32 $0xFFFFF000  }
0x64: {  	[spmem:s19] =	stream.linear.scatter [tilespmem:s28], [sflag:$0x2], $0x1000, $0x38;
	[tilespmem:$0x1B800] =	vst v63  }
0x65: {  	_ =	swait.ge [sflag:s29], $0x1000  }
0x66: {  	[sflag:s29] =	ssyncset.done $0x0  }
0x67: {  	[sflag:s29] =	ssyncadd.s32 $0xFFFFF000  }
0x68: {  	[spmem:s20] =	stream.linear.scatter [tilespmem:s28], [sflag:$0x2], $0x1000, $0x38;
	[tilespmem:$0x1B800] =	vst v63  }
0x69: {  	_ =	swait.ge [sflag:s29], $0x1000  }
0x6a: {  	[sflag:s29] =	ssyncset.done $0x0  }
0x6b: {  	[sflag:s29] =	ssyncadd.s32 $0xFFFFF000  }
0x6c: {  	[spmem:s21] =	stream.linear.scatter [tilespmem:s28], [sflag:$0x2], $0x1000, $0x38;
	[tilespmem:$0x1B800] =	vst v63  }
0x6d: {  	_ =	swait.ge [sflag:s29], $0x1000  }
0x6e: {  	[sflag:s29] =	ssyncset.done $0x0  }
0x6f: {  	[sflag:s29] =	ssyncadd.s32 $0xFFFFF000  }
0x70: {  	[spmem:s22] =	stream.linear.scatter [tilespmem:s28], [sflag:$0x2], $0x1000, $0x38;
	[tilespmem:$0x1B800] =	vst v63  }
0x71: {  	_ =	swait.ge [sflag:s29], $0x1000  }
0x72: {  	[sflag:s29] =	ssyncset.done $0x0  }
0x73: {  	[sflag:s29] =	ssyncadd.s32 $0xFFFFF000  }
0x74: {  	[spmem:s23] =	stream.linear.scatter [tilespmem:s28], [sflag:$0x2], $0x1000, $0x38;
	[tilespmem:$0x1B800] =	vst v63  }
0x75: {  	_ =	swait.ge [sflag:s29], $0x1000  }
0x76: {  	[sflag:s29] =	ssyncset.done $0x0  }
0x77: {  	[sflag:s29] =	ssyncadd.s32 $0xFFFFF000  }
0x78: {  	[spmem:s24] =	stream.linear.scatter [tilespmem:s28], [sflag:$0x2], $0x1000, $0x38;
	[tilespmem:$0x1B800] =	vst v63  }
0x79: {  	_ =	swait.ge [sflag:s29], $0x1000  }
0x7a: {  	[sflag:s29] =	ssyncset.done $0x0  }
0x7b: {  	[sflag:s29] =	ssyncadd.s32 $0xFFFFF000  }
0x7c: {  	[spmem:s25] =	stream.linear.scatter [tilespmem:s28], [sflag:$0x2], $0x1000, $0x38;
	[tilespmem:$0x1B800] =	vst v63  }
0x7d: {  	_ =	swait.ge [sflag:s29], $0x1000  }
0x7e: {  	[sflag:s29] =	ssyncset.done $0x0  }
0x7f: {  	[sflag:s29] =	ssyncadd.s32 $0xFFFFF000  }
0x80: {  	[spmem:s26] =	stream.linear.scatter [tilespmem:s28], [sflag:$0x2], $0x1000, $0x38;
	[tilespmem:$0x1B800] =	vst v63  }
0x81: {  	_ =	swait.ge [sflag:s29], $0x1000  }
0x82: {  	[sflag:s29] =	ssyncset.done $0x0  }
0x83: {  	s1 =	simm.s32 $0x0;
	s5 =	rddreg [dreg:$0x3];
	[sflag:s29] =	ssyncadd.s32 $0xFFFFF000  }
0x84: {  	[tilespmem:s1], [sflag:$0x2] =	stream.linear.gather [hbm4b:s5+s1], $0x3E80, $0x38;
	[tilespmem:$0x1B800] =	vst v63  }
0x85: {  	_ =	swait.ge [sflag:s29], $0x3E80  }
0x86: {  	[sflag:s29] =	ssyncset.done $0x0  }
0x87: {  	[sflag:s29] =	ssyncadd.s32 $0xFFFFC180  }
0x88: {  	[bflag:$0x0] =	sbarrier.arrive $0xFFFF  }
.LBB2_6:
0x89: {  	p0 =	sne.s32 s1, $0xF800  }
.Ltmp2:
0x8a: {  	_ = 	snop;
	(pc) =	sbr.rel @p0 .LBB2_6-.Ltmp2, $3  }
0x8b: {  	_ =	sdelay $0x1  }
0x8c: {  	s5 =	sshra.s32 s1, $0x2;
	s1 =	sadd.s32 $0x200, s1  }
0x8d: {  	[spmem:s2] =	stream.indirect.scatter.add.f32 [tilespmem:s31], [sflag:$0x1], $0x80, s5, s30, $0xb8;
	[tilespmem:$0x1B800] =	vst v63  }
0x8e: {  	_ =	swait.ge [sflag:s0], $0x2800  }
0x8f: {  	s1 =	simm.s32 $0x7C;
	[sflag:s0] =	ssyncset.done $0x0  }
.LBB2_8:
0x90: {  	p0 =	sne.s32 s1, $0x1;
	s1 =	sadd.s32 $0xFFFFFFFF, s1;
	[sflag:s0] =	ssyncadd.s32 $0xFFFFD800  }
.Ltmp3:
0x91: {  	(pc) =	sbr.rel @p0 .LBB2_8-.Ltmp3, $3  }
0x92: {  	_ =	sdelay $0x1  }
0x93: {  	_ =	swait.ge [sflag:s0], $0x2800  }
0x94: {  	[sflag:s0] =	ssyncset.done $0x0  }
0x95: {  	[sflag:s0] =	ssyncadd.s32 $0xFFFFD800;
	s1 =	stileid.u32;
	s3 =	sadd.s32 $0x1, s3  }
0x96: {  	s5 =	sshrl.u32 s4, $0x3;
	s1 =	sshll.u32 s1, $0x6;
	p0 =	sne.s32 s3, s7  }
.Ltmp4:
0x97: {  	[bflag:$0x0] =	sbarrier.arrive $0xFFFF;
	s1 =	sor.u32 $0x1C02, s1;
	(pc) =	sbr.rel @p0 .LBB2_1-.Ltmp4, $4  }
0x98: {  	[hbm:s6], [sflag:s1] =	dma.local [spmem:s5], $0x2800  }
0x99: {  	_ =	swait.ge [sflag:s29], $0x2800  }
0x9a: {  	[sflag:s29] =	ssyncset.done $0x0  }
0x9b: {  	[sflag:s29] =	ssyncadd.s32 $0xFFFFD800  }
0x9c: {  	_ =	sfence.sel $0x180000  }
0x9d: {  	[bflag:$0x0] =	sbarrier.arrive $0xFFFF  }
0x9e: {  	_ =	strace $0x90000047  }
0x9f: {  	s0 =	stileid.u32;
	[bflag:$0x2] =	sbarrier.arrive $0xFFFF  }
0xa0: {  	p0 =	sne.s32 s0, $0x0;
	s0 =	rddreg [dreg:$0x2]  }
0xa1: {  	s0 =	sadd.s32 @!p0 $0x100000, s0  }
0xa2: {  	[sflag:s0] =	ssyncadd.tile.s32 @!p0 $0x1;
	_ =	shalt  }
.Lfunc_end2:
_tile_overlayer_lowered:
.L_overlay_start_2:
0xa3: {  	(tag) =	ssettag $0x2  }
0xa4: {  	s0 =	rddreg [dreg:$0x0];
	s2 =	stileid.u32  }
0xa5: {  	s1 =	rddreg [dreg:$0x1];
	p0 =	sne.s32 s2, $0x0  }
0xa6: {  	s3 =	rddreg [dreg:$0x2];
	[bflag:$0x3] =	sbarrier.arrive $0xFFFF;
	s2 =	simm.s32 @!p0 $0x1C02  }
0xa7: {  	[timem:s3], [sflag:s2] =	dma.local @!p0 [hbm:s0], s1  }
0xa8: {  	s0 =	simm.s32 @!p0 $0x2  }
0xa9: {  	_ =	swait.ge @!p0 [sflag:s0], s1  }
0xaa: {  	s1 =	ssub.s32 @!p0 $0x0, s1;
	[sflag:s0] =	ssyncset.done @!p0 $0x0  }
0xab: {  	[sflag:s0] =	ssyncadd.s32 @!p0 s1  }
0xac: {  	[bflag:$0x3] =	sbarrier.arrive $0xFFFF  }
0xad: {  	_ =	shalt  }

</sc_bundles>
